<compile_context>
chip_gen: v7x
topology: tpu7x:2x2x1
jax: 0.10.2.dev20260603
libtpu: 0.0.44.dev20260713+nightly
codegen_flags: <defaults>
</compile_context>

<pallas_src>
import jax
import jax.numpy as jnp
from jax import lax
from jax.experimental import pallas as pl
from jax.experimental.pallas import tpu as pltpu
from jax.experimental.pallas import tpu_sc as plsc

N = 10000
E = 160000
NP = 10240
D = 256
DH = 128
ER = 2000
EC = 80
SR = 25
NSC = 5
RPT = ER // 16
NRT = NP // 16
F32 = jnp.float32

_SC_PARAMS = pltpu.CompilerParams(use_tc_tiling_on_sc=False,
                                  needs_layout_passes=False)


def _newton_rsqrt(d):
    i = plsc.bitcast(d, jnp.int32)
    i = jnp.int32(0x5F3759DF) - lax.shift_right_logical(i, 1)
    y = plsc.bitcast(i, F32)
    for _ in range(4):
        y = y * (1.5 - 0.5 * d * y * y)
    return y


def _sca_body(col_hbm, ew_hbm, dinv_out,
              col_l, ew_l, tmp_l, dd_sh, sem):
    c = lax.axis_index("c")
    s = lax.axis_index("s")

    def ones_step(i, _):
        tmp_l[pl.ds(i * 16, 16)] = jnp.full((16,), 1.0, F32)
        return 0
    lax.fori_loop(0, NRT // 16, ones_step, 0)
    pltpu.sync_copy(tmp_l, dd_sh.at[pl.ds(s * NRT, NRT)])
    plsc.subcore_barrier()

    def deg_chunk(g, _):
        gbase = s * RPT + g * SR
        pltpu.sync_copy(col_hbm.at[pl.ds(gbase, SR)], col_l)
        pltpu.sync_copy(ew_hbm.at[pl.ds(gbase, SR)], ew_l)

        def deg_fire(j, _):
            pltpu.async_copy(ew_l.at[j], dd_sh.at[col_l.at[j]],
                             sem, add=True)
            return 0
        lax.fori_loop(0, SR, deg_fire, 0)

        def deg_drain(j, _):
            pltpu.make_async_copy(ew_l.at[j], dd_sh.at[pl.ds(0, EC)],
                                  sem).wait()
            return 0
        lax.fori_loop(0, SR, deg_drain, 0)
        return 0
    lax.fori_loop(0, NSC, deg_chunk, 0)
    plsc.subcore_barrier()

    pltpu.sync_copy(dd_sh.at[pl.ds(s * NRT, NRT)], tmp_l)

    def dinv_step(i, _):
        d = tmp_l[pl.ds(i * 16, 16)]
        tmp_l[pl.ds(i * 16, 16)] = _newton_rsqrt(d)
        return 0
    lax.fori_loop(0, NRT // 16, dinv_step, 0)

    @pl.when(c == 0)
    def _():
        pltpu.sync_copy(tmp_l, dinv_out.at[s])


def _sc_deg(col2, ew2):
    mesh = plsc.VectorSubcoreMesh(core_axis_name="c", subcore_axis_name="s")
    f = pl.kernel(
        _sca_body,
        out_type=jax.ShapeDtypeStruct((16, NRT), F32),
        mesh=mesh,
        compiler_params=_SC_PARAMS,
        scratch_types=[
            pltpu.VMEM((SR, EC), jnp.int32),
            pltpu.VMEM((SR, EC), F32),
            pltpu.VMEM((NRT,), F32),
            pltpu.VMEM_SHARED((NP,), F32),
            pltpu.SemaphoreType.DMA,
        ],
    )
    return f(col2, ew2)


def _mm_body(x_ref, dinv_ref, w_ref, o_ref):
    r = jnp.dot(x_ref[...], w_ref[...], preferred_element_type=F32)
    r = r * dinv_ref[...]
    o_ref[0] = r[:, :DH].astype(F32)
    o_ref[1] = r[:, DH:].astype(F32)


def _matmul_split(xp, dinv, w):
    bm = 1024
    out = pl.pallas_call(
        _mm_body,
        grid=(NP // bm,),
        in_specs=[
            pl.BlockSpec((bm, D), lambda i: (i, 0)),
            pl.BlockSpec((bm, 1), lambda i: (i, 0)),
            pl.BlockSpec((D, D), lambda i: (0, 0)),
        ],
        out_specs=pl.BlockSpec((2, bm, DH), lambda i: (0, i, 0)),
        out_shape=jax.ShapeDtypeStruct((2, NP, DH), F32),
    )(xp, dinv, w)
    return out.reshape(2 * NP, DH)


def _scb_body(xw_hbm, row_hbm, col_hbm, ew_hbm, b1_hbm, w2_hbm, dinv_hbm,
              z_out,
              row_l, col_l, ew_l, tmp_l, zb_l, gbuf, b1_l, w2_l,
              h_sh, gsem, ssem):
    c = lax.axis_index("c")
    s = lax.axis_index("s")

    pltpu.sync_copy(b1_hbm.at[c], b1_l)
    pltpu.sync_copy(w2_hbm.at[c], w2_l)
    pltpu.sync_copy(dinv_hbm.at[s], tmp_l)

    def cvt_scale_row(src_r, dst_r, sv):
        for kq in range(DH // 16):
            bb = gbuf[src_r, pl.ds(kq * 16, 16)]
            gbuf[dst_r, pl.ds(kq * 16, 16)] = bb * sv

    for ch in range(NRT // EC):
        base = s * NRT + ch * EC
        pltpu.sync_copy(xw_hbm.at[pl.ds(c * NP + base, EC)],
                        h_sh.at[pl.ds(base, EC)])
    plsc.subcore_barrier()

    def stage_chunk(g):
        h = (g % 2) * SR
        gbase = s * RPT + g * SR
        pltpu.sync_copy(row_hbm.at[pl.ds(gbase, SR)],
                        row_l.at[pl.ds(h, SR)])
        pltpu.sync_copy(col_hbm.at[pl.ds(gbase, SR)],
                        col_l.at[pl.ds(h, SR)])
        pltpu.sync_copy(ew_hbm.at[pl.ds(gbase, SR)],
                        ew_l.at[pl.ds(h, SR)])

        def adj_step(j, _):
            for k in range(EC // 16):
                rv = row_l[h + j, pl.ds(k * 16, 16)]
                row_l[h + j, pl.ds(k * 16, 16)] = rv + c * NP
            return 0
        lax.fori_loop(0, SR, adj_step, 0)

    def fire_gather(k, p):
        g = k // SR
        j = (g % 2) * SR + (k - g * SR)
        pltpu.async_copy(xw_hbm.at[row_l.at[j]],
                         gbuf.at[pl.ds(p * EC, EC)], gsem.at[p])

    def wait_gather(p):
        pltpu.make_async_copy(xw_hbm.at[pl.ds(0, EC)],
                              gbuf.at[pl.ds(p * EC, EC)], gsem.at[p]).wait()

    def wait_scatter(p):
        pltpu.make_async_copy(xw_hbm.at[pl.ds(0, EC)],
                              gbuf.at[pl.ds(p * EC, EC)], ssem.at[p]).wait()

    stage_chunk(0)
    fire_gather(0, 0)

    def agg_step(k, _):
        p = lax.rem(k, 2)
        q = 1 - p
        g = k // SR
        j = (g % 2) * SR + (k - g * SR)
        last_in_sc = (k - g * SR) == (SR - 1)
        wait_gather(p)

        @pl.when(jnp.logical_and(k + 1 < RPT, jnp.logical_not(last_in_sc)))
        def _():
            @pl.when(k >= 1)
            def _():
                wait_scatter(q)
            fire_gather(k + 1, q)

        def scale_step(jj, _):
            ev = plsc.load_gather(
                ew_l, [jnp.full((16,), j, jnp.int32),
                       jnp.full((16,), jj, jnp.int32)])
            cvt_scale_row(p * EC + jj, p * EC + jj, ev)
            return 0
        lax.fori_loop(0, EC, scale_step, 0)

        pltpu.async_copy(gbuf.at[pl.ds(p * EC, EC)], h_sh.at[col_l.at[j]],
                         ssem.at[p], add=True)

        @pl.when(jnp.logical_and(last_in_sc, k + 1 < RPT))
        def _():
            stage_chunk(g + 1)

            @pl.when(k >= 1)
            def _():
                wait_scatter(q)
            fire_gather(k + 1, q)
        return 0
    lax.fori_loop(0, RPT, agg_step, 0)

    wait_scatter(1)
    wait_scatter(0)
    plsc.subcore_barrier()

    for ch in range(NRT // EC):
        base = s * NRT + ch * EC
        pltpu.sync_copy(h_sh.at[pl.ds(base, EC)], gbuf.at[pl.ds(0, EC)])

        def z_step(r, _):
            dv = plsc.load_gather(
                tmp_l, [jnp.full((16,), ch * EC + r, jnp.int32)])
            acc = jnp.zeros((16,), F32)
            for v in range(DH // 16):
                hv = gbuf[r, pl.ds(v * 16, 16)] * dv + b1_l[pl.ds(v * 16, 16)]
                hv = jnp.maximum(hv, 0.0)
                acc = acc + hv * w2_l[pl.ds(v * 16, 16)]
            zv = jnp.full((16,), jnp.sum(acc), F32)
            plsc.store_scatter(zb_l, [jnp.full((16,), ch * EC + r,
                                               jnp.int32)], zv,
                               mask=lax.iota(jnp.int32, 16) == 0)
            return 0
        lax.fori_loop(0, EC, z_step, 0)

    pltpu.sync_copy(zb_l, z_out.at[c, s])


def _sc_phase1(xw01, row2, col2, ew2, b1p, w2p, dinvo):
    mesh = plsc.VectorSubcoreMesh(core_axis_name="c", subcore_axis_name="s")
    f = pl.kernel(
        _scb_body,
        out_type=jax.ShapeDtypeStruct((2, 16, NRT), F32),
        mesh=mesh,
        compiler_params=_SC_PARAMS,
        scratch_types=[
            pltpu.VMEM((2 * SR, EC), jnp.int32),
            pltpu.VMEM((2 * SR, EC), jnp.int32),
            pltpu.VMEM((2 * SR, EC), F32),
            pltpu.VMEM((NRT,), F32),
            pltpu.VMEM((NRT,), F32),
            pltpu.VMEM((2 * EC, DH), F32),
            pltpu.VMEM((DH,), F32),
            pltpu.VMEM((DH,), F32),
            pltpu.VMEM_SHARED((NP, DH), F32),
            pltpu.SemaphoreType.DMA((2,)),
            pltpu.SemaphoreType.DMA((2,)),
        ],
    )
    return f(xw01, row2, col2, ew2, b1p, w2p, dinvo)


def _scc_body(z_hbm, row_hbm, col_hbm, ew_hbm, dinv_hbm, b2_hbm,
              out_hbm,
              row_l, col_l, ewn_l, mv_l, z_l, dinv_l, red_l, b2_l,
              o_sh, msem):
    c = lax.axis_index("c")
    s = lax.axis_index("s")

    pltpu.sync_copy(z_hbm.at[0], z_l)
    pltpu.sync_copy(z_hbm.at[1], dinv_l)
    pltpu.sync_copy(b2_hbm, b2_l)

    def zsum_step(i, _):
        z_l[pl.ds(i * 16, 16)] = (z_l[pl.ds(i * 16, 16)]
                                  + dinv_l[pl.ds(i * 16, 16)])
        return 0
    lax.fori_loop(0, NP // 16, zsum_step, 0)

    pltpu.sync_copy(dinv_hbm, dinv_l)

    def oinit_step(i, _):
        dv = dinv_l[pl.ds(s * NRT + i * 16, 16)]
        red_l[pl.ds(i * 16, 16)] = (dv * dv
                                    * z_l[pl.ds(s * NRT + i * 16, 16)])
        return 0
    lax.fori_loop(0, NRT // 16, oinit_step, 0)
    pltpu.sync_copy(red_l, o_sh.at[pl.ds(s * NRT, NRT)])
    plsc.subcore_barrier()

    def msg_chunk(g, _):
        h = (g % 2) * SR
        gbase = s * RPT + g * SR
        pltpu.sync_copy(row_hbm.at[pl.ds(gbase, SR)],
                        row_l.at[pl.ds(h, SR)])
        pltpu.sync_copy(col_hbm.at[pl.ds(gbase, SR)],
                        col_l.at[pl.ds(h, SR)])
        pltpu.sync_copy(ew_hbm.at[pl.ds(gbase, SR)],
                        ewn_l.at[pl.ds(h, SR)])

        def msg_step(j, _):
            for k in range(EC // 16):
                rv = row_l[h + j, pl.ds(k * 16, 16)]
                cv = col_l[h + j, pl.ds(k * 16, 16)]
                wv = ewn_l[h + j, pl.ds(k * 16, 16)]
                dr = plsc.load_gather(dinv_l, [rv])
                dc = plsc.load_gather(dinv_l, [cv])
                zg = plsc.load_gather(z_l, [rv])
                mv_l[h + j, pl.ds(k * 16, 16)] = dr * wv * dc * zg
            return 0
        lax.fori_loop(0, SR, msg_step, 0)

        def agg_fire(j, _):
            pltpu.async_copy(mv_l.at[h + j], o_sh.at[col_l.at[h + j]],
                             msem.at[0], add=True)
            return 0
        lax.fori_loop(0, SR, agg_fire, 0)

        def agg_drain(j, _):
            pltpu.make_async_copy(mv_l.at[h + j], o_sh.at[pl.ds(0, EC)],
                                  msem.at[0]).wait()
            return 0
        lax.fori_loop(0, SR, agg_drain, 0)
        return 0
    lax.fori_loop(0, NSC, msg_chunk, 0)
    plsc.subcore_barrier()

    pltpu.sync_copy(o_sh.at[pl.ds(s * NRT, NRT)], red_l)

    def out_step(i, _):
        o = red_l[pl.ds(i * 16, 16)] + b2_l[...]
        red_l[pl.ds(i * 16, 16)] = 1.0 / (1.0 + jnp.exp(-o))
        return 0
    lax.fori_loop(0, NRT // 16, out_step, 0)

    @pl.when(c == 0)
    def _():
        pltpu.sync_copy(red_l, out_hbm.at[s])


def _sc_phase2(z2, row2, col2, ew2, dinv, b2b):
    mesh = plsc.VectorSubcoreMesh(core_axis_name="c", subcore_axis_name="s")
    f = pl.kernel(
        _scc_body,
        out_type=jax.ShapeDtypeStruct((16, NRT), F32),
        mesh=mesh,
        compiler_params=_SC_PARAMS,
        scratch_types=[
            pltpu.VMEM((2 * SR, EC), jnp.int32),
            pltpu.VMEM((2 * SR, EC), jnp.int32),
            pltpu.VMEM((2 * SR, EC), F32),
            pltpu.VMEM((2 * SR, EC), F32),
            pltpu.VMEM((NP,), F32),
            pltpu.VMEM((NP,), F32),
            pltpu.VMEM((NRT,), F32),
            pltpu.VMEM((16,), F32),
            pltpu.VMEM_SHARED((NP,), F32),
            pltpu.SemaphoreType.DMA((1,)),
        ],
    )
    return f(z2, row2, col2, ew2, dinv, b2b)


def kernel(x, edge_index, edge_attr, W1, b1, W2, b2):
    row2 = edge_index[0].astype(jnp.int32).reshape(ER, EC)
    col2 = edge_index[1].astype(jnp.int32).reshape(ER, EC)
    ew2 = edge_attr.reshape(ER, EC)
    dinvo = _sc_deg(col2, ew2)
    dinv = dinvo.reshape(NP)
    xp = jnp.pad(x, ((0, NP - N), (0, 0)))
    xw01 = _matmul_split(xp, dinv.reshape(NP, 1), W1)
    b1h = b1.reshape(2, DH)
    w2h = W2.reshape(2, DH)
    zparts = _sc_phase1(xw01, row2, col2, ew2, b1h, w2h, dinvo)
    z2 = zparts.reshape(2, NP)
    b2b = jnp.broadcast_to(b2, (16,))
    outp = _sc_phase2(z2, row2, col2, ew2, dinv, b2b)
    return outp.reshape(NP)[:N]

# --- scband reference (transcript-rebuilt; emitter-appended) ---
"""Pipeline reference for scband-influence-gnn-7507602833717 (READ-ONLY COPY).

The authoritative reference and input builder live on the scoring server;
editing this copy changes nothing except your own understanding.
"""

import jax, jax.numpy as jnp
import numpy as np

N_NODES = 10000
N_EDGES = 160000
IN_DIM = 256
HID_DIM = 256
OUT_DIM = 1


def gcn_conv(x, edge_index, edge_weight, W, b, num_nodes):
    # Faithful torch_geometric GCNConv: add self-loops (weight 1),
    # symmetric normalization deg^{-1/2} * w * deg^{-1/2}, linear, scatter-add, bias.
    loop = jnp.arange(num_nodes, dtype=edge_index.dtype)
    row = jnp.concatenate([edge_index[0], loop])
    col = jnp.concatenate([edge_index[1], loop])
    ew = jnp.concatenate([edge_weight, jnp.ones((num_nodes,), dtype=edge_weight.dtype)])
    deg = jnp.zeros((num_nodes,), dtype=ew.dtype).at[col].add(ew)
    dinv = jnp.where(deg > 0, deg ** -0.5, 0.0)
    norm = dinv[row] * ew * dinv[col]
    xw = x @ W
    msgs = norm[:, None] * jnp.take(xw, row, axis=0)
    out = jnp.zeros((num_nodes, W.shape[1]), dtype=xw.dtype).at[col].add(msgs)
    return out + b


def setup_inputs(seed: int = 0) -> dict:
    key = jax.random.key(seed)
    k_x, k_ei, k_ea, k_w1, k_b1, k_w2, k_b2 = jax.random.split(key, 7)
    x = jax.random.normal(k_x, (N_NODES, IN_DIM), dtype=jnp.float32)
    edge_index = jax.random.randint(k_ei, (2, N_EDGES), 0, N_NODES, dtype=jnp.int64)
    edge_attr = jax.random.uniform(k_ea, (N_EDGES,), dtype=jnp.float32)
    # Glorot-style params for conv1/conv2 (weight + bias each)
    W1 = jax.random.normal(k_w1, (IN_DIM, HID_DIM), dtype=jnp.float32) * (1.0 / np.sqrt(IN_DIM))
    b1 = jnp.zeros((HID_DIM,), dtype=jnp.float32)
    W2 = jax.random.normal(k_w2, (HID_DIM, OUT_DIM), dtype=jnp.float32) * (1.0 / np.sqrt(HID_DIM))
    b2 = jnp.zeros((OUT_DIM,), dtype=jnp.float32)
    return {"x": x, "edge_index": edge_index, "edge_attr": edge_attr,
            "W1": W1, "b1": b1, "W2": W2, "b2": b2}


def reference(x, edge_index, edge_attr, W1, b1, W2, b2):
    h = gcn_conv(x, edge_index, edge_attr, W1, b1, N_NODES)
    h = jax.nn.relu(h)
    # dropout is identity in eval mode (training=False)
    h = gcn_conv(h, edge_index, edge_attr, W2, b2, N_NODES)
    return jax.nn.sigmoid(h).squeeze(-1)

if __name__ == "__main__":
    import jax
    _d = setup_inputs()
    print(jax.jit(kernel)(*tuple(_d.values())))

</pallas_src>

<mosaic_0001>
#map = affine_map<(d0, d1) -> (0, 0)>
#map1 = affine_map<(d0, d1) -> (0, 0, 0)>
module attributes {stable_mosaic.version = 14 : i64} {
  func.func @_scb_body(%arg0: i32, %arg1: i32, %arg2: memref<20480x128xf32, #tpu.memory_space<hbm>>, %arg3: memref<2000x80xi32, #tpu.memory_space<hbm>>, %arg4: memref<2000x80xi32, #tpu.memory_space<hbm>>, %arg5: memref<2000x80xf32, #tpu.memory_space<hbm>>, %arg6: memref<2x128xf32, #tpu.memory_space<hbm>>, %arg7: memref<2x128xf32, #tpu.memory_space<hbm>>, %arg8: memref<16x640xf32, #tpu.memory_space<hbm>>, %arg9: memref<2x16x640xf32, #tpu.memory_space<hbm>>, %arg10: memref<50x80xi32, #tpu.memory_space<vmem>>, %arg11: memref<50x80xi32, #tpu.memory_space<vmem>>, %arg12: memref<50x80xf32, #tpu.memory_space<vmem>>, %arg13: memref<640xf32, #tpu.memory_space<vmem>>, %arg14: memref<640xf32, #tpu.memory_space<vmem>>, %arg15: memref<160x128xf32, #tpu.memory_space<vmem>>, %arg16: memref<128xf32, #tpu.memory_space<vmem>>, %arg17: memref<128xf32, #tpu.memory_space<vmem>>, %arg18: memref<10240x128xf32, #tpu.memory_space<vmem_shared>>, %arg19: memref<2x!tpu.dma_semaphore, #tpu.memory_space<semaphore_mem>>, %arg20: memref<2x!tpu.dma_semaphore, #tpu.memory_space<semaphore_mem>>) attributes {dimension_semantics = [#tpu.dimension_semantics<core_parallel>, #tpu.dimension_semantics<subcore_parallel>], iteration_bounds = array<i64: 2, 16>, scalar_prefetch = 0 : i64, scratch_operands = 11 : i64, tpu.core_type = #tpu.core_type<sc_vector_subcore>, window_params = [{transform_indices = #map}, {transform_indices = #map}, {transform_indices = #map}, {transform_indices = #map}, {transform_indices = #map}, {transform_indices = #map}, {transform_indices = #map}, {transform_indices = #map1}]} {
    "tpu.region"() ({
      %run_scoped3A = tpu.sem_alloc : memref<!tpu.dma_semaphore, #tpu.memory_space<semaphore_mem>>
      %dma_start3A_201 = arith.constant 0 : i32
      %dma_start3A_202 = tpu.memref_slice %arg6[%arg0, %dma_start3A_201] : memref<2x128xf32, #tpu.memory_space<hbm>> -> memref<1x128xf32, #tpu.memory_space<hbm>>
      %dma_start3A_203 = tpu.memref_squeeze %dma_start3A_202 : memref<1x128xf32, #tpu.memory_space<hbm>> -> memref<128xf32, #tpu.memory_space<hbm>>
      %dma_start3A_204 = arith.constant 0 : i32
      %dma_start3A_205 = tpu.memref_slice %arg6[%arg0, %dma_start3A_204] : memref<2x128xf32, #tpu.memory_space<hbm>> -> memref<1x128xf32, #tpu.memory_space<hbm>>
      %dma_start3A_206 = tpu.memref_squeeze %dma_start3A_205 : memref<1x128xf32, #tpu.memory_space<hbm>> -> memref<128xf32, #tpu.memory_space<hbm>>
      tpu.enqueue_dma source(%dma_start3A_206 : memref<128xf32, #tpu.memory_space<hbm>>) target(%arg16 : memref<128xf32, #tpu.memory_space<vmem>>) target_semaphore(%run_scoped3A : memref<!tpu.dma_semaphore, #tpu.memory_space<semaphore_mem>>)
      %dma_wait3A_207 = arith.constant 0 : i32
      %dma_wait3A_208 = tpu.memref_slice %arg6[%arg0, %dma_wait3A_207] : memref<2x128xf32, #tpu.memory_space<hbm>> -> memref<1x128xf32, #tpu.memory_space<hbm>>
      %dma_wait3A_209 = tpu.memref_squeeze %dma_wait3A_208 : memref<1x128xf32, #tpu.memory_space<hbm>> -> memref<128xf32, #tpu.memory_space<hbm>>
      %dma_wait3A_210 = arith.constant 0 : i32
      %dma_wait3A_211 = tpu.memref_slice %arg6[%arg0, %dma_wait3A_210] : memref<2x128xf32, #tpu.memory_space<hbm>> -> memref<1x128xf32, #tpu.memory_space<hbm>>
      %dma_wait3A_212 = tpu.memref_squeeze %dma_wait3A_211 : memref<1x128xf32, #tpu.memory_space<hbm>> -> memref<128xf32, #tpu.memory_space<hbm>>
      tpu.wait_dma2 semaphore(%run_scoped3A : memref<!tpu.dma_semaphore, #tpu.memory_space<semaphore_mem>>) src(%dma_wait3A_212 : memref<128xf32, #tpu.memory_space<hbm>>) dst(%arg16 : memref<128xf32, #tpu.memory_space<vmem>>)
      tpu.yield
    }) : () -> ()
    "tpu.region"() ({
      %run_scoped3A = tpu.sem_alloc : memref<!tpu.dma_semaphore, #tpu.memory_space<semaphore_mem>>
      %dma_start3A_201 = arith.constant 0 : i32
      %dma_start3A_202 = tpu.memref_slice %arg7[%arg0, %dma_start3A_201] : memref<2x128xf32, #tpu.memory_space<hbm>> -> memref<1x128xf32, #tpu.memory_space<hbm>>
      %dma_start3A_203 = tpu.memref_squeeze %dma_start3A_202 : memref<1x128xf32, #tpu.memory_space<hbm>> -> memref<128xf32, #tpu.memory_space<hbm>>
      %dma_start3A_204 = arith.constant 0 : i32
      %dma_start3A_205 = tpu.memref_slice %arg7[%arg0, %dma_start3A_204] : memref<2x128xf32, #tpu.memory_space<hbm>> -> memref<1x128xf32, #tpu.memory_space<hbm>>
      %dma_start3A_206 = tpu.memref_squeeze %dma_start3A_205 : memref<1x128xf32, #tpu.memory_space<hbm>> -> memref<128xf32, #tpu.memory_space<hbm>>
      tpu.enqueue_dma source(%dma_start3A_206 : memref<128xf32, #tpu.memory_space<hbm>>) target(%arg17 : memref<128xf32, #tpu.memory_space<vmem>>) target_semaphore(%run_scoped3A : memref<!tpu.dma_semaphore, #tpu.memory_space<semaphore_mem>>)
      %dma_wait3A_207 = arith.constant 0 : i32
      %dma_wait3A_208 = tpu.memref_slice %arg7[%arg0, %dma_wait3A_207] : memref<2x128xf32, #tpu.memory_space<hbm>> -> memref<1x128xf32, #tpu.memory_space<hbm>>
      %dma_wait3A_209 = tpu.memref_squeeze %dma_wait3A_208 : memref<1x128xf32, #tpu.memory_space<hbm>> -> memref<128xf32, #tpu.memory_space<hbm>>
      %dma_wait3A_210 = arith.constant 0 : i32
      %dma_wait3A_211 = tpu.memref_slice %arg7[%arg0, %dma_wait3A_210] : memref<2x128xf32, #tpu.memory_space<hbm>> -> memref<1x128xf32, #tpu.memory_space<hbm>>
      %dma_wait3A_212 = tpu.memref_squeeze %dma_wait3A_211 : memref<1x128xf32, #tpu.memory_space<hbm>> -> memref<128xf32, #tpu.memory_space<hbm>>
      tpu.wait_dma2 semaphore(%run_scoped3A : memref<!tpu.dma_semaphore, #tpu.memory_space<semaphore_mem>>) src(%dma_wait3A_212 : memref<128xf32, #tpu.memory_space<hbm>>) dst(%arg17 : memref<128xf32, #tpu.memory_space<vmem>>)
      tpu.yield
    }) : () -> ()
    "tpu.region"() ({
      %run_scoped3A = tpu.sem_alloc : memref<!tpu.dma_semaphore, #tpu.memory_space<semaphore_mem>>
      %dma_start3A_201 = arith.constant 0 : i32
      %dma_start3A_202 = tpu.memref_slice %arg8[%arg1, %dma_start3A_201] : memref<16x640xf32, #tpu.memory_space<hbm>> -> memref<1x640xf32, #tpu.memory_space<hbm>>
      %dma_start3A_203 = tpu.memref_squeeze %dma_start3A_202 : memref<1x640xf32, #tpu.memory_space<hbm>> -> memref<640xf32, #tpu.memory_space<hbm>>
      %dma_start3A_204 = arith.constant 0 : i32
      %dma_start3A_205 = tpu.memref_slice %arg8[%arg1, %dma_start3A_204] : memref<16x640xf32, #tpu.memory_space<hbm>> -> memref<1x640xf32, #tpu.memory_space<hbm>>
      %dma_start3A_206 = tpu.memref_squeeze %dma_start3A_205 : memref<1x640xf32, #tpu.memory_space<hbm>> -> memref<640xf32, #tpu.memory_space<hbm>>
      tpu.enqueue_dma source(%dma_start3A_206 : memref<640xf32, #tpu.memory_space<hbm>>) target(%arg13 : memref<640xf32, #tpu.memory_space<vmem>>) target_semaphore(%run_scoped3A : memref<!tpu.dma_semaphore, #tpu.memory_space<semaphore_mem>>)
      %dma_wait3A_207 = arith.constant 0 : i32
      %dma_wait3A_208 = tpu.memref_slice %arg8[%arg1, %dma_wait3A_207] : memref<16x640xf32, #tpu.memory_space<hbm>> -> memref<1x640xf32, #tpu.memory_space<hbm>>
      %dma_wait3A_209 = tpu.memref_squeeze %dma_wait3A_208 : memref<1x640xf32, #tpu.memory_space<hbm>> -> memref<640xf32, #tpu.memory_space<hbm>>
      %dma_wait3A_210 = arith.constant 0 : i32
      %dma_wait3A_211 = tpu.memref_slice %arg8[%arg1, %dma_wait3A_210] : memref<16x640xf32, #tpu.memory_space<hbm>> -> memref<1x640xf32, #tpu.memory_space<hbm>>
      %dma_wait3A_212 = tpu.memref_squeeze %dma_wait3A_211 : memref<1x640xf32, #tpu.memory_space<hbm>> -> memref<640xf32, #tpu.memory_space<hbm>>
      tpu.wait_dma2 semaphore(%run_scoped3A : memref<!tpu.dma_semaphore, #tpu.memory_space<semaphore_mem>>) src(%dma_wait3A_212 : memref<640xf32, #tpu.memory_space<hbm>>) dst(%arg13 : memref<640xf32, #tpu.memory_space<vmem>>)
      tpu.yield
    }) : () -> ()
    %mul3A = arith.constant 640 : i32
    %mul3A_0 = arith.muli %arg1, %mul3A : i32
    %add3A = arith.constant 0 : i32
    %add3A_1 = arith.addi %mul3A_0, %add3A : i32
    %mul3A_2 = arith.constant 10240 : i32
    %mul3A_3 = arith.muli %arg0, %mul3A_2 : i32
    %add3A_4 = arith.addi %mul3A_3, %add3A_1 : i32
    "tpu.region"() ({
      %run_scoped3A = tpu.sem_alloc : memref<!tpu.dma_semaphore, #tpu.memory_space<semaphore_mem>>
      %dma_start3A_201 = arith.constant 0 : i32
      %dma_start3A_202 = tpu.memref_slice %arg18[%add3A_1, %dma_start3A_201] : memref<10240x128xf32, #tpu.memory_space<vmem_shared>> -> memref<80x128xf32, #tpu.memory_space<vmem_shared>>
      %dma_start3A_203 = arith.constant 0 : i32
      %dma_start3A_204 = tpu.memref_slice %arg2[%add3A_4, %dma_start3A_203] : memref<20480x128xf32, #tpu.memory_space<hbm>> -> memref<80x128xf32, #tpu.memory_space<hbm>>
      tpu.enqueue_dma source(%dma_start3A_204 : memref<80x128xf32, #tpu.memory_space<hbm>>) target(%dma_start3A_202 : memref<80x128xf32, #tpu.memory_space<vmem_shared>>) target_semaphore(%run_scoped3A : memref<!tpu.dma_semaphore, #tpu.memory_space<semaphore_mem>>)
      %dma_wait3A_205 = arith.constant 0 : i32
      %dma_wait3A_206 = tpu.memref_slice %arg18[%add3A_1, %dma_wait3A_205] : memref<10240x128xf32, #tpu.memory_space<vmem_shared>> -> memref<80x128xf32, #tpu.memory_space<vmem_shared>>
      %dma_wait3A_207 = arith.constant 0 : i32
      %dma_wait3A_208 = tpu.memref_slice %arg2[%add3A_4, %dma_wait3A_207] : memref<20480x128xf32, #tpu.memory_space<hbm>> -> memref<80x128xf32, #tpu.memory_space<hbm>>
      tpu.wait_dma2 semaphore(%run_scoped3A : memref<!tpu.dma_semaphore, #tpu.memory_space<semaphore_mem>>) src(%dma_wait3A_208 : memref<80x128xf32, #tpu.memory_space<hbm>>) dst(%dma_wait3A_206 : memref<80x128xf32, #tpu.memory_space<vmem_shared>>)
      tpu.yield
    }) : () -> ()
    %mul3A_5 = arith.constant 640 : i32
    %mul3A_6 = arith.muli %arg1, %mul3A_5 : i32
    %add3A_7 = arith.constant 80 : i32
    %add3A_8 = arith.addi %mul3A_6, %add3A_7 : i32
    %mul3A_9 = arith.constant 10240 : i32
    %mul3A_10 = arith.muli %arg0, %mul3A_9 : i32
    %add3A_11 = arith.addi %mul3A_10, %add3A_8 : i32
    "tpu.region"() ({
      %run_scoped3A = tpu.sem_alloc : memref<!tpu.dma_semaphore, #tpu.memory_space<semaphore_mem>>
      %dma_start3A_201 = arith.constant 0 : i32
      %dma_start3A_202 = tpu.memref_slice %arg18[%add3A_8, %dma_start3A_201] : memref<10240x128xf32, #tpu.memory_space<vmem_shared>> -> memref<80x128xf32, #tpu.memory_space<vmem_shared>>
      %dma_start3A_203 = arith.constant 0 : i32
      %dma_start3A_204 = tpu.memref_slice %arg2[%add3A_11, %dma_start3A_203] : memref<20480x128xf32, #tpu.memory_space<hbm>> -> memref<80x128xf32, #tpu.memory_space<hbm>>
      tpu.enqueue_dma source(%dma_start3A_204 : memref<80x128xf32, #tpu.memory_space<hbm>>) target(%dma_start3A_202 : memref<80x128xf32, #tpu.memory_space<vmem_shared>>) target_semaphore(%run_scoped3A : memref<!tpu.dma_semaphore, #tpu.memory_space<semaphore_mem>>)
      %dma_wait3A_205 = arith.constant 0 : i32
      %dma_wait3A_206 = tpu.memref_slice %arg18[%add3A_8, %dma_wait3A_205] : memref<10240x128xf32, #tpu.memory_space<vmem_shared>> -> memref<80x128xf32, #tpu.memory_space<vmem_shared>>
      %dma_wait3A_207 = arith.constant 0 : i32
      %dma_wait3A_208 = tpu.memref_slice %arg2[%add3A_11, %dma_wait3A_207] : memref<20480x128xf32, #tpu.memory_space<hbm>> -> memref<80x128xf32, #tpu.memory_space<hbm>>
      tpu.wait_dma2 semaphore(%run_scoped3A : memref<!tpu.dma_semaphore, #tpu.memory_space<semaphore_mem>>) src(%dma_wait3A_208 : memref<80x128xf32, #tpu.memory_space<hbm>>) dst(%dma_wait3A_206 : memref<80x128xf32, #tpu.memory_space<vmem_shared>>)
      tpu.yield
    }) : () -> ()
    %mul3A_12 = arith.constant 640 : i32
    %mul3A_13 = arith.muli %arg1, %mul3A_12 : i32
    %add3A_14 = arith.constant 160 : i32
    %add3A_15 = arith.addi %mul3A_13, %add3A_14 : i32
    %mul3A_16 = arith.constant 10240 : i32
    %mul3A_17 = arith.muli %arg0, %mul3A_16 : i32
    %add3A_18 = arith.addi %mul3A_17, %add3A_15 : i32
    "tpu.region"() ({
      %run_scoped3A = tpu.sem_alloc : memref<!tpu.dma_semaphore, #tpu.memory_space<semaphore_mem>>
      %dma_start3A_201 = arith.constant 0 : i32
      %dma_start3A_202 = tpu.memref_slice %arg18[%add3A_15, %dma_start3A_201] : memref<10240x128xf32, #tpu.memory_space<vmem_shared>> -> memref<80x128xf32, #tpu.memory_space<vmem_shared>>
      %dma_start3A_203 = arith.constant 0 : i32
      %dma_start3A_204 = tpu.memref_slice %arg2[%add3A_18, %dma_start3A_203] : memref<20480x128xf32, #tpu.memory_space<hbm>> -> memref<80x128xf32, #tpu.memory_space<hbm>>
      tpu.enqueue_dma source(%dma_start3A_204 : memref<80x128xf32, #tpu.memory_space<hbm>>) target(%dma_start3A_202 : memref<80x128xf32, #tpu.memory_space<vmem_shared>>) target_semaphore(%run_scoped3A : memref<!tpu.dma_semaphore, #tpu.memory_space<semaphore_mem>>)
      %dma_wait3A_205 = arith.constant 0 : i32
      %dma_wait3A_206 = tpu.memref_slice %arg18[%add3A_15, %dma_wait3A_205] : memref<10240x128xf32, #tpu.memory_space<vmem_shared>> -> memref<80x128xf32, #tpu.memory_space<vmem_shared>>
      %dma_wait3A_207 = arith.constant 0 : i32
      %dma_wait3A_208 = tpu.memref_slice %arg2[%add3A_18, %dma_wait3A_207] : memref<20480x128xf32, #tpu.memory_space<hbm>> -> memref<80x128xf32, #tpu.memory_space<hbm>>
      tpu.wait_dma2 semaphore(%run_scoped3A : memref<!tpu.dma_semaphore, #tpu.memory_space<semaphore_mem>>) src(%dma_wait3A_208 : memref<80x128xf32, #tpu.memory_space<hbm>>) dst(%dma_wait3A_206 : memref<80x128xf32, #tpu.memory_space<vmem_shared>>)
      tpu.yield
    }) : () -> ()
    %mul3A_19 = arith.constant 640 : i32
    %mul3A_20 = arith.muli %arg1, %mul3A_19 : i32
    %add3A_21 = arith.constant 240 : i32
    %add3A_22 = arith.addi %mul3A_20, %add3A_21 : i32
    %mul3A_23 = arith.constant 10240 : i32
    %mul3A_24 = arith.muli %arg0, %mul3A_23 : i32
    %add3A_25 = arith.addi %mul3A_24, %add3A_22 : i32
    "tpu.region"() ({
      %run_scoped3A = tpu.sem_alloc : memref<!tpu.dma_semaphore, #tpu.memory_space<semaphore_mem>>
      %dma_start3A_201 = arith.constant 0 : i32
      %dma_start3A_202 = tpu.memref_slice %arg18[%add3A_22, %dma_start3A_201] : memref<10240x128xf32, #tpu.memory_space<vmem_shared>> -> memref<80x128xf32, #tpu.memory_space<vmem_shared>>
      %dma_start3A_203 = arith.constant 0 : i32
      %dma_start3A_204 = tpu.memref_slice %arg2[%add3A_25, %dma_start3A_203] : memref<20480x128xf32, #tpu.memory_space<hbm>> -> memref<80x128xf32, #tpu.memory_space<hbm>>
      tpu.enqueue_dma source(%dma_start3A_204 : memref<80x128xf32, #tpu.memory_space<hbm>>) target(%dma_start3A_202 : memref<80x128xf32, #tpu.memory_space<vmem_shared>>) target_semaphore(%run_scoped3A : memref<!tpu.dma_semaphore, #tpu.memory_space<semaphore_mem>>)
      %dma_wait3A_205 = arith.constant 0 : i32
      %dma_wait3A_206 = tpu.memref_slice %arg18[%add3A_22, %dma_wait3A_205] : memref<10240x128xf32, #tpu.memory_space<vmem_shared>> -> memref<80x128xf32, #tpu.memory_space<vmem_shared>>
      %dma_wait3A_207 = arith.constant 0 : i32
      %dma_wait3A_208 = tpu.memref_slice %arg2[%add3A_25, %dma_wait3A_207] : memref<20480x128xf32, #tpu.memory_space<hbm>> -> memref<80x128xf32, #tpu.memory_space<hbm>>
      tpu.wait_dma2 semaphore(%run_scoped3A : memref<!tpu.dma_semaphore, #tpu.memory_space<semaphore_mem>>) src(%dma_wait3A_208 : memref<80x128xf32, #tpu.memory_space<hbm>>) dst(%dma_wait3A_206 : memref<80x128xf32, #tpu.memory_space<vmem_shared>>)
      tpu.yield
    }) : () -> ()
    %mul3A_26 = arith.constant 640 : i32
    %mul3A_27 = arith.muli %arg1, %mul3A_26 : i32
    %add3A_28 = arith.constant 320 : i32
    %add3A_29 = arith.addi %mul3A_27, %add3A_28 : i32
    %mul3A_30 = arith.constant 10240 : i32
    %mul3A_31 = arith.muli %arg0, %mul3A_30 : i32
    %add3A_32 = arith.addi %mul3A_31, %add3A_29 : i32
    "tpu.region"() ({
      %run_scoped3A = tpu.sem_alloc : memref<!tpu.dma_semaphore, #tpu.memory_space<semaphore_mem>>
      %dma_start3A_201 = arith.constant 0 : i32
      %dma_start3A_202 = tpu.memref_slice %arg18[%add3A_29, %dma_start3A_201] : memref<10240x128xf32, #tpu.memory_space<vmem_shared>> -> memref<80x128xf32, #tpu.memory_space<vmem_shared>>
      %dma_start3A_203 = arith.constant 0 : i32
      %dma_start3A_204 = tpu.memref_slice %arg2[%add3A_32, %dma_start3A_203] : memref<20480x128xf32, #tpu.memory_space<hbm>> -> memref<80x128xf32, #tpu.memory_space<hbm>>
      tpu.enqueue_dma source(%dma_start3A_204 : memref<80x128xf32, #tpu.memory_space<hbm>>) target(%dma_start3A_202 : memref<80x128xf32, #tpu.memory_space<vmem_shared>>) target_semaphore(%run_scoped3A : memref<!tpu.dma_semaphore, #tpu.memory_space<semaphore_mem>>)
      %dma_wait3A_205 = arith.constant 0 : i32
      %dma_wait3A_206 = tpu.memref_slice %arg18[%add3A_29, %dma_wait3A_205] : memref<10240x128xf32, #tpu.memory_space<vmem_shared>> -> memref<80x128xf32, #tpu.memory_space<vmem_shared>>
      %dma_wait3A_207 = arith.constant 0 : i32
      %dma_wait3A_208 = tpu.memref_slice %arg2[%add3A_32, %dma_wait3A_207] : memref<20480x128xf32, #tpu.memory_space<hbm>> -> memref<80x128xf32, #tpu.memory_space<hbm>>
      tpu.wait_dma2 semaphore(%run_scoped3A : memref<!tpu.dma_semaphore, #tpu.memory_space<semaphore_mem>>) src(%dma_wait3A_208 : memref<80x128xf32, #tpu.memory_space<hbm>>) dst(%dma_wait3A_206 : memref<80x128xf32, #tpu.memory_space<vmem_shared>>)
      tpu.yield
    }) : () -> ()
    %mul3A_33 = arith.constant 640 : i32
    %mul3A_34 = arith.muli %arg1, %mul3A_33 : i32
    %add3A_35 = arith.constant 400 : i32
    %add3A_36 = arith.addi %mul3A_34, %add3A_35 : i32
    %mul3A_37 = arith.constant 10240 : i32
    %mul3A_38 = arith.muli %arg0, %mul3A_37 : i32
    %add3A_39 = arith.addi %mul3A_38, %add3A_36 : i32
    "tpu.region"() ({
      %run_scoped3A = tpu.sem_alloc : memref<!tpu.dma_semaphore, #tpu.memory_space<semaphore_mem>>
      %dma_start3A_201 = arith.constant 0 : i32
      %dma_start3A_202 = tpu.memref_slice %arg18[%add3A_36, %dma_start3A_201] : memref<10240x128xf32, #tpu.memory_space<vmem_shared>> -> memref<80x128xf32, #tpu.memory_space<vmem_shared>>
      %dma_start3A_203 = arith.constant 0 : i32
      %dma_start3A_204 = tpu.memref_slice %arg2[%add3A_39, %dma_start3A_203] : memref<20480x128xf32, #tpu.memory_space<hbm>> -> memref<80x128xf32, #tpu.memory_space<hbm>>
      tpu.enqueue_dma source(%dma_start3A_204 : memref<80x128xf32, #tpu.memory_space<hbm>>) target(%dma_start3A_202 : memref<80x128xf32, #tpu.memory_space<vmem_shared>>) target_semaphore(%run_scoped3A : memref<!tpu.dma_semaphore, #tpu.memory_space<semaphore_mem>>)
      %dma_wait3A_205 = arith.constant 0 : i32
      %dma_wait3A_206 = tpu.memref_slice %arg18[%add3A_36, %dma_wait3A_205] : memref<10240x128xf32, #tpu.memory_space<vmem_shared>> -> memref<80x128xf32, #tpu.memory_space<vmem_shared>>
      %dma_wait3A_207 = arith.constant 0 : i32
      %dma_wait3A_208 = tpu.memref_slice %arg2[%add3A_39, %dma_wait3A_207] : memref<20480x128xf32, #tpu.memory_space<hbm>> -> memref<80x128xf32, #tpu.memory_space<hbm>>
      tpu.wait_dma2 semaphore(%run_scoped3A : memref<!tpu.dma_semaphore, #tpu.memory_space<semaphore_mem>>) src(%dma_wait3A_208 : memref<80x128xf32, #tpu.memory_space<hbm>>) dst(%dma_wait3A_206 : memref<80x128xf32, #tpu.memory_space<vmem_shared>>)
      tpu.yield
    }) : () -> ()
    %mul3A_40 = arith.constant 640 : i32
    %mul3A_41 = arith.muli %arg1, %mul3A_40 : i32
    %add3A_42 = arith.constant 480 : i32
    %add3A_43 = arith.addi %mul3A_41, %add3A_42 : i32
    %mul3A_44 = arith.constant 10240 : i32
    %mul3A_45 = arith.muli %arg0, %mul3A_44 : i32
    %add3A_46 = arith.addi %mul3A_45, %add3A_43 : i32
    "tpu.region"() ({
      %run_scoped3A = tpu.sem_alloc : memref<!tpu.dma_semaphore, #tpu.memory_space<semaphore_mem>>
      %dma_start3A_201 = arith.constant 0 : i32
      %dma_start3A_202 = tpu.memref_slice %arg18[%add3A_43, %dma_start3A_201] : memref<10240x128xf32, #tpu.memory_space<vmem_shared>> -> memref<80x128xf32, #tpu.memory_space<vmem_shared>>
      %dma_start3A_203 = arith.constant 0 : i32
      %dma_start3A_204 = tpu.memref_slice %arg2[%add3A_46, %dma_start3A_203] : memref<20480x128xf32, #tpu.memory_space<hbm>> -> memref<80x128xf32, #tpu.memory_space<hbm>>
      tpu.enqueue_dma source(%dma_start3A_204 : memref<80x128xf32, #tpu.memory_space<hbm>>) target(%dma_start3A_202 : memref<80x128xf32, #tpu.memory_space<vmem_shared>>) target_semaphore(%run_scoped3A : memref<!tpu.dma_semaphore, #tpu.memory_space<semaphore_mem>>)
      %dma_wait3A_205 = arith.constant 0 : i32
      %dma_wait3A_206 = tpu.memref_slice %arg18[%add3A_43, %dma_wait3A_205] : memref<10240x128xf32, #tpu.memory_space<vmem_shared>> -> memref<80x128xf32, #tpu.memory_space<vmem_shared>>
      %dma_wait3A_207 = arith.constant 0 : i32
      %dma_wait3A_208 = tpu.memref_slice %arg2[%add3A_46, %dma_wait3A_207] : memref<20480x128xf32, #tpu.memory_space<hbm>> -> memref<80x128xf32, #tpu.memory_space<hbm>>
      tpu.wait_dma2 semaphore(%run_scoped3A : memref<!tpu.dma_semaphore, #tpu.memory_space<semaphore_mem>>) src(%dma_wait3A_208 : memref<80x128xf32, #tpu.memory_space<hbm>>) dst(%dma_wait3A_206 : memref<80x128xf32, #tpu.memory_space<vmem_shared>>)
      tpu.yield
    }) : () -> ()
    %mul3A_47 = arith.constant 640 : i32
    %mul3A_48 = arith.muli %arg1, %mul3A_47 : i32
    %add3A_49 = arith.constant 560 : i32
    %add3A_50 = arith.addi %mul3A_48, %add3A_49 : i32
    %mul3A_51 = arith.constant 10240 : i32
    %mul3A_52 = arith.muli %arg0, %mul3A_51 : i32
    %add3A_53 = arith.addi %mul3A_52, %add3A_50 : i32
    "tpu.region"() ({
      %run_scoped3A = tpu.sem_alloc : memref<!tpu.dma_semaphore, #tpu.memory_space<semaphore_mem>>
      %dma_start3A_201 = arith.constant 0 : i32
      %dma_start3A_202 = tpu.memref_slice %arg18[%add3A_50, %dma_start3A_201] : memref<10240x128xf32, #tpu.memory_space<vmem_shared>> -> memref<80x128xf32, #tpu.memory_space<vmem_shared>>
      %dma_start3A_203 = arith.constant 0 : i32
      %dma_start3A_204 = tpu.memref_slice %arg2[%add3A_53, %dma_start3A_203] : memref<20480x128xf32, #tpu.memory_space<hbm>> -> memref<80x128xf32, #tpu.memory_space<hbm>>
      tpu.enqueue_dma source(%dma_start3A_204 : memref<80x128xf32, #tpu.memory_space<hbm>>) target(%dma_start3A_202 : memref<80x128xf32, #tpu.memory_space<vmem_shared>>) target_semaphore(%run_scoped3A : memref<!tpu.dma_semaphore, #tpu.memory_space<semaphore_mem>>)
      %dma_wait3A_205 = arith.constant 0 : i32
      %dma_wait3A_206 = tpu.memref_slice %arg18[%add3A_50, %dma_wait3A_205] : memref<10240x128xf32, #tpu.memory_space<vmem_shared>> -> memref<80x128xf32, #tpu.memory_space<vmem_shared>>
      %dma_wait3A_207 = arith.constant 0 : i32
      %dma_wait3A_208 = tpu.memref_slice %arg2[%add3A_53, %dma_wait3A_207] : memref<20480x128xf32, #tpu.memory_space<hbm>> -> memref<80x128xf32, #tpu.memory_space<hbm>>
      tpu.wait_dma2 semaphore(%run_scoped3A : memref<!tpu.dma_semaphore, #tpu.memory_space<semaphore_mem>>) src(%dma_wait3A_208 : memref<80x128xf32, #tpu.memory_space<hbm>>) dst(%dma_wait3A_206 : memref<80x128xf32, #tpu.memory_space<vmem_shared>>)
      tpu.yield
    }) : () -> ()
    %barrier3A = arith.constant 0 : index
    tpu.barrier barrier_id(%barrier3A)
    %mul3A_54 = arith.constant 125 : i32
    %mul3A_55 = arith.muli %arg1, %mul3A_54 : i32
    %add3A_56 = arith.constant 0 : i32
    %add3A_57 = arith.addi %mul3A_55, %add3A_56 : i32
    "tpu.region"() ({
      %run_scoped3A = tpu.sem_alloc : memref<!tpu.dma_semaphore, #tpu.memory_space<semaphore_mem>>
      %dma_start3A_201 = arith.constant 0 : i32
      %dma_start3A_202 = arith.constant 0 : i32
      %dma_start3A_203 = tpu.memref_slice %arg10[%dma_start3A_201, %dma_start3A_202] : memref<50x80xi32, #tpu.memory_space<vmem>> -> memref<25x80xi32, #tpu.memory_space<vmem>>
      %dma_start3A_204 = arith.constant 0 : i32
      %dma_start3A_205 = tpu.memref_slice %arg3[%add3A_57, %dma_start3A_204] : memref<2000x80xi32, #tpu.memory_space<hbm>> -> memref<25x80xi32, #tpu.memory_space<hbm>>
      %dma_start3A_206 = arith.constant 0 : i32
      %dma_start3A_207 = arith.constant 0 : i32
      %dma_start3A_208 = tpu.memref_slice %arg10[%dma_start3A_206, %dma_start3A_207] : memref<50x80xi32, #tpu.memory_space<vmem>> -> memref<25x80xi32, #tpu.memory_space<vmem>>
      %dma_start3A_209 = arith.constant 0 : i32
      %dma_start3A_210 = tpu.memref_slice %arg3[%add3A_57, %dma_start3A_209] : memref<2000x80xi32, #tpu.memory_space<hbm>> -> memref<25x80xi32, #tpu.memory_space<hbm>>
      tpu.enqueue_dma source(%dma_start3A_210 : memref<25x80xi32, #tpu.memory_space<hbm>>) target(%dma_start3A_208 : memref<25x80xi32, #tpu.memory_space<vmem>>) target_semaphore(%run_scoped3A : memref<!tpu.dma_semaphore, #tpu.memory_space<semaphore_mem>>)
      %dma_wait3A_211 = arith.constant 0 : i32
      %dma_wait3A_212 = arith.constant 0 : i32
      %dma_wait3A_213 = tpu.memref_slice %arg10[%dma_wait3A_211, %dma_wait3A_212] : memref<50x80xi32, #tpu.memory_space<vmem>> -> memref<25x80xi32, #tpu.memory_space<vmem>>
      %dma_wait3A_214 = arith.constant 0 : i32
      %dma_wait3A_215 = tpu.memref_slice %arg3[%add3A_57, %dma_wait3A_214] : memref<2000x80xi32, #tpu.memory_space<hbm>> -> memref<25x80xi32, #tpu.memory_space<hbm>>
      %dma_wait3A_216 = arith.constant 0 : i32
      %dma_wait3A_217 = arith.constant 0 : i32
      %dma_wait3A_218 = tpu.memref_slice %arg10[%dma_wait3A_216, %dma_wait3A_217] : memref<50x80xi32, #tpu.memory_space<vmem>> -> memref<25x80xi32, #tpu.memory_space<vmem>>
      %dma_wait3A_219 = arith.constant 0 : i32
      %dma_wait3A_220 = tpu.memref_slice %arg3[%add3A_57, %dma_wait3A_219] : memref<2000x80xi32, #tpu.memory_space<hbm>> -> memref<25x80xi32, #tpu.memory_space<hbm>>
      tpu.wait_dma2 semaphore(%run_scoped3A : memref<!tpu.dma_semaphore, #tpu.memory_space<semaphore_mem>>) src(%dma_wait3A_220 : memref<25x80xi32, #tpu.memory_space<hbm>>) dst(%dma_wait3A_218 : memref<25x80xi32, #tpu.memory_space<vmem>>)
      tpu.yield
    }) : () -> ()
    "tpu.region"() ({
      %run_scoped3A = tpu.sem_alloc : memref<!tpu.dma_semaphore, #tpu.memory_space<semaphore_mem>>
      %dma_start3A_201 = arith.constant 0 : i32
      %dma_start3A_202 = arith.constant 0 : i32
      %dma_start3A_203 = tpu.memref_slice %arg11[%dma_start3A_201, %dma_start3A_202] : memref<50x80xi32, #tpu.memory_space<vmem>> -> memref<25x80xi32, #tpu.memory_space<vmem>>
      %dma_start3A_204 = arith.constant 0 : i32
      %dma_start3A_205 = tpu.memref_slice %arg4[%add3A_57, %dma_start3A_204] : memref<2000x80xi32, #tpu.memory_space<hbm>> -> memref<25x80xi32, #tpu.memory_space<hbm>>
      %dma_start3A_206 = arith.constant 0 : i32
      %dma_start3A_207 = arith.constant 0 : i32
      %dma_start3A_208 = tpu.memref_slice %arg11[%dma_start3A_206, %dma_start3A_207] : memref<50x80xi32, #tpu.memory_space<vmem>> -> memref<25x80xi32, #tpu.memory_space<vmem>>
      %dma_start3A_209 = arith.constant 0 : i32
      %dma_start3A_210 = tpu.memref_slice %arg4[%add3A_57, %dma_start3A_209] : memref<2000x80xi32, #tpu.memory_space<hbm>> -> memref<25x80xi32, #tpu.memory_space<hbm>>
      tpu.enqueue_dma source(%dma_start3A_210 : memref<25x80xi32, #tpu.memory_space<hbm>>) target(%dma_start3A_208 : memref<25x80xi32, #tpu.memory_space<vmem>>) target_semaphore(%run_scoped3A : memref<!tpu.dma_semaphore, #tpu.memory_space<semaphore_mem>>)
      %dma_wait3A_211 = arith.constant 0 : i32
      %dma_wait3A_212 = arith.constant 0 : i32
      %dma_wait3A_213 = tpu.memref_slice %arg11[%dma_wait3A_211, %dma_wait3A_212] : memref<50x80xi32, #tpu.memory_space<vmem>> -> memref<25x80xi32, #tpu.memory_space<vmem>>
      %dma_wait3A_214 = arith.constant 0 : i32
      %dma_wait3A_215 = tpu.memref_slice %arg4[%add3A_57, %dma_wait3A_214] : memref<2000x80xi32, #tpu.memory_space<hbm>> -> memref<25x80xi32, #tpu.memory_space<hbm>>
      %dma_wait3A_216 = arith.constant 0 : i32
      %dma_wait3A_217 = arith.constant 0 : i32
      %dma_wait3A_218 = tpu.memref_slice %arg11[%dma_wait3A_216, %dma_wait3A_217] : memref<50x80xi32, #tpu.memory_space<vmem>> -> memref<25x80xi32, #tpu.memory_space<vmem>>
      %dma_wait3A_219 = arith.constant 0 : i32
      %dma_wait3A_220 = tpu.memref_slice %arg4[%add3A_57, %dma_wait3A_219] : memref<2000x80xi32, #tpu.memory_space<hbm>> -> memref<25x80xi32, #tpu.memory_space<hbm>>
      tpu.wait_dma2 semaphore(%run_scoped3A : memref<!tpu.dma_semaphore, #tpu.memory_space<semaphore_mem>>) src(%dma_wait3A_220 : memref<25x80xi32, #tpu.memory_space<hbm>>) dst(%dma_wait3A_218 : memref<25x80xi32, #tpu.memory_space<vmem>>)
      tpu.yield
    }) : () -> ()
    "tpu.region"() ({
      %run_scoped3A = tpu.sem_alloc : memref<!tpu.dma_semaphore, #tpu.memory_space<semaphore_mem>>
      %dma_start3A_201 = arith.constant 0 : i32
      %dma_start3A_202 = arith.constant 0 : i32
      %dma_start3A_203 = tpu.memref_slice %arg12[%dma_start3A_201, %dma_start3A_202] : memref<50x80xf32, #tpu.memory_space<vmem>> -> memref<25x80xf32, #tpu.memory_space<vmem>>
      %dma_start3A_204 = arith.constant 0 : i32
      %dma_start3A_205 = tpu.memref_slice %arg5[%add3A_57, %dma_start3A_204] : memref<2000x80xf32, #tpu.memory_space<hbm>> -> memref<25x80xf32, #tpu.memory_space<hbm>>
      %dma_start3A_206 = arith.constant 0 : i32
      %dma_start3A_207 = arith.constant 0 : i32
      %dma_start3A_208 = tpu.memref_slice %arg12[%dma_start3A_206, %dma_start3A_207] : memref<50x80xf32, #tpu.memory_space<vmem>> -> memref<25x80xf32, #tpu.memory_space<vmem>>
      %dma_start3A_209 = arith.constant 0 : i32
      %dma_start3A_210 = tpu.memref_slice %arg5[%add3A_57, %dma_start3A_209] : memref<2000x80xf32, #tpu.memory_space<hbm>> -> memref<25x80xf32, #tpu.memory_space<hbm>>
      tpu.enqueue_dma source(%dma_start3A_210 : memref<25x80xf32, #tpu.memory_space<hbm>>) target(%dma_start3A_208 : memref<25x80xf32, #tpu.memory_space<vmem>>) target_semaphore(%run_scoped3A : memref<!tpu.dma_semaphore, #tpu.memory_space<semaphore_mem>>)
      %dma_wait3A_211 = arith.constant 0 : i32
      %dma_wait3A_212 = arith.constant 0 : i32
      %dma_wait3A_213 = tpu.memref_slice %arg12[%dma_wait3A_211, %dma_wait3A_212] : memref<50x80xf32, #tpu.memory_space<vmem>> -> memref<25x80xf32, #tpu.memory_space<vmem>>
      %dma_wait3A_214 = arith.constant 0 : i32
      %dma_wait3A_215 = tpu.memref_slice %arg5[%add3A_57, %dma_wait3A_214] : memref<2000x80xf32, #tpu.memory_space<hbm>> -> memref<25x80xf32, #tpu.memory_space<hbm>>
      %dma_wait3A_216 = arith.constant 0 : i32
      %dma_wait3A_217 = arith.constant 0 : i32
      %dma_wait3A_218 = tpu.memref_slice %arg12[%dma_wait3A_216, %dma_wait3A_217] : memref<50x80xf32, #tpu.memory_space<vmem>> -> memref<25x80xf32, #tpu.memory_space<vmem>>
      %dma_wait3A_219 = arith.constant 0 : i32
      %dma_wait3A_220 = tpu.memref_slice %arg5[%add3A_57, %dma_wait3A_219] : memref<2000x80xf32, #tpu.memory_space<hbm>> -> memref<25x80xf32, #tpu.memory_space<hbm>>
      tpu.wait_dma2 semaphore(%run_scoped3A : memref<!tpu.dma_semaphore, #tpu.memory_space<semaphore_mem>>) src(%dma_wait3A_220 : memref<25x80xf32, #tpu.memory_space<hbm>>) dst(%dma_wait3A_218 : memref<25x80xf32, #tpu.memory_space<vmem>>)
      tpu.yield
    }) : () -> ()
    %scan3A = arith.constant 0 : i32
    %scan3A_58 = arith.constant 0 : i32
    %scan3A_59 = arith.constant 25 : i32
    %scan3A_60 = arith.addi %scan3A_58, %scan3A_59 : i32
    %scan3A_61 = arith.constant 1 : i32
    %scan3A_62 = scf.for %scan3A_201 = %scan3A_58 to %scan3A_60 step %scan3A_61 iter_args(%scan3A_202 = %scan3A) -> (i32)  : i32 {
      %add3A_203 = arith.constant 0 : i32
      %add3A_204 = arith.addi %add3A_203, %scan3A_201 : i32
      %get3A = arith.index_cast %add3A_204 : i32 to index
      %get3A_205 = arith.constant 0 : index
      %get3A_206 = tpu.vector_load %arg10[%get3A, %get3A_205] {strides = array<i32>} : memref<50x80xi32, #tpu.memory_space<vmem>>, vector<16xi32>,
      %mul3A_207 = arith.constant 10240 : i32
      %mul3A_208 = arith.muli %arg0, %mul3A_207 : i32
      %add3A_209 = vector.broadcast %mul3A_208 : i32 to vector<16xi32>
      %add3A_210 = arith.addi %get3A_206, %add3A_209 : vector<16xi32>
      %add3A_211 = arith.constant 0 : i32
      %add3A_212 = arith.addi %add3A_211, %scan3A_201 : i32
      %swap3A = arith.index_cast %add3A_212 : i32 to index
      %swap3A_213 = arith.constant 0 : index
      %swap3A_214 = tpu.vector_load %arg10[%swap3A, %swap3A_213] {strides = array<i32>} : memref<50x80xi32, #tpu.memory_space<vmem>>, vector<16xi32>,
      tpu.vector_store %arg10[%swap3A, %swap3A_213], %add3A_210 {strides = array<i32>} : memref<50x80xi32, #tpu.memory_space<vmem>>, vector<16xi32>,
      %add3A_215 = arith.constant 0 : i32
      %add3A_216 = arith.addi %add3A_215, %scan3A_201 : i32
      %get3A_217 = arith.index_cast %add3A_216 : i32 to index
      %get3A_218 = arith.constant 16 : index
      %get3A_219 = tpu.vector_load %arg10[%get3A_217, %get3A_218] {strides = array<i32>} : memref<50x80xi32, #tpu.memory_space<vmem>>, vector<16xi32>,
      %mul3A_220 = arith.constant 10240 : i32
      %mul3A_221 = arith.muli %arg0, %mul3A_220 : i32
      %add3A_222 = vector.broadcast %mul3A_221 : i32 to vector<16xi32>
      %add3A_223 = arith.addi %get3A_219, %add3A_222 : vector<16xi32>
      %add3A_224 = arith.constant 0 : i32
      %add3A_225 = arith.addi %add3A_224, %scan3A_201 : i32
      %swap3A_226 = arith.index_cast %add3A_225 : i32 to index
      %swap3A_227 = arith.constant 16 : index
      %swap3A_228 = tpu.vector_load %arg10[%swap3A_226, %swap3A_227] {strides = array<i32>} : memref<50x80xi32, #tpu.memory_space<vmem>>, vector<16xi32>,
      tpu.vector_store %arg10[%swap3A_226, %swap3A_227], %add3A_223 {strides = array<i32>} : memref<50x80xi32, #tpu.memory_space<vmem>>, vector<16xi32>,
      %add3A_229 = arith.constant 0 : i32
      %add3A_230 = arith.addi %add3A_229, %scan3A_201 : i32
      %get3A_231 = arith.index_cast %add3A_230 : i32 to index
      %get3A_232 = arith.constant 32 : index
      %get3A_233 = tpu.vector_load %arg10[%get3A_231, %get3A_232] {strides = array<i32>} : memref<50x80xi32, #tpu.memory_space<vmem>>, vector<16xi32>,
      %mul3A_234 = arith.constant 10240 : i32
      %mul3A_235 = arith.muli %arg0, %mul3A_234 : i32
      %add3A_236 = vector.broadcast %mul3A_235 : i32 to vector<16xi32>
      %add3A_237 = arith.addi %get3A_233, %add3A_236 : vector<16xi32>
      %add3A_238 = arith.constant 0 : i32
      %add3A_239 = arith.addi %add3A_238, %scan3A_201 : i32
      %swap3A_240 = arith.index_cast %add3A_239 : i32 to index
      %swap3A_241 = arith.constant 32 : index
      %swap3A_242 = tpu.vector_load %arg10[%swap3A_240, %swap3A_241] {strides = array<i32>} : memref<50x80xi32, #tpu.memory_space<vmem>>, vector<16xi32>,
      tpu.vector_store %arg10[%swap3A_240, %swap3A_241], %add3A_237 {strides = array<i32>} : memref<50x80xi32, #tpu.memory_space<vmem>>, vector<16xi32>,
      %add3A_243 = arith.constant 0 : i32
      %add3A_244 = arith.addi %add3A_243, %scan3A_201 : i32
      %get3A_245 = arith.index_cast %add3A_244 : i32 to index
      %get3A_246 = arith.constant 48 : index
      %get3A_247 = tpu.vector_load %arg10[%get3A_245, %get3A_246] {strides = array<i32>} : memref<50x80xi32, #tpu.memory_space<vmem>>, vector<16xi32>,
      %mul3A_248 = arith.constant 10240 : i32
      %mul3A_249 = arith.muli %arg0, %mul3A_248 : i32
      %add3A_250 = vector.broadcast %mul3A_249 : i32 to vector<16xi32>
      %add3A_251 = arith.addi %get3A_247, %add3A_250 : vector<16xi32>
      %add3A_252 = arith.constant 0 : i32
      %add3A_253 = arith.addi %add3A_252, %scan3A_201 : i32
      %swap3A_254 = arith.index_cast %add3A_253 : i32 to index
      %swap3A_255 = arith.constant 48 : index
      %swap3A_256 = tpu.vector_load %arg10[%swap3A_254, %swap3A_255] {strides = array<i32>} : memref<50x80xi32, #tpu.memory_space<vmem>>, vector<16xi32>,
      tpu.vector_store %arg10[%swap3A_254, %swap3A_255], %add3A_251 {strides = array<i32>} : memref<50x80xi32, #tpu.memory_space<vmem>>, vector<16xi32>,
      %add3A_257 = arith.constant 0 : i32
      %add3A_258 = arith.addi %add3A_257, %scan3A_201 : i32
      %get3A_259 = arith.index_cast %add3A_258 : i32 to index
      %get3A_260 = arith.constant 64 : index
      %get3A_261 = tpu.vector_load %arg10[%get3A_259, %get3A_260] {strides = array<i32>} : memref<50x80xi32, #tpu.memory_space<vmem>>, vector<16xi32>,
      %mul3A_262 = arith.constant 10240 : i32
      %mul3A_263 = arith.muli %arg0, %mul3A_262 : i32
      %add3A_264 = vector.broadcast %mul3A_263 : i32 to vector<16xi32>
      %add3A_265 = arith.addi %get3A_261, %add3A_264 : vector<16xi32>
      %add3A_266 = arith.constant 0 : i32
      %add3A_267 = arith.addi %add3A_266, %scan3A_201 : i32
      %swap3A_268 = arith.index_cast %add3A_267 : i32 to index
      %swap3A_269 = arith.constant 64 : index
      %swap3A_270 = tpu.vector_load %arg10[%swap3A_268, %swap3A_269] {strides = array<i32>} : memref<50x80xi32, #tpu.memory_space<vmem>>, vector<16xi32>,
      tpu.vector_store %arg10[%swap3A_268, %swap3A_269], %add3A_265 {strides = array<i32>} : memref<50x80xi32, #tpu.memory_space<vmem>>, vector<16xi32>,
      %scan3A_271 = arith.constant 0 : i32
      scf.yield %scan3A_271 : i32
    }
    %scan3A_63 = arith.constant 25 : i32
    %dma_start3A = arith.constant 0 : i32
    %dma_start3A_64 = arith.constant 0 : i32
    %dma_start3A_65 = arith.constant 0 : i32
    %dma_start3A_66 = arith.constant 0 : i32
    %dma_start3A_67 = tpu.memref_slice %arg15[%dma_start3A_65, %dma_start3A_66] : memref<160x128xf32, #tpu.memory_space<vmem>> -> memref<80x128xf32, #tpu.memory_space<vmem>>
    %dma_start3A_68 = arith.constant 0 : i32
    %dma_start3A_69 = tpu.memref_slice %arg10[%dma_start3A, %dma_start3A_68] : memref<50x80xi32, #tpu.memory_space<vmem>> -> memref<1x80xi32, #tpu.memory_space<vmem>>
    %dma_start3A_70 = tpu.memref_squeeze %dma_start3A_69 : memref<1x80xi32, #tpu.memory_space<vmem>> -> memref<80xi32, #tpu.memory_space<vmem>>
    %dma_start3A_71 = arith.constant 0 : i32
    %dma_start3A_72 = arith.constant 0 : i32
    %dma_start3A_73 = tpu.memref_slice %arg2[%dma_start3A_71, %dma_start3A_72] : memref<20480x128xf32, #tpu.memory_space<hbm>> -> memref<20480x128xf32, #tpu.memory_space<hbm>>
    %dma_start3A_74 = tpu.memref_slice %arg19[%dma_start3A_64] : memref<2x!tpu.dma_semaphore, #tpu.memory_space<semaphore_mem>> -> memref<1x!tpu.dma_semaphore, #tpu.memory_space<semaphore_mem>>
    %dma_start3A_75 = tpu.memref_squeeze %dma_start3A_74 : memref<1x!tpu.dma_semaphore, #tpu.memory_space<semaphore_mem>> -> memref<!tpu.dma_semaphore, #tpu.memory_space<semaphore_mem>>
    tpu.enqueue_indirect_dma source(%dma_start3A_73 : memref<20480x128xf32, #tpu.memory_space<hbm>>) target(%dma_start3A_67 : memref<80x128xf32, #tpu.memory_space<vmem>>) offsets(%dma_start3A_70 : memref<80xi32, #tpu.memory_space<vmem>>) semaphore(%dma_start3A_75 : memref<!tpu.dma_semaphore, #tpu.memory_space<semaphore_mem>>)
    %scan3A_76 = arith.constant 0 : i32
    %scan3A_77 = arith.constant 0 : i32
    %scan3A_78 = arith.constant 125 : i32
    %scan3A_79 = arith.addi %scan3A_77, %scan3A_78 : i32
    %scan3A_80 = arith.constant 1 : i32
    %scan3A_81 = scf.for %scan3A_201 = %scan3A_77 to %scan3A_79 step %scan3A_80 iter_args(%scan3A_202 = %scan3A_76) -> (i32)  : i32 {
      %rem3A = arith.constant 2 : i32
      %rem3A_203 = arith.remsi %scan3A_201, %rem3A : i32
      %sub3A = arith.constant 1 : i32
      %sub3A_204 = arith.subi %sub3A, %rem3A_203 : i32
      %jit3A = arith.constant 25 : i32
      %div3A = arith.divsi %scan3A_201, %jit3A : i32
      %sign3A = arith.constant 0 : i32
      %sign3A_205 = arith.cmpi sgt, %scan3A_201, %sign3A : i32
      %sign3A_206 = arith.extui %sign3A_205 : i1 to i32
      %sign3A_207 = arith.constant 0 : i32
      %sign3A_208 = arith.cmpi slt, %scan3A_201, %sign3A_207 : i32
      %sign3A_209 = arith.extui %sign3A_208 : i1 to i32
      %sign3A_210 = arith.subi %sign3A_206, %sign3A_209 : i32
      %sign3A_211 = arith.constant 0 : i32
      %sign3A_212 = arith.cmpi sgt, %jit3A, %sign3A_211 : i32
      %sign3A_213 = arith.extui %sign3A_212 : i1 to i32
      %sign3A_214 = arith.constant 0 : i32
      %sign3A_215 = arith.cmpi slt, %jit3A, %sign3A_214 : i32
      %sign3A_216 = arith.extui %sign3A_215 : i1 to i32
      %sign3A_217 = arith.subi %sign3A_213, %sign3A_216 : i32
      %ne3A = arith.cmpi ne, %sign3A_210, %sign3A_217 : i32
      %rem3A_218 = arith.remsi %scan3A_201, %jit3A : i32
      %ne3A_219 = arith.constant 0 : i32
      %ne3A_220 = arith.cmpi ne, %rem3A_218, %ne3A_219 : i32
      %and3A = arith.andi %ne3A, %ne3A_220 : i1
      %sub3A_221 = arith.constant 1 : i32
      %sub3A_222 = arith.subi %div3A, %sub3A_221 : i32
      %select_n3A = arith.select %and3A, %sub3A_222, %div3A : i32
      %jit3A_223 = arith.constant 2 : i32
      %eq3A = arith.constant 0 : i32
      %eq3A_224 = arith.cmpi eq, %jit3A_223, %eq3A : i32
      %jit3A_225 = arith.constant 1 : i32
      %select_n3A_226 = arith.select %eq3A_224, %jit3A_225, %jit3A_223 : i32
      %rem3A_227 = arith.remsi %select_n3A, %select_n3A_226 : i32
      %ne3A_228 = arith.constant 0 : i32
      %ne3A_229 = arith.cmpi ne, %rem3A_227, %ne3A_228 : i32
      %lt3A = arith.constant 0 : i32
      %lt3A_230 = arith.cmpi slt, %rem3A_227, %lt3A : i32
      %lt3A_231 = arith.constant 0 : i32
      %lt3A_232 = arith.cmpi slt, %select_n3A_226, %lt3A_231 : i32
      %ne3A_233 = arith.xori %lt3A_230, %lt3A_232 : i1
      %and3A_234 = arith.andi %ne3A_233, %ne3A_229 : i1
      %add3A_235 = arith.addi %rem3A_227, %select_n3A_226 : i32
      %select_n3A_236 = arith.select %and3A_234, %add3A_235, %rem3A_227 : i32
      %mul3A_237 = arith.constant 25 : i32
      %mul3A_238 = arith.muli %select_n3A_236, %mul3A_237 : i32
      %mul3A_239 = arith.constant 25 : i32
      %mul3A_240 = arith.muli %select_n3A, %mul3A_239 : i32
      %sub3A_241 = arith.subi %scan3A_201, %mul3A_240 : i32
      %add3A_242 = arith.addi %mul3A_238, %sub3A_241 : i32
      %mul3A_243 = arith.constant 25 : i32
      %mul3A_244 = arith.muli %select_n3A, %mul3A_243 : i32
      %sub3A_245 = arith.subi %scan3A_201, %mul3A_244 : i32
      %eq3A_246 = arith.constant 24 : i32
      %eq3A_247 = arith.cmpi eq, %sub3A_245, %eq3A_246 : i32
      %mul3A_248 = arith.constant 80 : i32
      %mul3A_249 = arith.muli %rem3A_203, %mul3A_248 : i32
      %dma_wait3A_250 = arith.constant 0 : i32
      %dma_wait3A_251 = tpu.memref_slice %arg15[%mul3A_249, %dma_wait3A_250] : memref<160x128xf32, #tpu.memory_space<vmem>> -> memref<80x128xf32, #tpu.memory_space<vmem>>
      %dma_wait3A_252 = arith.constant 0 : i32
      %dma_wait3A_253 = arith.constant 0 : i32
      %dma_wait3A_254 = tpu.memref_slice %arg2[%dma_wait3A_252, %dma_wait3A_253] : memref<20480x128xf32, #tpu.memory_space<hbm>> -> memref<80x128xf32, #tpu.memory_space<hbm>>
      %dma_wait3A_255 = tpu.memref_slice %arg19[%rem3A_203] : memref<2x!tpu.dma_semaphore, #tpu.memory_space<semaphore_mem>> -> memref<1x!tpu.dma_semaphore, #tpu.memory_space<semaphore_mem>>
      %dma_wait3A_256 = tpu.memref_squeeze %dma_wait3A_255 : memref<1x!tpu.dma_semaphore, #tpu.memory_space<semaphore_mem>> -> memref<!tpu.dma_semaphore, #tpu.memory_space<semaphore_mem>>
      %dma_wait3A_257 = arith.constant 0 : i32
      %dma_wait3A_258 = tpu.memref_slice %arg15[%mul3A_249, %dma_wait3A_257] : memref<160x128xf32, #tpu.memory_space<vmem>> -> memref<80x128xf32, #tpu.memory_space<vmem>>
      %dma_wait3A_259 = arith.constant 0 : i32
      %dma_wait3A_260 = arith.constant 0 : i32
      %dma_wait3A_261 = tpu.memref_slice %arg2[%dma_wait3A_259, %dma_wait3A_260] : memref<20480x128xf32, #tpu.memory_space<hbm>> -> memref<80x128xf32, #tpu.memory_space<hbm>>
      tpu.wait_dma2 semaphore(%dma_wait3A_256 : memref<!tpu.dma_semaphore, #tpu.memory_space<semaphore_mem>>) src(%dma_wait3A_261 : memref<80x128xf32, #tpu.memory_space<hbm>>) dst(%dma_wait3A_258 : memref<80x128xf32, #tpu.memory_space<vmem>>)
      %add3A_262 = arith.constant 1 : i32
      %add3A_263 = arith.addi %scan3A_201, %add3A_262 : i32
      %lt3A_264 = arith.constant 125 : i32
      %lt3A_265 = arith.cmpi slt, %add3A_263, %lt3A_264 : i32
      %not3A = arith.constant true
      %not3A_266 = arith.xori %eq3A_247, %not3A : i1
      %and3A_267 = arith.andi %lt3A_265, %not3A_266 : i1
      %convert_element_type3A = arith.extui %and3A_267 : i1 to i32
      %cond3A = arith.constant 0 : i32
      %cond3A_268 = arith.cmpi ne, %convert_element_type3A, %cond3A : i32
      scf.if %cond3A_268 {
        %ge3A = arith.constant 1 : i32
        %ge3A_297 = arith.cmpi sge, %scan3A_201, %ge3A : i32
        %convert_element_type3A_298 = arith.extui %ge3A_297 : i1 to i32
        %cond3A_299 = arith.constant 0 : i32
        %cond3A_300 = arith.cmpi ne, %convert_element_type3A_298, %cond3A_299 : i32
        scf.if %cond3A_300 {
          %mul3A_361 = arith.constant 80 : i32
          %mul3A_362 = arith.muli %sub3A_204, %mul3A_361 : i32
          %dma_wait3A_363 = arith.constant 0 : i32
          %dma_wait3A_364 = tpu.memref_slice %arg15[%mul3A_362, %dma_wait3A_363] : memref<160x128xf32, #tpu.memory_space<vmem>> -> memref<80x128xf32, #tpu.memory_space<vmem>>
          %dma_wait3A_365 = arith.constant 0 : i32
          %dma_wait3A_366 = arith.constant 0 : i32
          %dma_wait3A_367 = tpu.memref_slice %arg2[%dma_wait3A_365, %dma_wait3A_366] : memref<20480x128xf32, #tpu.memory_space<hbm>> -> memref<80x128xf32, #tpu.memory_space<hbm>>
          %dma_wait3A_368 = tpu.memref_slice %arg20[%sub3A_204] : memref<2x!tpu.dma_semaphore, #tpu.memory_space<semaphore_mem>> -> memref<1x!tpu.dma_semaphore, #tpu.memory_space<semaphore_mem>>
          %dma_wait3A_369 = tpu.memref_squeeze %dma_wait3A_368 : memref<1x!tpu.dma_semaphore, #tpu.memory_space<semaphore_mem>> -> memref<!tpu.dma_semaphore, #tpu.memory_space<semaphore_mem>>
          %dma_wait3A_370 = arith.constant 0 : i32
          %dma_wait3A_371 = tpu.memref_slice %arg15[%mul3A_362, %dma_wait3A_370] : memref<160x128xf32, #tpu.memory_space<vmem>> -> memref<80x128xf32, #tpu.memory_space<vmem>>
          %dma_wait3A_372 = arith.constant 0 : i32
          %dma_wait3A_373 = arith.constant 0 : i32
          %dma_wait3A_374 = tpu.memref_slice %arg2[%dma_wait3A_372, %dma_wait3A_373] : memref<20480x128xf32, #tpu.memory_space<hbm>> -> memref<80x128xf32, #tpu.memory_space<hbm>>
          tpu.wait_dma2 semaphore(%dma_wait3A_369 : memref<!tpu.dma_semaphore, #tpu.memory_space<semaphore_mem>>) src(%dma_wait3A_374 : memref<80x128xf32, #tpu.memory_space<hbm>>) dst(%dma_wait3A_371 : memref<80x128xf32, #tpu.memory_space<vmem>>)
        } else {
        }
        %add3A_301 = arith.constant 1 : i32
        %add3A_302 = arith.addi %scan3A_201, %add3A_301 : i32
        %jit3A_303 = arith.constant 25 : i32
        %div3A_304 = arith.divsi %add3A_302, %jit3A_303 : i32
        %sign3A_305 = arith.constant 0 : i32
        %sign3A_306 = arith.cmpi sgt, %add3A_302, %sign3A_305 : i32
        %sign3A_307 = arith.extui %sign3A_306 : i1 to i32
        %sign3A_308 = arith.constant 0 : i32
        %sign3A_309 = arith.cmpi slt, %add3A_302, %sign3A_308 : i32
        %sign3A_310 = arith.extui %sign3A_309 : i1 to i32
        %sign3A_311 = arith.subi %sign3A_307, %sign3A_310 : i32
        %sign3A_312 = arith.constant 0 : i32
        %sign3A_313 = arith.cmpi sgt, %jit3A_303, %sign3A_312 : i32
        %sign3A_314 = arith.extui %sign3A_313 : i1 to i32
        %sign3A_315 = arith.constant 0 : i32
        %sign3A_316 = arith.cmpi slt, %jit3A_303, %sign3A_315 : i32
        %sign3A_317 = arith.extui %sign3A_316 : i1 to i32
        %sign3A_318 = arith.subi %sign3A_314, %sign3A_317 : i32
        %ne3A_319 = arith.cmpi ne, %sign3A_311, %sign3A_318 : i32
        %rem3A_320 = arith.remsi %add3A_302, %jit3A_303 : i32
        %ne3A_321 = arith.constant 0 : i32
        %ne3A_322 = arith.cmpi ne, %rem3A_320, %ne3A_321 : i32
        %and3A_323 = arith.andi %ne3A_319, %ne3A_322 : i1
        %sub3A_324 = arith.constant 1 : i32
        %sub3A_325 = arith.subi %div3A_304, %sub3A_324 : i32
        %select_n3A_326 = arith.select %and3A_323, %sub3A_325, %div3A_304 : i32
        %jit3A_327 = arith.constant 2 : i32
        %eq3A_328 = arith.constant 0 : i32
        %eq3A_329 = arith.cmpi eq, %jit3A_327, %eq3A_328 : i32
        %jit3A_330 = arith.constant 1 : i32
        %select_n3A_331 = arith.select %eq3A_329, %jit3A_330, %jit3A_327 : i32
        %rem3A_332 = arith.remsi %select_n3A_326, %select_n3A_331 : i32
        %ne3A_333 = arith.constant 0 : i32
        %ne3A_334 = arith.cmpi ne, %rem3A_332, %ne3A_333 : i32
        %lt3A_335 = arith.constant 0 : i32
        %lt3A_336 = arith.cmpi slt, %rem3A_332, %lt3A_335 : i32
        %lt3A_337 = arith.constant 0 : i32
        %lt3A_338 = arith.cmpi slt, %select_n3A_331, %lt3A_337 : i32
        %ne3A_339 = arith.xori %lt3A_336, %lt3A_338 : i1
        %and3A_340 = arith.andi %ne3A_339, %ne3A_334 : i1
        %add3A_341 = arith.addi %rem3A_332, %select_n3A_331 : i32
        %select_n3A_342 = arith.select %and3A_340, %add3A_341, %rem3A_332 : i32
        %mul3A_343 = arith.constant 25 : i32
        %mul3A_344 = arith.muli %select_n3A_342, %mul3A_343 : i32
        %mul3A_345 = arith.constant 25 : i32
        %mul3A_346 = arith.muli %select_n3A_326, %mul3A_345 : i32
        %sub3A_347 = arith.subi %add3A_302, %mul3A_346 : i32
        %add3A_348 = arith.addi %mul3A_344, %sub3A_347 : i32
        %mul3A_349 = arith.constant 80 : i32
        %mul3A_350 = arith.muli %sub3A_204, %mul3A_349 : i32
        %dma_start3A_351 = arith.constant 0 : i32
        %dma_start3A_352 = tpu.memref_slice %arg15[%mul3A_350, %dma_start3A_351] : memref<160x128xf32, #tpu.memory_space<vmem>> -> memref<80x128xf32, #tpu.memory_space<vmem>>
        %dma_start3A_353 = arith.constant 0 : i32
        %dma_start3A_354 = tpu.memref_slice %arg10[%add3A_348, %dma_start3A_353] : memref<50x80xi32, #tpu.memory_space<vmem>> -> memref<1x80xi32, #tpu.memory_space<vmem>>
        %dma_start3A_355 = tpu.memref_squeeze %dma_start3A_354 : memref<1x80xi32, #tpu.memory_space<vmem>> -> memref<80xi32, #tpu.memory_space<vmem>>
        %dma_start3A_356 = arith.constant 0 : i32
        %dma_start3A_357 = arith.constant 0 : i32
        %dma_start3A_358 = tpu.memref_slice %arg2[%dma_start3A_356, %dma_start3A_357] : memref<20480x128xf32, #tpu.memory_space<hbm>> -> memref<20480x128xf32, #tpu.memory_space<hbm>>
        %dma_start3A_359 = tpu.memref_slice %arg19[%sub3A_204] : memref<2x!tpu.dma_semaphore, #tpu.memory_space<semaphore_mem>> -> memref<1x!tpu.dma_semaphore, #tpu.memory_space<semaphore_mem>>
        %dma_start3A_360 = tpu.memref_squeeze %dma_start3A_359 : memref<1x!tpu.dma_semaphore, #tpu.memory_space<semaphore_mem>> -> memref<!tpu.dma_semaphore, #tpu.memory_space<semaphore_mem>>
        tpu.enqueue_indirect_dma source(%dma_start3A_358 : memref<20480x128xf32, #tpu.memory_space<hbm>>) target(%dma_start3A_352 : memref<80x128xf32, #tpu.memory_space<vmem>>) offsets(%dma_start3A_355 : memref<80xi32, #tpu.memory_space<vmem>>) semaphore(%dma_start3A_360 : memref<!tpu.dma_semaphore, #tpu.memory_space<semaphore_mem>>)
      } else {
      }
      %scan3A_269 = arith.constant 0 : i32
      %scan3A_270 = arith.constant 0 : i32
      %scan3A_271 = arith.constant 80 : i32
      %scan3A_272 = arith.addi %scan3A_270, %scan3A_271 : i32
      %scan3A_273 = arith.constant 1 : i32
      %scan3A_274 = scf.for %scan3A_297 = %scan3A_270 to %scan3A_272 step %scan3A_273 iter_args(%scan3A_298 = %scan3A_269) -> (i32)  : i32 {
        %broadcast_in_dim3A = vector.broadcast %add3A_242 : i32 to vector<16xi32>
        %broadcast_in_dim3A_299 = vector.broadcast %scan3A_297 : i32 to vector<16xi32>
        %gather3A = tpu.vector_load_idx %arg12[%broadcast_in_dim3A, %broadcast_in_dim3A_299] : memref<50x80xf32, #tpu.memory_space<vmem>>[vector<16xi32>, vector<16xi32>], vector<16xf32>,
        %mul3A_300 = arith.constant 80 : i32
        %mul3A_301 = arith.muli %rem3A_203, %mul3A_300 : i32
        %add3A_302 = arith.addi %mul3A_301, %scan3A_297 : i32
        %mul3A_303 = arith.constant 80 : i32
        %mul3A_304 = arith.muli %rem3A_203, %mul3A_303 : i32
        %add3A_305 = arith.addi %mul3A_304, %scan3A_297 : i32
        %get3A = arith.index_cast %add3A_302 : i32 to index
        %get3A_306 = arith.constant 0 : index
        %get3A_307 = tpu.vector_load %arg15[%get3A, %get3A_306] {strides = array<i32>} : memref<160x128xf32, #tpu.memory_space<vmem>>, vector<16xf32>,
        %mul3A_308 = arith.mulf %get3A_307, %gather3A : vector<16xf32>
        %swap3A = arith.index_cast %add3A_305 : i32 to index
        %swap3A_309 = arith.constant 0 : index
        %swap3A_310 = tpu.vector_load %arg15[%swap3A, %swap3A_309] {strides = array<i32>} : memref<160x128xf32, #tpu.memory_space<vmem>>, vector<16xf32>,
        tpu.vector_store %arg15[%swap3A, %swap3A_309], %mul3A_308 {strides = array<i32>} : memref<160x128xf32, #tpu.memory_space<vmem>>, vector<16xf32>,
        %get3A_311 = arith.index_cast %add3A_302 : i32 to index
        %get3A_312 = arith.constant 16 : index
        %get3A_313 = tpu.vector_load %arg15[%get3A_311, %get3A_312] {strides = array<i32>} : memref<160x128xf32, #tpu.memory_space<vmem>>, vector<16xf32>,
        %mul3A_314 = arith.mulf %get3A_313, %gather3A : vector<16xf32>
        %swap3A_315 = arith.index_cast %add3A_305 : i32 to index
        %swap3A_316 = arith.constant 16 : index
        %swap3A_317 = tpu.vector_load %arg15[%swap3A_315, %swap3A_316] {strides = array<i32>} : memref<160x128xf32, #tpu.memory_space<vmem>>, vector<16xf32>,
        tpu.vector_store %arg15[%swap3A_315, %swap3A_316], %mul3A_314 {strides = array<i32>} : memref<160x128xf32, #tpu.memory_space<vmem>>, vector<16xf32>,
        %get3A_318 = arith.index_cast %add3A_302 : i32 to index
        %get3A_319 = arith.constant 32 : index
        %get3A_320 = tpu.vector_load %arg15[%get3A_318, %get3A_319] {strides = array<i32>} : memref<160x128xf32, #tpu.memory_space<vmem>>, vector<16xf32>,
        %mul3A_321 = arith.mulf %get3A_320, %gather3A : vector<16xf32>
        %swap3A_322 = arith.index_cast %add3A_305 : i32 to index
        %swap3A_323 = arith.constant 32 : index
        %swap3A_324 = tpu.vector_load %arg15[%swap3A_322, %swap3A_323] {strides = array<i32>} : memref<160x128xf32, #tpu.memory_space<vmem>>, vector<16xf32>,
        tpu.vector_store %arg15[%swap3A_322, %swap3A_323], %mul3A_321 {strides = array<i32>} : memref<160x128xf32, #tpu.memory_space<vmem>>, vector<16xf32>,
        %get3A_325 = arith.index_cast %add3A_302 : i32 to index
        %get3A_326 = arith.constant 48 : index
        %get3A_327 = tpu.vector_load %arg15[%get3A_325, %get3A_326] {strides = array<i32>} : memref<160x128xf32, #tpu.memory_space<vmem>>, vector<16xf32>,
        %mul3A_328 = arith.mulf %get3A_327, %gather3A : vector<16xf32>
        %swap3A_329 = arith.index_cast %add3A_305 : i32 to index
        %swap3A_330 = arith.constant 48 : index
        %swap3A_331 = tpu.vector_load %arg15[%swap3A_329, %swap3A_330] {strides = array<i32>} : memref<160x128xf32, #tpu.memory_space<vmem>>, vector<16xf32>,
        tpu.vector_store %arg15[%swap3A_329, %swap3A_330], %mul3A_328 {strides = array<i32>} : memref<160x128xf32, #tpu.memory_space<vmem>>, vector<16xf32>,
        %get3A_332 = arith.index_cast %add3A_302 : i32 to index
        %get3A_333 = arith.constant 64 : index
        %get3A_334 = tpu.vector_load %arg15[%get3A_332, %get3A_333] {strides = array<i32>} : memref<160x128xf32, #tpu.memory_space<vmem>>, vector<16xf32>,
        %mul3A_335 = arith.mulf %get3A_334, %gather3A : vector<16xf32>
        %swap3A_336 = arith.index_cast %add3A_305 : i32 to index
        %swap3A_337 = arith.constant 64 : index
        %swap3A_338 = tpu.vector_load %arg15[%swap3A_336, %swap3A_337] {strides = array<i32>} : memref<160x128xf32, #tpu.memory_space<vmem>>, vector<16xf32>,
        tpu.vector_store %arg15[%swap3A_336, %swap3A_337], %mul3A_335 {strides = array<i32>} : memref<160x128xf32, #tpu.memory_space<vmem>>, vector<16xf32>,
        %get3A_339 = arith.index_cast %add3A_302 : i32 to index
        %get3A_340 = arith.constant 80 : index
        %get3A_341 = tpu.vector_load %arg15[%get3A_339, %get3A_340] {strides = array<i32>} : memref<160x128xf32, #tpu.memory_space<vmem>>, vector<16xf32>,
        %mul3A_342 = arith.mulf %get3A_341, %gather3A : vector<16xf32>
        %swap3A_343 = arith.index_cast %add3A_305 : i32 to index
        %swap3A_344 = arith.constant 80 : index
        %swap3A_345 = tpu.vector_load %arg15[%swap3A_343, %swap3A_344] {strides = array<i32>} : memref<160x128xf32, #tpu.memory_space<vmem>>, vector<16xf32>,
        tpu.vector_store %arg15[%swap3A_343, %swap3A_344], %mul3A_342 {strides = array<i32>} : memref<160x128xf32, #tpu.memory_space<vmem>>, vector<16xf32>,
        %get3A_346 = arith.index_cast %add3A_302 : i32 to index
        %get3A_347 = arith.constant 96 : index
        %get3A_348 = tpu.vector_load %arg15[%get3A_346, %get3A_347] {strides = array<i32>} : memref<160x128xf32, #tpu.memory_space<vmem>>, vector<16xf32>,
        %mul3A_349 = arith.mulf %get3A_348, %gather3A : vector<16xf32>
        %swap3A_350 = arith.index_cast %add3A_305 : i32 to index
        %swap3A_351 = arith.constant 96 : index
        %swap3A_352 = tpu.vector_load %arg15[%swap3A_350, %swap3A_351] {strides = array<i32>} : memref<160x128xf32, #tpu.memory_space<vmem>>, vector<16xf32>,
        tpu.vector_store %arg15[%swap3A_350, %swap3A_351], %mul3A_349 {strides = array<i32>} : memref<160x128xf32, #tpu.memory_space<vmem>>, vector<16xf32>,
        %get3A_353 = arith.index_cast %add3A_302 : i32 to index
        %get3A_354 = arith.constant 112 : index
        %get3A_355 = tpu.vector_load %arg15[%get3A_353, %get3A_354] {strides = array<i32>} : memref<160x128xf32, #tpu.memory_space<vmem>>, vector<16xf32>,
        %mul3A_356 = arith.mulf %get3A_355, %gather3A : vector<16xf32>
        %swap3A_357 = arith.index_cast %add3A_305 : i32 to index
        %swap3A_358 = arith.constant 112 : index
        %swap3A_359 = tpu.vector_load %arg15[%swap3A_357, %swap3A_358] {strides = array<i32>} : memref<160x128xf32, #tpu.memory_space<vmem>>, vector<16xf32>,
        tpu.vector_store %arg15[%swap3A_357, %swap3A_358], %mul3A_356 {strides = array<i32>} : memref<160x128xf32, #tpu.memory_space<vmem>>, vector<16xf32>,
        %scan3A_360 = arith.constant 0 : i32
        scf.yield %scan3A_360 : i32
      }
      %scan3A_275 = arith.constant 80 : i32
      %mul3A_276 = arith.constant 80 : i32
      %mul3A_277 = arith.muli %rem3A_203, %mul3A_276 : i32
      %dma_start3A_278 = arith.constant 0 : i32
      %dma_start3A_279 = tpu.memref_slice %arg15[%mul3A_277, %dma_start3A_278] : memref<160x128xf32, #tpu.memory_space<vmem>> -> memref<80x128xf32, #tpu.memory_space<vmem>>
      %dma_start3A_280 = arith.constant 0 : i32
      %dma_start3A_281 = tpu.memref_slice %arg11[%add3A_242, %dma_start3A_280] : memref<50x80xi32, #tpu.memory_space<vmem>> -> memref<1x80xi32, #tpu.memory_space<vmem>>
      %dma_start3A_282 = tpu.memref_squeeze %dma_start3A_281 : memref<1x80xi32, #tpu.memory_space<vmem>> -> memref<80xi32, #tpu.memory_space<vmem>>
      %dma_start3A_283 = arith.constant 0 : i32
      %dma_start3A_284 = arith.constant 0 : i32
      %dma_start3A_285 = tpu.memref_slice %arg18[%dma_start3A_283, %dma_start3A_284] : memref<10240x128xf32, #tpu.memory_space<vmem_shared>> -> memref<10240x128xf32, #tpu.memory_space<vmem_shared>>
      %dma_start3A_286 = tpu.memref_slice %arg20[%rem3A_203] : memref<2x!tpu.dma_semaphore, #tpu.memory_space<semaphore_mem>> -> memref<1x!tpu.dma_semaphore, #tpu.memory_space<semaphore_mem>>
      %dma_start3A_287 = tpu.memref_squeeze %dma_start3A_286 : memref<1x!tpu.dma_semaphore, #tpu.memory_space<semaphore_mem>> -> memref<!tpu.dma_semaphore, #tpu.memory_space<semaphore_mem>>
      tpu.enqueue_indirect_dma source(%dma_start3A_279 : memref<80x128xf32, #tpu.memory_space<vmem>>) target(%dma_start3A_285 : memref<10240x128xf32, #tpu.memory_space<vmem_shared>>) offsets(%dma_start3A_282 : memref<80xi32, #tpu.memory_space<vmem>>) semaphore(%dma_start3A_287 : memref<!tpu.dma_semaphore, #tpu.memory_space<semaphore_mem>>) {add = true}
      %add3A_288 = arith.constant 1 : i32
      %add3A_289 = arith.addi %scan3A_201, %add3A_288 : i32
      %lt3A_290 = arith.constant 125 : i32
      %lt3A_291 = arith.cmpi slt, %add3A_289, %lt3A_290 : i32
      %and3A_292 = arith.andi %eq3A_247, %lt3A_291 : i1
      %convert_element_type3A_293 = arith.extui %and3A_292 : i1 to i32
      %cond3A_294 = arith.constant 0 : i32
      %cond3A_295 = arith.cmpi ne, %convert_element_type3A_293, %cond3A_294 : i32
      scf.if %cond3A_295 {
        %add3A_297 = arith.constant 1 : i32
        %add3A_298 = arith.addi %select_n3A, %add3A_297 : i32
        %jit3A_299 = arith.constant 2 : i32
        %eq3A_300 = arith.constant 0 : i32
        %eq3A_301 = arith.cmpi eq, %jit3A_299, %eq3A_300 : i32
        %jit3A_302 = arith.constant 1 : i32
        %select_n3A_303 = arith.select %eq3A_301, %jit3A_302, %jit3A_299 : i32
        %rem3A_304 = arith.remsi %add3A_298, %select_n3A_303 : i32
        %ne3A_305 = arith.constant 0 : i32
        %ne3A_306 = arith.cmpi ne, %rem3A_304, %ne3A_305 : i32
        %lt3A_307 = arith.constant 0 : i32
        %lt3A_308 = arith.cmpi slt, %rem3A_304, %lt3A_307 : i32
        %lt3A_309 = arith.constant 0 : i32
        %lt3A_310 = arith.cmpi slt, %select_n3A_303, %lt3A_309 : i32
        %ne3A_311 = arith.xori %lt3A_308, %lt3A_310 : i1
        %and3A_312 = arith.andi %ne3A_311, %ne3A_306 : i1
        %add3A_313 = arith.addi %rem3A_304, %select_n3A_303 : i32
        %select_n3A_314 = arith.select %and3A_312, %add3A_313, %rem3A_304 : i32
        %mul3A_315 = arith.constant 25 : i32
        %mul3A_316 = arith.muli %select_n3A_314, %mul3A_315 : i32
        %mul3A_317 = arith.constant 125 : i32
        %mul3A_318 = arith.muli %arg1, %mul3A_317 : i32
        %mul3A_319 = arith.constant 25 : i32
        %mul3A_320 = arith.muli %add3A_298, %mul3A_319 : i32
        %add3A_321 = arith.addi %mul3A_318, %mul3A_320 : i32
        "tpu.region"() ({
          %run_scoped3A = tpu.sem_alloc : memref<!tpu.dma_semaphore, #tpu.memory_space<semaphore_mem>>
          %dma_start3A_393 = arith.constant 0 : i32
          %dma_start3A_394 = tpu.memref_slice %arg10[%mul3A_316, %dma_start3A_393] : memref<50x80xi32, #tpu.memory_space<vmem>> -> memref<25x80xi32, #tpu.memory_space<vmem>>
          %dma_start3A_395 = arith.constant 0 : i32
          %dma_start3A_396 = tpu.memref_slice %arg3[%add3A_321, %dma_start3A_395] : memref<2000x80xi32, #tpu.memory_space<hbm>> -> memref<25x80xi32, #tpu.memory_space<hbm>>
          %dma_start3A_397 = arith.constant 0 : i32
          %dma_start3A_398 = tpu.memref_slice %arg10[%mul3A_316, %dma_start3A_397] : memref<50x80xi32, #tpu.memory_space<vmem>> -> memref<25x80xi32, #tpu.memory_space<vmem>>
          %dma_start3A_399 = arith.constant 0 : i32
          %dma_start3A_400 = tpu.memref_slice %arg3[%add3A_321, %dma_start3A_399] : memref<2000x80xi32, #tpu.memory_space<hbm>> -> memref<25x80xi32, #tpu.memory_space<hbm>>
          tpu.enqueue_dma source(%dma_start3A_400 : memref<25x80xi32, #tpu.memory_space<hbm>>) target(%dma_start3A_398 : memref<25x80xi32, #tpu.memory_space<vmem>>) target_semaphore(%run_scoped3A : memref<!tpu.dma_semaphore, #tpu.memory_space<semaphore_mem>>)
          %dma_wait3A_401 = arith.constant 0 : i32
          %dma_wait3A_402 = tpu.memref_slice %arg10[%mul3A_316, %dma_wait3A_401] : memref<50x80xi32, #tpu.memory_space<vmem>> -> memref<25x80xi32, #tpu.memory_space<vmem>>
          %dma_wait3A_403 = arith.constant 0 : i32
          %dma_wait3A_404 = tpu.memref_slice %arg3[%add3A_321, %dma_wait3A_403] : memref<2000x80xi32, #tpu.memory_space<hbm>> -> memref<25x80xi32, #tpu.memory_space<hbm>>
          %dma_wait3A_405 = arith.constant 0 : i32
          %dma_wait3A_406 = tpu.memref_slice %arg10[%mul3A_316, %dma_wait3A_405] : memref<50x80xi32, #tpu.memory_space<vmem>> -> memref<25x80xi32, #tpu.memory_space<vmem>>
          %dma_wait3A_407 = arith.constant 0 : i32
          %dma_wait3A_408 = tpu.memref_slice %arg3[%add3A_321, %dma_wait3A_407] : memref<2000x80xi32, #tpu.memory_space<hbm>> -> memref<25x80xi32, #tpu.memory_space<hbm>>
          tpu.wait_dma2 semaphore(%run_scoped3A : memref<!tpu.dma_semaphore, #tpu.memory_space<semaphore_mem>>) src(%dma_wait3A_408 : memref<25x80xi32, #tpu.memory_space<hbm>>) dst(%dma_wait3A_406 : memref<25x80xi32, #tpu.memory_space<vmem>>)
          tpu.yield
        }) : () -> ()
        "tpu.region"() ({
          %run_scoped3A = tpu.sem_alloc : memref<!tpu.dma_semaphore, #tpu.memory_space<semaphore_mem>>
          %dma_start3A_393 = arith.constant 0 : i32
          %dma_start3A_394 = tpu.memref_slice %arg11[%mul3A_316, %dma_start3A_393] : memref<50x80xi32, #tpu.memory_space<vmem>> -> memref<25x80xi32, #tpu.memory_space<vmem>>
          %dma_start3A_395 = arith.constant 0 : i32
          %dma_start3A_396 = tpu.memref_slice %arg4[%add3A_321, %dma_start3A_395] : memref<2000x80xi32, #tpu.memory_space<hbm>> -> memref<25x80xi32, #tpu.memory_space<hbm>>
          %dma_start3A_397 = arith.constant 0 : i32
          %dma_start3A_398 = tpu.memref_slice %arg11[%mul3A_316, %dma_start3A_397] : memref<50x80xi32, #tpu.memory_space<vmem>> -> memref<25x80xi32, #tpu.memory_space<vmem>>
          %dma_start3A_399 = arith.constant 0 : i32
          %dma_start3A_400 = tpu.memref_slice %arg4[%add3A_321, %dma_start3A_399] : memref<2000x80xi32, #tpu.memory_space<hbm>> -> memref<25x80xi32, #tpu.memory_space<hbm>>
          tpu.enqueue_dma source(%dma_start3A_400 : memref<25x80xi32, #tpu.memory_space<hbm>>) target(%dma_start3A_398 : memref<25x80xi32, #tpu.memory_space<vmem>>) target_semaphore(%run_scoped3A : memref<!tpu.dma_semaphore, #tpu.memory_space<semaphore_mem>>)
          %dma_wait3A_401 = arith.constant 0 : i32
          %dma_wait3A_402 = tpu.memref_slice %arg11[%mul3A_316, %dma_wait3A_401] : memref<50x80xi32, #tpu.memory_space<vmem>> -> memref<25x80xi32, #tpu.memory_space<vmem>>
          %dma_wait3A_403 = arith.constant 0 : i32
          %dma_wait3A_404 = tpu.memref_slice %arg4[%add3A_321, %dma_wait3A_403] : memref<2000x80xi32, #tpu.memory_space<hbm>> -> memref<25x80xi32, #tpu.memory_space<hbm>>
          %dma_wait3A_405 = arith.constant 0 : i32
          %dma_wait3A_406 = tpu.memref_slice %arg11[%mul3A_316, %dma_wait3A_405] : memref<50x80xi32, #tpu.memory_space<vmem>> -> memref<25x80xi32, #tpu.memory_space<vmem>>
          %dma_wait3A_407 = arith.constant 0 : i32
          %dma_wait3A_408 = tpu.memref_slice %arg4[%add3A_321, %dma_wait3A_407] : memref<2000x80xi32, #tpu.memory_space<hbm>> -> memref<25x80xi32, #tpu.memory_space<hbm>>
          tpu.wait_dma2 semaphore(%run_scoped3A : memref<!tpu.dma_semaphore, #tpu.memory_space<semaphore_mem>>) src(%dma_wait3A_408 : memref<25x80xi32, #tpu.memory_space<hbm>>) dst(%dma_wait3A_406 : memref<25x80xi32, #tpu.memory_space<vmem>>)
          tpu.yield
        }) : () -> ()
        "tpu.region"() ({
          %run_scoped3A = tpu.sem_alloc : memref<!tpu.dma_semaphore, #tpu.memory_space<semaphore_mem>>
          %dma_start3A_393 = arith.constant 0 : i32
          %dma_start3A_394 = tpu.memref_slice %arg12[%mul3A_316, %dma_start3A_393] : memref<50x80xf32, #tpu.memory_space<vmem>> -> memref<25x80xf32, #tpu.memory_space<vmem>>
          %dma_start3A_395 = arith.constant 0 : i32
          %dma_start3A_396 = tpu.memref_slice %arg5[%add3A_321, %dma_start3A_395] : memref<2000x80xf32, #tpu.memory_space<hbm>> -> memref<25x80xf32, #tpu.memory_space<hbm>>
          %dma_start3A_397 = arith.constant 0 : i32
          %dma_start3A_398 = tpu.memref_slice %arg12[%mul3A_316, %dma_start3A_397] : memref<50x80xf32, #tpu.memory_space<vmem>> -> memref<25x80xf32, #tpu.memory_space<vmem>>
          %dma_start3A_399 = arith.constant 0 : i32
          %dma_start3A_400 = tpu.memref_slice %arg5[%add3A_321, %dma_start3A_399] : memref<2000x80xf32, #tpu.memory_space<hbm>> -> memref<25x80xf32, #tpu.memory_space<hbm>>
          tpu.enqueue_dma source(%dma_start3A_400 : memref<25x80xf32, #tpu.memory_space<hbm>>) target(%dma_start3A_398 : memref<25x80xf32, #tpu.memory_space<vmem>>) target_semaphore(%run_scoped3A : memref<!tpu.dma_semaphore, #tpu.memory_space<semaphore_mem>>)
          %dma_wait3A_401 = arith.constant 0 : i32
          %dma_wait3A_402 = tpu.memref_slice %arg12[%mul3A_316, %dma_wait3A_401] : memref<50x80xf32, #tpu.memory_space<vmem>> -> memref<25x80xf32, #tpu.memory_space<vmem>>
          %dma_wait3A_403 = arith.constant 0 : i32
          %dma_wait3A_404 = tpu.memref_slice %arg5[%add3A_321, %dma_wait3A_403] : memref<2000x80xf32, #tpu.memory_space<hbm>> -> memref<25x80xf32, #tpu.memory_space<hbm>>
          %dma_wait3A_405 = arith.constant 0 : i32
          %dma_wait3A_406 = tpu.memref_slice %arg12[%mul3A_316, %dma_wait3A_405] : memref<50x80xf32, #tpu.memory_space<vmem>> -> memref<25x80xf32, #tpu.memory_space<vmem>>
          %dma_wait3A_407 = arith.constant 0 : i32
          %dma_wait3A_408 = tpu.memref_slice %arg5[%add3A_321, %dma_wait3A_407] : memref<2000x80xf32, #tpu.memory_space<hbm>> -> memref<25x80xf32, #tpu.memory_space<hbm>>
          tpu.wait_dma2 semaphore(%run_scoped3A : memref<!tpu.dma_semaphore, #tpu.memory_space<semaphore_mem>>) src(%dma_wait3A_408 : memref<25x80xf32, #tpu.memory_space<hbm>>) dst(%dma_wait3A_406 : memref<25x80xf32, #tpu.memory_space<vmem>>)
          tpu.yield
        }) : () -> ()
        %scan3A_322 = arith.constant 0 : i32
        %scan3A_323 = arith.constant 0 : i32
        %scan3A_324 = arith.constant 25 : i32
        %scan3A_325 = arith.addi %scan3A_323, %scan3A_324 : i32
        %scan3A_326 = arith.constant 1 : i32
        %scan3A_327 = scf.for %scan3A_393 = %scan3A_323 to %scan3A_325 step %scan3A_326 iter_args(%scan3A_394 = %scan3A_322) -> (i32)  : i32 {
          %add3A_395 = arith.addi %mul3A_316, %scan3A_393 : i32
          %get3A = arith.index_cast %add3A_395 : i32 to index
          %get3A_396 = arith.constant 0 : index
          %get3A_397 = tpu.vector_load %arg10[%get3A, %get3A_396] {strides = array<i32>} : memref<50x80xi32, #tpu.memory_space<vmem>>, vector<16xi32>,
          %mul3A_398 = arith.constant 10240 : i32
          %mul3A_399 = arith.muli %arg0, %mul3A_398 : i32
          %add3A_400 = vector.broadcast %mul3A_399 : i32 to vector<16xi32>
          %add3A_401 = arith.addi %get3A_397, %add3A_400 : vector<16xi32>
          %add3A_402 = arith.addi %mul3A_316, %scan3A_393 : i32
          %swap3A = arith.index_cast %add3A_402 : i32 to index
          %swap3A_403 = arith.constant 0 : index
          %swap3A_404 = tpu.vector_load %arg10[%swap3A, %swap3A_403] {strides = array<i32>} : memref<50x80xi32, #tpu.memory_space<vmem>>, vector<16xi32>,
          tpu.vector_store %arg10[%swap3A, %swap3A_403], %add3A_401 {strides = array<i32>} : memref<50x80xi32, #tpu.memory_space<vmem>>, vector<16xi32>,
          %add3A_405 = arith.addi %mul3A_316, %scan3A_393 : i32
          %get3A_406 = arith.index_cast %add3A_405 : i32 to index
          %get3A_407 = arith.constant 16 : index
          %get3A_408 = tpu.vector_load %arg10[%get3A_406, %get3A_407] {strides = array<i32>} : memref<50x80xi32, #tpu.memory_space<vmem>>, vector<16xi32>,
          %mul3A_409 = arith.constant 10240 : i32
          %mul3A_410 = arith.muli %arg0, %mul3A_409 : i32
          %add3A_411 = vector.broadcast %mul3A_410 : i32 to vector<16xi32>
          %add3A_412 = arith.addi %get3A_408, %add3A_411 : vector<16xi32>
          %add3A_413 = arith.addi %mul3A_316, %scan3A_393 : i32
          %swap3A_414 = arith.index_cast %add3A_413 : i32 to index
          %swap3A_415 = arith.constant 16 : index
          %swap3A_416 = tpu.vector_load %arg10[%swap3A_414, %swap3A_415] {strides = array<i32>} : memref<50x80xi32, #tpu.memory_space<vmem>>, vector<16xi32>,
          tpu.vector_store %arg10[%swap3A_414, %swap3A_415], %add3A_412 {strides = array<i32>} : memref<50x80xi32, #tpu.memory_space<vmem>>, vector<16xi32>,
          %add3A_417 = arith.addi %mul3A_316, %scan3A_393 : i32
          %get3A_418 = arith.index_cast %add3A_417 : i32 to index
          %get3A_419 = arith.constant 32 : index
          %get3A_420 = tpu.vector_load %arg10[%get3A_418, %get3A_419] {strides = array<i32>} : memref<50x80xi32, #tpu.memory_space<vmem>>, vector<16xi32>,
          %mul3A_421 = arith.constant 10240 : i32
          %mul3A_422 = arith.muli %arg0, %mul3A_421 : i32
          %add3A_423 = vector.broadcast %mul3A_422 : i32 to vector<16xi32>
          %add3A_424 = arith.addi %get3A_420, %add3A_423 : vector<16xi32>
          %add3A_425 = arith.addi %mul3A_316, %scan3A_393 : i32
          %swap3A_426 = arith.index_cast %add3A_425 : i32 to index
          %swap3A_427 = arith.constant 32 : index
          %swap3A_428 = tpu.vector_load %arg10[%swap3A_426, %swap3A_427] {strides = array<i32>} : memref<50x80xi32, #tpu.memory_space<vmem>>, vector<16xi32>,
          tpu.vector_store %arg10[%swap3A_426, %swap3A_427], %add3A_424 {strides = array<i32>} : memref<50x80xi32, #tpu.memory_space<vmem>>, vector<16xi32>,
          %add3A_429 = arith.addi %mul3A_316, %scan3A_393 : i32
          %get3A_430 = arith.index_cast %add3A_429 : i32 to index
          %get3A_431 = arith.constant 48 : index
          %get3A_432 = tpu.vector_load %arg10[%get3A_430, %get3A_431] {strides = array<i32>} : memref<50x80xi32, #tpu.memory_space<vmem>>, vector<16xi32>,
          %mul3A_433 = arith.constant 10240 : i32
          %mul3A_434 = arith.muli %arg0, %mul3A_433 : i32
          %add3A_435 = vector.broadcast %mul3A_434 : i32 to vector<16xi32>
          %add3A_436 = arith.addi %get3A_432, %add3A_435 : vector<16xi32>
          %add3A_437 = arith.addi %mul3A_316, %scan3A_393 : i32
          %swap3A_438 = arith.index_cast %add3A_437 : i32 to index
          %swap3A_439 = arith.constant 48 : index
          %swap3A_440 = tpu.vector_load %arg10[%swap3A_438, %swap3A_439] {strides = array<i32>} : memref<50x80xi32, #tpu.memory_space<vmem>>, vector<16xi32>,
          tpu.vector_store %arg10[%swap3A_438, %swap3A_439], %add3A_436 {strides = array<i32>} : memref<50x80xi32, #tpu.memory_space<vmem>>, vector<16xi32>,
          %add3A_441 = arith.addi %mul3A_316, %scan3A_393 : i32
          %get3A_442 = arith.index_cast %add3A_441 : i32 to index
          %get3A_443 = arith.constant 64 : index
          %get3A_444 = tpu.vector_load %arg10[%get3A_442, %get3A_443] {strides = array<i32>} : memref<50x80xi32, #tpu.memory_space<vmem>>, vector<16xi32>,
          %mul3A_445 = arith.constant 10240 : i32
          %mul3A_446 = arith.muli %arg0, %mul3A_445 : i32
          %add3A_447 = vector.broadcast %mul3A_446 : i32 to vector<16xi32>
          %add3A_448 = arith.addi %get3A_444, %add3A_447 : vector<16xi32>
          %add3A_449 = arith.addi %mul3A_316, %scan3A_393 : i32
          %swap3A_450 = arith.index_cast %add3A_449 : i32 to index
          %swap3A_451 = arith.constant 64 : index
          %swap3A_452 = tpu.vector_load %arg10[%swap3A_450, %swap3A_451] {strides = array<i32>} : memref<50x80xi32, #tpu.memory_space<vmem>>, vector<16xi32>,
          tpu.vector_store %arg10[%swap3A_450, %swap3A_451], %add3A_448 {strides = array<i32>} : memref<50x80xi32, #tpu.memory_space<vmem>>, vector<16xi32>,
          %scan3A_453 = arith.constant 0 : i32
          scf.yield %scan3A_453 : i32
        }
        %scan3A_328 = arith.constant 25 : i32
        %ge3A = arith.constant 1 : i32
        %ge3A_329 = arith.cmpi sge, %scan3A_201, %ge3A : i32
        %convert_element_type3A_330 = arith.extui %ge3A_329 : i1 to i32
        %cond3A_331 = arith.constant 0 : i32
        %cond3A_332 = arith.cmpi ne, %convert_element_type3A_330, %cond3A_331 : i32
        scf.if %cond3A_332 {
          %mul3A_393 = arith.constant 80 : i32
          %mul3A_394 = arith.muli %sub3A_204, %mul3A_393 : i32
          %dma_wait3A_395 = arith.constant 0 : i32
          %dma_wait3A_396 = tpu.memref_slice %arg15[%mul3A_394, %dma_wait3A_395] : memref<160x128xf32, #tpu.memory_space<vmem>> -> memref<80x128xf32, #tpu.memory_space<vmem>>
          %dma_wait3A_397 = arith.constant 0 : i32
          %dma_wait3A_398 = arith.constant 0 : i32
          %dma_wait3A_399 = tpu.memref_slice %arg2[%dma_wait3A_397, %dma_wait3A_398] : memref<20480x128xf32, #tpu.memory_space<hbm>> -> memref<80x128xf32, #tpu.memory_space<hbm>>
          %dma_wait3A_400 = tpu.memref_slice %arg20[%sub3A_204] : memref<2x!tpu.dma_semaphore, #tpu.memory_space<semaphore_mem>> -> memref<1x!tpu.dma_semaphore, #tpu.memory_space<semaphore_mem>>
          %dma_wait3A_401 = tpu.memref_squeeze %dma_wait3A_400 : memref<1x!tpu.dma_semaphore, #tpu.memory_space<semaphore_mem>> -> memref<!tpu.dma_semaphore, #tpu.memory_space<semaphore_mem>>
          %dma_wait3A_402 = arith.constant 0 : i32
          %dma_wait3A_403 = tpu.memref_slice %arg15[%mul3A_394, %dma_wait3A_402] : memref<160x128xf32, #tpu.memory_space<vmem>> -> memref<80x128xf32, #tpu.memory_space<vmem>>
          %dma_wait3A_404 = arith.constant 0 : i32
          %dma_wait3A_405 = arith.constant 0 : i32
          %dma_wait3A_406 = tpu.memref_slice %arg2[%dma_wait3A_404, %dma_wait3A_405] : memref<20480x128xf32, #tpu.memory_space<hbm>> -> memref<80x128xf32, #tpu.memory_space<hbm>>
          tpu.wait_dma2 semaphore(%dma_wait3A_401 : memref<!tpu.dma_semaphore, #tpu.memory_space<semaphore_mem>>) src(%dma_wait3A_406 : memref<80x128xf32, #tpu.memory_space<hbm>>) dst(%dma_wait3A_403 : memref<80x128xf32, #tpu.memory_space<vmem>>)
        } else {
        }
        %add3A_333 = arith.constant 1 : i32
        %add3A_334 = arith.addi %scan3A_201, %add3A_333 : i32
        %jit3A_335 = arith.constant 25 : i32
        %div3A_336 = arith.divsi %add3A_334, %jit3A_335 : i32
        %sign3A_337 = arith.constant 0 : i32
        %sign3A_338 = arith.cmpi sgt, %add3A_334, %sign3A_337 : i32
        %sign3A_339 = arith.extui %sign3A_338 : i1 to i32
        %sign3A_340 = arith.constant 0 : i32
        %sign3A_341 = arith.cmpi slt, %add3A_334, %sign3A_340 : i32
        %sign3A_342 = arith.extui %sign3A_341 : i1 to i32
        %sign3A_343 = arith.subi %sign3A_339, %sign3A_342 : i32
        %sign3A_344 = arith.constant 0 : i32
        %sign3A_345 = arith.cmpi sgt, %jit3A_335, %sign3A_344 : i32
        %sign3A_346 = arith.extui %sign3A_345 : i1 to i32
        %sign3A_347 = arith.constant 0 : i32
        %sign3A_348 = arith.cmpi slt, %jit3A_335, %sign3A_347 : i32
        %sign3A_349 = arith.extui %sign3A_348 : i1 to i32
        %sign3A_350 = arith.subi %sign3A_346, %sign3A_349 : i32
        %ne3A_351 = arith.cmpi ne, %sign3A_343, %sign3A_350 : i32
        %rem3A_352 = arith.remsi %add3A_334, %jit3A_335 : i32
        %ne3A_353 = arith.constant 0 : i32
        %ne3A_354 = arith.cmpi ne, %rem3A_352, %ne3A_353 : i32
        %and3A_355 = arith.andi %ne3A_351, %ne3A_354 : i1
        %sub3A_356 = arith.constant 1 : i32
        %sub3A_357 = arith.subi %div3A_336, %sub3A_356 : i32
        %select_n3A_358 = arith.select %and3A_355, %sub3A_357, %div3A_336 : i32
        %jit3A_359 = arith.constant 2 : i32
        %eq3A_360 = arith.constant 0 : i32
        %eq3A_361 = arith.cmpi eq, %jit3A_359, %eq3A_360 : i32
        %jit3A_362 = arith.constant 1 : i32
        %select_n3A_363 = arith.select %eq3A_361, %jit3A_362, %jit3A_359 : i32
        %rem3A_364 = arith.remsi %select_n3A_358, %select_n3A_363 : i32
        %ne3A_365 = arith.constant 0 : i32
        %ne3A_366 = arith.cmpi ne, %rem3A_364, %ne3A_365 : i32
        %lt3A_367 = arith.constant 0 : i32
        %lt3A_368 = arith.cmpi slt, %rem3A_364, %lt3A_367 : i32
        %lt3A_369 = arith.constant 0 : i32
        %lt3A_370 = arith.cmpi slt, %select_n3A_363, %lt3A_369 : i32
        %ne3A_371 = arith.xori %lt3A_368, %lt3A_370 : i1
        %and3A_372 = arith.andi %ne3A_371, %ne3A_366 : i1
        %add3A_373 = arith.addi %rem3A_364, %select_n3A_363 : i32
        %select_n3A_374 = arith.select %and3A_372, %add3A_373, %rem3A_364 : i32
        %mul3A_375 = arith.constant 25 : i32
        %mul3A_376 = arith.muli %select_n3A_374, %mul3A_375 : i32
        %mul3A_377 = arith.constant 25 : i32
        %mul3A_378 = arith.muli %select_n3A_358, %mul3A_377 : i32
        %sub3A_379 = arith.subi %add3A_334, %mul3A_378 : i32
        %add3A_380 = arith.addi %mul3A_376, %sub3A_379 : i32
        %mul3A_381 = arith.constant 80 : i32
        %mul3A_382 = arith.muli %sub3A_204, %mul3A_381 : i32
        %dma_start3A_383 = arith.constant 0 : i32
        %dma_start3A_384 = tpu.memref_slice %arg15[%mul3A_382, %dma_start3A_383] : memref<160x128xf32, #tpu.memory_space<vmem>> -> memref<80x128xf32, #tpu.memory_space<vmem>>
        %dma_start3A_385 = arith.constant 0 : i32
        %dma_start3A_386 = tpu.memref_slice %arg10[%add3A_380, %dma_start3A_385] : memref<50x80xi32, #tpu.memory_space<vmem>> -> memref<1x80xi32, #tpu.memory_space<vmem>>
        %dma_start3A_387 = tpu.memref_squeeze %dma_start3A_386 : memref<1x80xi32, #tpu.memory_space<vmem>> -> memref<80xi32, #tpu.memory_space<vmem>>
        %dma_start3A_388 = arith.constant 0 : i32
        %dma_start3A_389 = arith.constant 0 : i32
        %dma_start3A_390 = tpu.memref_slice %arg2[%dma_start3A_388, %dma_start3A_389] : memref<20480x128xf32, #tpu.memory_space<hbm>> -> memref<20480x128xf32, #tpu.memory_space<hbm>>
        %dma_start3A_391 = tpu.memref_slice %arg19[%sub3A_204] : memref<2x!tpu.dma_semaphore, #tpu.memory_space<semaphore_mem>> -> memref<1x!tpu.dma_semaphore, #tpu.memory_space<semaphore_mem>>
        %dma_start3A_392 = tpu.memref_squeeze %dma_start3A_391 : memref<1x!tpu.dma_semaphore, #tpu.memory_space<semaphore_mem>> -> memref<!tpu.dma_semaphore, #tpu.memory_space<semaphore_mem>>
        tpu.enqueue_indirect_dma source(%dma_start3A_390 : memref<20480x128xf32, #tpu.memory_space<hbm>>) target(%dma_start3A_384 : memref<80x128xf32, #tpu.memory_space<vmem>>) offsets(%dma_start3A_387 : memref<80xi32, #tpu.memory_space<vmem>>) semaphore(%dma_start3A_392 : memref<!tpu.dma_semaphore, #tpu.memory_space<semaphore_mem>>)
      } else {
      }
      %scan3A_296 = arith.constant 0 : i32
      scf.yield %scan3A_296 : i32
    }
    %scan3A_82 = arith.constant 125 : i32
    %dma_wait3A = arith.constant 1 : i32
    %dma_wait3A_83 = arith.constant 80 : i32
    %dma_wait3A_84 = arith.constant 0 : i32
    %dma_wait3A_85 = tpu.memref_slice %arg15[%dma_wait3A_83, %dma_wait3A_84] : memref<160x128xf32, #tpu.memory_space<vmem>> -> memref<80x128xf32, #tpu.memory_space<vmem>>
    %dma_wait3A_86 = arith.constant 0 : i32
    %dma_wait3A_87 = arith.constant 0 : i32
    %dma_wait3A_88 = tpu.memref_slice %arg2[%dma_wait3A_86, %dma_wait3A_87] : memref<20480x128xf32, #tpu.memory_space<hbm>> -> memref<80x128xf32, #tpu.memory_space<hbm>>
    %dma_wait3A_89 = tpu.memref_slice %arg20[%dma_wait3A] : memref<2x!tpu.dma_semaphore, #tpu.memory_space<semaphore_mem>> -> memref<1x!tpu.dma_semaphore, #tpu.memory_space<semaphore_mem>>
    %dma_wait3A_90 = tpu.memref_squeeze %dma_wait3A_89 : memref<1x!tpu.dma_semaphore, #tpu.memory_space<semaphore_mem>> -> memref<!tpu.dma_semaphore, #tpu.memory_space<semaphore_mem>>
    %dma_wait3A_91 = arith.constant 80 : i32
    %dma_wait3A_92 = arith.constant 0 : i32
    %dma_wait3A_93 = tpu.memref_slice %arg15[%dma_wait3A_91, %dma_wait3A_92] : memref<160x128xf32, #tpu.memory_space<vmem>> -> memref<80x128xf32, #tpu.memory_space<vmem>>
    %dma_wait3A_94 = arith.constant 0 : i32
    %dma_wait3A_95 = arith.constant 0 : i32
    %dma_wait3A_96 = tpu.memref_slice %arg2[%dma_wait3A_94, %dma_wait3A_95] : memref<20480x128xf32, #tpu.memory_space<hbm>> -> memref<80x128xf32, #tpu.memory_space<hbm>>
    tpu.wait_dma2 semaphore(%dma_wait3A_90 : memref<!tpu.dma_semaphore, #tpu.memory_space<semaphore_mem>>) src(%dma_wait3A_96 : memref<80x128xf32, #tpu.memory_space<hbm>>) dst(%dma_wait3A_93 : memref<80x128xf32, #tpu.memory_space<vmem>>)
    %dma_wait3A_97 = arith.constant 0 : i32
    %dma_wait3A_98 = arith.constant 0 : i32
    %dma_wait3A_99 = arith.constant 0 : i32
    %dma_wait3A_100 = tpu.memref_slice %arg15[%dma_wait3A_98, %dma_wait3A_99] : memref<160x128xf32, #tpu.memory_space<vmem>> -> memref<80x128xf32, #tpu.memory_space<vmem>>
    %dma_wait3A_101 = arith.constant 0 : i32
    %dma_wait3A_102 = arith.constant 0 : i32
    %dma_wait3A_103 = tpu.memref_slice %arg2[%dma_wait3A_101, %dma_wait3A_102] : memref<20480x128xf32, #tpu.memory_space<hbm>> -> memref<80x128xf32, #tpu.memory_space<hbm>>
    %dma_wait3A_104 = tpu.memref_slice %arg20[%dma_wait3A_97] : memref<2x!tpu.dma_semaphore, #tpu.memory_space<semaphore_mem>> -> memref<1x!tpu.dma_semaphore, #tpu.memory_space<semaphore_mem>>
    %dma_wait3A_105 = tpu.memref_squeeze %dma_wait3A_104 : memref<1x!tpu.dma_semaphore, #tpu.memory_space<semaphore_mem>> -> memref<!tpu.dma_semaphore, #tpu.memory_space<semaphore_mem>>
    %dma_wait3A_106 = arith.constant 0 : i32
    %dma_wait3A_107 = arith.constant 0 : i32
    %dma_wait3A_108 = tpu.memref_slice %arg15[%dma_wait3A_106, %dma_wait3A_107] : memref<160x128xf32, #tpu.memory_space<vmem>> -> memref<80x128xf32, #tpu.memory_space<vmem>>
    %dma_wait3A_109 = arith.constant 0 : i32
    %dma_wait3A_110 = arith.constant 0 : i32
    %dma_wait3A_111 = tpu.memref_slice %arg2[%dma_wait3A_109, %dma_wait3A_110] : memref<20480x128xf32, #tpu.memory_space<hbm>> -> memref<80x128xf32, #tpu.memory_space<hbm>>
    tpu.wait_dma2 semaphore(%dma_wait3A_105 : memref<!tpu.dma_semaphore, #tpu.memory_space<semaphore_mem>>) src(%dma_wait3A_111 : memref<80x128xf32, #tpu.memory_space<hbm>>) dst(%dma_wait3A_108 : memref<80x128xf32, #tpu.memory_space<vmem>>)
    %barrier3A_112 = arith.constant 0 : index
    tpu.barrier barrier_id(%barrier3A_112)
    %mul3A_113 = arith.constant 640 : i32
    %mul3A_114 = arith.muli %arg1, %mul3A_113 : i32
    %add3A_115 = arith.constant 0 : i32
    %add3A_116 = arith.addi %mul3A_114, %add3A_115 : i32
    "tpu.region"() ({
      %run_scoped3A = tpu.sem_alloc : memref<!tpu.dma_semaphore, #tpu.memory_space<semaphore_mem>>
      %dma_start3A_201 = arith.constant 0 : i32
      %dma_start3A_202 = arith.constant 0 : i32
      %dma_start3A_203 = tpu.memref_slice %arg15[%dma_start3A_201, %dma_start3A_202] : memref<160x128xf32, #tpu.memory_space<vmem>> -> memref<80x128xf32, #tpu.memory_space<vmem>>
      %dma_start3A_204 = arith.constant 0 : i32
      %dma_start3A_205 = tpu.memref_slice %arg18[%add3A_116, %dma_start3A_204] : memref<10240x128xf32, #tpu.memory_space<vmem_shared>> -> memref<80x128xf32, #tpu.memory_space<vmem_shared>>
      %dma_start3A_206 = arith.constant 0 : i32
      %dma_start3A_207 = arith.constant 0 : i32
      %dma_start3A_208 = tpu.memref_slice %arg15[%dma_start3A_206, %dma_start3A_207] : memref<160x128xf32, #tpu.memory_space<vmem>> -> memref<80x128xf32, #tpu.memory_space<vmem>>
      %dma_start3A_209 = arith.constant 0 : i32
      %dma_start3A_210 = tpu.memref_slice %arg18[%add3A_116, %dma_start3A_209] : memref<10240x128xf32, #tpu.memory_space<vmem_shared>> -> memref<80x128xf32, #tpu.memory_space<vmem_shared>>
      tpu.enqueue_dma source(%dma_start3A_210 : memref<80x128xf32, #tpu.memory_space<vmem_shared>>) target(%dma_start3A_208 : memref<80x128xf32, #tpu.memory_space<vmem>>) target_semaphore(%run_scoped3A : memref<!tpu.dma_semaphore, #tpu.memory_space<semaphore_mem>>)
      %dma_wait3A_211 = arith.constant 0 : i32
      %dma_wait3A_212 = arith.constant 0 : i32
      %dma_wait3A_213 = tpu.memref_slice %arg15[%dma_wait3A_211, %dma_wait3A_212] : memref<160x128xf32, #tpu.memory_space<vmem>> -> memref<80x128xf32, #tpu.memory_space<vmem>>
      %dma_wait3A_214 = arith.constant 0 : i32
      %dma_wait3A_215 = tpu.memref_slice %arg18[%add3A_116, %dma_wait3A_214] : memref<10240x128xf32, #tpu.memory_space<vmem_shared>> -> memref<80x128xf32, #tpu.memory_space<vmem_shared>>
      %dma_wait3A_216 = arith.constant 0 : i32
      %dma_wait3A_217 = arith.constant 0 : i32
      %dma_wait3A_218 = tpu.memref_slice %arg15[%dma_wait3A_216, %dma_wait3A_217] : memref<160x128xf32, #tpu.memory_space<vmem>> -> memref<80x128xf32, #tpu.memory_space<vmem>>
      %dma_wait3A_219 = arith.constant 0 : i32
      %dma_wait3A_220 = tpu.memref_slice %arg18[%add3A_116, %dma_wait3A_219] : memref<10240x128xf32, #tpu.memory_space<vmem_shared>> -> memref<80x128xf32, #tpu.memory_space<vmem_shared>>
      tpu.wait_dma2 semaphore(%run_scoped3A : memref<!tpu.dma_semaphore, #tpu.memory_space<semaphore_mem>>) src(%dma_wait3A_220 : memref<80x128xf32, #tpu.memory_space<vmem_shared>>) dst(%dma_wait3A_218 : memref<80x128xf32, #tpu.memory_space<vmem>>)
      tpu.yield
    }) : () -> ()
    %scan3A_117 = arith.constant 0 : i32
    %scan3A_118 = arith.constant 0 : i32
    %scan3A_119 = arith.constant 80 : i32
    %scan3A_120 = arith.addi %scan3A_118, %scan3A_119 : i32
    %scan3A_121 = arith.constant 1 : i32
    %scan3A_122 = scf.for %scan3A_201 = %scan3A_118 to %scan3A_120 step %scan3A_121 iter_args(%scan3A_202 = %scan3A_117) -> (i32)  : i32 {
      %add3A_203 = arith.constant 0 : i32
      %add3A_204 = arith.addi %add3A_203, %scan3A_201 : i32
      %broadcast_in_dim3A = vector.broadcast %add3A_204 : i32 to vector<16xi32>
      %gather3A = tpu.vector_load_idx %arg13[%broadcast_in_dim3A] : memref<640xf32, #tpu.memory_space<vmem>>[vector<16xi32>], vector<16xf32>,
      %broadcast_in_dim3A_205 = arith.constant 0.000000e+00 : f32
      %broadcast_in_dim3A_206 = vector.broadcast %broadcast_in_dim3A_205 : f32 to vector<16xf32>
      %get3A = arith.index_cast %scan3A_201 : i32 to index
      %get3A_207 = arith.constant 0 : index
      %get3A_208 = tpu.vector_load %arg15[%get3A, %get3A_207] {strides = array<i32>} : memref<160x128xf32, #tpu.memory_space<vmem>>, vector<16xf32>,
      %mul3A_209 = arith.mulf %get3A_208, %gather3A : vector<16xf32>
      %get3A_210 = arith.constant 0 : index
      %get3A_211 = tpu.vector_load %arg16[%get3A_210] {strides = array<i32>} : memref<128xf32, #tpu.memory_space<vmem>>, vector<16xf32>,
      %add3A_212 = arith.addf %mul3A_209, %get3A_211 : vector<16xf32>
      %max3A = arith.constant 0.000000e+00 : f32
      %max3A_213 = vector.broadcast %max3A : f32 to vector<16xf32>
      %max3A_214 = arith.maximumf %add3A_212, %max3A_213 : vector<16xf32>
      %get3A_215 = arith.constant 0 : index
      %get3A_216 = tpu.vector_load %arg17[%get3A_215] {strides = array<i32>} : memref<128xf32, #tpu.memory_space<vmem>>, vector<16xf32>,
      %mul3A_217 = arith.mulf %max3A_214, %get3A_216 : vector<16xf32>
      %add3A_218 = arith.addf %broadcast_in_dim3A_206, %mul3A_217 : vector<16xf32>
      %get3A_219 = arith.index_cast %scan3A_201 : i32 to index
      %get3A_220 = arith.constant 16 : index
      %get3A_221 = tpu.vector_load %arg15[%get3A_219, %get3A_220] {strides = array<i32>} : memref<160x128xf32, #tpu.memory_space<vmem>>, vector<16xf32>,
      %mul3A_222 = arith.mulf %get3A_221, %gather3A : vector<16xf32>
      %get3A_223 = arith.constant 16 : index
      %get3A_224 = tpu.vector_load %arg16[%get3A_223] {strides = array<i32>} : memref<128xf32, #tpu.memory_space<vmem>>, vector<16xf32>,
      %add3A_225 = arith.addf %mul3A_222, %get3A_224 : vector<16xf32>
      %max3A_226 = arith.constant 0.000000e+00 : f32
      %max3A_227 = vector.broadcast %max3A_226 : f32 to vector<16xf32>
      %max3A_228 = arith.maximumf %add3A_225, %max3A_227 : vector<16xf32>
      %get3A_229 = arith.constant 16 : index
      %get3A_230 = tpu.vector_load %arg17[%get3A_229] {strides = array<i32>} : memref<128xf32, #tpu.memory_space<vmem>>, vector<16xf32>,
      %mul3A_231 = arith.mulf %max3A_228, %get3A_230 : vector<16xf32>
      %add3A_232 = arith.addf %add3A_218, %mul3A_231 : vector<16xf32>
      %get3A_233 = arith.index_cast %scan3A_201 : i32 to index
      %get3A_234 = arith.constant 32 : index
      %get3A_235 = tpu.vector_load %arg15[%get3A_233, %get3A_234] {strides = array<i32>} : memref<160x128xf32, #tpu.memory_space<vmem>>, vector<16xf32>,
      %mul3A_236 = arith.mulf %get3A_235, %gather3A : vector<16xf32>
      %get3A_237 = arith.constant 32 : index
      %get3A_238 = tpu.vector_load %arg16[%get3A_237] {strides = array<i32>} : memref<128xf32, #tpu.memory_space<vmem>>, vector<16xf32>,
      %add3A_239 = arith.addf %mul3A_236, %get3A_238 : vector<16xf32>
      %max3A_240 = arith.constant 0.000000e+00 : f32
      %max3A_241 = vector.broadcast %max3A_240 : f32 to vector<16xf32>
      %max3A_242 = arith.maximumf %add3A_239, %max3A_241 : vector<16xf32>
      %get3A_243 = arith.constant 32 : index
      %get3A_244 = tpu.vector_load %arg17[%get3A_243] {strides = array<i32>} : memref<128xf32, #tpu.memory_space<vmem>>, vector<16xf32>,
      %mul3A_245 = arith.mulf %max3A_242, %get3A_244 : vector<16xf32>
      %add3A_246 = arith.addf %add3A_232, %mul3A_245 : vector<16xf32>
      %get3A_247 = arith.index_cast %scan3A_201 : i32 to index
      %get3A_248 = arith.constant 48 : index
      %get3A_249 = tpu.vector_load %arg15[%get3A_247, %get3A_248] {strides = array<i32>} : memref<160x128xf32, #tpu.memory_space<vmem>>, vector<16xf32>,
      %mul3A_250 = arith.mulf %get3A_249, %gather3A : vector<16xf32>
      %get3A_251 = arith.constant 48 : index
      %get3A_252 = tpu.vector_load %arg16[%get3A_251] {strides = array<i32>} : memref<128xf32, #tpu.memory_space<vmem>>, vector<16xf32>,
      %add3A_253 = arith.addf %mul3A_250, %get3A_252 : vector<16xf32>
      %max3A_254 = arith.constant 0.000000e+00 : f32
      %max3A_255 = vector.broadcast %max3A_254 : f32 to vector<16xf32>
      %max3A_256 = arith.maximumf %add3A_253, %max3A_255 : vector<16xf32>
      %get3A_257 = arith.constant 48 : index
      %get3A_258 = tpu.vector_load %arg17[%get3A_257] {strides = array<i32>} : memref<128xf32, #tpu.memory_space<vmem>>, vector<16xf32>,
      %mul3A_259 = arith.mulf %max3A_256, %get3A_258 : vector<16xf32>
      %add3A_260 = arith.addf %add3A_246, %mul3A_259 : vector<16xf32>
      %get3A_261 = arith.index_cast %scan3A_201 : i32 to index
      %get3A_262 = arith.constant 64 : index
      %get3A_263 = tpu.vector_load %arg15[%get3A_261, %get3A_262] {strides = array<i32>} : memref<160x128xf32, #tpu.memory_space<vmem>>, vector<16xf32>,
      %mul3A_264 = arith.mulf %get3A_263, %gather3A : vector<16xf32>
      %get3A_265 = arith.constant 64 : index
      %get3A_266 = tpu.vector_load %arg16[%get3A_265] {strides = array<i32>} : memref<128xf32, #tpu.memory_space<vmem>>, vector<16xf32>,
      %add3A_267 = arith.addf %mul3A_264, %get3A_266 : vector<16xf32>
      %max3A_268 = arith.constant 0.000000e+00 : f32
      %max3A_269 = vector.broadcast %max3A_268 : f32 to vector<16xf32>
      %max3A_270 = arith.maximumf %add3A_267, %max3A_269 : vector<16xf32>
      %get3A_271 = arith.constant 64 : index
      %get3A_272 = tpu.vector_load %arg17[%get3A_271] {strides = array<i32>} : memref<128xf32, #tpu.memory_space<vmem>>, vector<16xf32>,
      %mul3A_273 = arith.mulf %max3A_270, %get3A_272 : vector<16xf32>
      %add3A_274 = arith.addf %add3A_260, %mul3A_273 : vector<16xf32>
      %get3A_275 = arith.index_cast %scan3A_201 : i32 to index
      %get3A_276 = arith.constant 80 : index
      %get3A_277 = tpu.vector_load %arg15[%get3A_275, %get3A_276] {strides = array<i32>} : memref<160x128xf32, #tpu.memory_space<vmem>>, vector<16xf32>,
      %mul3A_278 = arith.mulf %get3A_277, %gather3A : vector<16xf32>
      %get3A_279 = arith.constant 80 : index
      %get3A_280 = tpu.vector_load %arg16[%get3A_279] {strides = array<i32>} : memref<128xf32, #tpu.memory_space<vmem>>, vector<16xf32>,
      %add3A_281 = arith.addf %mul3A_278, %get3A_280 : vector<16xf32>
      %max3A_282 = arith.constant 0.000000e+00 : f32
      %max3A_283 = vector.broadcast %max3A_282 : f32 to vector<16xf32>
      %max3A_284 = arith.maximumf %add3A_281, %max3A_283 : vector<16xf32>
      %get3A_285 = arith.constant 80 : index
      %get3A_286 = tpu.vector_load %arg17[%get3A_285] {strides = array<i32>} : memref<128xf32, #tpu.memory_space<vmem>>, vector<16xf32>,
      %mul3A_287 = arith.mulf %max3A_284, %get3A_286 : vector<16xf32>
      %add3A_288 = arith.addf %add3A_274, %mul3A_287 : vector<16xf32>
      %get3A_289 = arith.index_cast %scan3A_201 : i32 to index
      %get3A_290 = arith.constant 96 : index
      %get3A_291 = tpu.vector_load %arg15[%get3A_289, %get3A_290] {strides = array<i32>} : memref<160x128xf32, #tpu.memory_space<vmem>>, vector<16xf32>,
      %mul3A_292 = arith.mulf %get3A_291, %gather3A : vector<16xf32>
      %get3A_293 = arith.constant 96 : index
      %get3A_294 = tpu.vector_load %arg16[%get3A_293] {strides = array<i32>} : memref<128xf32, #tpu.memory_space<vmem>>, vector<16xf32>,
      %add3A_295 = arith.addf %mul3A_292, %get3A_294 : vector<16xf32>
      %max3A_296 = arith.constant 0.000000e+00 : f32
      %max3A_297 = vector.broadcast %max3A_296 : f32 to vector<16xf32>
      %max3A_298 = arith.maximumf %add3A_295, %max3A_297 : vector<16xf32>
      %get3A_299 = arith.constant 96 : index
      %get3A_300 = tpu.vector_load %arg17[%get3A_299] {strides = array<i32>} : memref<128xf32, #tpu.memory_space<vmem>>, vector<16xf32>,
      %mul3A_301 = arith.mulf %max3A_298, %get3A_300 : vector<16xf32>
      %add3A_302 = arith.addf %add3A_288, %mul3A_301 : vector<16xf32>
      %get3A_303 = arith.index_cast %scan3A_201 : i32 to index
      %get3A_304 = arith.constant 112 : index
      %get3A_305 = tpu.vector_load %arg15[%get3A_303, %get3A_304] {strides = array<i32>} : memref<160x128xf32, #tpu.memory_space<vmem>>, vector<16xf32>,
      %mul3A_306 = arith.mulf %get3A_305, %gather3A : vector<16xf32>
      %get3A_307 = arith.constant 112 : index
      %get3A_308 = tpu.vector_load %arg16[%get3A_307] {strides = array<i32>} : memref<128xf32, #tpu.memory_space<vmem>>, vector<16xf32>,
      %add3A_309 = arith.addf %mul3A_306, %get3A_308 : vector<16xf32>
      %max3A_310 = arith.constant 0.000000e+00 : f32
      %max3A_311 = vector.broadcast %max3A_310 : f32 to vector<16xf32>
      %max3A_312 = arith.maximumf %add3A_309, %max3A_311 : vector<16xf32>
      %get3A_313 = arith.constant 112 : index
      %get3A_314 = tpu.vector_load %arg17[%get3A_313] {strides = array<i32>} : memref<128xf32, #tpu.memory_space<vmem>>, vector<16xf32>,
      %mul3A_315 = arith.mulf %max3A_312, %get3A_314 : vector<16xf32>
      %add3A_316 = arith.addf %add3A_302, %mul3A_315 : vector<16xf32>
      %reduce_sum3A = arith.constant true
      %reduce_sum3A_317 = vector.broadcast %reduce_sum3A : i1 to vector<16xi1>
      %reduce_sum3A_318 = tpu.scan <sum>, %add3A_316 masked %reduce_sum3A_317 : vector<16xf32>, vector<16xi1> -> vector<16xf32>
      %reduce_sum3A_319 = vector.extract %reduce_sum3A_318[15] : f32 from vector<16xf32>
      %broadcast_in_dim3A_320 = vector.broadcast %reduce_sum3A_319 : f32 to vector<16xf32>
      %add3A_321 = arith.constant 0 : i32
      %add3A_322 = arith.addi %add3A_321, %scan3A_201 : i32
      %broadcast_in_dim3A_323 = vector.broadcast %add3A_322 : i32 to vector<16xi32>
      %iota3A = tpu.iota {dimensions = array<i32: 0>} : vector<16xi32>
      %eq3A = arith.constant 0 : i32
      %eq3A_324 = vector.broadcast %eq3A : i32 to vector<16xi32>
      %eq3A_325 = arith.cmpi eq, %iota3A, %eq3A_324 : vector<16xi32>
      tpu.vector_store_idx %arg14[%broadcast_in_dim3A_323], %broadcast_in_dim3A_320 masked %eq3A_325 : memref<640xf32, #tpu.memory_space<vmem>>[vector<16xi32>], vector<16xf32>, vector<16xi1>
      %scan3A_326 = arith.constant 0 : i32
      scf.yield %scan3A_326 : i32
    }
    %scan3A_123 = arith.constant 80 : i32
    %mul3A_124 = arith.constant 640 : i32
    %mul3A_125 = arith.muli %arg1, %mul3A_124 : i32
    %add3A_126 = arith.constant 80 : i32
    %add3A_127 = arith.addi %mul3A_125, %add3A_126 : i32
    "tpu.region"() ({
      %run_scoped3A = tpu.sem_alloc : memref<!tpu.dma_semaphore, #tpu.memory_space<semaphore_mem>>
      %dma_start3A_201 = arith.constant 0 : i32
      %dma_start3A_202 = arith.constant 0 : i32
      %dma_start3A_203 = tpu.memref_slice %arg15[%dma_start3A_201, %dma_start3A_202] : memref<160x128xf32, #tpu.memory_space<vmem>> -> memref<80x128xf32, #tpu.memory_space<vmem>>
      %dma_start3A_204 = arith.constant 0 : i32
      %dma_start3A_205 = tpu.memref_slice %arg18[%add3A_127, %dma_start3A_204] : memref<10240x128xf32, #tpu.memory_space<vmem_shared>> -> memref<80x128xf32, #tpu.memory_space<vmem_shared>>
      %dma_start3A_206 = arith.constant 0 : i32
      %dma_start3A_207 = arith.constant 0 : i32
      %dma_start3A_208 = tpu.memref_slice %arg15[%dma_start3A_206, %dma_start3A_207] : memref<160x128xf32, #tpu.memory_space<vmem>> -> memref<80x128xf32, #tpu.memory_space<vmem>>
      %dma_start3A_209 = arith.constant 0 : i32
      %dma_start3A_210 = tpu.memref_slice %arg18[%add3A_127, %dma_start3A_209] : memref<10240x128xf32, #tpu.memory_space<vmem_shared>> -> memref<80x128xf32, #tpu.memory_space<vmem_shared>>
      tpu.enqueue_dma source(%dma_start3A_210 : memref<80x128xf32, #tpu.memory_space<vmem_shared>>) target(%dma_start3A_208 : memref<80x128xf32, #tpu.memory_space<vmem>>) target_semaphore(%run_scoped3A : memref<!tpu.dma_semaphore, #tpu.memory_space<semaphore_mem>>)
      %dma_wait3A_211 = arith.constant 0 : i32
      %dma_wait3A_212 = arith.constant 0 : i32
      %dma_wait3A_213 = tpu.memref_slice %arg15[%dma_wait3A_211, %dma_wait3A_212] : memref<160x128xf32, #tpu.memory_space<vmem>> -> memref<80x128xf32, #tpu.memory_space<vmem>>
      %dma_wait3A_214 = arith.constant 0 : i32
      %dma_wait3A_215 = tpu.memref_slice %arg18[%add3A_127, %dma_wait3A_214] : memref<10240x128xf32, #tpu.memory_space<vmem_shared>> -> memref<80x128xf32, #tpu.memory_space<vmem_shared>>
      %dma_wait3A_216 = arith.constant 0 : i32
      %dma_wait3A_217 = arith.constant 0 : i32
      %dma_wait3A_218 = tpu.memref_slice %arg15[%dma_wait3A_216, %dma_wait3A_217] : memref<160x128xf32, #tpu.memory_space<vmem>> -> memref<80x128xf32, #tpu.memory_space<vmem>>
      %dma_wait3A_219 = arith.constant 0 : i32
      %dma_wait3A_220 = tpu.memref_slice %arg18[%add3A_127, %dma_wait3A_219] : memref<10240x128xf32, #tpu.memory_space<vmem_shared>> -> memref<80x128xf32, #tpu.memory_space<vmem_shared>>
      tpu.wait_dma2 semaphore(%run_scoped3A : memref<!tpu.dma_semaphore, #tpu.memory_space<semaphore_mem>>) src(%dma_wait3A_220 : memref<80x128xf32, #tpu.memory_space<vmem_shared>>) dst(%dma_wait3A_218 : memref<80x128xf32, #tpu.memory_space<vmem>>)
      tpu.yield
    }) : () -> ()
    %scan3A_128 = arith.constant 0 : i32
    %scan3A_129 = arith.constant 0 : i32
    %scan3A_130 = arith.constant 80 : i32
    %scan3A_131 = arith.addi %scan3A_129, %scan3A_130 : i32
    %scan3A_132 = arith.constant 1 : i32
    %scan3A_133 = scf.for %scan3A_201 = %scan3A_129 to %scan3A_131 step %scan3A_132 iter_args(%scan3A_202 = %scan3A_128) -> (i32)  : i32 {
      %add3A_203 = arith.constant 80 : i32
      %add3A_204 = arith.addi %add3A_203, %scan3A_201 : i32
      %broadcast_in_dim3A = vector.broadcast %add3A_204 : i32 to vector<16xi32>
      %gather3A = tpu.vector_load_idx %arg13[%broadcast_in_dim3A] : memref<640xf32, #tpu.memory_space<vmem>>[vector<16xi32>], vector<16xf32>,
      %broadcast_in_dim3A_205 = arith.constant 0.000000e+00 : f32
      %broadcast_in_dim3A_206 = vector.broadcast %broadcast_in_dim3A_205 : f32 to vector<16xf32>
      %get3A = arith.index_cast %scan3A_201 : i32 to index
      %get3A_207 = arith.constant 0 : index
      %get3A_208 = tpu.vector_load %arg15[%get3A, %get3A_207] {strides = array<i32>} : memref<160x128xf32, #tpu.memory_space<vmem>>, vector<16xf32>,
      %mul3A_209 = arith.mulf %get3A_208, %gather3A : vector<16xf32>
      %get3A_210 = arith.constant 0 : index
      %get3A_211 = tpu.vector_load %arg16[%get3A_210] {strides = array<i32>} : memref<128xf32, #tpu.memory_space<vmem>>, vector<16xf32>,
      %add3A_212 = arith.addf %mul3A_209, %get3A_211 : vector<16xf32>
      %max3A = arith.constant 0.000000e+00 : f32
      %max3A_213 = vector.broadcast %max3A : f32 to vector<16xf32>
      %max3A_214 = arith.maximumf %add3A_212, %max3A_213 : vector<16xf32>
      %get3A_215 = arith.constant 0 : index
      %get3A_216 = tpu.vector_load %arg17[%get3A_215] {strides = array<i32>} : memref<128xf32, #tpu.memory_space<vmem>>, vector<16xf32>,
      %mul3A_217 = arith.mulf %max3A_214, %get3A_216 : vector<16xf32>
      %add3A_218 = arith.addf %broadcast_in_dim3A_206, %mul3A_217 : vector<16xf32>
      %get3A_219 = arith.index_cast %scan3A_201 : i32 to index
      %get3A_220 = arith.constant 16 : index
      %get3A_221 = tpu.vector_load %arg15[%get3A_219, %get3A_220] {strides = array<i32>} : memref<160x128xf32, #tpu.memory_space<vmem>>, vector<16xf32>,
      %mul3A_222 = arith.mulf %get3A_221, %gather3A : vector<16xf32>
      %get3A_223 = arith.constant 16 : index
      %get3A_224 = tpu.vector_load %arg16[%get3A_223] {strides = array<i32>} : memref<128xf32, #tpu.memory_space<vmem>>, vector<16xf32>,
      %add3A_225 = arith.addf %mul3A_222, %get3A_224 : vector<16xf32>
      %max3A_226 = arith.constant 0.000000e+00 : f32
      %max3A_227 = vector.broadcast %max3A_226 : f32 to vector<16xf32>
      %max3A_228 = arith.maximumf %add3A_225, %max3A_227 : vector<16xf32>
      %get3A_229 = arith.constant 16 : index
      %get3A_230 = tpu.vector_load %arg17[%get3A_229] {strides = array<i32>} : memref<128xf32, #tpu.memory_space<vmem>>, vector<16xf32>,
      %mul3A_231 = arith.mulf %max3A_228, %get3A_230 : vector<16xf32>
      %add3A_232 = arith.addf %add3A_218, %mul3A_231 : vector<16xf32>
      %get3A_233 = arith.index_cast %scan3A_201 : i32 to index
      %get3A_234 = arith.constant 32 : index
      %get3A_235 = tpu.vector_load %arg15[%get3A_233, %get3A_234] {strides = array<i32>} : memref<160x128xf32, #tpu.memory_space<vmem>>, vector<16xf32>,
      %mul3A_236 = arith.mulf %get3A_235, %gather3A : vector<16xf32>
      %get3A_237 = arith.constant 32 : index
      %get3A_238 = tpu.vector_load %arg16[%get3A_237] {strides = array<i32>} : memref<128xf32, #tpu.memory_space<vmem>>, vector<16xf32>,
      %add3A_239 = arith.addf %mul3A_236, %get3A_238 : vector<16xf32>
      %max3A_240 = arith.constant 0.000000e+00 : f32
      %max3A_241 = vector.broadcast %max3A_240 : f32 to vector<16xf32>
      %max3A_242 = arith.maximumf %add3A_239, %max3A_241 : vector<16xf32>
      %get3A_243 = arith.constant 32 : index
      %get3A_244 = tpu.vector_load %arg17[%get3A_243] {strides = array<i32>} : memref<128xf32, #tpu.memory_space<vmem>>, vector<16xf32>,
      %mul3A_245 = arith.mulf %max3A_242, %get3A_244 : vector<16xf32>
      %add3A_246 = arith.addf %add3A_232, %mul3A_245 : vector<16xf32>
      %get3A_247 = arith.index_cast %scan3A_201 : i32 to index
      %get3A_248 = arith.constant 48 : index
      %get3A_249 = tpu.vector_load %arg15[%get3A_247, %get3A_248] {strides = array<i32>} : memref<160x128xf32, #tpu.memory_space<vmem>>, vector<16xf32>,
      %mul3A_250 = arith.mulf %get3A_249, %gather3A : vector<16xf32>
      %get3A_251 = arith.constant 48 : index
      %get3A_252 = tpu.vector_load %arg16[%get3A_251] {strides = array<i32>} : memref<128xf32, #tpu.memory_space<vmem>>, vector<16xf32>,
      %add3A_253 = arith.addf %mul3A_250, %get3A_252 : vector<16xf32>
      %max3A_254 = arith.constant 0.000000e+00 : f32
      %max3A_255 = vector.broadcast %max3A_254 : f32 to vector<16xf32>
      %max3A_256 = arith.maximumf %add3A_253, %max3A_255 : vector<16xf32>
      %get3A_257 = arith.constant 48 : index
      %get3A_258 = tpu.vector_load %arg17[%get3A_257] {strides = array<i32>} : memref<128xf32, #tpu.memory_space<vmem>>, vector<16xf32>,
      %mul3A_259 = arith.mulf %max3A_256, %get3A_258 : vector<16xf32>
      %add3A_260 = arith.addf %add3A_246, %mul3A_259 : vector<16xf32>
      %get3A_261 = arith.index_cast %scan3A_201 : i32 to index
      %get3A_262 = arith.constant 64 : index
      %get3A_263 = tpu.vector_load %arg15[%get3A_261, %get3A_262] {strides = array<i32>} : memref<160x128xf32, #tpu.memory_space<vmem>>, vector<16xf32>,
      %mul3A_264 = arith.mulf %get3A_263, %gather3A : vector<16xf32>
      %get3A_265 = arith.constant 64 : index
      %get3A_266 = tpu.vector_load %arg16[%get3A_265] {strides = array<i32>} : memref<128xf32, #tpu.memory_space<vmem>>, vector<16xf32>,
      %add3A_267 = arith.addf %mul3A_264, %get3A_266 : vector<16xf32>
      %max3A_268 = arith.constant 0.000000e+00 : f32
      %max3A_269 = vector.broadcast %max3A_268 : f32 to vector<16xf32>
      %max3A_270 = arith.maximumf %add3A_267, %max3A_269 : vector<16xf32>
      %get3A_271 = arith.constant 64 : index
      %get3A_272 = tpu.vector_load %arg17[%get3A_271] {strides = array<i32>} : memref<128xf32, #tpu.memory_space<vmem>>, vector<16xf32>,
      %mul3A_273 = arith.mulf %max3A_270, %get3A_272 : vector<16xf32>
      %add3A_274 = arith.addf %add3A_260, %mul3A_273 : vector<16xf32>
      %get3A_275 = arith.index_cast %scan3A_201 : i32 to index
      %get3A_276 = arith.constant 80 : index
      %get3A_277 = tpu.vector_load %arg15[%get3A_275, %get3A_276] {strides = array<i32>} : memref<160x128xf32, #tpu.memory_space<vmem>>, vector<16xf32>,
      %mul3A_278 = arith.mulf %get3A_277, %gather3A : vector<16xf32>
      %get3A_279 = arith.constant 80 : index
      %get3A_280 = tpu.vector_load %arg16[%get3A_279] {strides = array<i32>} : memref<128xf32, #tpu.memory_space<vmem>>, vector<16xf32>,
      %add3A_281 = arith.addf %mul3A_278, %get3A_280 : vector<16xf32>
      %max3A_282 = arith.constant 0.000000e+00 : f32
      %max3A_283 = vector.broadcast %max3A_282 : f32 to vector<16xf32>
      %max3A_284 = arith.maximumf %add3A_281, %max3A_283 : vector<16xf32>
      %get3A_285 = arith.constant 80 : index
      %get3A_286 = tpu.vector_load %arg17[%get3A_285] {strides = array<i32>} : memref<128xf32, #tpu.memory_space<vmem>>, vector<16xf32>,
      %mul3A_287 = arith.mulf %max3A_284, %get3A_286 : vector<16xf32>
      %add3A_288 = arith.addf %add3A_274, %mul3A_287 : vector<16xf32>
      %get3A_289 = arith.index_cast %scan3A_201 : i32 to index
      %get3A_290 = arith.constant 96 : index
      %get3A_291 = tpu.vector_load %arg15[%get3A_289, %get3A_290] {strides = array<i32>} : memref<160x128xf32, #tpu.memory_space<vmem>>, vector<16xf32>,
      %mul3A_292 = arith.mulf %get3A_291, %gather3A : vector<16xf32>
      %get3A_293 = arith.constant 96 : index
      %get3A_294 = tpu.vector_load %arg16[%get3A_293] {strides = array<i32>} : memref<128xf32, #tpu.memory_space<vmem>>, vector<16xf32>,
      %add3A_295 = arith.addf %mul3A_292, %get3A_294 : vector<16xf32>
      %max3A_296 = arith.constant 0.000000e+00 : f32
      %max3A_297 = vector.broadcast %max3A_296 : f32 to vector<16xf32>
      %max3A_298 = arith.maximumf %add3A_295, %max3A_297 : vector<16xf32>
      %get3A_299 = arith.constant 96 : index
      %get3A_300 = tpu.vector_load %arg17[%get3A_299] {strides = array<i32>} : memref<128xf32, #tpu.memory_space<vmem>>, vector<16xf32>,
      %mul3A_301 = arith.mulf %max3A_298, %get3A_300 : vector<16xf32>
      %add3A_302 = arith.addf %add3A_288, %mul3A_301 : vector<16xf32>
      %get3A_303 = arith.index_cast %scan3A_201 : i32 to index
      %get3A_304 = arith.constant 112 : index
      %get3A_305 = tpu.vector_load %arg15[%get3A_303, %get3A_304] {strides = array<i32>} : memref<160x128xf32, #tpu.memory_space<vmem>>, vector<16xf32>,
      %mul3A_306 = arith.mulf %get3A_305, %gather3A : vector<16xf32>
      %get3A_307 = arith.constant 112 : index
      %get3A_308 = tpu.vector_load %arg16[%get3A_307] {strides = array<i32>} : memref<128xf32, #tpu.memory_space<vmem>>, vector<16xf32>,
      %add3A_309 = arith.addf %mul3A_306, %get3A_308 : vector<16xf32>
      %max3A_310 = arith.constant 0.000000e+00 : f32
      %max3A_311 = vector.broadcast %max3A_310 : f32 to vector<16xf32>
      %max3A_312 = arith.maximumf %add3A_309, %max3A_311 : vector<16xf32>
      %get3A_313 = arith.constant 112 : index
      %get3A_314 = tpu.vector_load %arg17[%get3A_313] {strides = array<i32>} : memref<128xf32, #tpu.memory_space<vmem>>, vector<16xf32>,
      %mul3A_315 = arith.mulf %max3A_312, %get3A_314 : vector<16xf32>
      %add3A_316 = arith.addf %add3A_302, %mul3A_315 : vector<16xf32>
      %reduce_sum3A = arith.constant true
      %reduce_sum3A_317 = vector.broadcast %reduce_sum3A : i1 to vector<16xi1>
      %reduce_sum3A_318 = tpu.scan <sum>, %add3A_316 masked %reduce_sum3A_317 : vector<16xf32>, vector<16xi1> -> vector<16xf32>
      %reduce_sum3A_319 = vector.extract %reduce_sum3A_318[15] : f32 from vector<16xf32>
      %broadcast_in_dim3A_320 = vector.broadcast %reduce_sum3A_319 : f32 to vector<16xf32>
      %add3A_321 = arith.constant 80 : i32
      %add3A_322 = arith.addi %add3A_321, %scan3A_201 : i32
      %broadcast_in_dim3A_323 = vector.broadcast %add3A_322 : i32 to vector<16xi32>
      %iota3A = tpu.iota {dimensions = array<i32: 0>} : vector<16xi32>
      %eq3A = arith.constant 0 : i32
      %eq3A_324 = vector.broadcast %eq3A : i32 to vector<16xi32>
      %eq3A_325 = arith.cmpi eq, %iota3A, %eq3A_324 : vector<16xi32>
      tpu.vector_store_idx %arg14[%broadcast_in_dim3A_323], %broadcast_in_dim3A_320 masked %eq3A_325 : memref<640xf32, #tpu.memory_space<vmem>>[vector<16xi32>], vector<16xf32>, vector<16xi1>
      %scan3A_326 = arith.constant 0 : i32
      scf.yield %scan3A_326 : i32
    }
    %scan3A_134 = arith.constant 80 : i32
    %mul3A_135 = arith.constant 640 : i32
    %mul3A_136 = arith.muli %arg1, %mul3A_135 : i32
    %add3A_137 = arith.constant 160 : i32
    %add3A_138 = arith.addi %mul3A_136, %add3A_137 : i32
    "tpu.region"() ({
      %run_scoped3A = tpu.sem_alloc : memref<!tpu.dma_semaphore, #tpu.memory_space<semaphore_mem>>
      %dma_start3A_201 = arith.constant 0 : i32
      %dma_start3A_202 = arith.constant 0 : i32
      %dma_start3A_203 = tpu.memref_slice %arg15[%dma_start3A_201, %dma_start3A_202] : memref<160x128xf32, #tpu.memory_space<vmem>> -> memref<80x128xf32, #tpu.memory_space<vmem>>
      %dma_start3A_204 = arith.constant 0 : i32
      %dma_start3A_205 = tpu.memref_slice %arg18[%add3A_138, %dma_start3A_204] : memref<10240x128xf32, #tpu.memory_space<vmem_shared>> -> memref<80x128xf32, #tpu.memory_space<vmem_shared>>
      %dma_start3A_206 = arith.constant 0 : i32
      %dma_start3A_207 = arith.constant 0 : i32
      %dma_start3A_208 = tpu.memref_slice %arg15[%dma_start3A_206, %dma_start3A_207] : memref<160x128xf32, #tpu.memory_space<vmem>> -> memref<80x128xf32, #tpu.memory_space<vmem>>
      %dma_start3A_209 = arith.constant 0 : i32
      %dma_start3A_210 = tpu.memref_slice %arg18[%add3A_138, %dma_start3A_209] : memref<10240x128xf32, #tpu.memory_space<vmem_shared>> -> memref<80x128xf32, #tpu.memory_space<vmem_shared>>
      tpu.enqueue_dma source(%dma_start3A_210 : memref<80x128xf32, #tpu.memory_space<vmem_shared>>) target(%dma_start3A_208 : memref<80x128xf32, #tpu.memory_space<vmem>>) target_semaphore(%run_scoped3A : memref<!tpu.dma_semaphore, #tpu.memory_space<semaphore_mem>>)
      %dma_wait3A_211 = arith.constant 0 : i32
      %dma_wait3A_212 = arith.constant 0 : i32
      %dma_wait3A_213 = tpu.memref_slice %arg15[%dma_wait3A_211, %dma_wait3A_212] : memref<160x128xf32, #tpu.memory_space<vmem>> -> memref<80x128xf32, #tpu.memory_space<vmem>>
      %dma_wait3A_214 = arith.constant 0 : i32
      %dma_wait3A_215 = tpu.memref_slice %arg18[%add3A_138, %dma_wait3A_214] : memref<10240x128xf32, #tpu.memory_space<vmem_shared>> -> memref<80x128xf32, #tpu.memory_space<vmem_shared>>
      %dma_wait3A_216 = arith.constant 0 : i32
      %dma_wait3A_217 = arith.constant 0 : i32
      %dma_wait3A_218 = tpu.memref_slice %arg15[%dma_wait3A_216, %dma_wait3A_217] : memref<160x128xf32, #tpu.memory_space<vmem>> -> memref<80x128xf32, #tpu.memory_space<vmem>>
      %dma_wait3A_219 = arith.constant 0 : i32
      %dma_wait3A_220 = tpu.memref_slice %arg18[%add3A_138, %dma_wait3A_219] : memref<10240x128xf32, #tpu.memory_space<vmem_shared>> -> memref<80x128xf32, #tpu.memory_space<vmem_shared>>
      tpu.wait_dma2 semaphore(%run_scoped3A : memref<!tpu.dma_semaphore, #tpu.memory_space<semaphore_mem>>) src(%dma_wait3A_220 : memref<80x128xf32, #tpu.memory_space<vmem_shared>>) dst(%dma_wait3A_218 : memref<80x128xf32, #tpu.memory_space<vmem>>)
      tpu.yield
    }) : () -> ()
    %scan3A_139 = arith.constant 0 : i32
    %scan3A_140 = arith.constant 0 : i32
    %scan3A_141 = arith.constant 80 : i32
    %scan3A_142 = arith.addi %scan3A_140, %scan3A_141 : i32
    %scan3A_143 = arith.constant 1 : i32
    %scan3A_144 = scf.for %scan3A_201 = %scan3A_140 to %scan3A_142 step %scan3A_143 iter_args(%scan3A_202 = %scan3A_139) -> (i32)  : i32 {
      %add3A_203 = arith.constant 160 : i32
      %add3A_204 = arith.addi %add3A_203, %scan3A_201 : i32
      %broadcast_in_dim3A = vector.broadcast %add3A_204 : i32 to vector<16xi32>
      %gather3A = tpu.vector_load_idx %arg13[%broadcast_in_dim3A] : memref<640xf32, #tpu.memory_space<vmem>>[vector<16xi32>], vector<16xf32>,
      %broadcast_in_dim3A_205 = arith.constant 0.000000e+00 : f32
      %broadcast_in_dim3A_206 = vector.broadcast %broadcast_in_dim3A_205 : f32 to vector<16xf32>
      %get3A = arith.index_cast %scan3A_201 : i32 to index
      %get3A_207 = arith.constant 0 : index
      %get3A_208 = tpu.vector_load %arg15[%get3A, %get3A_207] {strides = array<i32>} : memref<160x128xf32, #tpu.memory_space<vmem>>, vector<16xf32>,
      %mul3A_209 = arith.mulf %get3A_208, %gather3A : vector<16xf32>
      %get3A_210 = arith.constant 0 : index
      %get3A_211 = tpu.vector_load %arg16[%get3A_210] {strides = array<i32>} : memref<128xf32, #tpu.memory_space<vmem>>, vector<16xf32>,
      %add3A_212 = arith.addf %mul3A_209, %get3A_211 : vector<16xf32>
      %max3A = arith.constant 0.000000e+00 : f32
      %max3A_213 = vector.broadcast %max3A : f32 to vector<16xf32>
      %max3A_214 = arith.maximumf %add3A_212, %max3A_213 : vector<16xf32>
      %get3A_215 = arith.constant 0 : index
      %get3A_216 = tpu.vector_load %arg17[%get3A_215] {strides = array<i32>} : memref<128xf32, #tpu.memory_space<vmem>>, vector<16xf32>,
      %mul3A_217 = arith.mulf %max3A_214, %get3A_216 : vector<16xf32>
      %add3A_218 = arith.addf %broadcast_in_dim3A_206, %mul3A_217 : vector<16xf32>
      %get3A_219 = arith.index_cast %scan3A_201 : i32 to index
      %get3A_220 = arith.constant 16 : index
      %get3A_221 = tpu.vector_load %arg15[%get3A_219, %get3A_220] {strides = array<i32>} : memref<160x128xf32, #tpu.memory_space<vmem>>, vector<16xf32>,
      %mul3A_222 = arith.mulf %get3A_221, %gather3A : vector<16xf32>
      %get3A_223 = arith.constant 16 : index
      %get3A_224 = tpu.vector_load %arg16[%get3A_223] {strides = array<i32>} : memref<128xf32, #tpu.memory_space<vmem>>, vector<16xf32>,
      %add3A_225 = arith.addf %mul3A_222, %get3A_224 : vector<16xf32>
      %max3A_226 = arith.constant 0.000000e+00 : f32
      %max3A_227 = vector.broadcast %max3A_226 : f32 to vector<16xf32>
      %max3A_228 = arith.maximumf %add3A_225, %max3A_227 : vector<16xf32>
      %get3A_229 = arith.constant 16 : index
      %get3A_230 = tpu.vector_load %arg17[%get3A_229] {strides = array<i32>} : memref<128xf32, #tpu.memory_space<vmem>>, vector<16xf32>,
      %mul3A_231 = arith.mulf %max3A_228, %get3A_230 : vector<16xf32>
      %add3A_232 = arith.addf %add3A_218, %mul3A_231 : vector<16xf32>
      %get3A_233 = arith.index_cast %scan3A_201 : i32 to index
      %get3A_234 = arith.constant 32 : index
      %get3A_235 = tpu.vector_load %arg15[%get3A_233, %get3A_234] {strides = array<i32>} : memref<160x128xf32, #tpu.memory_space<vmem>>, vector<16xf32>,
      %mul3A_236 = arith.mulf %get3A_235, %gather3A : vector<16xf32>
      %get3A_237 = arith.constant 32 : index
      %get3A_238 = tpu.vector_load %arg16[%get3A_237] {strides = array<i32>} : memref<128xf32, #tpu.memory_space<vmem>>, vector<16xf32>,
      %add3A_239 = arith.addf %mul3A_236, %get3A_238 : vector<16xf32>
      %max3A_240 = arith.constant 0.000000e+00 : f32
      %max3A_241 = vector.broadcast %max3A_240 : f32 to vector<16xf32>
      %max3A_242 = arith.maximumf %add3A_239, %max3A_241 : vector<16xf32>
      %get3A_243 = arith.constant 32 : index
      %get3A_244 = tpu.vector_load %arg17[%get3A_243] {strides = array<i32>} : memref<128xf32, #tpu.memory_space<vmem>>, vector<16xf32>,
      %mul3A_245 = arith.mulf %max3A_242, %get3A_244 : vector<16xf32>
      %add3A_246 = arith.addf %add3A_232, %mul3A_245 : vector<16xf32>
      %get3A_247 = arith.index_cast %scan3A_201 : i32 to index
      %get3A_248 = arith.constant 48 : index
      %get3A_249 = tpu.vector_load %arg15[%get3A_247, %get3A_248] {strides = array<i32>} : memref<160x128xf32, #tpu.memory_space<vmem>>, vector<16xf32>,
      %mul3A_250 = arith.mulf %get3A_249, %gather3A : vector<16xf32>
      %get3A_251 = arith.constant 48 : index
      %get3A_252 = tpu.vector_load %arg16[%get3A_251] {strides = array<i32>} : memref<128xf32, #tpu.memory_space<vmem>>, vector<16xf32>,
      %add3A_253 = arith.addf %mul3A_250, %get3A_252 : vector<16xf32>
      %max3A_254 = arith.constant 0.000000e+00 : f32
      %max3A_255 = vector.broadcast %max3A_254 : f32 to vector<16xf32>
      %max3A_256 = arith.maximumf %add3A_253, %max3A_255 : vector<16xf32>
      %get3A_257 = arith.constant 48 : index
      %get3A_258 = tpu.vector_load %arg17[%get3A_257] {strides = array<i32>} : memref<128xf32, #tpu.memory_space<vmem>>, vector<16xf32>,
      %mul3A_259 = arith.mulf %max3A_256, %get3A_258 : vector<16xf32>
      %add3A_260 = arith.addf %add3A_246, %mul3A_259 : vector<16xf32>
      %get3A_261 = arith.index_cast %scan3A_201 : i32 to index
      %get3A_262 = arith.constant 64 : index
      %get3A_263 = tpu.vector_load %arg15[%get3A_261, %get3A_262] {strides = array<i32>} : memref<160x128xf32, #tpu.memory_space<vmem>>, vector<16xf32>,
      %mul3A_264 = arith.mulf %get3A_263, %gather3A : vector<16xf32>
      %get3A_265 = arith.constant 64 : index
      %get3A_266 = tpu.vector_load %arg16[%get3A_265] {strides = array<i32>} : memref<128xf32, #tpu.memory_space<vmem>>, vector<16xf32>,
      %add3A_267 = arith.addf %mul3A_264, %get3A_266 : vector<16xf32>
      %max3A_268 = arith.constant 0.000000e+00 : f32
      %max3A_269 = vector.broadcast %max3A_268 : f32 to vector<16xf32>
      %max3A_270 = arith.maximumf %add3A_267, %max3A_269 : vector<16xf32>
      %get3A_271 = arith.constant 64 : index
      %get3A_272 = tpu.vector_load %arg17[%get3A_271] {strides = array<i32>} : memref<128xf32, #tpu.memory_space<vmem>>, vector<16xf32>,
      %mul3A_273 = arith.mulf %max3A_270, %get3A_272 : vector<16xf32>
      %add3A_274 = arith.addf %add3A_260, %mul3A_273 : vector<16xf32>
      %get3A_275 = arith.index_cast %scan3A_201 : i32 to index
      %get3A_276 = arith.constant 80 : index
      %get3A_277 = tpu.vector_load %arg15[%get3A_275, %get3A_276] {strides = array<i32>} : memref<160x128xf32, #tpu.memory_space<vmem>>, vector<16xf32>,
      %mul3A_278 = arith.mulf %get3A_277, %gather3A : vector<16xf32>
      %get3A_279 = arith.constant 80 : index
      %get3A_280 = tpu.vector_load %arg16[%get3A_279] {strides = array<i32>} : memref<128xf32, #tpu.memory_space<vmem>>, vector<16xf32>,
      %add3A_281 = arith.addf %mul3A_278, %get3A_280 : vector<16xf32>
      %max3A_282 = arith.constant 0.000000e+00 : f32
      %max3A_283 = vector.broadcast %max3A_282 : f32 to vector<16xf32>
      %max3A_284 = arith.maximumf %add3A_281, %max3A_283 : vector<16xf32>
      %get3A_285 = arith.constant 80 : index
      %get3A_286 = tpu.vector_load %arg17[%get3A_285] {strides = array<i32>} : memref<128xf32, #tpu.memory_space<vmem>>, vector<16xf32>,
      %mul3A_287 = arith.mulf %max3A_284, %get3A_286 : vector<16xf32>
      %add3A_288 = arith.addf %add3A_274, %mul3A_287 : vector<16xf32>
      %get3A_289 = arith.index_cast %scan3A_201 : i32 to index
      %get3A_290 = arith.constant 96 : index
      %get3A_291 = tpu.vector_load %arg15[%get3A_289, %get3A_290] {strides = array<i32>} : memref<160x128xf32, #tpu.memory_space<vmem>>, vector<16xf32>,
      %mul3A_292 = arith.mulf %get3A_291, %gather3A : vector<16xf32>
      %get3A_293 = arith.constant 96 : index
      %get3A_294 = tpu.vector_load %arg16[%get3A_293] {strides = array<i32>} : memref<128xf32, #tpu.memory_space<vmem>>, vector<16xf32>,
      %add3A_295 = arith.addf %mul3A_292, %get3A_294 : vector<16xf32>
      %max3A_296 = arith.constant 0.000000e+00 : f32
      %max3A_297 = vector.broadcast %max3A_296 : f32 to vector<16xf32>
      %max3A_298 = arith.maximumf %add3A_295, %max3A_297 : vector<16xf32>
      %get3A_299 = arith.constant 96 : index
      %get3A_300 = tpu.vector_load %arg17[%get3A_299] {strides = array<i32>} : memref<128xf32, #tpu.memory_space<vmem>>, vector<16xf32>,
      %mul3A_301 = arith.mulf %max3A_298, %get3A_300 : vector<16xf32>
      %add3A_302 = arith.addf %add3A_288, %mul3A_301 : vector<16xf32>
      %get3A_303 = arith.index_cast %scan3A_201 : i32 to index
      %get3A_304 = arith.constant 112 : index
      %get3A_305 = tpu.vector_load %arg15[%get3A_303, %get3A_304] {strides = array<i32>} : memref<160x128xf32, #tpu.memory_space<vmem>>, vector<16xf32>,
      %mul3A_306 = arith.mulf %get3A_305, %gather3A : vector<16xf32>
      %get3A_307 = arith.constant 112 : index
      %get3A_308 = tpu.vector_load %arg16[%get3A_307] {strides = array<i32>} : memref<128xf32, #tpu.memory_space<vmem>>, vector<16xf32>,
      %add3A_309 = arith.addf %mul3A_306, %get3A_308 : vector<16xf32>
      %max3A_310 = arith.constant 0.000000e+00 : f32
      %max3A_311 = vector.broadcast %max3A_310 : f32 to vector<16xf32>
      %max3A_312 = arith.maximumf %add3A_309, %max3A_311 : vector<16xf32>
      %get3A_313 = arith.constant 112 : index
      %get3A_314 = tpu.vector_load %arg17[%get3A_313] {strides = array<i32>} : memref<128xf32, #tpu.memory_space<vmem>>, vector<16xf32>,
      %mul3A_315 = arith.mulf %max3A_312, %get3A_314 : vector<16xf32>
      %add3A_316 = arith.addf %add3A_302, %mul3A_315 : vector<16xf32>
      %reduce_sum3A = arith.constant true
      %reduce_sum3A_317 = vector.broadcast %reduce_sum3A : i1 to vector<16xi1>
      %reduce_sum3A_318 = tpu.scan <sum>, %add3A_316 masked %reduce_sum3A_317 : vector<16xf32>, vector<16xi1> -> vector<16xf32>
      %reduce_sum3A_319 = vector.extract %reduce_sum3A_318[15] : f32 from vector<16xf32>
      %broadcast_in_dim3A_320 = vector.broadcast %reduce_sum3A_319 : f32 to vector<16xf32>
      %add3A_321 = arith.constant 160 : i32
      %add3A_322 = arith.addi %add3A_321, %scan3A_201 : i32
      %broadcast_in_dim3A_323 = vector.broadcast %add3A_322 : i32 to vector<16xi32>
      %iota3A = tpu.iota {dimensions = array<i32: 0>} : vector<16xi32>
      %eq3A = arith.constant 0 : i32
      %eq3A_324 = vector.broadcast %eq3A : i32 to vector<16xi32>
      %eq3A_325 = arith.cmpi eq, %iota3A, %eq3A_324 : vector<16xi32>
      tpu.vector_store_idx %arg14[%broadcast_in_dim3A_323], %broadcast_in_dim3A_320 masked %eq3A_325 : memref<640xf32, #tpu.memory_space<vmem>>[vector<16xi32>], vector<16xf32>, vector<16xi1>
      %scan3A_326 = arith.constant 0 : i32
      scf.yield %scan3A_326 : i32
    }
    %scan3A_145 = arith.constant 80 : i32
    %mul3A_146 = arith.constant 640 : i32
    %mul3A_147 = arith.muli %arg1, %mul3A_146 : i32
    %add3A_148 = arith.constant 240 : i32
    %add3A_149 = arith.addi %mul3A_147, %add3A_148 : i32
    "tpu.region"() ({
      %run_scoped3A = tpu.sem_alloc : memref<!tpu.dma_semaphore, #tpu.memory_space<semaphore_mem>>
      %dma_start3A_201 = arith.constant 0 : i32
      %dma_start3A_202 = arith.constant 0 : i32
      %dma_start3A_203 = tpu.memref_slice %arg15[%dma_start3A_201, %dma_start3A_202] : memref<160x128xf32, #tpu.memory_space<vmem>> -> memref<80x128xf32, #tpu.memory_space<vmem>>
      %dma_start3A_204 = arith.constant 0 : i32
      %dma_start3A_205 = tpu.memref_slice %arg18[%add3A_149, %dma_start3A_204] : memref<10240x128xf32, #tpu.memory_space<vmem_shared>> -> memref<80x128xf32, #tpu.memory_space<vmem_shared>>
      %dma_start3A_206 = arith.constant 0 : i32
      %dma_start3A_207 = arith.constant 0 : i32
      %dma_start3A_208 = tpu.memref_slice %arg15[%dma_start3A_206, %dma_start3A_207] : memref<160x128xf32, #tpu.memory_space<vmem>> -> memref<80x128xf32, #tpu.memory_space<vmem>>
      %dma_start3A_209 = arith.constant 0 : i32
      %dma_start3A_210 = tpu.memref_slice %arg18[%add3A_149, %dma_start3A_209] : memref<10240x128xf32, #tpu.memory_space<vmem_shared>> -> memref<80x128xf32, #tpu.memory_space<vmem_shared>>
      tpu.enqueue_dma source(%dma_start3A_210 : memref<80x128xf32, #tpu.memory_space<vmem_shared>>) target(%dma_start3A_208 : memref<80x128xf32, #tpu.memory_space<vmem>>) target_semaphore(%run_scoped3A : memref<!tpu.dma_semaphore, #tpu.memory_space<semaphore_mem>>)
      %dma_wait3A_211 = arith.constant 0 : i32
      %dma_wait3A_212 = arith.constant 0 : i32
      %dma_wait3A_213 = tpu.memref_slice %arg15[%dma_wait3A_211, %dma_wait3A_212] : memref<160x128xf32, #tpu.memory_space<vmem>> -> memref<80x128xf32, #tpu.memory_space<vmem>>
      %dma_wait3A_214 = arith.constant 0 : i32
      %dma_wait3A_215 = tpu.memref_slice %arg18[%add3A_149, %dma_wait3A_214] : memref<10240x128xf32, #tpu.memory_space<vmem_shared>> -> memref<80x128xf32, #tpu.memory_space<vmem_shared>>
      %dma_wait3A_216 = arith.constant 0 : i32
      %dma_wait3A_217 = arith.constant 0 : i32
      %dma_wait3A_218 = tpu.memref_slice %arg15[%dma_wait3A_216, %dma_wait3A_217] : memref<160x128xf32, #tpu.memory_space<vmem>> -> memref<80x128xf32, #tpu.memory_space<vmem>>
      %dma_wait3A_219 = arith.constant 0 : i32
      %dma_wait3A_220 = tpu.memref_slice %arg18[%add3A_149, %dma_wait3A_219] : memref<10240x128xf32, #tpu.memory_space<vmem_shared>> -> memref<80x128xf32, #tpu.memory_space<vmem_shared>>
      tpu.wait_dma2 semaphore(%run_scoped3A : memref<!tpu.dma_semaphore, #tpu.memory_space<semaphore_mem>>) src(%dma_wait3A_220 : memref<80x128xf32, #tpu.memory_space<vmem_shared>>) dst(%dma_wait3A_218 : memref<80x128xf32, #tpu.memory_space<vmem>>)
      tpu.yield
    }) : () -> ()
    %scan3A_150 = arith.constant 0 : i32
    %scan3A_151 = arith.constant 0 : i32
    %scan3A_152 = arith.constant 80 : i32
    %scan3A_153 = arith.addi %scan3A_151, %scan3A_152 : i32
    %scan3A_154 = arith.constant 1 : i32
    %scan3A_155 = scf.for %scan3A_201 = %scan3A_151 to %scan3A_153 step %scan3A_154 iter_args(%scan3A_202 = %scan3A_150) -> (i32)  : i32 {
      %add3A_203 = arith.constant 240 : i32
      %add3A_204 = arith.addi %add3A_203, %scan3A_201 : i32
      %broadcast_in_dim3A = vector.broadcast %add3A_204 : i32 to vector<16xi32>
      %gather3A = tpu.vector_load_idx %arg13[%broadcast_in_dim3A] : memref<640xf32, #tpu.memory_space<vmem>>[vector<16xi32>], vector<16xf32>,
      %broadcast_in_dim3A_205 = arith.constant 0.000000e+00 : f32
      %broadcast_in_dim3A_206 = vector.broadcast %broadcast_in_dim3A_205 : f32 to vector<16xf32>
      %get3A = arith.index_cast %scan3A_201 : i32 to index
      %get3A_207 = arith.constant 0 : index
      %get3A_208 = tpu.vector_load %arg15[%get3A, %get3A_207] {strides = array<i32>} : memref<160x128xf32, #tpu.memory_space<vmem>>, vector<16xf32>,
      %mul3A_209 = arith.mulf %get3A_208, %gather3A : vector<16xf32>
      %get3A_210 = arith.constant 0 : index
      %get3A_211 = tpu.vector_load %arg16[%get3A_210] {strides = array<i32>} : memref<128xf32, #tpu.memory_space<vmem>>, vector<16xf32>,
      %add3A_212 = arith.addf %mul3A_209, %get3A_211 : vector<16xf32>
      %max3A = arith.constant 0.000000e+00 : f32
      %max3A_213 = vector.broadcast %max3A : f32 to vector<16xf32>
      %max3A_214 = arith.maximumf %add3A_212, %max3A_213 : vector<16xf32>
      %get3A_215 = arith.constant 0 : index
      %get3A_216 = tpu.vector_load %arg17[%get3A_215] {strides = array<i32>} : memref<128xf32, #tpu.memory_space<vmem>>, vector<16xf32>,
      %mul3A_217 = arith.mulf %max3A_214, %get3A_216 : vector<16xf32>
      %add3A_218 = arith.addf %broadcast_in_dim3A_206, %mul3A_217 : vector<16xf32>
      %get3A_219 = arith.index_cast %scan3A_201 : i32 to index
      %get3A_220 = arith.constant 16 : index
      %get3A_221 = tpu.vector_load %arg15[%get3A_219, %get3A_220] {strides = array<i32>} : memref<160x128xf32, #tpu.memory_space<vmem>>, vector<16xf32>,
      %mul3A_222 = arith.mulf %get3A_221, %gather3A : vector<16xf32>
      %get3A_223 = arith.constant 16 : index
      %get3A_224 = tpu.vector_load %arg16[%get3A_223] {strides = array<i32>} : memref<128xf32, #tpu.memory_space<vmem>>, vector<16xf32>,
      %add3A_225 = arith.addf %mul3A_222, %get3A_224 : vector<16xf32>
      %max3A_226 = arith.constant 0.000000e+00 : f32
      %max3A_227 = vector.broadcast %max3A_226 : f32 to vector<16xf32>
      %max3A_228 = arith.maximumf %add3A_225, %max3A_227 : vector<16xf32>
      %get3A_229 = arith.constant 16 : index
      %get3A_230 = tpu.vector_load %arg17[%get3A_229] {strides = array<i32>} : memref<128xf32, #tpu.memory_space<vmem>>, vector<16xf32>,
      %mul3A_231 = arith.mulf %max3A_228, %get3A_230 : vector<16xf32>
      %add3A_232 = arith.addf %add3A_218, %mul3A_231 : vector<16xf32>
      %get3A_233 = arith.index_cast %scan3A_201 : i32 to index
      %get3A_234 = arith.constant 32 : index
      %get3A_235 = tpu.vector_load %arg15[%get3A_233, %get3A_234] {strides = array<i32>} : memref<160x128xf32, #tpu.memory_space<vmem>>, vector<16xf32>,
      %mul3A_236 = arith.mulf %get3A_235, %gather3A : vector<16xf32>
      %get3A_237 = arith.constant 32 : index
      %get3A_238 = tpu.vector_load %arg16[%get3A_237] {strides = array<i32>} : memref<128xf32, #tpu.memory_space<vmem>>, vector<16xf32>,
      %add3A_239 = arith.addf %mul3A_236, %get3A_238 : vector<16xf32>
      %max3A_240 = arith.constant 0.000000e+00 : f32
      %max3A_241 = vector.broadcast %max3A_240 : f32 to vector<16xf32>
      %max3A_242 = arith.maximumf %add3A_239, %max3A_241 : vector<16xf32>
      %get3A_243 = arith.constant 32 : index
      %get3A_244 = tpu.vector_load %arg17[%get3A_243] {strides = array<i32>} : memref<128xf32, #tpu.memory_space<vmem>>, vector<16xf32>,
      %mul3A_245 = arith.mulf %max3A_242, %get3A_244 : vector<16xf32>
      %add3A_246 = arith.addf %add3A_232, %mul3A_245 : vector<16xf32>
      %get3A_247 = arith.index_cast %scan3A_201 : i32 to index
      %get3A_248 = arith.constant 48 : index
      %get3A_249 = tpu.vector_load %arg15[%get3A_247, %get3A_248] {strides = array<i32>} : memref<160x128xf32, #tpu.memory_space<vmem>>, vector<16xf32>,
      %mul3A_250 = arith.mulf %get3A_249, %gather3A : vector<16xf32>
      %get3A_251 = arith.constant 48 : index
      %get3A_252 = tpu.vector_load %arg16[%get3A_251] {strides = array<i32>} : memref<128xf32, #tpu.memory_space<vmem>>, vector<16xf32>,
      %add3A_253 = arith.addf %mul3A_250, %get3A_252 : vector<16xf32>
      %max3A_254 = arith.constant 0.000000e+00 : f32
      %max3A_255 = vector.broadcast %max3A_254 : f32 to vector<16xf32>
      %max3A_256 = arith.maximumf %add3A_253, %max3A_255 : vector<16xf32>
      %get3A_257 = arith.constant 48 : index
      %get3A_258 = tpu.vector_load %arg17[%get3A_257] {strides = array<i32>} : memref<128xf32, #tpu.memory_space<vmem>>, vector<16xf32>,
      %mul3A_259 = arith.mulf %max3A_256, %get3A_258 : vector<16xf32>
      %add3A_260 = arith.addf %add3A_246, %mul3A_259 : vector<16xf32>
      %get3A_261 = arith.index_cast %scan3A_201 : i32 to index
      %get3A_262 = arith.constant 64 : index
      %get3A_263 = tpu.vector_load %arg15[%get3A_261, %get3A_262] {strides = array<i32>} : memref<160x128xf32, #tpu.memory_space<vmem>>, vector<16xf32>,
      %mul3A_264 = arith.mulf %get3A_263, %gather3A : vector<16xf32>
      %get3A_265 = arith.constant 64 : index
      %get3A_266 = tpu.vector_load %arg16[%get3A_265] {strides = array<i32>} : memref<128xf32, #tpu.memory_space<vmem>>, vector<16xf32>,
      %add3A_267 = arith.addf %mul3A_264, %get3A_266 : vector<16xf32>
      %max3A_268 = arith.constant 0.000000e+00 : f32
      %max3A_269 = vector.broadcast %max3A_268 : f32 to vector<16xf32>
      %max3A_270 = arith.maximumf %add3A_267, %max3A_269 : vector<16xf32>
      %get3A_271 = arith.constant 64 : index
      %get3A_272 = tpu.vector_load %arg17[%get3A_271] {strides = array<i32>} : memref<128xf32, #tpu.memory_space<vmem>>, vector<16xf32>,
      %mul3A_273 = arith.mulf %max3A_270, %get3A_272 : vector<16xf32>
      %add3A_274 = arith.addf %add3A_260, %mul3A_273 : vector<16xf32>
      %get3A_275 = arith.index_cast %scan3A_201 : i32 to index
      %get3A_276 = arith.constant 80 : index
      %get3A_277 = tpu.vector_load %arg15[%get3A_275, %get3A_276] {strides = array<i32>} : memref<160x128xf32, #tpu.memory_space<vmem>>, vector<16xf32>,
      %mul3A_278 = arith.mulf %get3A_277, %gather3A : vector<16xf32>
      %get3A_279 = arith.constant 80 : index
      %get3A_280 = tpu.vector_load %arg16[%get3A_279] {strides = array<i32>} : memref<128xf32, #tpu.memory_space<vmem>>, vector<16xf32>,
      %add3A_281 = arith.addf %mul3A_278, %get3A_280 : vector<16xf32>
      %max3A_282 = arith.constant 0.000000e+00 : f32
      %max3A_283 = vector.broadcast %max3A_282 : f32 to vector<16xf32>
      %max3A_284 = arith.maximumf %add3A_281, %max3A_283 : vector<16xf32>
      %get3A_285 = arith.constant 80 : index
      %get3A_286 = tpu.vector_load %arg17[%get3A_285] {strides = array<i32>} : memref<128xf32, #tpu.memory_space<vmem>>, vector<16xf32>,
      %mul3A_287 = arith.mulf %max3A_284, %get3A_286 : vector<16xf32>
      %add3A_288 = arith.addf %add3A_274, %mul3A_287 : vector<16xf32>
      %get3A_289 = arith.index_cast %scan3A_201 : i32 to index
      %get3A_290 = arith.constant 96 : index
      %get3A_291 = tpu.vector_load %arg15[%get3A_289, %get3A_290] {strides = array<i32>} : memref<160x128xf32, #tpu.memory_space<vmem>>, vector<16xf32>,
      %mul3A_292 = arith.mulf %get3A_291, %gather3A : vector<16xf32>
      %get3A_293 = arith.constant 96 : index
      %get3A_294 = tpu.vector_load %arg16[%get3A_293] {strides = array<i32>} : memref<128xf32, #tpu.memory_space<vmem>>, vector<16xf32>,
      %add3A_295 = arith.addf %mul3A_292, %get3A_294 : vector<16xf32>
      %max3A_296 = arith.constant 0.000000e+00 : f32
      %max3A_297 = vector.broadcast %max3A_296 : f32 to vector<16xf32>
      %max3A_298 = arith.maximumf %add3A_295, %max3A_297 : vector<16xf32>
      %get3A_299 = arith.constant 96 : index
      %get3A_300 = tpu.vector_load %arg17[%get3A_299] {strides = array<i32>} : memref<128xf32, #tpu.memory_space<vmem>>, vector<16xf32>,
      %mul3A_301 = arith.mulf %max3A_298, %get3A_300 : vector<16xf32>
      %add3A_302 = arith.addf %add3A_288, %mul3A_301 : vector<16xf32>
      %get3A_303 = arith.index_cast %scan3A_201 : i32 to index
      %get3A_304 = arith.constant 112 : index
      %get3A_305 = tpu.vector_load %arg15[%get3A_303, %get3A_304] {strides = array<i32>} : memref<160x128xf32, #tpu.memory_space<vmem>>, vector<16xf32>,
      %mul3A_306 = arith.mulf %get3A_305, %gather3A : vector<16xf32>
      %get3A_307 = arith.constant 112 : index
      %get3A_308 = tpu.vector_load %arg16[%get3A_307] {strides = array<i32>} : memref<128xf32, #tpu.memory_space<vmem>>, vector<16xf32>,
      %add3A_309 = arith.addf %mul3A_306, %get3A_308 : vector<16xf32>
      %max3A_310 = arith.constant 0.000000e+00 : f32
      %max3A_311 = vector.broadcast %max3A_310 : f32 to vector<16xf32>
      %max3A_312 = arith.maximumf %add3A_309, %max3A_311 : vector<16xf32>
      %get3A_313 = arith.constant 112 : index
      %get3A_314 = tpu.vector_load %arg17[%get3A_313] {strides = array<i32>} : memref<128xf32, #tpu.memory_space<vmem>>, vector<16xf32>,
      %mul3A_315 = arith.mulf %max3A_312, %get3A_314 : vector<16xf32>
      %add3A_316 = arith.addf %add3A_302, %mul3A_315 : vector<16xf32>
      %reduce_sum3A = arith.constant true
      %reduce_sum3A_317 = vector.broadcast %reduce_sum3A : i1 to vector<16xi1>
      %reduce_sum3A_318 = tpu.scan <sum>, %add3A_316 masked %reduce_sum3A_317 : vector<16xf32>, vector<16xi1> -> vector<16xf32>
      %reduce_sum3A_319 = vector.extract %reduce_sum3A_318[15] : f32 from vector<16xf32>
      %broadcast_in_dim3A_320 = vector.broadcast %reduce_sum3A_319 : f32 to vector<16xf32>
      %add3A_321 = arith.constant 240 : i32
      %add3A_322 = arith.addi %add3A_321, %scan3A_201 : i32
      %broadcast_in_dim3A_323 = vector.broadcast %add3A_322 : i32 to vector<16xi32>
      %iota3A = tpu.iota {dimensions = array<i32: 0>} : vector<16xi32>
      %eq3A = arith.constant 0 : i32
      %eq3A_324 = vector.broadcast %eq3A : i32 to vector<16xi32>
      %eq3A_325 = arith.cmpi eq, %iota3A, %eq3A_324 : vector<16xi32>
      tpu.vector_store_idx %arg14[%broadcast_in_dim3A_323], %broadcast_in_dim3A_320 masked %eq3A_325 : memref<640xf32, #tpu.memory_space<vmem>>[vector<16xi32>], vector<16xf32>, vector<16xi1>
      %scan3A_326 = arith.constant 0 : i32
      scf.yield %scan3A_326 : i32
    }
    %scan3A_156 = arith.constant 80 : i32
    %mul3A_157 = arith.constant 640 : i32
    %mul3A_158 = arith.muli %arg1, %mul3A_157 : i32
    %add3A_159 = arith.constant 320 : i32
    %add3A_160 = arith.addi %mul3A_158, %add3A_159 : i32
    "tpu.region"() ({
      %run_scoped3A = tpu.sem_alloc : memref<!tpu.dma_semaphore, #tpu.memory_space<semaphore_mem>>
      %dma_start3A_201 = arith.constant 0 : i32
      %dma_start3A_202 = arith.constant 0 : i32
      %dma_start3A_203 = tpu.memref_slice %arg15[%dma_start3A_201, %dma_start3A_202] : memref<160x128xf32, #tpu.memory_space<vmem>> -> memref<80x128xf32, #tpu.memory_space<vmem>>
      %dma_start3A_204 = arith.constant 0 : i32
      %dma_start3A_205 = tpu.memref_slice %arg18[%add3A_160, %dma_start3A_204] : memref<10240x128xf32, #tpu.memory_space<vmem_shared>> -> memref<80x128xf32, #tpu.memory_space<vmem_shared>>
      %dma_start3A_206 = arith.constant 0 : i32
      %dma_start3A_207 = arith.constant 0 : i32
      %dma_start3A_208 = tpu.memref_slice %arg15[%dma_start3A_206, %dma_start3A_207] : memref<160x128xf32, #tpu.memory_space<vmem>> -> memref<80x128xf32, #tpu.memory_space<vmem>>
      %dma_start3A_209 = arith.constant 0 : i32
      %dma_start3A_210 = tpu.memref_slice %arg18[%add3A_160, %dma_start3A_209] : memref<10240x128xf32, #tpu.memory_space<vmem_shared>> -> memref<80x128xf32, #tpu.memory_space<vmem_shared>>
      tpu.enqueue_dma source(%dma_start3A_210 : memref<80x128xf32, #tpu.memory_space<vmem_shared>>) target(%dma_start3A_208 : memref<80x128xf32, #tpu.memory_space<vmem>>) target_semaphore(%run_scoped3A : memref<!tpu.dma_semaphore, #tpu.memory_space<semaphore_mem>>)
      %dma_wait3A_211 = arith.constant 0 : i32
      %dma_wait3A_212 = arith.constant 0 : i32
      %dma_wait3A_213 = tpu.memref_slice %arg15[%dma_wait3A_211, %dma_wait3A_212] : memref<160x128xf32, #tpu.memory_space<vmem>> -> memref<80x128xf32, #tpu.memory_space<vmem>>
      %dma_wait3A_214 = arith.constant 0 : i32
      %dma_wait3A_215 = tpu.memref_slice %arg18[%add3A_160, %dma_wait3A_214] : memref<10240x128xf32, #tpu.memory_space<vmem_shared>> -> memref<80x128xf32, #tpu.memory_space<vmem_shared>>
      %dma_wait3A_216 = arith.constant 0 : i32
      %dma_wait3A_217 = arith.constant 0 : i32
      %dma_wait3A_218 = tpu.memref_slice %arg15[%dma_wait3A_216, %dma_wait3A_217] : memref<160x128xf32, #tpu.memory_space<vmem>> -> memref<80x128xf32, #tpu.memory_space<vmem>>
      %dma_wait3A_219 = arith.constant 0 : i32
      %dma_wait3A_220 = tpu.memref_slice %arg18[%add3A_160, %dma_wait3A_219] : memref<10240x128xf32, #tpu.memory_space<vmem_shared>> -> memref<80x128xf32, #tpu.memory_space<vmem_shared>>
      tpu.wait_dma2 semaphore(%run_scoped3A : memref<!tpu.dma_semaphore, #tpu.memory_space<semaphore_mem>>) src(%dma_wait3A_220 : memref<80x128xf32, #tpu.memory_space<vmem_shared>>) dst(%dma_wait3A_218 : memref<80x128xf32, #tpu.memory_space<vmem>>)
      tpu.yield
    }) : () -> ()
    %scan3A_161 = arith.constant 0 : i32
    %scan3A_162 = arith.constant 0 : i32
    %scan3A_163 = arith.constant 80 : i32
    %scan3A_164 = arith.addi %scan3A_162, %scan3A_163 : i32
    %scan3A_165 = arith.constant 1 : i32
    %scan3A_166 = scf.for %scan3A_201 = %scan3A_162 to %scan3A_164 step %scan3A_165 iter_args(%scan3A_202 = %scan3A_161) -> (i32)  : i32 {
      %add3A_203 = arith.constant 320 : i32
      %add3A_204 = arith.addi %add3A_203, %scan3A_201 : i32
      %broadcast_in_dim3A = vector.broadcast %add3A_204 : i32 to vector<16xi32>
      %gather3A = tpu.vector_load_idx %arg13[%broadcast_in_dim3A] : memref<640xf32, #tpu.memory_space<vmem>>[vector<16xi32>], vector<16xf32>,
      %broadcast_in_dim3A_205 = arith.constant 0.000000e+00 : f32
      %broadcast_in_dim3A_206 = vector.broadcast %broadcast_in_dim3A_205 : f32 to vector<16xf32>
      %get3A = arith.index_cast %scan3A_201 : i32 to index
      %get3A_207 = arith.constant 0 : index
      %get3A_208 = tpu.vector_load %arg15[%get3A, %get3A_207] {strides = array<i32>} : memref<160x128xf32, #tpu.memory_space<vmem>>, vector<16xf32>,
      %mul3A_209 = arith.mulf %get3A_208, %gather3A : vector<16xf32>
      %get3A_210 = arith.constant 0 : index
      %get3A_211 = tpu.vector_load %arg16[%get3A_210] {strides = array<i32>} : memref<128xf32, #tpu.memory_space<vmem>>, vector<16xf32>,
      %add3A_212 = arith.addf %mul3A_209, %get3A_211 : vector<16xf32>
      %max3A = arith.constant 0.000000e+00 : f32
      %max3A_213 = vector.broadcast %max3A : f32 to vector<16xf32>
      %max3A_214 = arith.maximumf %add3A_212, %max3A_213 : vector<16xf32>
      %get3A_215 = arith.constant 0 : index
      %get3A_216 = tpu.vector_load %arg17[%get3A_215] {strides = array<i32>} : memref<128xf32, #tpu.memory_space<vmem>>, vector<16xf32>,
      %mul3A_217 = arith.mulf %max3A_214, %get3A_216 : vector<16xf32>
      %add3A_218 = arith.addf %broadcast_in_dim3A_206, %mul3A_217 : vector<16xf32>
      %get3A_219 = arith.index_cast %scan3A_201 : i32 to index
      %get3A_220 = arith.constant 16 : index
      %get3A_221 = tpu.vector_load %arg15[%get3A_219, %get3A_220] {strides = array<i32>} : memref<160x128xf32, #tpu.memory_space<vmem>>, vector<16xf32>,
      %mul3A_222 = arith.mulf %get3A_221, %gather3A : vector<16xf32>
      %get3A_223 = arith.constant 16 : index
      %get3A_224 = tpu.vector_load %arg16[%get3A_223] {strides = array<i32>} : memref<128xf32, #tpu.memory_space<vmem>>, vector<16xf32>,
      %add3A_225 = arith.addf %mul3A_222, %get3A_224 : vector<16xf32>
      %max3A_226 = arith.constant 0.000000e+00 : f32
      %max3A_227 = vector.broadcast %max3A_226 : f32 to vector<16xf32>
      %max3A_228 = arith.maximumf %add3A_225, %max3A_227 : vector<16xf32>
      %get3A_229 = arith.constant 16 : index
      %get3A_230 = tpu.vector_load %arg17[%get3A_229] {strides = array<i32>} : memref<128xf32, #tpu.memory_space<vmem>>, vector<16xf32>,
      %mul3A_231 = arith.mulf %max3A_228, %get3A_230 : vector<16xf32>
      %add3A_232 = arith.addf %add3A_218, %mul3A_231 : vector<16xf32>
      %get3A_233 = arith.index_cast %scan3A_201 : i32 to index
      %get3A_234 = arith.constant 32 : index
      %get3A_235 = tpu.vector_load %arg15[%get3A_233, %get3A_234] {strides = array<i32>} : memref<160x128xf32, #tpu.memory_space<vmem>>, vector<16xf32>,
      %mul3A_236 = arith.mulf %get3A_235, %gather3A : vector<16xf32>
      %get3A_237 = arith.constant 32 : index
      %get3A_238 = tpu.vector_load %arg16[%get3A_237] {strides = array<i32>} : memref<128xf32, #tpu.memory_space<vmem>>, vector<16xf32>,
      %add3A_239 = arith.addf %mul3A_236, %get3A_238 : vector<16xf32>
      %max3A_240 = arith.constant 0.000000e+00 : f32
      %max3A_241 = vector.broadcast %max3A_240 : f32 to vector<16xf32>
      %max3A_242 = arith.maximumf %add3A_239, %max3A_241 : vector<16xf32>
      %get3A_243 = arith.constant 32 : index
      %get3A_244 = tpu.vector_load %arg17[%get3A_243] {strides = array<i32>} : memref<128xf32, #tpu.memory_space<vmem>>, vector<16xf32>,
      %mul3A_245 = arith.mulf %max3A_242, %get3A_244 : vector<16xf32>
      %add3A_246 = arith.addf %add3A_232, %mul3A_245 : vector<16xf32>
      %get3A_247 = arith.index_cast %scan3A_201 : i32 to index
      %get3A_248 = arith.constant 48 : index
      %get3A_249 = tpu.vector_load %arg15[%get3A_247, %get3A_248] {strides = array<i32>} : memref<160x128xf32, #tpu.memory_space<vmem>>, vector<16xf32>,
      %mul3A_250 = arith.mulf %get3A_249, %gather3A : vector<16xf32>
      %get3A_251 = arith.constant 48 : index
      %get3A_252 = tpu.vector_load %arg16[%get3A_251] {strides = array<i32>} : memref<128xf32, #tpu.memory_space<vmem>>, vector<16xf32>,
      %add3A_253 = arith.addf %mul3A_250, %get3A_252 : vector<16xf32>
      %max3A_254 = arith.constant 0.000000e+00 : f32
      %max3A_255 = vector.broadcast %max3A_254 : f32 to vector<16xf32>
      %max3A_256 = arith.maximumf %add3A_253, %max3A_255 : vector<16xf32>
      %get3A_257 = arith.constant 48 : index
      %get3A_258 = tpu.vector_load %arg17[%get3A_257] {strides = array<i32>} : memref<128xf32, #tpu.memory_space<vmem>>, vector<16xf32>,
      %mul3A_259 = arith.mulf %max3A_256, %get3A_258 : vector<16xf32>
      %add3A_260 = arith.addf %add3A_246, %mul3A_259 : vector<16xf32>
      %get3A_261 = arith.index_cast %scan3A_201 : i32 to index
      %get3A_262 = arith.constant 64 : index
      %get3A_263 = tpu.vector_load %arg15[%get3A_261, %get3A_262] {strides = array<i32>} : memref<160x128xf32, #tpu.memory_space<vmem>>, vector<16xf32>,
      %mul3A_264 = arith.mulf %get3A_263, %gather3A : vector<16xf32>
      %get3A_265 = arith.constant 64 : index
      %get3A_266 = tpu.vector_load %arg16[%get3A_265] {strides = array<i32>} : memref<128xf32, #tpu.memory_space<vmem>>, vector<16xf32>,
      %add3A_267 = arith.addf %mul3A_264, %get3A_266 : vector<16xf32>
      %max3A_268 = arith.constant 0.000000e+00 : f32
      %max3A_269 = vector.broadcast %max3A_268 : f32 to vector<16xf32>
      %max3A_270 = arith.maximumf %add3A_267, %max3A_269 : vector<16xf32>
      %get3A_271 = arith.constant 64 : index
      %get3A_272 = tpu.vector_load %arg17[%get3A_271] {strides = array<i32>} : memref<128xf32, #tpu.memory_space<vmem>>, vector<16xf32>,
      %mul3A_273 = arith.mulf %max3A_270, %get3A_272 : vector<16xf32>
      %add3A_274 = arith.addf %add3A_260, %mul3A_273 : vector<16xf32>
      %get3A_275 = arith.index_cast %scan3A_201 : i32 to index
      %get3A_276 = arith.constant 80 : index
      %get3A_277 = tpu.vector_load %arg15[%get3A_275, %get3A_276] {strides = array<i32>} : memref<160x128xf32, #tpu.memory_space<vmem>>, vector<16xf32>,
      %mul3A_278 = arith.mulf %get3A_277, %gather3A : vector<16xf32>
      %get3A_279 = arith.constant 80 : index
      %get3A_280 = tpu.vector_load %arg16[%get3A_279] {strides = array<i32>} : memref<128xf32, #tpu.memory_space<vmem>>, vector<16xf32>,
      %add3A_281 = arith.addf %mul3A_278, %get3A_280 : vector<16xf32>
      %max3A_282 = arith.constant 0.000000e+00 : f32
      %max3A_283 = vector.broadcast %max3A_282 : f32 to vector<16xf32>
      %max3A_284 = arith.maximumf %add3A_281, %max3A_283 : vector<16xf32>
      %get3A_285 = arith.constant 80 : index
      %get3A_286 = tpu.vector_load %arg17[%get3A_285] {strides = array<i32>} : memref<128xf32, #tpu.memory_space<vmem>>, vector<16xf32>,
      %mul3A_287 = arith.mulf %max3A_284, %get3A_286 : vector<16xf32>
      %add3A_288 = arith.addf %add3A_274, %mul3A_287 : vector<16xf32>
      %get3A_289 = arith.index_cast %scan3A_201 : i32 to index
      %get3A_290 = arith.constant 96 : index
      %get3A_291 = tpu.vector_load %arg15[%get3A_289, %get3A_290] {strides = array<i32>} : memref<160x128xf32, #tpu.memory_space<vmem>>, vector<16xf32>,
      %mul3A_292 = arith.mulf %get3A_291, %gather3A : vector<16xf32>
      %get3A_293 = arith.constant 96 : index
      %get3A_294 = tpu.vector_load %arg16[%get3A_293] {strides = array<i32>} : memref<128xf32, #tpu.memory_space<vmem>>, vector<16xf32>,
      %add3A_295 = arith.addf %mul3A_292, %get3A_294 : vector<16xf32>
      %max3A_296 = arith.constant 0.000000e+00 : f32
      %max3A_297 = vector.broadcast %max3A_296 : f32 to vector<16xf32>
      %max3A_298 = arith.maximumf %add3A_295, %max3A_297 : vector<16xf32>
      %get3A_299 = arith.constant 96 : index
      %get3A_300 = tpu.vector_load %arg17[%get3A_299] {strides = array<i32>} : memref<128xf32, #tpu.memory_space<vmem>>, vector<16xf32>,
      %mul3A_301 = arith.mulf %max3A_298, %get3A_300 : vector<16xf32>
      %add3A_302 = arith.addf %add3A_288, %mul3A_301 : vector<16xf32>
      %get3A_303 = arith.index_cast %scan3A_201 : i32 to index
      %get3A_304 = arith.constant 112 : index
      %get3A_305 = tpu.vector_load %arg15[%get3A_303, %get3A_304] {strides = array<i32>} : memref<160x128xf32, #tpu.memory_space<vmem>>, vector<16xf32>,
      %mul3A_306 = arith.mulf %get3A_305, %gather3A : vector<16xf32>
      %get3A_307 = arith.constant 112 : index
      %get3A_308 = tpu.vector_load %arg16[%get3A_307] {strides = array<i32>} : memref<128xf32, #tpu.memory_space<vmem>>, vector<16xf32>,
      %add3A_309 = arith.addf %mul3A_306, %get3A_308 : vector<16xf32>
      %max3A_310 = arith.constant 0.000000e+00 : f32
      %max3A_311 = vector.broadcast %max3A_310 : f32 to vector<16xf32>
      %max3A_312 = arith.maximumf %add3A_309, %max3A_311 : vector<16xf32>
      %get3A_313 = arith.constant 112 : index
      %get3A_314 = tpu.vector_load %arg17[%get3A_313] {strides = array<i32>} : memref<128xf32, #tpu.memory_space<vmem>>, vector<16xf32>,
      %mul3A_315 = arith.mulf %max3A_312, %get3A_314 : vector<16xf32>
      %add3A_316 = arith.addf %add3A_302, %mul3A_315 : vector<16xf32>
      %reduce_sum3A = arith.constant true
      %reduce_sum3A_317 = vector.broadcast %reduce_sum3A : i1 to vector<16xi1>
      %reduce_sum3A_318 = tpu.scan <sum>, %add3A_316 masked %reduce_sum3A_317 : vector<16xf32>, vector<16xi1> -> vector<16xf32>
      %reduce_sum3A_319 = vector.extract %reduce_sum3A_318[15] : f32 from vector<16xf32>
      %broadcast_in_dim3A_320 = vector.broadcast %reduce_sum3A_319 : f32 to vector<16xf32>
      %add3A_321 = arith.constant 320 : i32
      %add3A_322 = arith.addi %add3A_321, %scan3A_201 : i32
      %broadcast_in_dim3A_323 = vector.broadcast %add3A_322 : i32 to vector<16xi32>
      %iota3A = tpu.iota {dimensions = array<i32: 0>} : vector<16xi32>
      %eq3A = arith.constant 0 : i32
      %eq3A_324 = vector.broadcast %eq3A : i32 to vector<16xi32>
      %eq3A_325 = arith.cmpi eq, %iota3A, %eq3A_324 : vector<16xi32>
      tpu.vector_store_idx %arg14[%broadcast_in_dim3A_323], %broadcast_in_dim3A_320 masked %eq3A_325 : memref<640xf32, #tpu.memory_space<vmem>>[vector<16xi32>], vector<16xf32>, vector<16xi1>
      %scan3A_326 = arith.constant 0 : i32
      scf.yield %scan3A_326 : i32
    }
    %scan3A_167 = arith.constant 80 : i32
    %mul3A_168 = arith.constant 640 : i32
    %mul3A_169 = arith.muli %arg1, %mul3A_168 : i32
    %add3A_170 = arith.constant 400 : i32
    %add3A_171 = arith.addi %mul3A_169, %add3A_170 : i32
    "tpu.region"() ({
      %run_scoped3A = tpu.sem_alloc : memref<!tpu.dma_semaphore, #tpu.memory_space<semaphore_mem>>
      %dma_start3A_201 = arith.constant 0 : i32
      %dma_start3A_202 = arith.constant 0 : i32
      %dma_start3A_203 = tpu.memref_slice %arg15[%dma_start3A_201, %dma_start3A_202] : memref<160x128xf32, #tpu.memory_space<vmem>> -> memref<80x128xf32, #tpu.memory_space<vmem>>
      %dma_start3A_204 = arith.constant 0 : i32
      %dma_start3A_205 = tpu.memref_slice %arg18[%add3A_171, %dma_start3A_204] : memref<10240x128xf32, #tpu.memory_space<vmem_shared>> -> memref<80x128xf32, #tpu.memory_space<vmem_shared>>
      %dma_start3A_206 = arith.constant 0 : i32
      %dma_start3A_207 = arith.constant 0 : i32
      %dma_start3A_208 = tpu.memref_slice %arg15[%dma_start3A_206, %dma_start3A_207] : memref<160x128xf32, #tpu.memory_space<vmem>> -> memref<80x128xf32, #tpu.memory_space<vmem>>
      %dma_start3A_209 = arith.constant 0 : i32
      %dma_start3A_210 = tpu.memref_slice %arg18[%add3A_171, %dma_start3A_209] : memref<10240x128xf32, #tpu.memory_space<vmem_shared>> -> memref<80x128xf32, #tpu.memory_space<vmem_shared>>
      tpu.enqueue_dma source(%dma_start3A_210 : memref<80x128xf32, #tpu.memory_space<vmem_shared>>) target(%dma_start3A_208 : memref<80x128xf32, #tpu.memory_space<vmem>>) target_semaphore(%run_scoped3A : memref<!tpu.dma_semaphore, #tpu.memory_space<semaphore_mem>>)
      %dma_wait3A_211 = arith.constant 0 : i32
      %dma_wait3A_212 = arith.constant 0 : i32
      %dma_wait3A_213 = tpu.memref_slice %arg15[%dma_wait3A_211, %dma_wait3A_212] : memref<160x128xf32, #tpu.memory_space<vmem>> -> memref<80x128xf32, #tpu.memory_space<vmem>>
      %dma_wait3A_214 = arith.constant 0 : i32
      %dma_wait3A_215 = tpu.memref_slice %arg18[%add3A_171, %dma_wait3A_214] : memref<10240x128xf32, #tpu.memory_space<vmem_shared>> -> memref<80x128xf32, #tpu.memory_space<vmem_shared>>
      %dma_wait3A_216 = arith.constant 0 : i32
      %dma_wait3A_217 = arith.constant 0 : i32
      %dma_wait3A_218 = tpu.memref_slice %arg15[%dma_wait3A_216, %dma_wait3A_217] : memref<160x128xf32, #tpu.memory_space<vmem>> -> memref<80x128xf32, #tpu.memory_space<vmem>>
      %dma_wait3A_219 = arith.constant 0 : i32
      %dma_wait3A_220 = tpu.memref_slice %arg18[%add3A_171, %dma_wait3A_219] : memref<10240x128xf32, #tpu.memory_space<vmem_shared>> -> memref<80x128xf32, #tpu.memory_space<vmem_shared>>
      tpu.wait_dma2 semaphore(%run_scoped3A : memref<!tpu.dma_semaphore, #tpu.memory_space<semaphore_mem>>) src(%dma_wait3A_220 : memref<80x128xf32, #tpu.memory_space<vmem_shared>>) dst(%dma_wait3A_218 : memref<80x128xf32, #tpu.memory_space<vmem>>)
      tpu.yield
    }) : () -> ()
    %scan3A_172 = arith.constant 0 : i32
    %scan3A_173 = arith.constant 0 : i32
    %scan3A_174 = arith.constant 80 : i32
    %scan3A_175 = arith.addi %scan3A_173, %scan3A_174 : i32
    %scan3A_176 = arith.constant 1 : i32
    %scan3A_177 = scf.for %scan3A_201 = %scan3A_173 to %scan3A_175 step %scan3A_176 iter_args(%scan3A_202 = %scan3A_172) -> (i32)  : i32 {
      %add3A_203 = arith.constant 400 : i32
      %add3A_204 = arith.addi %add3A_203, %scan3A_201 : i32
      %broadcast_in_dim3A = vector.broadcast %add3A_204 : i32 to vector<16xi32>
      %gather3A = tpu.vector_load_idx %arg13[%broadcast_in_dim3A] : memref<640xf32, #tpu.memory_space<vmem>>[vector<16xi32>], vector<16xf32>,
      %broadcast_in_dim3A_205 = arith.constant 0.000000e+00 : f32
      %broadcast_in_dim3A_206 = vector.broadcast %broadcast_in_dim3A_205 : f32 to vector<16xf32>
      %get3A = arith.index_cast %scan3A_201 : i32 to index
      %get3A_207 = arith.constant 0 : index
      %get3A_208 = tpu.vector_load %arg15[%get3A, %get3A_207] {strides = array<i32>} : memref<160x128xf32, #tpu.memory_space<vmem>>, vector<16xf32>,
      %mul3A_209 = arith.mulf %get3A_208, %gather3A : vector<16xf32>
      %get3A_210 = arith.constant 0 : index
      %get3A_211 = tpu.vector_load %arg16[%get3A_210] {strides = array<i32>} : memref<128xf32, #tpu.memory_space<vmem>>, vector<16xf32>,
      %add3A_212 = arith.addf %mul3A_209, %get3A_211 : vector<16xf32>
      %max3A = arith.constant 0.000000e+00 : f32
      %max3A_213 = vector.broadcast %max3A : f32 to vector<16xf32>
      %max3A_214 = arith.maximumf %add3A_212, %max3A_213 : vector<16xf32>
      %get3A_215 = arith.constant 0 : index
      %get3A_216 = tpu.vector_load %arg17[%get3A_215] {strides = array<i32>} : memref<128xf32, #tpu.memory_space<vmem>>, vector<16xf32>,
      %mul3A_217 = arith.mulf %max3A_214, %get3A_216 : vector<16xf32>
      %add3A_218 = arith.addf %broadcast_in_dim3A_206, %mul3A_217 : vector<16xf32>
      %get3A_219 = arith.index_cast %scan3A_201 : i32 to index
      %get3A_220 = arith.constant 16 : index
      %get3A_221 = tpu.vector_load %arg15[%get3A_219, %get3A_220] {strides = array<i32>} : memref<160x128xf32, #tpu.memory_space<vmem>>, vector<16xf32>,
      %mul3A_222 = arith.mulf %get3A_221, %gather3A : vector<16xf32>
      %get3A_223 = arith.constant 16 : index
      %get3A_224 = tpu.vector_load %arg16[%get3A_223] {strides = array<i32>} : memref<128xf32, #tpu.memory_space<vmem>>, vector<16xf32>,
      %add3A_225 = arith.addf %mul3A_222, %get3A_224 : vector<16xf32>
      %max3A_226 = arith.constant 0.000000e+00 : f32
      %max3A_227 = vector.broadcast %max3A_226 : f32 to vector<16xf32>
      %max3A_228 = arith.maximumf %add3A_225, %max3A_227 : vector<16xf32>
      %get3A_229 = arith.constant 16 : index
      %get3A_230 = tpu.vector_load %arg17[%get3A_229] {strides = array<i32>} : memref<128xf32, #tpu.memory_space<vmem>>, vector<16xf32>,
      %mul3A_231 = arith.mulf %max3A_228, %get3A_230 : vector<16xf32>
      %add3A_232 = arith.addf %add3A_218, %mul3A_231 : vector<16xf32>
      %get3A_233 = arith.index_cast %scan3A_201 : i32 to index
      %get3A_234 = arith.constant 32 : index
      %get3A_235 = tpu.vector_load %arg15[%get3A_233, %get3A_234] {strides = array<i32>} : memref<160x128xf32, #tpu.memory_space<vmem>>, vector<16xf32>,
      %mul3A_236 = arith.mulf %get3A_235, %gather3A : vector<16xf32>
      %get3A_237 = arith.constant 32 : index
      %get3A_238 = tpu.vector_load %arg16[%get3A_237] {strides = array<i32>} : memref<128xf32, #tpu.memory_space<vmem>>, vector<16xf32>,
      %add3A_239 = arith.addf %mul3A_236, %get3A_238 : vector<16xf32>
      %max3A_240 = arith.constant 0.000000e+00 : f32
      %max3A_241 = vector.broadcast %max3A_240 : f32 to vector<16xf32>
      %max3A_242 = arith.maximumf %add3A_239, %max3A_241 : vector<16xf32>
      %get3A_243 = arith.constant 32 : index
      %get3A_244 = tpu.vector_load %arg17[%get3A_243] {strides = array<i32>} : memref<128xf32, #tpu.memory_space<vmem>>, vector<16xf32>,
      %mul3A_245 = arith.mulf %max3A_242, %get3A_244 : vector<16xf32>
      %add3A_246 = arith.addf %add3A_232, %mul3A_245 : vector<16xf32>
      %get3A_247 = arith.index_cast %scan3A_201 : i32 to index
      %get3A_248 = arith.constant 48 : index
      %get3A_249 = tpu.vector_load %arg15[%get3A_247, %get3A_248] {strides = array<i32>} : memref<160x128xf32, #tpu.memory_space<vmem>>, vector<16xf32>,
      %mul3A_250 = arith.mulf %get3A_249, %gather3A : vector<16xf32>
      %get3A_251 = arith.constant 48 : index
      %get3A_252 = tpu.vector_load %arg16[%get3A_251] {strides = array<i32>} : memref<128xf32, #tpu.memory_space<vmem>>, vector<16xf32>,
      %add3A_253 = arith.addf %mul3A_250, %get3A_252 : vector<16xf32>
      %max3A_254 = arith.constant 0.000000e+00 : f32
      %max3A_255 = vector.broadcast %max3A_254 : f32 to vector<16xf32>
      %max3A_256 = arith.maximumf %add3A_253, %max3A_255 : vector<16xf32>
      %get3A_257 = arith.constant 48 : index
      %get3A_258 = tpu.vector_load %arg17[%get3A_257] {strides = array<i32>} : memref<128xf32, #tpu.memory_space<vmem>>, vector<16xf32>,
      %mul3A_259 = arith.mulf %max3A_256, %get3A_258 : vector<16xf32>
      %add3A_260 = arith.addf %add3A_246, %mul3A_259 : vector<16xf32>
      %get3A_261 = arith.index_cast %scan3A_201 : i32 to index
      %get3A_262 = arith.constant 64 : index
      %get3A_263 = tpu.vector_load %arg15[%get3A_261, %get3A_262] {strides = array<i32>} : memref<160x128xf32, #tpu.memory_space<vmem>>, vector<16xf32>,
      %mul3A_264 = arith.mulf %get3A_263, %gather3A : vector<16xf32>
      %get3A_265 = arith.constant 64 : index
      %get3A_266 = tpu.vector_load %arg16[%get3A_265] {strides = array<i32>} : memref<128xf32, #tpu.memory_space<vmem>>, vector<16xf32>,
      %add3A_267 = arith.addf %mul3A_264, %get3A_266 : vector<16xf32>
      %max3A_268 = arith.constant 0.000000e+00 : f32
      %max3A_269 = vector.broadcast %max3A_268 : f32 to vector<16xf32>
      %max3A_270 = arith.maximumf %add3A_267, %max3A_269 : vector<16xf32>
      %get3A_271 = arith.constant 64 : index
      %get3A_272 = tpu.vector_load %arg17[%get3A_271] {strides = array<i32>} : memref<128xf32, #tpu.memory_space<vmem>>, vector<16xf32>,
      %mul3A_273 = arith.mulf %max3A_270, %get3A_272 : vector<16xf32>
      %add3A_274 = arith.addf %add3A_260, %mul3A_273 : vector<16xf32>
      %get3A_275 = arith.index_cast %scan3A_201 : i32 to index
      %get3A_276 = arith.constant 80 : index
      %get3A_277 = tpu.vector_load %arg15[%get3A_275, %get3A_276] {strides = array<i32>} : memref<160x128xf32, #tpu.memory_space<vmem>>, vector<16xf32>,
      %mul3A_278 = arith.mulf %get3A_277, %gather3A : vector<16xf32>
      %get3A_279 = arith.constant 80 : index
      %get3A_280 = tpu.vector_load %arg16[%get3A_279] {strides = array<i32>} : memref<128xf32, #tpu.memory_space<vmem>>, vector<16xf32>,
      %add3A_281 = arith.addf %mul3A_278, %get3A_280 : vector<16xf32>
      %max3A_282 = arith.constant 0.000000e+00 : f32
      %max3A_283 = vector.broadcast %max3A_282 : f32 to vector<16xf32>
      %max3A_284 = arith.maximumf %add3A_281, %max3A_283 : vector<16xf32>
      %get3A_285 = arith.constant 80 : index
      %get3A_286 = tpu.vector_load %arg17[%get3A_285] {strides = array<i32>} : memref<128xf32, #tpu.memory_space<vmem>>, vector<16xf32>,
      %mul3A_287 = arith.mulf %max3A_284, %get3A_286 : vector<16xf32>
      %add3A_288 = arith.addf %add3A_274, %mul3A_287 : vector<16xf32>
      %get3A_289 = arith.index_cast %scan3A_201 : i32 to index
      %get3A_290 = arith.constant 96 : index
      %get3A_291 = tpu.vector_load %arg15[%get3A_289, %get3A_290] {strides = array<i32>} : memref<160x128xf32, #tpu.memory_space<vmem>>, vector<16xf32>,
      %mul3A_292 = arith.mulf %get3A_291, %gather3A : vector<16xf32>
      %get3A_293 = arith.constant 96 : index
      %get3A_294 = tpu.vector_load %arg16[%get3A_293] {strides = array<i32>} : memref<128xf32, #tpu.memory_space<vmem>>, vector<16xf32>,
      %add3A_295 = arith.addf %mul3A_292, %get3A_294 : vector<16xf32>
      %max3A_296 = arith.constant 0.000000e+00 : f32
      %max3A_297 = vector.broadcast %max3A_296 : f32 to vector<16xf32>
      %max3A_298 = arith.maximumf %add3A_295, %max3A_297 : vector<16xf32>
      %get3A_299 = arith.constant 96 : index
      %get3A_300 = tpu.vector_load %arg17[%get3A_299] {strides = array<i32>} : memref<128xf32, #tpu.memory_space<vmem>>, vector<16xf32>,
      %mul3A_301 = arith.mulf %max3A_298, %get3A_300 : vector<16xf32>
      %add3A_302 = arith.addf %add3A_288, %mul3A_301 : vector<16xf32>
      %get3A_303 = arith.index_cast %scan3A_201 : i32 to index
      %get3A_304 = arith.constant 112 : index
      %get3A_305 = tpu.vector_load %arg15[%get3A_303, %get3A_304] {strides = array<i32>} : memref<160x128xf32, #tpu.memory_space<vmem>>, vector<16xf32>,
      %mul3A_306 = arith.mulf %get3A_305, %gather3A : vector<16xf32>
      %get3A_307 = arith.constant 112 : index
      %get3A_308 = tpu.vector_load %arg16[%get3A_307] {strides = array<i32>} : memref<128xf32, #tpu.memory_space<vmem>>, vector<16xf32>,
      %add3A_309 = arith.addf %mul3A_306, %get3A_308 : vector<16xf32>
      %max3A_310 = arith.constant 0.000000e+00 : f32
      %max3A_311 = vector.broadcast %max3A_310 : f32 to vector<16xf32>
      %max3A_312 = arith.maximumf %add3A_309, %max3A_311 : vector<16xf32>
      %get3A_313 = arith.constant 112 : index
      %get3A_314 = tpu.vector_load %arg17[%get3A_313] {strides = array<i32>} : memref<128xf32, #tpu.memory_space<vmem>>, vector<16xf32>,
      %mul3A_315 = arith.mulf %max3A_312, %get3A_314 : vector<16xf32>
      %add3A_316 = arith.addf %add3A_302, %mul3A_315 : vector<16xf32>
      %reduce_sum3A = arith.constant true
      %reduce_sum3A_317 = vector.broadcast %reduce_sum3A : i1 to vector<16xi1>
      %reduce_sum3A_318 = tpu.scan <sum>, %add3A_316 masked %reduce_sum3A_317 : vector<16xf32>, vector<16xi1> -> vector<16xf32>
      %reduce_sum3A_319 = vector.extract %reduce_sum3A_318[15] : f32 from vector<16xf32>
      %broadcast_in_dim3A_320 = vector.broadcast %reduce_sum3A_319 : f32 to vector<16xf32>
      %add3A_321 = arith.constant 400 : i32
      %add3A_322 = arith.addi %add3A_321, %scan3A_201 : i32
      %broadcast_in_dim3A_323 = vector.broadcast %add3A_322 : i32 to vector<16xi32>
      %iota3A = tpu.iota {dimensions = array<i32: 0>} : vector<16xi32>
      %eq3A = arith.constant 0 : i32
      %eq3A_324 = vector.broadcast %eq3A : i32 to vector<16xi32>
      %eq3A_325 = arith.cmpi eq, %iota3A, %eq3A_324 : vector<16xi32>
      tpu.vector_store_idx %arg14[%broadcast_in_dim3A_323], %broadcast_in_dim3A_320 masked %eq3A_325 : memref<640xf32, #tpu.memory_space<vmem>>[vector<16xi32>], vector<16xf32>, vector<16xi1>
      %scan3A_326 = arith.constant 0 : i32
      scf.yield %scan3A_326 : i32
    }
    %scan3A_178 = arith.constant 80 : i32
    %mul3A_179 = arith.constant 640 : i32
    %mul3A_180 = arith.muli %arg1, %mul3A_179 : i32
    %add3A_181 = arith.constant 480 : i32
    %add3A_182 = arith.addi %mul3A_180, %add3A_181 : i32
    "tpu.region"() ({
      %run_scoped3A = tpu.sem_alloc : memref<!tpu.dma_semaphore, #tpu.memory_space<semaphore_mem>>
      %dma_start3A_201 = arith.constant 0 : i32
      %dma_start3A_202 = arith.constant 0 : i32
      %dma_start3A_203 = tpu.memref_slice %arg15[%dma_start3A_201, %dma_start3A_202] : memref<160x128xf32, #tpu.memory_space<vmem>> -> memref<80x128xf32, #tpu.memory_space<vmem>>
      %dma_start3A_204 = arith.constant 0 : i32
      %dma_start3A_205 = tpu.memref_slice %arg18[%add3A_182, %dma_start3A_204] : memref<10240x128xf32, #tpu.memory_space<vmem_shared>> -> memref<80x128xf32, #tpu.memory_space<vmem_shared>>
      %dma_start3A_206 = arith.constant 0 : i32
      %dma_start3A_207 = arith.constant 0 : i32
      %dma_start3A_208 = tpu.memref_slice %arg15[%dma_start3A_206, %dma_start3A_207] : memref<160x128xf32, #tpu.memory_space<vmem>> -> memref<80x128xf32, #tpu.memory_space<vmem>>
      %dma_start3A_209 = arith.constant 0 : i32
      %dma_start3A_210 = tpu.memref_slice %arg18[%add3A_182, %dma_start3A_209] : memref<10240x128xf32, #tpu.memory_space<vmem_shared>> -> memref<80x128xf32, #tpu.memory_space<vmem_shared>>
      tpu.enqueue_dma source(%dma_start3A_210 : memref<80x128xf32, #tpu.memory_space<vmem_shared>>) target(%dma_start3A_208 : memref<80x128xf32, #tpu.memory_space<vmem>>) target_semaphore(%run_scoped3A : memref<!tpu.dma_semaphore, #tpu.memory_space<semaphore_mem>>)
      %dma_wait3A_211 = arith.constant 0 : i32
      %dma_wait3A_212 = arith.constant 0 : i32
      %dma_wait3A_213 = tpu.memref_slice %arg15[%dma_wait3A_211, %dma_wait3A_212] : memref<160x128xf32, #tpu.memory_space<vmem>> -> memref<80x128xf32, #tpu.memory_space<vmem>>
      %dma_wait3A_214 = arith.constant 0 : i32
      %dma_wait3A_215 = tpu.memref_slice %arg18[%add3A_182, %dma_wait3A_214] : memref<10240x128xf32, #tpu.memory_space<vmem_shared>> -> memref<80x128xf32, #tpu.memory_space<vmem_shared>>
      %dma_wait3A_216 = arith.constant 0 : i32
      %dma_wait3A_217 = arith.constant 0 : i32
      %dma_wait3A_218 = tpu.memref_slice %arg15[%dma_wait3A_216, %dma_wait3A_217] : memref<160x128xf32, #tpu.memory_space<vmem>> -> memref<80x128xf32, #tpu.memory_space<vmem>>
      %dma_wait3A_219 = arith.constant 0 : i32
      %dma_wait3A_220 = tpu.memref_slice %arg18[%add3A_182, %dma_wait3A_219] : memref<10240x128xf32, #tpu.memory_space<vmem_shared>> -> memref<80x128xf32, #tpu.memory_space<vmem_shared>>
      tpu.wait_dma2 semaphore(%run_scoped3A : memref<!tpu.dma_semaphore, #tpu.memory_space<semaphore_mem>>) src(%dma_wait3A_220 : memref<80x128xf32, #tpu.memory_space<vmem_shared>>) dst(%dma_wait3A_218 : memref<80x128xf32, #tpu.memory_space<vmem>>)
      tpu.yield
    }) : () -> ()
    %scan3A_183 = arith.constant 0 : i32
    %scan3A_184 = arith.constant 0 : i32
    %scan3A_185 = arith.constant 80 : i32
    %scan3A_186 = arith.addi %scan3A_184, %scan3A_185 : i32
    %scan3A_187 = arith.constant 1 : i32
    %scan3A_188 = scf.for %scan3A_201 = %scan3A_184 to %scan3A_186 step %scan3A_187 iter_args(%scan3A_202 = %scan3A_183) -> (i32)  : i32 {
      %add3A_203 = arith.constant 480 : i32
      %add3A_204 = arith.addi %add3A_203, %scan3A_201 : i32
      %broadcast_in_dim3A = vector.broadcast %add3A_204 : i32 to vector<16xi32>
      %gather3A = tpu.vector_load_idx %arg13[%broadcast_in_dim3A] : memref<640xf32, #tpu.memory_space<vmem>>[vector<16xi32>], vector<16xf32>,
      %broadcast_in_dim3A_205 = arith.constant 0.000000e+00 : f32
      %broadcast_in_dim3A_206 = vector.broadcast %broadcast_in_dim3A_205 : f32 to vector<16xf32>
      %get3A = arith.index_cast %scan3A_201 : i32 to index
      %get3A_207 = arith.constant 0 : index
      %get3A_208 = tpu.vector_load %arg15[%get3A, %get3A_207] {strides = array<i32>} : memref<160x128xf32, #tpu.memory_space<vmem>>, vector<16xf32>,
      %mul3A_209 = arith.mulf %get3A_208, %gather3A : vector<16xf32>
      %get3A_210 = arith.constant 0 : index
      %get3A_211 = tpu.vector_load %arg16[%get3A_210] {strides = array<i32>} : memref<128xf32, #tpu.memory_space<vmem>>, vector<16xf32>,
      %add3A_212 = arith.addf %mul3A_209, %get3A_211 : vector<16xf32>
      %max3A = arith.constant 0.000000e+00 : f32
      %max3A_213 = vector.broadcast %max3A : f32 to vector<16xf32>
      %max3A_214 = arith.maximumf %add3A_212, %max3A_213 : vector<16xf32>
      %get3A_215 = arith.constant 0 : index
      %get3A_216 = tpu.vector_load %arg17[%get3A_215] {strides = array<i32>} : memref<128xf32, #tpu.memory_space<vmem>>, vector<16xf32>,
      %mul3A_217 = arith.mulf %max3A_214, %get3A_216 : vector<16xf32>
      %add3A_218 = arith.addf %broadcast_in_dim3A_206, %mul3A_217 : vector<16xf32>
      %get3A_219 = arith.index_cast %scan3A_201 : i32 to index
      %get3A_220 = arith.constant 16 : index
      %get3A_221 = tpu.vector_load %arg15[%get3A_219, %get3A_220] {strides = array<i32>} : memref<160x128xf32, #tpu.memory_space<vmem>>, vector<16xf32>,
      %mul3A_222 = arith.mulf %get3A_221, %gather3A : vector<16xf32>
      %get3A_223 = arith.constant 16 : index
      %get3A_224 = tpu.vector_load %arg16[%get3A_223] {strides = array<i32>} : memref<128xf32, #tpu.memory_space<vmem>>, vector<16xf32>,
      %add3A_225 = arith.addf %mul3A_222, %get3A_224 : vector<16xf32>
      %max3A_226 = arith.constant 0.000000e+00 : f32
      %max3A_227 = vector.broadcast %max3A_226 : f32 to vector<16xf32>
      %max3A_228 = arith.maximumf %add3A_225, %max3A_227 : vector<16xf32>
      %get3A_229 = arith.constant 16 : index
      %get3A_230 = tpu.vector_load %arg17[%get3A_229] {strides = array<i32>} : memref<128xf32, #tpu.memory_space<vmem>>, vector<16xf32>,
      %mul3A_231 = arith.mulf %max3A_228, %get3A_230 : vector<16xf32>
      %add3A_232 = arith.addf %add3A_218, %mul3A_231 : vector<16xf32>
      %get3A_233 = arith.index_cast %scan3A_201 : i32 to index
      %get3A_234 = arith.constant 32 : index
      %get3A_235 = tpu.vector_load %arg15[%get3A_233, %get3A_234] {strides = array<i32>} : memref<160x128xf32, #tpu.memory_space<vmem>>, vector<16xf32>,
      %mul3A_236 = arith.mulf %get3A_235, %gather3A : vector<16xf32>
      %get3A_237 = arith.constant 32 : index
      %get3A_238 = tpu.vector_load %arg16[%get3A_237] {strides = array<i32>} : memref<128xf32, #tpu.memory_space<vmem>>, vector<16xf32>,
      %add3A_239 = arith.addf %mul3A_236, %get3A_238 : vector<16xf32>
      %max3A_240 = arith.constant 0.000000e+00 : f32
      %max3A_241 = vector.broadcast %max3A_240 : f32 to vector<16xf32>
      %max3A_242 = arith.maximumf %add3A_239, %max3A_241 : vector<16xf32>
      %get3A_243 = arith.constant 32 : index
      %get3A_244 = tpu.vector_load %arg17[%get3A_243] {strides = array<i32>} : memref<128xf32, #tpu.memory_space<vmem>>, vector<16xf32>,
      %mul3A_245 = arith.mulf %max3A_242, %get3A_244 : vector<16xf32>
      %add3A_246 = arith.addf %add3A_232, %mul3A_245 : vector<16xf32>
      %get3A_247 = arith.index_cast %scan3A_201 : i32 to index
      %get3A_248 = arith.constant 48 : index
      %get3A_249 = tpu.vector_load %arg15[%get3A_247, %get3A_248] {strides = array<i32>} : memref<160x128xf32, #tpu.memory_space<vmem>>, vector<16xf32>,
      %mul3A_250 = arith.mulf %get3A_249, %gather3A : vector<16xf32>
      %get3A_251 = arith.constant 48 : index
      %get3A_252 = tpu.vector_load %arg16[%get3A_251] {strides = array<i32>} : memref<128xf32, #tpu.memory_space<vmem>>, vector<16xf32>,
      %add3A_253 = arith.addf %mul3A_250, %get3A_252 : vector<16xf32>
      %max3A_254 = arith.constant 0.000000e+00 : f32
      %max3A_255 = vector.broadcast %max3A_254 : f32 to vector<16xf32>
      %max3A_256 = arith.maximumf %add3A_253, %max3A_255 : vector<16xf32>
      %get3A_257 = arith.constant 48 : index
      %get3A_258 = tpu.vector_load %arg17[%get3A_257] {strides = array<i32>} : memref<128xf32, #tpu.memory_space<vmem>>, vector<16xf32>,
      %mul3A_259 = arith.mulf %max3A_256, %get3A_258 : vector<16xf32>
      %add3A_260 = arith.addf %add3A_246, %mul3A_259 : vector<16xf32>
      %get3A_261 = arith.index_cast %scan3A_201 : i32 to index
      %get3A_262 = arith.constant 64 : index
      %get3A_263 = tpu.vector_load %arg15[%get3A_261, %get3A_262] {strides = array<i32>} : memref<160x128xf32, #tpu.memory_space<vmem>>, vector<16xf32>,
      %mul3A_264 = arith.mulf %get3A_263, %gather3A : vector<16xf32>
      %get3A_265 = arith.constant 64 : index
      %get3A_266 = tpu.vector_load %arg16[%get3A_265] {strides = array<i32>} : memref<128xf32, #tpu.memory_space<vmem>>, vector<16xf32>,
      %add3A_267 = arith.addf %mul3A_264, %get3A_266 : vector<16xf32>
      %max3A_268 = arith.constant 0.000000e+00 : f32
      %max3A_269 = vector.broadcast %max3A_268 : f32 to vector<16xf32>
      %max3A_270 = arith.maximumf %add3A_267, %max3A_269 : vector<16xf32>
      %get3A_271 = arith.constant 64 : index
      %get3A_272 = tpu.vector_load %arg17[%get3A_271] {strides = array<i32>} : memref<128xf32, #tpu.memory_space<vmem>>, vector<16xf32>,
      %mul3A_273 = arith.mulf %max3A_270, %get3A_272 : vector<16xf32>
      %add3A_274 = arith.addf %add3A_260, %mul3A_273 : vector<16xf32>
      %get3A_275 = arith.index_cast %scan3A_201 : i32 to index
      %get3A_276 = arith.constant 80 : index
      %get3A_277 = tpu.vector_load %arg15[%get3A_275, %get3A_276] {strides = array<i32>} : memref<160x128xf32, #tpu.memory_space<vmem>>, vector<16xf32>,
      %mul3A_278 = arith.mulf %get3A_277, %gather3A : vector<16xf32>
      %get3A_279 = arith.constant 80 : index
      %get3A_280 = tpu.vector_load %arg16[%get3A_279] {strides = array<i32>} : memref<128xf32, #tpu.memory_space<vmem>>, vector<16xf32>,
      %add3A_281 = arith.addf %mul3A_278, %get3A_280 : vector<16xf32>
      %max3A_282 = arith.constant 0.000000e+00 : f32
      %max3A_283 = vector.broadcast %max3A_282 : f32 to vector<16xf32>
      %max3A_284 = arith.maximumf %add3A_281, %max3A_283 : vector<16xf32>
      %get3A_285 = arith.constant 80 : index
      %get3A_286 = tpu.vector_load %arg17[%get3A_285] {strides = array<i32>} : memref<128xf32, #tpu.memory_space<vmem>>, vector<16xf32>,
      %mul3A_287 = arith.mulf %max3A_284, %get3A_286 : vector<16xf32>
      %add3A_288 = arith.addf %add3A_274, %mul3A_287 : vector<16xf32>
      %get3A_289 = arith.index_cast %scan3A_201 : i32 to index
      %get3A_290 = arith.constant 96 : index
      %get3A_291 = tpu.vector_load %arg15[%get3A_289, %get3A_290] {strides = array<i32>} : memref<160x128xf32, #tpu.memory_space<vmem>>, vector<16xf32>,
      %mul3A_292 = arith.mulf %get3A_291, %gather3A : vector<16xf32>
      %get3A_293 = arith.constant 96 : index
      %get3A_294 = tpu.vector_load %arg16[%get3A_293] {strides = array<i32>} : memref<128xf32, #tpu.memory_space<vmem>>, vector<16xf32>,
      %add3A_295 = arith.addf %mul3A_292, %get3A_294 : vector<16xf32>
      %max3A_296 = arith.constant 0.000000e+00 : f32
      %max3A_297 = vector.broadcast %max3A_296 : f32 to vector<16xf32>
      %max3A_298 = arith.maximumf %add3A_295, %max3A_297 : vector<16xf32>
      %get3A_299 = arith.constant 96 : index
      %get3A_300 = tpu.vector_load %arg17[%get3A_299] {strides = array<i32>} : memref<128xf32, #tpu.memory_space<vmem>>, vector<16xf32>,
      %mul3A_301 = arith.mulf %max3A_298, %get3A_300 : vector<16xf32>
      %add3A_302 = arith.addf %add3A_288, %mul3A_301 : vector<16xf32>
      %get3A_303 = arith.index_cast %scan3A_201 : i32 to index
      %get3A_304 = arith.constant 112 : index
      %get3A_305 = tpu.vector_load %arg15[%get3A_303, %get3A_304] {strides = array<i32>} : memref<160x128xf32, #tpu.memory_space<vmem>>, vector<16xf32>,
      %mul3A_306 = arith.mulf %get3A_305, %gather3A : vector<16xf32>
      %get3A_307 = arith.constant 112 : index
      %get3A_308 = tpu.vector_load %arg16[%get3A_307] {strides = array<i32>} : memref<128xf32, #tpu.memory_space<vmem>>, vector<16xf32>,
      %add3A_309 = arith.addf %mul3A_306, %get3A_308 : vector<16xf32>
      %max3A_310 = arith.constant 0.000000e+00 : f32
      %max3A_311 = vector.broadcast %max3A_310 : f32 to vector<16xf32>
      %max3A_312 = arith.maximumf %add3A_309, %max3A_311 : vector<16xf32>
      %get3A_313 = arith.constant 112 : index
      %get3A_314 = tpu.vector_load %arg17[%get3A_313] {strides = array<i32>} : memref<128xf32, #tpu.memory_space<vmem>>, vector<16xf32>,
      %mul3A_315 = arith.mulf %max3A_312, %get3A_314 : vector<16xf32>
      %add3A_316 = arith.addf %add3A_302, %mul3A_315 : vector<16xf32>
      %reduce_sum3A = arith.constant true
      %reduce_sum3A_317 = vector.broadcast %reduce_sum3A : i1 to vector<16xi1>
      %reduce_sum3A_318 = tpu.scan <sum>, %add3A_316 masked %reduce_sum3A_317 : vector<16xf32>, vector<16xi1> -> vector<16xf32>
      %reduce_sum3A_319 = vector.extract %reduce_sum3A_318[15] : f32 from vector<16xf32>
      %broadcast_in_dim3A_320 = vector.broadcast %reduce_sum3A_319 : f32 to vector<16xf32>
      %add3A_321 = arith.constant 480 : i32
      %add3A_322 = arith.addi %add3A_321, %scan3A_201 : i32
      %broadcast_in_dim3A_323 = vector.broadcast %add3A_322 : i32 to vector<16xi32>
      %iota3A = tpu.iota {dimensions = array<i32: 0>} : vector<16xi32>
      %eq3A = arith.constant 0 : i32
      %eq3A_324 = vector.broadcast %eq3A : i32 to vector<16xi32>
      %eq3A_325 = arith.cmpi eq, %iota3A, %eq3A_324 : vector<16xi32>
      tpu.vector_store_idx %arg14[%broadcast_in_dim3A_323], %broadcast_in_dim3A_320 masked %eq3A_325 : memref<640xf32, #tpu.memory_space<vmem>>[vector<16xi32>], vector<16xf32>, vector<16xi1>
      %scan3A_326 = arith.constant 0 : i32
      scf.yield %scan3A_326 : i32
    }
    %scan3A_189 = arith.constant 80 : i32
    %mul3A_190 = arith.constant 640 : i32
    %mul3A_191 = arith.muli %arg1, %mul3A_190 : i32
    %add3A_192 = arith.constant 560 : i32
    %add3A_193 = arith.addi %mul3A_191, %add3A_192 : i32
    "tpu.region"() ({
      %run_scoped3A = tpu.sem_alloc : memref<!tpu.dma_semaphore, #tpu.memory_space<semaphore_mem>>
      %dma_start3A_201 = arith.constant 0 : i32
      %dma_start3A_202 = arith.constant 0 : i32
      %dma_start3A_203 = tpu.memref_slice %arg15[%dma_start3A_201, %dma_start3A_202] : memref<160x128xf32, #tpu.memory_space<vmem>> -> memref<80x128xf32, #tpu.memory_space<vmem>>
      %dma_start3A_204 = arith.constant 0 : i32
      %dma_start3A_205 = tpu.memref_slice %arg18[%add3A_193, %dma_start3A_204] : memref<10240x128xf32, #tpu.memory_space<vmem_shared>> -> memref<80x128xf32, #tpu.memory_space<vmem_shared>>
      %dma_start3A_206 = arith.constant 0 : i32
      %dma_start3A_207 = arith.constant 0 : i32
      %dma_start3A_208 = tpu.memref_slice %arg15[%dma_start3A_206, %dma_start3A_207] : memref<160x128xf32, #tpu.memory_space<vmem>> -> memref<80x128xf32, #tpu.memory_space<vmem>>
      %dma_start3A_209 = arith.constant 0 : i32
      %dma_start3A_210 = tpu.memref_slice %arg18[%add3A_193, %dma_start3A_209] : memref<10240x128xf32, #tpu.memory_space<vmem_shared>> -> memref<80x128xf32, #tpu.memory_space<vmem_shared>>
      tpu.enqueue_dma source(%dma_start3A_210 : memref<80x128xf32, #tpu.memory_space<vmem_shared>>) target(%dma_start3A_208 : memref<80x128xf32, #tpu.memory_space<vmem>>) target_semaphore(%run_scoped3A : memref<!tpu.dma_semaphore, #tpu.memory_space<semaphore_mem>>)
      %dma_wait3A_211 = arith.constant 0 : i32
      %dma_wait3A_212 = arith.constant 0 : i32
      %dma_wait3A_213 = tpu.memref_slice %arg15[%dma_wait3A_211, %dma_wait3A_212] : memref<160x128xf32, #tpu.memory_space<vmem>> -> memref<80x128xf32, #tpu.memory_space<vmem>>
      %dma_wait3A_214 = arith.constant 0 : i32
      %dma_wait3A_215 = tpu.memref_slice %arg18[%add3A_193, %dma_wait3A_214] : memref<10240x128xf32, #tpu.memory_space<vmem_shared>> -> memref<80x128xf32, #tpu.memory_space<vmem_shared>>
      %dma_wait3A_216 = arith.constant 0 : i32
      %dma_wait3A_217 = arith.constant 0 : i32
      %dma_wait3A_218 = tpu.memref_slice %arg15[%dma_wait3A_216, %dma_wait3A_217] : memref<160x128xf32, #tpu.memory_space<vmem>> -> memref<80x128xf32, #tpu.memory_space<vmem>>
      %dma_wait3A_219 = arith.constant 0 : i32
      %dma_wait3A_220 = tpu.memref_slice %arg18[%add3A_193, %dma_wait3A_219] : memref<10240x128xf32, #tpu.memory_space<vmem_shared>> -> memref<80x128xf32, #tpu.memory_space<vmem_shared>>
      tpu.wait_dma2 semaphore(%run_scoped3A : memref<!tpu.dma_semaphore, #tpu.memory_space<semaphore_mem>>) src(%dma_wait3A_220 : memref<80x128xf32, #tpu.memory_space<vmem_shared>>) dst(%dma_wait3A_218 : memref<80x128xf32, #tpu.memory_space<vmem>>)
      tpu.yield
    }) : () -> ()
    %scan3A_194 = arith.constant 0 : i32
    %scan3A_195 = arith.constant 0 : i32
    %scan3A_196 = arith.constant 80 : i32
    %scan3A_197 = arith.addi %scan3A_195, %scan3A_196 : i32
    %scan3A_198 = arith.constant 1 : i32
    %scan3A_199 = scf.for %scan3A_201 = %scan3A_195 to %scan3A_197 step %scan3A_198 iter_args(%scan3A_202 = %scan3A_194) -> (i32)  : i32 {
      %add3A_203 = arith.constant 560 : i32
      %add3A_204 = arith.addi %add3A_203, %scan3A_201 : i32
      %broadcast_in_dim3A = vector.broadcast %add3A_204 : i32 to vector<16xi32>
      %gather3A = tpu.vector_load_idx %arg13[%broadcast_in_dim3A] : memref<640xf32, #tpu.memory_space<vmem>>[vector<16xi32>], vector<16xf32>,
      %broadcast_in_dim3A_205 = arith.constant 0.000000e+00 : f32
      %broadcast_in_dim3A_206 = vector.broadcast %broadcast_in_dim3A_205 : f32 to vector<16xf32>
      %get3A = arith.index_cast %scan3A_201 : i32 to index
      %get3A_207 = arith.constant 0 : index
      %get3A_208 = tpu.vector_load %arg15[%get3A, %get3A_207] {strides = array<i32>} : memref<160x128xf32, #tpu.memory_space<vmem>>, vector<16xf32>,
      %mul3A_209 = arith.mulf %get3A_208, %gather3A : vector<16xf32>
      %get3A_210 = arith.constant 0 : index
      %get3A_211 = tpu.vector_load %arg16[%get3A_210] {strides = array<i32>} : memref<128xf32, #tpu.memory_space<vmem>>, vector<16xf32>,
      %add3A_212 = arith.addf %mul3A_209, %get3A_211 : vector<16xf32>
      %max3A = arith.constant 0.000000e+00 : f32
      %max3A_213 = vector.broadcast %max3A : f32 to vector<16xf32>
      %max3A_214 = arith.maximumf %add3A_212, %max3A_213 : vector<16xf32>
      %get3A_215 = arith.constant 0 : index
      %get3A_216 = tpu.vector_load %arg17[%get3A_215] {strides = array<i32>} : memref<128xf32, #tpu.memory_space<vmem>>, vector<16xf32>,
      %mul3A_217 = arith.mulf %max3A_214, %get3A_216 : vector<16xf32>
      %add3A_218 = arith.addf %broadcast_in_dim3A_206, %mul3A_217 : vector<16xf32>
      %get3A_219 = arith.index_cast %scan3A_201 : i32 to index
      %get3A_220 = arith.constant 16 : index
      %get3A_221 = tpu.vector_load %arg15[%get3A_219, %get3A_220] {strides = array<i32>} : memref<160x128xf32, #tpu.memory_space<vmem>>, vector<16xf32>,
      %mul3A_222 = arith.mulf %get3A_221, %gather3A : vector<16xf32>
      %get3A_223 = arith.constant 16 : index
      %get3A_224 = tpu.vector_load %arg16[%get3A_223] {strides = array<i32>} : memref<128xf32, #tpu.memory_space<vmem>>, vector<16xf32>,
      %add3A_225 = arith.addf %mul3A_222, %get3A_224 : vector<16xf32>
      %max3A_226 = arith.constant 0.000000e+00 : f32
      %max3A_227 = vector.broadcast %max3A_226 : f32 to vector<16xf32>
      %max3A_228 = arith.maximumf %add3A_225, %max3A_227 : vector<16xf32>
      %get3A_229 = arith.constant 16 : index
      %get3A_230 = tpu.vector_load %arg17[%get3A_229] {strides = array<i32>} : memref<128xf32, #tpu.memory_space<vmem>>, vector<16xf32>,
      %mul3A_231 = arith.mulf %max3A_228, %get3A_230 : vector<16xf32>
      %add3A_232 = arith.addf %add3A_218, %mul3A_231 : vector<16xf32>
      %get3A_233 = arith.index_cast %scan3A_201 : i32 to index
      %get3A_234 = arith.constant 32 : index
      %get3A_235 = tpu.vector_load %arg15[%get3A_233, %get3A_234] {strides = array<i32>} : memref<160x128xf32, #tpu.memory_space<vmem>>, vector<16xf32>,
      %mul3A_236 = arith.mulf %get3A_235, %gather3A : vector<16xf32>
      %get3A_237 = arith.constant 32 : index
      %get3A_238 = tpu.vector_load %arg16[%get3A_237] {strides = array<i32>} : memref<128xf32, #tpu.memory_space<vmem>>, vector<16xf32>,
      %add3A_239 = arith.addf %mul3A_236, %get3A_238 : vector<16xf32>
      %max3A_240 = arith.constant 0.000000e+00 : f32
      %max3A_241 = vector.broadcast %max3A_240 : f32 to vector<16xf32>
      %max3A_242 = arith.maximumf %add3A_239, %max3A_241 : vector<16xf32>
      %get3A_243 = arith.constant 32 : index
      %get3A_244 = tpu.vector_load %arg17[%get3A_243] {strides = array<i32>} : memref<128xf32, #tpu.memory_space<vmem>>, vector<16xf32>,
      %mul3A_245 = arith.mulf %max3A_242, %get3A_244 : vector<16xf32>
      %add3A_246 = arith.addf %add3A_232, %mul3A_245 : vector<16xf32>
      %get3A_247 = arith.index_cast %scan3A_201 : i32 to index
      %get3A_248 = arith.constant 48 : index
      %get3A_249 = tpu.vector_load %arg15[%get3A_247, %get3A_248] {strides = array<i32>} : memref<160x128xf32, #tpu.memory_space<vmem>>, vector<16xf32>,
      %mul3A_250 = arith.mulf %get3A_249, %gather3A : vector<16xf32>
      %get3A_251 = arith.constant 48 : index
      %get3A_252 = tpu.vector_load %arg16[%get3A_251] {strides = array<i32>} : memref<128xf32, #tpu.memory_space<vmem>>, vector<16xf32>,
      %add3A_253 = arith.addf %mul3A_250, %get3A_252 : vector<16xf32>
      %max3A_254 = arith.constant 0.000000e+00 : f32
      %max3A_255 = vector.broadcast %max3A_254 : f32 to vector<16xf32>
      %max3A_256 = arith.maximumf %add3A_253, %max3A_255 : vector<16xf32>
      %get3A_257 = arith.constant 48 : index
      %get3A_258 = tpu.vector_load %arg17[%get3A_257] {strides = array<i32>} : memref<128xf32, #tpu.memory_space<vmem>>, vector<16xf32>,
      %mul3A_259 = arith.mulf %max3A_256, %get3A_258 : vector<16xf32>
      %add3A_260 = arith.addf %add3A_246, %mul3A_259 : vector<16xf32>
      %get3A_261 = arith.index_cast %scan3A_201 : i32 to index
      %get3A_262 = arith.constant 64 : index
      %get3A_263 = tpu.vector_load %arg15[%get3A_261, %get3A_262] {strides = array<i32>} : memref<160x128xf32, #tpu.memory_space<vmem>>, vector<16xf32>,
      %mul3A_264 = arith.mulf %get3A_263, %gather3A : vector<16xf32>
      %get3A_265 = arith.constant 64 : index
      %get3A_266 = tpu.vector_load %arg16[%get3A_265] {strides = array<i32>} : memref<128xf32, #tpu.memory_space<vmem>>, vector<16xf32>,
      %add3A_267 = arith.addf %mul3A_264, %get3A_266 : vector<16xf32>
      %max3A_268 = arith.constant 0.000000e+00 : f32
      %max3A_269 = vector.broadcast %max3A_268 : f32 to vector<16xf32>
      %max3A_270 = arith.maximumf %add3A_267, %max3A_269 : vector<16xf32>
      %get3A_271 = arith.constant 64 : index
      %get3A_272 = tpu.vector_load %arg17[%get3A_271] {strides = array<i32>} : memref<128xf32, #tpu.memory_space<vmem>>, vector<16xf32>,
      %mul3A_273 = arith.mulf %max3A_270, %get3A_272 : vector<16xf32>
      %add3A_274 = arith.addf %add3A_260, %mul3A_273 : vector<16xf32>
      %get3A_275 = arith.index_cast %scan3A_201 : i32 to index
      %get3A_276 = arith.constant 80 : index
      %get3A_277 = tpu.vector_load %arg15[%get3A_275, %get3A_276] {strides = array<i32>} : memref<160x128xf32, #tpu.memory_space<vmem>>, vector<16xf32>,
      %mul3A_278 = arith.mulf %get3A_277, %gather3A : vector<16xf32>
      %get3A_279 = arith.constant 80 : index
      %get3A_280 = tpu.vector_load %arg16[%get3A_279] {strides = array<i32>} : memref<128xf32, #tpu.memory_space<vmem>>, vector<16xf32>,
      %add3A_281 = arith.addf %mul3A_278, %get3A_280 : vector<16xf32>
      %max3A_282 = arith.constant 0.000000e+00 : f32
      %max3A_283 = vector.broadcast %max3A_282 : f32 to vector<16xf32>
      %max3A_284 = arith.maximumf %add3A_281, %max3A_283 : vector<16xf32>
      %get3A_285 = arith.constant 80 : index
      %get3A_286 = tpu.vector_load %arg17[%get3A_285] {strides = array<i32>} : memref<128xf32, #tpu.memory_space<vmem>>, vector<16xf32>,
      %mul3A_287 = arith.mulf %max3A_284, %get3A_286 : vector<16xf32>
      %add3A_288 = arith.addf %add3A_274, %mul3A_287 : vector<16xf32>
      %get3A_289 = arith.index_cast %scan3A_201 : i32 to index
      %get3A_290 = arith.constant 96 : index
      %get3A_291 = tpu.vector_load %arg15[%get3A_289, %get3A_290] {strides = array<i32>} : memref<160x128xf32, #tpu.memory_space<vmem>>, vector<16xf32>,
      %mul3A_292 = arith.mulf %get3A_291, %gather3A : vector<16xf32>
      %get3A_293 = arith.constant 96 : index
      %get3A_294 = tpu.vector_load %arg16[%get3A_293] {strides = array<i32>} : memref<128xf32, #tpu.memory_space<vmem>>, vector<16xf32>,
      %add3A_295 = arith.addf %mul3A_292, %get3A_294 : vector<16xf32>
      %max3A_296 = arith.constant 0.000000e+00 : f32
      %max3A_297 = vector.broadcast %max3A_296 : f32 to vector<16xf32>
      %max3A_298 = arith.maximumf %add3A_295, %max3A_297 : vector<16xf32>
      %get3A_299 = arith.constant 96 : index
      %get3A_300 = tpu.vector_load %arg17[%get3A_299] {strides = array<i32>} : memref<128xf32, #tpu.memory_space<vmem>>, vector<16xf32>,
      %mul3A_301 = arith.mulf %max3A_298, %get3A_300 : vector<16xf32>
      %add3A_302 = arith.addf %add3A_288, %mul3A_301 : vector<16xf32>
      %get3A_303 = arith.index_cast %scan3A_201 : i32 to index
      %get3A_304 = arith.constant 112 : index
      %get3A_305 = tpu.vector_load %arg15[%get3A_303, %get3A_304] {strides = array<i32>} : memref<160x128xf32, #tpu.memory_space<vmem>>, vector<16xf32>,
      %mul3A_306 = arith.mulf %get3A_305, %gather3A : vector<16xf32>
      %get3A_307 = arith.constant 112 : index
      %get3A_308 = tpu.vector_load %arg16[%get3A_307] {strides = array<i32>} : memref<128xf32, #tpu.memory_space<vmem>>, vector<16xf32>,
      %add3A_309 = arith.addf %mul3A_306, %get3A_308 : vector<16xf32>
      %max3A_310 = arith.constant 0.000000e+00 : f32
      %max3A_311 = vector.broadcast %max3A_310 : f32 to vector<16xf32>
      %max3A_312 = arith.maximumf %add3A_309, %max3A_311 : vector<16xf32>
      %get3A_313 = arith.constant 112 : index
      %get3A_314 = tpu.vector_load %arg17[%get3A_313] {strides = array<i32>} : memref<128xf32, #tpu.memory_space<vmem>>, vector<16xf32>,
      %mul3A_315 = arith.mulf %max3A_312, %get3A_314 : vector<16xf32>
      %add3A_316 = arith.addf %add3A_302, %mul3A_315 : vector<16xf32>
      %reduce_sum3A = arith.constant true
      %reduce_sum3A_317 = vector.broadcast %reduce_sum3A : i1 to vector<16xi1>
      %reduce_sum3A_318 = tpu.scan <sum>, %add3A_316 masked %reduce_sum3A_317 : vector<16xf32>, vector<16xi1> -> vector<16xf32>
      %reduce_sum3A_319 = vector.extract %reduce_sum3A_318[15] : f32 from vector<16xf32>
      %broadcast_in_dim3A_320 = vector.broadcast %reduce_sum3A_319 : f32 to vector<16xf32>
      %add3A_321 = arith.constant 560 : i32
      %add3A_322 = arith.addi %add3A_321, %scan3A_201 : i32
      %broadcast_in_dim3A_323 = vector.broadcast %add3A_322 : i32 to vector<16xi32>
      %iota3A = tpu.iota {dimensions = array<i32: 0>} : vector<16xi32>
      %eq3A = arith.constant 0 : i32
      %eq3A_324 = vector.broadcast %eq3A : i32 to vector<16xi32>
      %eq3A_325 = arith.cmpi eq, %iota3A, %eq3A_324 : vector<16xi32>
      tpu.vector_store_idx %arg14[%broadcast_in_dim3A_323], %broadcast_in_dim3A_320 masked %eq3A_325 : memref<640xf32, #tpu.memory_space<vmem>>[vector<16xi32>], vector<16xf32>, vector<16xi1>
      %scan3A_326 = arith.constant 0 : i32
      scf.yield %scan3A_326 : i32
    }
    %scan3A_200 = arith.constant 80 : i32
    "tpu.region"() ({
      %run_scoped3A = tpu.sem_alloc : memref<!tpu.dma_semaphore, #tpu.memory_space<semaphore_mem>>
      %dma_start3A_201 = arith.constant 0 : i32
      %dma_start3A_202 = tpu.memref_slice %arg9[%arg0, %arg1, %dma_start3A_201] : memref<2x16x640xf32, #tpu.memory_space<hbm>> -> memref<1x1x640xf32, #tpu.memory_space<hbm>>
      %dma_start3A_203 = tpu.memref_squeeze %dma_start3A_202 : memref<1x1x640xf32, #tpu.memory_space<hbm>> -> memref<640xf32, #tpu.memory_space<hbm>>
      %dma_start3A_204 = arith.constant 0 : i32
      %dma_start3A_205 = tpu.memref_slice %arg9[%arg0, %arg1, %dma_start3A_204] : memref<2x16x640xf32, #tpu.memory_space<hbm>> -> memref<1x1x640xf32, #tpu.memory_space<hbm>>
      %dma_start3A_206 = tpu.memref_squeeze %dma_start3A_205 : memref<1x1x640xf32, #tpu.memory_space<hbm>> -> memref<640xf32, #tpu.memory_space<hbm>>
      tpu.enqueue_dma source(%arg14 : memref<640xf32, #tpu.memory_space<vmem>>) target(%dma_start3A_206 : memref<640xf32, #tpu.memory_space<hbm>>) target_semaphore(%run_scoped3A : memref<!tpu.dma_semaphore, #tpu.memory_space<semaphore_mem>>)
      %dma_wait3A_207 = arith.constant 0 : i32
      %dma_wait3A_208 = tpu.memref_slice %arg9[%arg0, %arg1, %dma_wait3A_207] : memref<2x16x640xf32, #tpu.memory_space<hbm>> -> memref<1x1x640xf32, #tpu.memory_space<hbm>>
      %dma_wait3A_209 = tpu.memref_squeeze %dma_wait3A_208 : memref<1x1x640xf32, #tpu.memory_space<hbm>> -> memref<640xf32, #tpu.memory_space<hbm>>
      %dma_wait3A_210 = arith.constant 0 : i32
      %dma_wait3A_211 = tpu.memref_slice %arg9[%arg0, %arg1, %dma_wait3A_210] : memref<2x16x640xf32, #tpu.memory_space<hbm>> -> memref<1x1x640xf32, #tpu.memory_space<hbm>>
      %dma_wait3A_212 = tpu.memref_squeeze %dma_wait3A_211 : memref<1x1x640xf32, #tpu.memory_space<hbm>> -> memref<640xf32, #tpu.memory_space<hbm>>
      tpu.wait_dma2 semaphore(%run_scoped3A : memref<!tpu.dma_semaphore, #tpu.memory_space<semaphore_mem>>) src(%arg14 : memref<640xf32, #tpu.memory_space<vmem>>) dst(%dma_wait3A_212 : memref<640xf32, #tpu.memory_space<hbm>>)
      tpu.yield
    }) : () -> ()
    return
  }
}

#map = affine_map<(d0, d1) -> (0, 0)>
module attributes {stable_mosaic.version = 14 : i64} {
  func.func @_sca_body(%arg0: i32, %arg1: i32, %arg2: memref<2000x80xi32, #tpu.memory_space<hbm>>, %arg3: memref<2000x80xf32, #tpu.memory_space<hbm>>, %arg4: memref<16x640xf32, #tpu.memory_space<hbm>>, %arg5: memref<25x80xi32, #tpu.memory_space<vmem>>, %arg6: memref<25x80xf32, #tpu.memory_space<vmem>>, %arg7: memref<640xf32, #tpu.memory_space<vmem>>, %arg8: memref<10240xf32, #tpu.memory_space<vmem_shared>>, %arg9: memref<!tpu.dma_semaphore, #tpu.memory_space<semaphore_mem>>) attributes {dimension_semantics = [#tpu.dimension_semantics<core_parallel>, #tpu.dimension_semantics<subcore_parallel>], iteration_bounds = array<i64: 2, 16>, scalar_prefetch = 0 : i64, scratch_operands = 5 : i64, tpu.core_type = #tpu.core_type<sc_vector_subcore>, window_params = [{transform_indices = #map}, {transform_indices = #map}, {transform_indices = #map}]} {
    %scan3A = arith.constant 0 : i32
    %scan3A_0 = arith.constant 0 : i32
    %scan3A_1 = arith.constant 40 : i32
    %scan3A_2 = arith.addi %scan3A_0, %scan3A_1 : i32
    %scan3A_3 = arith.constant 1 : i32
    %scan3A_4 = scf.for %scan3A_26 = %scan3A_0 to %scan3A_2 step %scan3A_3 iter_args(%scan3A_27 = %scan3A) -> (i32)  : i32 {
      %broadcast_in_dim3A = arith.constant 1.000000e+00 : f32
      %broadcast_in_dim3A_28 = vector.broadcast %broadcast_in_dim3A : f32 to vector<16xf32>
      %mul3A_29 = arith.constant 16 : i32
      %mul3A_30 = arith.muli %scan3A_26, %mul3A_29 : i32
      %swap3A = arith.index_cast %mul3A_30 : i32 to index
      %swap3A_31 = tpu.vector_load %arg7[%swap3A] {strides = array<i32>} : memref<640xf32, #tpu.memory_space<vmem>>, vector<16xf32>,
      tpu.vector_store %arg7[%swap3A], %broadcast_in_dim3A_28 {strides = array<i32>} : memref<640xf32, #tpu.memory_space<vmem>>, vector<16xf32>,
      %scan3A_32 = arith.constant 0 : i32
      scf.yield %scan3A_32 : i32
    }
    %scan3A_5 = arith.constant 40 : i32
    %mul3A = arith.constant 640 : i32
    %mul3A_6 = arith.muli %arg1, %mul3A : i32
    "tpu.region"() ({
      %run_scoped3A = tpu.sem_alloc : memref<!tpu.dma_semaphore, #tpu.memory_space<semaphore_mem>>
      %dma_start3A = tpu.memref_slice %arg8[%mul3A_6] : memref<10240xf32, #tpu.memory_space<vmem_shared>> -> memref<640xf32, #tpu.memory_space<vmem_shared>>
      %dma_start3A_26 = tpu.memref_slice %arg8[%mul3A_6] : memref<10240xf32, #tpu.memory_space<vmem_shared>> -> memref<640xf32, #tpu.memory_space<vmem_shared>>
      tpu.enqueue_dma source(%arg7 : memref<640xf32, #tpu.memory_space<vmem>>) target(%dma_start3A_26 : memref<640xf32, #tpu.memory_space<vmem_shared>>) target_semaphore(%run_scoped3A : memref<!tpu.dma_semaphore, #tpu.memory_space<semaphore_mem>>)
      %dma_wait3A = tpu.memref_slice %arg8[%mul3A_6] : memref<10240xf32, #tpu.memory_space<vmem_shared>> -> memref<640xf32, #tpu.memory_space<vmem_shared>>
      %dma_wait3A_27 = tpu.memref_slice %arg8[%mul3A_6] : memref<10240xf32, #tpu.memory_space<vmem_shared>> -> memref<640xf32, #tpu.memory_space<vmem_shared>>
      tpu.wait_dma2 semaphore(%run_scoped3A : memref<!tpu.dma_semaphore, #tpu.memory_space<semaphore_mem>>) src(%arg7 : memref<640xf32, #tpu.memory_space<vmem>>) dst(%dma_wait3A_27 : memref<640xf32, #tpu.memory_space<vmem_shared>>)
      tpu.yield
    }) : () -> ()
    %barrier3A = arith.constant 0 : index
    tpu.barrier barrier_id(%barrier3A)
    %scan3A_7 = arith.constant 0 : i32
    %scan3A_8 = arith.constant 0 : i32
    %scan3A_9 = arith.constant 5 : i32
    %scan3A_10 = arith.addi %scan3A_8, %scan3A_9 : i32
    %scan3A_11 = arith.constant 1 : i32
    %scan3A_12 = scf.for %scan3A_26 = %scan3A_8 to %scan3A_10 step %scan3A_11 iter_args(%scan3A_27 = %scan3A_7) -> (i32)  : i32 {
      %mul3A_28 = arith.constant 125 : i32
      %mul3A_29 = arith.muli %arg1, %mul3A_28 : i32
      %mul3A_30 = arith.constant 25 : i32
      %mul3A_31 = arith.muli %scan3A_26, %mul3A_30 : i32
      %add3A = arith.addi %mul3A_29, %mul3A_31 : i32
      "tpu.region"() ({
        %run_scoped3A = tpu.sem_alloc : memref<!tpu.dma_semaphore, #tpu.memory_space<semaphore_mem>>
        %dma_start3A = arith.constant 0 : i32
        %dma_start3A_47 = tpu.memref_slice %arg2[%add3A, %dma_start3A] : memref<2000x80xi32, #tpu.memory_space<hbm>> -> memref<25x80xi32, #tpu.memory_space<hbm>>
        %dma_start3A_48 = arith.constant 0 : i32
        %dma_start3A_49 = tpu.memref_slice %arg2[%add3A, %dma_start3A_48] : memref<2000x80xi32, #tpu.memory_space<hbm>> -> memref<25x80xi32, #tpu.memory_space<hbm>>
        tpu.enqueue_dma source(%dma_start3A_49 : memref<25x80xi32, #tpu.memory_space<hbm>>) target(%arg5 : memref<25x80xi32, #tpu.memory_space<vmem>>) target_semaphore(%run_scoped3A : memref<!tpu.dma_semaphore, #tpu.memory_space<semaphore_mem>>)
        %dma_wait3A = arith.constant 0 : i32
        %dma_wait3A_50 = tpu.memref_slice %arg2[%add3A, %dma_wait3A] : memref<2000x80xi32, #tpu.memory_space<hbm>> -> memref<25x80xi32, #tpu.memory_space<hbm>>
        %dma_wait3A_51 = arith.constant 0 : i32
        %dma_wait3A_52 = tpu.memref_slice %arg2[%add3A, %dma_wait3A_51] : memref<2000x80xi32, #tpu.memory_space<hbm>> -> memref<25x80xi32, #tpu.memory_space<hbm>>
        tpu.wait_dma2 semaphore(%run_scoped3A : memref<!tpu.dma_semaphore, #tpu.memory_space<semaphore_mem>>) src(%dma_wait3A_52 : memref<25x80xi32, #tpu.memory_space<hbm>>) dst(%arg5 : memref<25x80xi32, #tpu.memory_space<vmem>>)
        tpu.yield
      }) : () -> ()
      "tpu.region"() ({
        %run_scoped3A = tpu.sem_alloc : memref<!tpu.dma_semaphore, #tpu.memory_space<semaphore_mem>>
        %dma_start3A = arith.constant 0 : i32
        %dma_start3A_47 = tpu.memref_slice %arg3[%add3A, %dma_start3A] : memref<2000x80xf32, #tpu.memory_space<hbm>> -> memref<25x80xf32, #tpu.memory_space<hbm>>
        %dma_start3A_48 = arith.constant 0 : i32
        %dma_start3A_49 = tpu.memref_slice %arg3[%add3A, %dma_start3A_48] : memref<2000x80xf32, #tpu.memory_space<hbm>> -> memref<25x80xf32, #tpu.memory_space<hbm>>
        tpu.enqueue_dma source(%dma_start3A_49 : memref<25x80xf32, #tpu.memory_space<hbm>>) target(%arg6 : memref<25x80xf32, #tpu.memory_space<vmem>>) target_semaphore(%run_scoped3A : memref<!tpu.dma_semaphore, #tpu.memory_space<semaphore_mem>>)
        %dma_wait3A = arith.constant 0 : i32
        %dma_wait3A_50 = tpu.memref_slice %arg3[%add3A, %dma_wait3A] : memref<2000x80xf32, #tpu.memory_space<hbm>> -> memref<25x80xf32, #tpu.memory_space<hbm>>
        %dma_wait3A_51 = arith.constant 0 : i32
        %dma_wait3A_52 = tpu.memref_slice %arg3[%add3A, %dma_wait3A_51] : memref<2000x80xf32, #tpu.memory_space<hbm>> -> memref<25x80xf32, #tpu.memory_space<hbm>>
        tpu.wait_dma2 semaphore(%run_scoped3A : memref<!tpu.dma_semaphore, #tpu.memory_space<semaphore_mem>>) src(%dma_wait3A_52 : memref<25x80xf32, #tpu.memory_space<hbm>>) dst(%arg6 : memref<25x80xf32, #tpu.memory_space<vmem>>)
        tpu.yield
      }) : () -> ()
      %scan3A_32 = arith.constant 0 : i32
      %scan3A_33 = arith.constant 0 : i32
      %scan3A_34 = arith.constant 25 : i32
      %scan3A_35 = arith.addi %scan3A_33, %scan3A_34 : i32
      %scan3A_36 = arith.constant 1 : i32
      %scan3A_37 = scf.for %scan3A_47 = %scan3A_33 to %scan3A_35 step %scan3A_36 iter_args(%scan3A_48 = %scan3A_32) -> (i32)  : i32 {
        %dma_start3A = arith.constant 0 : i32
        %dma_start3A_49 = tpu.memref_slice %arg6[%scan3A_47, %dma_start3A] : memref<25x80xf32, #tpu.memory_space<vmem>> -> memref<1x80xf32, #tpu.memory_space<vmem>>
        %dma_start3A_50 = tpu.memref_squeeze %dma_start3A_49 : memref<1x80xf32, #tpu.memory_space<vmem>> -> memref<80xf32, #tpu.memory_space<vmem>>
        %dma_start3A_51 = arith.constant 0 : i32
        %dma_start3A_52 = tpu.memref_slice %arg5[%scan3A_47, %dma_start3A_51] : memref<25x80xi32, #tpu.memory_space<vmem>> -> memref<1x80xi32, #tpu.memory_space<vmem>>
        %dma_start3A_53 = tpu.memref_squeeze %dma_start3A_52 : memref<1x80xi32, #tpu.memory_space<vmem>> -> memref<80xi32, #tpu.memory_space<vmem>>
        %dma_start3A_54 = arith.constant 0 : i32
        %dma_start3A_55 = tpu.memref_slice %arg8[%dma_start3A_54] : memref<10240xf32, #tpu.memory_space<vmem_shared>> -> memref<10240xf32, #tpu.memory_space<vmem_shared>>
        tpu.enqueue_indirect_dma source(%dma_start3A_50 : memref<80xf32, #tpu.memory_space<vmem>>) target(%dma_start3A_55 : memref<10240xf32, #tpu.memory_space<vmem_shared>>) offsets(%dma_start3A_53 : memref<80xi32, #tpu.memory_space<vmem>>) semaphore(%arg9 : memref<!tpu.dma_semaphore, #tpu.memory_space<semaphore_mem>>) {add = true}
        %scan3A_56 = arith.constant 0 : i32
        scf.yield %scan3A_56 : i32
      }
      %scan3A_38 = arith.constant 25 : i32
      %scan3A_39 = arith.constant 0 : i32
      %scan3A_40 = arith.constant 0 : i32
      %scan3A_41 = arith.constant 25 : i32
      %scan3A_42 = arith.addi %scan3A_40, %scan3A_41 : i32
      %scan3A_43 = arith.constant 1 : i32
      %scan3A_44 = scf.for %scan3A_47 = %scan3A_40 to %scan3A_42 step %scan3A_43 iter_args(%scan3A_48 = %scan3A_39) -> (i32)  : i32 {
        %dma_wait3A = arith.constant 0 : i32
        %dma_wait3A_49 = tpu.memref_slice %arg6[%scan3A_47, %dma_wait3A] : memref<25x80xf32, #tpu.memory_space<vmem>> -> memref<1x80xf32, #tpu.memory_space<vmem>>
        %dma_wait3A_50 = tpu.memref_squeeze %dma_wait3A_49 : memref<1x80xf32, #tpu.memory_space<vmem>> -> memref<80xf32, #tpu.memory_space<vmem>>
        %dma_wait3A_51 = arith.constant 0 : i32
        %dma_wait3A_52 = tpu.memref_slice %arg8[%dma_wait3A_51] : memref<10240xf32, #tpu.memory_space<vmem_shared>> -> memref<80xf32, #tpu.memory_space<vmem_shared>>
        %dma_wait3A_53 = arith.constant 0 : i32
        %dma_wait3A_54 = tpu.memref_slice %arg8[%dma_wait3A_53] : memref<10240xf32, #tpu.memory_space<vmem_shared>> -> memref<80xf32, #tpu.memory_space<vmem_shared>>
        %dma_wait3A_55 = arith.constant 0 : i32
        %dma_wait3A_56 = tpu.memref_slice %arg6[%scan3A_47, %dma_wait3A_55] : memref<25x80xf32, #tpu.memory_space<vmem>> -> memref<1x80xf32, #tpu.memory_space<vmem>>
        %dma_wait3A_57 = tpu.memref_squeeze %dma_wait3A_56 : memref<1x80xf32, #tpu.memory_space<vmem>> -> memref<80xf32, #tpu.memory_space<vmem>>
        tpu.wait_dma2 semaphore(%arg9 : memref<!tpu.dma_semaphore, #tpu.memory_space<semaphore_mem>>) src(%dma_wait3A_57 : memref<80xf32, #tpu.memory_space<vmem>>) dst(%dma_wait3A_54 : memref<80xf32, #tpu.memory_space<vmem_shared>>)
        %scan3A_58 = arith.constant 0 : i32
        scf.yield %scan3A_58 : i32
      }
      %scan3A_45 = arith.constant 25 : i32
      %scan3A_46 = arith.constant 0 : i32
      scf.yield %scan3A_46 : i32
    }
    %scan3A_13 = arith.constant 5 : i32
    %barrier3A_14 = arith.constant 0 : index
    tpu.barrier barrier_id(%barrier3A_14)
    %mul3A_15 = arith.constant 640 : i32
    %mul3A_16 = arith.muli %arg1, %mul3A_15 : i32
    "tpu.region"() ({
      %run_scoped3A = tpu.sem_alloc : memref<!tpu.dma_semaphore, #tpu.memory_space<semaphore_mem>>
      %dma_start3A = tpu.memref_slice %arg8[%mul3A_16] : memref<10240xf32, #tpu.memory_space<vmem_shared>> -> memref<640xf32, #tpu.memory_space<vmem_shared>>
      %dma_start3A_26 = tpu.memref_slice %arg8[%mul3A_16] : memref<10240xf32, #tpu.memory_space<vmem_shared>> -> memref<640xf32, #tpu.memory_space<vmem_shared>>
      tpu.enqueue_dma source(%dma_start3A_26 : memref<640xf32, #tpu.memory_space<vmem_shared>>) target(%arg7 : memref<640xf32, #tpu.memory_space<vmem>>) target_semaphore(%run_scoped3A : memref<!tpu.dma_semaphore, #tpu.memory_space<semaphore_mem>>)
      %dma_wait3A = tpu.memref_slice %arg8[%mul3A_16] : memref<10240xf32, #tpu.memory_space<vmem_shared>> -> memref<640xf32, #tpu.memory_space<vmem_shared>>
      %dma_wait3A_27 = tpu.memref_slice %arg8[%mul3A_16] : memref<10240xf32, #tpu.memory_space<vmem_shared>> -> memref<640xf32, #tpu.memory_space<vmem_shared>>
      tpu.wait_dma2 semaphore(%run_scoped3A : memref<!tpu.dma_semaphore, #tpu.memory_space<semaphore_mem>>) src(%dma_wait3A_27 : memref<640xf32, #tpu.memory_space<vmem_shared>>) dst(%arg7 : memref<640xf32, #tpu.memory_space<vmem>>)
      tpu.yield
    }) : () -> ()
    %scan3A_17 = arith.constant 0 : i32
    %scan3A_18 = arith.constant 0 : i32
    %scan3A_19 = arith.constant 40 : i32
    %scan3A_20 = arith.addi %scan3A_18, %scan3A_19 : i32
    %scan3A_21 = arith.constant 1 : i32
    %scan3A_22 = scf.for %scan3A_26 = %scan3A_18 to %scan3A_20 step %scan3A_21 iter_args(%scan3A_27 = %scan3A_17) -> (i32)  : i32 {
      %mul3A_28 = arith.constant 16 : i32
      %mul3A_29 = arith.muli %scan3A_26, %mul3A_28 : i32
      %get3A = arith.index_cast %mul3A_29 : i32 to index
      %get3A_30 = tpu.vector_load %arg7[%get3A] {strides = array<i32>} : memref<640xf32, #tpu.memory_space<vmem>>, vector<16xf32>,
      %bitcast3A = vector.bitcast %get3A_30 : vector<16xf32> to vector<16xi32>
      %shift_right_logical3A = arith.constant 1 : i32
      %shift_right_logical3A_31 = vector.broadcast %shift_right_logical3A : i32 to vector<16xi32>
      %shift_right_logical3A_32 = arith.shrui %bitcast3A, %shift_right_logical3A_31 : vector<16xi32>
      %sub3A = arith.constant 1597463007 : i32
      %sub3A_33 = vector.broadcast %sub3A : i32 to vector<16xi32>
      %sub3A_34 = arith.subi %sub3A_33, %shift_right_logical3A_32 : vector<16xi32>
      %bitcast3A_35 = vector.bitcast %sub3A_34 : vector<16xi32> to vector<16xf32>
      %mul3A_36 = arith.constant 5.000000e-01 : f32
      %mul3A_37 = vector.broadcast %mul3A_36 : f32 to vector<16xf32>
      %mul3A_38 = arith.mulf %mul3A_37, %get3A_30 : vector<16xf32>
      %mul3A_39 = arith.mulf %mul3A_38, %bitcast3A_35 : vector<16xf32>
      %mul3A_40 = arith.mulf %mul3A_39, %bitcast3A_35 : vector<16xf32>
      %sub3A_41 = arith.constant 1.500000e+00 : f32
      %sub3A_42 = vector.broadcast %sub3A_41 : f32 to vector<16xf32>
      %sub3A_43 = arith.subf %sub3A_42, %mul3A_40 : vector<16xf32>
      %mul3A_44 = arith.mulf %bitcast3A_35, %sub3A_43 : vector<16xf32>
      %mul3A_45 = arith.constant 5.000000e-01 : f32
      %mul3A_46 = vector.broadcast %mul3A_45 : f32 to vector<16xf32>
      %mul3A_47 = arith.mulf %mul3A_46, %get3A_30 : vector<16xf32>
      %mul3A_48 = arith.mulf %mul3A_47, %mul3A_44 : vector<16xf32>
      %mul3A_49 = arith.mulf %mul3A_48, %mul3A_44 : vector<16xf32>
      %sub3A_50 = arith.constant 1.500000e+00 : f32
      %sub3A_51 = vector.broadcast %sub3A_50 : f32 to vector<16xf32>
      %sub3A_52 = arith.subf %sub3A_51, %mul3A_49 : vector<16xf32>
      %mul3A_53 = arith.mulf %mul3A_44, %sub3A_52 : vector<16xf32>
      %mul3A_54 = arith.constant 5.000000e-01 : f32
      %mul3A_55 = vector.broadcast %mul3A_54 : f32 to vector<16xf32>
      %mul3A_56 = arith.mulf %mul3A_55, %get3A_30 : vector<16xf32>
      %mul3A_57 = arith.mulf %mul3A_56, %mul3A_53 : vector<16xf32>
      %mul3A_58 = arith.mulf %mul3A_57, %mul3A_53 : vector<16xf32>
      %sub3A_59 = arith.constant 1.500000e+00 : f32
      %sub3A_60 = vector.broadcast %sub3A_59 : f32 to vector<16xf32>
      %sub3A_61 = arith.subf %sub3A_60, %mul3A_58 : vector<16xf32>
      %mul3A_62 = arith.mulf %mul3A_53, %sub3A_61 : vector<16xf32>
      %mul3A_63 = arith.constant 5.000000e-01 : f32
      %mul3A_64 = vector.broadcast %mul3A_63 : f32 to vector<16xf32>
      %mul3A_65 = arith.mulf %mul3A_64, %get3A_30 : vector<16xf32>
      %mul3A_66 = arith.mulf %mul3A_65, %mul3A_62 : vector<16xf32>
      %mul3A_67 = arith.mulf %mul3A_66, %mul3A_62 : vector<16xf32>
      %sub3A_68 = arith.constant 1.500000e+00 : f32
      %sub3A_69 = vector.broadcast %sub3A_68 : f32 to vector<16xf32>
      %sub3A_70 = arith.subf %sub3A_69, %mul3A_67 : vector<16xf32>
      %mul3A_71 = arith.mulf %mul3A_62, %sub3A_70 : vector<16xf32>
      %mul3A_72 = arith.constant 16 : i32
      %mul3A_73 = arith.muli %scan3A_26, %mul3A_72 : i32
      %swap3A = arith.index_cast %mul3A_73 : i32 to index
      %swap3A_74 = tpu.vector_load %arg7[%swap3A] {strides = array<i32>} : memref<640xf32, #tpu.memory_space<vmem>>, vector<16xf32>,
      tpu.vector_store %arg7[%swap3A], %mul3A_71 {strides = array<i32>} : memref<640xf32, #tpu.memory_space<vmem>>, vector<16xf32>,
      %scan3A_75 = arith.constant 0 : i32
      scf.yield %scan3A_75 : i32
    }
    %scan3A_23 = arith.constant 40 : i32
    %eq3A = arith.constant 0 : i32
    %eq3A_24 = arith.cmpi eq, %arg0, %eq3A : i32
    %convert_element_type3A = arith.extui %eq3A_24 : i1 to i32
    %cond3A = arith.constant 0 : i32
    %cond3A_25 = arith.cmpi ne, %convert_element_type3A, %cond3A : i32
    scf.if %cond3A_25 {
      "tpu.region"() ({
        %run_scoped3A = tpu.sem_alloc : memref<!tpu.dma_semaphore, #tpu.memory_space<semaphore_mem>>
        %dma_start3A = arith.constant 0 : i32
        %dma_start3A_26 = tpu.memref_slice %arg4[%arg1, %dma_start3A] : memref<16x640xf32, #tpu.memory_space<hbm>> -> memref<1x640xf32, #tpu.memory_space<hbm>>
        %dma_start3A_27 = tpu.memref_squeeze %dma_start3A_26 : memref<1x640xf32, #tpu.memory_space<hbm>> -> memref<640xf32, #tpu.memory_space<hbm>>
        %dma_start3A_28 = arith.constant 0 : i32
        %dma_start3A_29 = tpu.memref_slice %arg4[%arg1, %dma_start3A_28] : memref<16x640xf32, #tpu.memory_space<hbm>> -> memref<1x640xf32, #tpu.memory_space<hbm>>
        %dma_start3A_30 = tpu.memref_squeeze %dma_start3A_29 : memref<1x640xf32, #tpu.memory_space<hbm>> -> memref<640xf32, #tpu.memory_space<hbm>>
        tpu.enqueue_dma source(%arg7 : memref<640xf32, #tpu.memory_space<vmem>>) target(%dma_start3A_30 : memref<640xf32, #tpu.memory_space<hbm>>) target_semaphore(%run_scoped3A : memref<!tpu.dma_semaphore, #tpu.memory_space<semaphore_mem>>)
        %dma_wait3A = arith.constant 0 : i32
        %dma_wait3A_31 = tpu.memref_slice %arg4[%arg1, %dma_wait3A] : memref<16x640xf32, #tpu.memory_space<hbm>> -> memref<1x640xf32, #tpu.memory_space<hbm>>
        %dma_wait3A_32 = tpu.memref_squeeze %dma_wait3A_31 : memref<1x640xf32, #tpu.memory_space<hbm>> -> memref<640xf32, #tpu.memory_space<hbm>>
        %dma_wait3A_33 = arith.constant 0 : i32
        %dma_wait3A_34 = tpu.memref_slice %arg4[%arg1, %dma_wait3A_33] : memref<16x640xf32, #tpu.memory_space<hbm>> -> memref<1x640xf32, #tpu.memory_space<hbm>>
        %dma_wait3A_35 = tpu.memref_squeeze %dma_wait3A_34 : memref<1x640xf32, #tpu.memory_space<hbm>> -> memref<640xf32, #tpu.memory_space<hbm>>
        tpu.wait_dma2 semaphore(%run_scoped3A : memref<!tpu.dma_semaphore, #tpu.memory_space<semaphore_mem>>) src(%arg7 : memref<640xf32, #tpu.memory_space<vmem>>) dst(%dma_wait3A_35 : memref<640xf32, #tpu.memory_space<hbm>>)
        tpu.yield
      }) : () -> ()
    } else {
    }
    return
  }
}

#map = affine_map<(d0, d1) -> (0, 0)>
#map1 = affine_map<(d0, d1) -> (0)>
module attributes {stable_mosaic.version = 14 : i64} {
  func.func @_scc_body(%arg0: i32, %arg1: i32, %arg2: memref<2x10240xf32, #tpu.memory_space<hbm>>, %arg3: memref<2000x80xi32, #tpu.memory_space<hbm>>, %arg4: memref<2000x80xi32, #tpu.memory_space<hbm>>, %arg5: memref<2000x80xf32, #tpu.memory_space<hbm>>, %arg6: memref<10240xf32, #tpu.memory_space<hbm>>, %arg7: memref<16xf32, #tpu.memory_space<hbm>>, %arg8: memref<16x640xf32, #tpu.memory_space<hbm>>, %arg9: memref<50x80xi32, #tpu.memory_space<vmem>>, %arg10: memref<50x80xi32, #tpu.memory_space<vmem>>, %arg11: memref<50x80xf32, #tpu.memory_space<vmem>>, %arg12: memref<50x80xf32, #tpu.memory_space<vmem>>, %arg13: memref<10240xf32, #tpu.memory_space<vmem>>, %arg14: memref<10240xf32, #tpu.memory_space<vmem>>, %arg15: memref<640xf32, #tpu.memory_space<vmem>>, %arg16: memref<16xf32, #tpu.memory_space<vmem>>, %arg17: memref<10240xf32, #tpu.memory_space<vmem_shared>>, %arg18: memref<1x!tpu.dma_semaphore, #tpu.memory_space<semaphore_mem>>) attributes {dimension_semantics = [#tpu.dimension_semantics<core_parallel>, #tpu.dimension_semantics<subcore_parallel>], iteration_bounds = array<i64: 2, 16>, scalar_prefetch = 0 : i64, scratch_operands = 10 : i64, tpu.core_type = #tpu.core_type<sc_vector_subcore>, window_params = [{transform_indices = #map}, {transform_indices = #map}, {transform_indices = #map}, {transform_indices = #map}, {transform_indices = #map1}, {transform_indices = #map1}, {transform_indices = #map}]} {
    %run_scoped3A = arith.constant 0 : i32
    "tpu.region"() ({
      %run_scoped3A_34 = tpu.sem_alloc : memref<!tpu.dma_semaphore, #tpu.memory_space<semaphore_mem>>
      %dma_start3A = arith.constant 0 : i32
      %dma_start3A_35 = tpu.memref_slice %arg2[%run_scoped3A, %dma_start3A] : memref<2x10240xf32, #tpu.memory_space<hbm>> -> memref<1x10240xf32, #tpu.memory_space<hbm>>
      %dma_start3A_36 = tpu.memref_squeeze %dma_start3A_35 : memref<1x10240xf32, #tpu.memory_space<hbm>> -> memref<10240xf32, #tpu.memory_space<hbm>>
      %dma_start3A_37 = arith.constant 0 : i32
      %dma_start3A_38 = tpu.memref_slice %arg2[%run_scoped3A, %dma_start3A_37] : memref<2x10240xf32, #tpu.memory_space<hbm>> -> memref<1x10240xf32, #tpu.memory_space<hbm>>
      %dma_start3A_39 = tpu.memref_squeeze %dma_start3A_38 : memref<1x10240xf32, #tpu.memory_space<hbm>> -> memref<10240xf32, #tpu.memory_space<hbm>>
      tpu.enqueue_dma source(%dma_start3A_39 : memref<10240xf32, #tpu.memory_space<hbm>>) target(%arg13 : memref<10240xf32, #tpu.memory_space<vmem>>) target_semaphore(%run_scoped3A_34 : memref<!tpu.dma_semaphore, #tpu.memory_space<semaphore_mem>>)
      %dma_wait3A = arith.constant 0 : i32
      %dma_wait3A_40 = tpu.memref_slice %arg2[%run_scoped3A, %dma_wait3A] : memref<2x10240xf32, #tpu.memory_space<hbm>> -> memref<1x10240xf32, #tpu.memory_space<hbm>>
      %dma_wait3A_41 = tpu.memref_squeeze %dma_wait3A_40 : memref<1x10240xf32, #tpu.memory_space<hbm>> -> memref<10240xf32, #tpu.memory_space<hbm>>
      %dma_wait3A_42 = arith.constant 0 : i32
      %dma_wait3A_43 = tpu.memref_slice %arg2[%run_scoped3A, %dma_wait3A_42] : memref<2x10240xf32, #tpu.memory_space<hbm>> -> memref<1x10240xf32, #tpu.memory_space<hbm>>
      %dma_wait3A_44 = tpu.memref_squeeze %dma_wait3A_43 : memref<1x10240xf32, #tpu.memory_space<hbm>> -> memref<10240xf32, #tpu.memory_space<hbm>>
      tpu.wait_dma2 semaphore(%run_scoped3A_34 : memref<!tpu.dma_semaphore, #tpu.memory_space<semaphore_mem>>) src(%dma_wait3A_44 : memref<10240xf32, #tpu.memory_space<hbm>>) dst(%arg13 : memref<10240xf32, #tpu.memory_space<vmem>>)
      tpu.yield
    }) : () -> ()
    %run_scoped3A_0 = arith.constant 1 : i32
    "tpu.region"() ({
      %run_scoped3A_34 = tpu.sem_alloc : memref<!tpu.dma_semaphore, #tpu.memory_space<semaphore_mem>>
      %dma_start3A = arith.constant 0 : i32
      %dma_start3A_35 = tpu.memref_slice %arg2[%run_scoped3A_0, %dma_start3A] : memref<2x10240xf32, #tpu.memory_space<hbm>> -> memref<1x10240xf32, #tpu.memory_space<hbm>>
      %dma_start3A_36 = tpu.memref_squeeze %dma_start3A_35 : memref<1x10240xf32, #tpu.memory_space<hbm>> -> memref<10240xf32, #tpu.memory_space<hbm>>
      %dma_start3A_37 = arith.constant 0 : i32
      %dma_start3A_38 = tpu.memref_slice %arg2[%run_scoped3A_0, %dma_start3A_37] : memref<2x10240xf32, #tpu.memory_space<hbm>> -> memref<1x10240xf32, #tpu.memory_space<hbm>>
      %dma_start3A_39 = tpu.memref_squeeze %dma_start3A_38 : memref<1x10240xf32, #tpu.memory_space<hbm>> -> memref<10240xf32, #tpu.memory_space<hbm>>
      tpu.enqueue_dma source(%dma_start3A_39 : memref<10240xf32, #tpu.memory_space<hbm>>) target(%arg14 : memref<10240xf32, #tpu.memory_space<vmem>>) target_semaphore(%run_scoped3A_34 : memref<!tpu.dma_semaphore, #tpu.memory_space<semaphore_mem>>)
      %dma_wait3A = arith.constant 0 : i32
      %dma_wait3A_40 = tpu.memref_slice %arg2[%run_scoped3A_0, %dma_wait3A] : memref<2x10240xf32, #tpu.memory_space<hbm>> -> memref<1x10240xf32, #tpu.memory_space<hbm>>
      %dma_wait3A_41 = tpu.memref_squeeze %dma_wait3A_40 : memref<1x10240xf32, #tpu.memory_space<hbm>> -> memref<10240xf32, #tpu.memory_space<hbm>>
      %dma_wait3A_42 = arith.constant 0 : i32
      %dma_wait3A_43 = tpu.memref_slice %arg2[%run_scoped3A_0, %dma_wait3A_42] : memref<2x10240xf32, #tpu.memory_space<hbm>> -> memref<1x10240xf32, #tpu.memory_space<hbm>>
      %dma_wait3A_44 = tpu.memref_squeeze %dma_wait3A_43 : memref<1x10240xf32, #tpu.memory_space<hbm>> -> memref<10240xf32, #tpu.memory_space<hbm>>
      tpu.wait_dma2 semaphore(%run_scoped3A_34 : memref<!tpu.dma_semaphore, #tpu.memory_space<semaphore_mem>>) src(%dma_wait3A_44 : memref<10240xf32, #tpu.memory_space<hbm>>) dst(%arg14 : memref<10240xf32, #tpu.memory_space<vmem>>)
      tpu.yield
    }) : () -> ()
    "tpu.region"() ({
      %run_scoped3A_34 = tpu.sem_alloc : memref<!tpu.dma_semaphore, #tpu.memory_space<semaphore_mem>>
      tpu.enqueue_dma source(%arg7 : memref<16xf32, #tpu.memory_space<hbm>>) target(%arg16 : memref<16xf32, #tpu.memory_space<vmem>>) target_semaphore(%run_scoped3A_34 : memref<!tpu.dma_semaphore, #tpu.memory_space<semaphore_mem>>)
      tpu.wait_dma2 semaphore(%run_scoped3A_34 : memref<!tpu.dma_semaphore, #tpu.memory_space<semaphore_mem>>) src(%arg7 : memref<16xf32, #tpu.memory_space<hbm>>) dst(%arg16 : memref<16xf32, #tpu.memory_space<vmem>>)
      tpu.yield
    }) : () -> ()
    %scan3A = arith.constant 0 : i32
    %scan3A_1 = arith.constant 0 : i32
    %scan3A_2 = arith.constant 640 : i32
    %scan3A_3 = arith.addi %scan3A_1, %scan3A_2 : i32
    %scan3A_4 = arith.constant 1 : i32
    %scan3A_5 = scf.for %scan3A_34 = %scan3A_1 to %scan3A_3 step %scan3A_4 iter_args(%scan3A_35 = %scan3A) -> (i32)  : i32 {
      %mul3A_36 = arith.constant 16 : i32
      %mul3A_37 = arith.muli %scan3A_34, %mul3A_36 : i32
      %get3A = arith.index_cast %mul3A_37 : i32 to index
      %get3A_38 = tpu.vector_load %arg13[%get3A] {strides = array<i32>} : memref<10240xf32, #tpu.memory_space<vmem>>, vector<16xf32>,
      %mul3A_39 = arith.constant 16 : i32
      %mul3A_40 = arith.muli %scan3A_34, %mul3A_39 : i32
      %get3A_41 = arith.index_cast %mul3A_40 : i32 to index
      %get3A_42 = tpu.vector_load %arg14[%get3A_41] {strides = array<i32>} : memref<10240xf32, #tpu.memory_space<vmem>>, vector<16xf32>,
      %add3A = arith.addf %get3A_38, %get3A_42 : vector<16xf32>
      %mul3A_43 = arith.constant 16 : i32
      %mul3A_44 = arith.muli %scan3A_34, %mul3A_43 : i32
      %swap3A = arith.index_cast %mul3A_44 : i32 to index
      %swap3A_45 = tpu.vector_load %arg13[%swap3A] {strides = array<i32>} : memref<10240xf32, #tpu.memory_space<vmem>>, vector<16xf32>,
      tpu.vector_store %arg13[%swap3A], %add3A {strides = array<i32>} : memref<10240xf32, #tpu.memory_space<vmem>>, vector<16xf32>,
      %scan3A_46 = arith.constant 0 : i32
      scf.yield %scan3A_46 : i32
    }
    %scan3A_6 = arith.constant 640 : i32
    "tpu.region"() ({
      %run_scoped3A_34 = tpu.sem_alloc : memref<!tpu.dma_semaphore, #tpu.memory_space<semaphore_mem>>
      tpu.enqueue_dma source(%arg6 : memref<10240xf32, #tpu.memory_space<hbm>>) target(%arg14 : memref<10240xf32, #tpu.memory_space<vmem>>) target_semaphore(%run_scoped3A_34 : memref<!tpu.dma_semaphore, #tpu.memory_space<semaphore_mem>>)
      tpu.wait_dma2 semaphore(%run_scoped3A_34 : memref<!tpu.dma_semaphore, #tpu.memory_space<semaphore_mem>>) src(%arg6 : memref<10240xf32, #tpu.memory_space<hbm>>) dst(%arg14 : memref<10240xf32, #tpu.memory_space<vmem>>)
      tpu.yield
    }) : () -> ()
    %scan3A_7 = arith.constant 0 : i32
    %scan3A_8 = arith.constant 0 : i32
    %scan3A_9 = arith.constant 40 : i32
    %scan3A_10 = arith.addi %scan3A_8, %scan3A_9 : i32
    %scan3A_11 = arith.constant 1 : i32
    %scan3A_12 = scf.for %scan3A_34 = %scan3A_8 to %scan3A_10 step %scan3A_11 iter_args(%scan3A_35 = %scan3A_7) -> (i32)  : i32 {
      %mul3A_36 = arith.constant 640 : i32
      %mul3A_37 = arith.muli %arg1, %mul3A_36 : i32
      %mul3A_38 = arith.constant 16 : i32
      %mul3A_39 = arith.muli %scan3A_34, %mul3A_38 : i32
      %add3A = arith.addi %mul3A_37, %mul3A_39 : i32
      %get3A = arith.index_cast %add3A : i32 to index
      %get3A_40 = tpu.vector_load %arg14[%get3A] {strides = array<i32>} : memref<10240xf32, #tpu.memory_space<vmem>>, vector<16xf32>,
      %mul3A_41 = arith.mulf %get3A_40, %get3A_40 : vector<16xf32>
      %mul3A_42 = arith.constant 640 : i32
      %mul3A_43 = arith.muli %arg1, %mul3A_42 : i32
      %mul3A_44 = arith.constant 16 : i32
      %mul3A_45 = arith.muli %scan3A_34, %mul3A_44 : i32
      %add3A_46 = arith.addi %mul3A_43, %mul3A_45 : i32
      %get3A_47 = arith.index_cast %add3A_46 : i32 to index
      %get3A_48 = tpu.vector_load %arg13[%get3A_47] {strides = array<i32>} : memref<10240xf32, #tpu.memory_space<vmem>>, vector<16xf32>,
      %mul3A_49 = arith.mulf %mul3A_41, %get3A_48 : vector<16xf32>
      %mul3A_50 = arith.constant 16 : i32
      %mul3A_51 = arith.muli %scan3A_34, %mul3A_50 : i32
      %swap3A = arith.index_cast %mul3A_51 : i32 to index
      %swap3A_52 = tpu.vector_load %arg15[%swap3A] {strides = array<i32>} : memref<640xf32, #tpu.memory_space<vmem>>, vector<16xf32>,
      tpu.vector_store %arg15[%swap3A], %mul3A_49 {strides = array<i32>} : memref<640xf32, #tpu.memory_space<vmem>>, vector<16xf32>,
      %scan3A_53 = arith.constant 0 : i32
      scf.yield %scan3A_53 : i32
    }
    %scan3A_13 = arith.constant 40 : i32
    %mul3A = arith.constant 640 : i32
    %mul3A_14 = arith.muli %arg1, %mul3A : i32
    "tpu.region"() ({
      %run_scoped3A_34 = tpu.sem_alloc : memref<!tpu.dma_semaphore, #tpu.memory_space<semaphore_mem>>
      %dma_start3A = tpu.memref_slice %arg17[%mul3A_14] : memref<10240xf32, #tpu.memory_space<vmem_shared>> -> memref<640xf32, #tpu.memory_space<vmem_shared>>
      %dma_start3A_35 = tpu.memref_slice %arg17[%mul3A_14] : memref<10240xf32, #tpu.memory_space<vmem_shared>> -> memref<640xf32, #tpu.memory_space<vmem_shared>>
      tpu.enqueue_dma source(%arg15 : memref<640xf32, #tpu.memory_space<vmem>>) target(%dma_start3A_35 : memref<640xf32, #tpu.memory_space<vmem_shared>>) target_semaphore(%run_scoped3A_34 : memref<!tpu.dma_semaphore, #tpu.memory_space<semaphore_mem>>)
      %dma_wait3A = tpu.memref_slice %arg17[%mul3A_14] : memref<10240xf32, #tpu.memory_space<vmem_shared>> -> memref<640xf32, #tpu.memory_space<vmem_shared>>
      %dma_wait3A_36 = tpu.memref_slice %arg17[%mul3A_14] : memref<10240xf32, #tpu.memory_space<vmem_shared>> -> memref<640xf32, #tpu.memory_space<vmem_shared>>
      tpu.wait_dma2 semaphore(%run_scoped3A_34 : memref<!tpu.dma_semaphore, #tpu.memory_space<semaphore_mem>>) src(%arg15 : memref<640xf32, #tpu.memory_space<vmem>>) dst(%dma_wait3A_36 : memref<640xf32, #tpu.memory_space<vmem_shared>>)
      tpu.yield
    }) : () -> ()
    %barrier3A = arith.constant 0 : index
    tpu.barrier barrier_id(%barrier3A)
    %scan3A_15 = arith.constant 0 : i32
    %scan3A_16 = arith.constant 0 : i32
    %scan3A_17 = arith.constant 5 : i32
    %scan3A_18 = arith.addi %scan3A_16, %scan3A_17 : i32
    %scan3A_19 = arith.constant 1 : i32
    %scan3A_20 = scf.for %scan3A_34 = %scan3A_16 to %scan3A_18 step %scan3A_19 iter_args(%scan3A_35 = %scan3A_15) -> (i32)  : i32 {
      %jit3A = arith.constant 2 : i32
      %eq3A_36 = arith.constant 0 : i32
      %eq3A_37 = arith.cmpi eq, %jit3A, %eq3A_36 : i32
      %jit3A_38 = arith.constant 1 : i32
      %select_n3A = arith.select %eq3A_37, %jit3A_38, %jit3A : i32
      %rem3A = arith.remsi %scan3A_34, %select_n3A : i32
      %ne3A = arith.constant 0 : i32
      %ne3A_39 = arith.cmpi ne, %rem3A, %ne3A : i32
      %lt3A = arith.constant 0 : i32
      %lt3A_40 = arith.cmpi slt, %rem3A, %lt3A : i32
      %lt3A_41 = arith.constant 0 : i32
      %lt3A_42 = arith.cmpi slt, %select_n3A, %lt3A_41 : i32
      %ne3A_43 = arith.xori %lt3A_40, %lt3A_42 : i1
      %and3A = arith.andi %ne3A_43, %ne3A_39 : i1
      %add3A = arith.addi %rem3A, %select_n3A : i32
      %select_n3A_44 = arith.select %and3A, %add3A, %rem3A : i32
      %mul3A_45 = arith.constant 25 : i32
      %mul3A_46 = arith.muli %select_n3A_44, %mul3A_45 : i32
      %mul3A_47 = arith.constant 125 : i32
      %mul3A_48 = arith.muli %arg1, %mul3A_47 : i32
      %mul3A_49 = arith.constant 25 : i32
      %mul3A_50 = arith.muli %scan3A_34, %mul3A_49 : i32
      %add3A_51 = arith.addi %mul3A_48, %mul3A_50 : i32
      "tpu.region"() ({
        %run_scoped3A_74 = tpu.sem_alloc : memref<!tpu.dma_semaphore, #tpu.memory_space<semaphore_mem>>
        %dma_start3A = arith.constant 0 : i32
        %dma_start3A_75 = tpu.memref_slice %arg9[%mul3A_46, %dma_start3A] : memref<50x80xi32, #tpu.memory_space<vmem>> -> memref<25x80xi32, #tpu.memory_space<vmem>>
        %dma_start3A_76 = arith.constant 0 : i32
        %dma_start3A_77 = tpu.memref_slice %arg3[%add3A_51, %dma_start3A_76] : memref<2000x80xi32, #tpu.memory_space<hbm>> -> memref<25x80xi32, #tpu.memory_space<hbm>>
        %dma_start3A_78 = arith.constant 0 : i32
        %dma_start3A_79 = tpu.memref_slice %arg9[%mul3A_46, %dma_start3A_78] : memref<50x80xi32, #tpu.memory_space<vmem>> -> memref<25x80xi32, #tpu.memory_space<vmem>>
        %dma_start3A_80 = arith.constant 0 : i32
        %dma_start3A_81 = tpu.memref_slice %arg3[%add3A_51, %dma_start3A_80] : memref<2000x80xi32, #tpu.memory_space<hbm>> -> memref<25x80xi32, #tpu.memory_space<hbm>>
        tpu.enqueue_dma source(%dma_start3A_81 : memref<25x80xi32, #tpu.memory_space<hbm>>) target(%dma_start3A_79 : memref<25x80xi32, #tpu.memory_space<vmem>>) target_semaphore(%run_scoped3A_74 : memref<!tpu.dma_semaphore, #tpu.memory_space<semaphore_mem>>)
        %dma_wait3A = arith.constant 0 : i32
        %dma_wait3A_82 = tpu.memref_slice %arg9[%mul3A_46, %dma_wait3A] : memref<50x80xi32, #tpu.memory_space<vmem>> -> memref<25x80xi32, #tpu.memory_space<vmem>>
        %dma_wait3A_83 = arith.constant 0 : i32
        %dma_wait3A_84 = tpu.memref_slice %arg3[%add3A_51, %dma_wait3A_83] : memref<2000x80xi32, #tpu.memory_space<hbm>> -> memref<25x80xi32, #tpu.memory_space<hbm>>
        %dma_wait3A_85 = arith.constant 0 : i32
        %dma_wait3A_86 = tpu.memref_slice %arg9[%mul3A_46, %dma_wait3A_85] : memref<50x80xi32, #tpu.memory_space<vmem>> -> memref<25x80xi32, #tpu.memory_space<vmem>>
        %dma_wait3A_87 = arith.constant 0 : i32
        %dma_wait3A_88 = tpu.memref_slice %arg3[%add3A_51, %dma_wait3A_87] : memref<2000x80xi32, #tpu.memory_space<hbm>> -> memref<25x80xi32, #tpu.memory_space<hbm>>
        tpu.wait_dma2 semaphore(%run_scoped3A_74 : memref<!tpu.dma_semaphore, #tpu.memory_space<semaphore_mem>>) src(%dma_wait3A_88 : memref<25x80xi32, #tpu.memory_space<hbm>>) dst(%dma_wait3A_86 : memref<25x80xi32, #tpu.memory_space<vmem>>)
        tpu.yield
      }) : () -> ()
      "tpu.region"() ({
        %run_scoped3A_74 = tpu.sem_alloc : memref<!tpu.dma_semaphore, #tpu.memory_space<semaphore_mem>>
        %dma_start3A = arith.constant 0 : i32
        %dma_start3A_75 = tpu.memref_slice %arg10[%mul3A_46, %dma_start3A] : memref<50x80xi32, #tpu.memory_space<vmem>> -> memref<25x80xi32, #tpu.memory_space<vmem>>
        %dma_start3A_76 = arith.constant 0 : i32
        %dma_start3A_77 = tpu.memref_slice %arg4[%add3A_51, %dma_start3A_76] : memref<2000x80xi32, #tpu.memory_space<hbm>> -> memref<25x80xi32, #tpu.memory_space<hbm>>
        %dma_start3A_78 = arith.constant 0 : i32
        %dma_start3A_79 = tpu.memref_slice %arg10[%mul3A_46, %dma_start3A_78] : memref<50x80xi32, #tpu.memory_space<vmem>> -> memref<25x80xi32, #tpu.memory_space<vmem>>
        %dma_start3A_80 = arith.constant 0 : i32
        %dma_start3A_81 = tpu.memref_slice %arg4[%add3A_51, %dma_start3A_80] : memref<2000x80xi32, #tpu.memory_space<hbm>> -> memref<25x80xi32, #tpu.memory_space<hbm>>
        tpu.enqueue_dma source(%dma_start3A_81 : memref<25x80xi32, #tpu.memory_space<hbm>>) target(%dma_start3A_79 : memref<25x80xi32, #tpu.memory_space<vmem>>) target_semaphore(%run_scoped3A_74 : memref<!tpu.dma_semaphore, #tpu.memory_space<semaphore_mem>>)
        %dma_wait3A = arith.constant 0 : i32
        %dma_wait3A_82 = tpu.memref_slice %arg10[%mul3A_46, %dma_wait3A] : memref<50x80xi32, #tpu.memory_space<vmem>> -> memref<25x80xi32, #tpu.memory_space<vmem>>
        %dma_wait3A_83 = arith.constant 0 : i32
        %dma_wait3A_84 = tpu.memref_slice %arg4[%add3A_51, %dma_wait3A_83] : memref<2000x80xi32, #tpu.memory_space<hbm>> -> memref<25x80xi32, #tpu.memory_space<hbm>>
        %dma_wait3A_85 = arith.constant 0 : i32
        %dma_wait3A_86 = tpu.memref_slice %arg10[%mul3A_46, %dma_wait3A_85] : memref<50x80xi32, #tpu.memory_space<vmem>> -> memref<25x80xi32, #tpu.memory_space<vmem>>
        %dma_wait3A_87 = arith.constant 0 : i32
        %dma_wait3A_88 = tpu.memref_slice %arg4[%add3A_51, %dma_wait3A_87] : memref<2000x80xi32, #tpu.memory_space<hbm>> -> memref<25x80xi32, #tpu.memory_space<hbm>>
        tpu.wait_dma2 semaphore(%run_scoped3A_74 : memref<!tpu.dma_semaphore, #tpu.memory_space<semaphore_mem>>) src(%dma_wait3A_88 : memref<25x80xi32, #tpu.memory_space<hbm>>) dst(%dma_wait3A_86 : memref<25x80xi32, #tpu.memory_space<vmem>>)
        tpu.yield
      }) : () -> ()
      "tpu.region"() ({
        %run_scoped3A_74 = tpu.sem_alloc : memref<!tpu.dma_semaphore, #tpu.memory_space<semaphore_mem>>
        %dma_start3A = arith.constant 0 : i32
        %dma_start3A_75 = tpu.memref_slice %arg11[%mul3A_46, %dma_start3A] : memref<50x80xf32, #tpu.memory_space<vmem>> -> memref<25x80xf32, #tpu.memory_space<vmem>>
        %dma_start3A_76 = arith.constant 0 : i32
        %dma_start3A_77 = tpu.memref_slice %arg5[%add3A_51, %dma_start3A_76] : memref<2000x80xf32, #tpu.memory_space<hbm>> -> memref<25x80xf32, #tpu.memory_space<hbm>>
        %dma_start3A_78 = arith.constant 0 : i32
        %dma_start3A_79 = tpu.memref_slice %arg11[%mul3A_46, %dma_start3A_78] : memref<50x80xf32, #tpu.memory_space<vmem>> -> memref<25x80xf32, #tpu.memory_space<vmem>>
        %dma_start3A_80 = arith.constant 0 : i32
        %dma_start3A_81 = tpu.memref_slice %arg5[%add3A_51, %dma_start3A_80] : memref<2000x80xf32, #tpu.memory_space<hbm>> -> memref<25x80xf32, #tpu.memory_space<hbm>>
        tpu.enqueue_dma source(%dma_start3A_81 : memref<25x80xf32, #tpu.memory_space<hbm>>) target(%dma_start3A_79 : memref<25x80xf32, #tpu.memory_space<vmem>>) target_semaphore(%run_scoped3A_74 : memref<!tpu.dma_semaphore, #tpu.memory_space<semaphore_mem>>)
        %dma_wait3A = arith.constant 0 : i32
        %dma_wait3A_82 = tpu.memref_slice %arg11[%mul3A_46, %dma_wait3A] : memref<50x80xf32, #tpu.memory_space<vmem>> -> memref<25x80xf32, #tpu.memory_space<vmem>>
        %dma_wait3A_83 = arith.constant 0 : i32
        %dma_wait3A_84 = tpu.memref_slice %arg5[%add3A_51, %dma_wait3A_83] : memref<2000x80xf32, #tpu.memory_space<hbm>> -> memref<25x80xf32, #tpu.memory_space<hbm>>
        %dma_wait3A_85 = arith.constant 0 : i32
        %dma_wait3A_86 = tpu.memref_slice %arg11[%mul3A_46, %dma_wait3A_85] : memref<50x80xf32, #tpu.memory_space<vmem>> -> memref<25x80xf32, #tpu.memory_space<vmem>>
        %dma_wait3A_87 = arith.constant 0 : i32
        %dma_wait3A_88 = tpu.memref_slice %arg5[%add3A_51, %dma_wait3A_87] : memref<2000x80xf32, #tpu.memory_space<hbm>> -> memref<25x80xf32, #tpu.memory_space<hbm>>
        tpu.wait_dma2 semaphore(%run_scoped3A_74 : memref<!tpu.dma_semaphore, #tpu.memory_space<semaphore_mem>>) src(%dma_wait3A_88 : memref<25x80xf32, #tpu.memory_space<hbm>>) dst(%dma_wait3A_86 : memref<25x80xf32, #tpu.memory_space<vmem>>)
        tpu.yield
      }) : () -> ()
      %scan3A_52 = arith.constant 0 : i32
      %scan3A_53 = arith.constant 0 : i32
      %scan3A_54 = arith.constant 25 : i32
      %scan3A_55 = arith.addi %scan3A_53, %scan3A_54 : i32
      %scan3A_56 = arith.constant 1 : i32
      %scan3A_57 = scf.for %scan3A_74 = %scan3A_53 to %scan3A_55 step %scan3A_56 iter_args(%scan3A_75 = %scan3A_52) -> (i32)  : i32 {
        %add3A_76 = arith.addi %mul3A_46, %scan3A_74 : i32
        %get3A = arith.index_cast %add3A_76 : i32 to index
        %get3A_77 = arith.constant 0 : index
        %get3A_78 = tpu.vector_load %arg9[%get3A, %get3A_77] {strides = array<i32>} : memref<50x80xi32, #tpu.memory_space<vmem>>, vector<16xi32>,
        %add3A_79 = arith.addi %mul3A_46, %scan3A_74 : i32
        %get3A_80 = arith.index_cast %add3A_79 : i32 to index
        %get3A_81 = arith.constant 0 : index
        %get3A_82 = tpu.vector_load %arg10[%get3A_80, %get3A_81] {strides = array<i32>} : memref<50x80xi32, #tpu.memory_space<vmem>>, vector<16xi32>,
        %add3A_83 = arith.addi %mul3A_46, %scan3A_74 : i32
        %get3A_84 = arith.index_cast %add3A_83 : i32 to index
        %get3A_85 = arith.constant 0 : index
        %get3A_86 = tpu.vector_load %arg11[%get3A_84, %get3A_85] {strides = array<i32>} : memref<50x80xf32, #tpu.memory_space<vmem>>, vector<16xf32>,
        %gather3A = tpu.vector_load_idx %arg14[%get3A_78] : memref<10240xf32, #tpu.memory_space<vmem>>[vector<16xi32>], vector<16xf32>,
        %gather3A_87 = tpu.vector_load_idx %arg14[%get3A_82] : memref<10240xf32, #tpu.memory_space<vmem>>[vector<16xi32>], vector<16xf32>,
        %gather3A_88 = tpu.vector_load_idx %arg13[%get3A_78] : memref<10240xf32, #tpu.memory_space<vmem>>[vector<16xi32>], vector<16xf32>,
        %mul3A_89 = arith.mulf %gather3A, %get3A_86 : vector<16xf32>
        %mul3A_90 = arith.mulf %mul3A_89, %gather3A_87 : vector<16xf32>
        %mul3A_91 = arith.mulf %mul3A_90, %gather3A_88 : vector<16xf32>
        %add3A_92 = arith.addi %mul3A_46, %scan3A_74 : i32
        %swap3A = arith.index_cast %add3A_92 : i32 to index
        %swap3A_93 = arith.constant 0 : index
        %swap3A_94 = tpu.vector_load %arg12[%swap3A, %swap3A_93] {strides = array<i32>} : memref<50x80xf32, #tpu.memory_space<vmem>>, vector<16xf32>,
        tpu.vector_store %arg12[%swap3A, %swap3A_93], %mul3A_91 {strides = array<i32>} : memref<50x80xf32, #tpu.memory_space<vmem>>, vector<16xf32>,
        %add3A_95 = arith.addi %mul3A_46, %scan3A_74 : i32
        %get3A_96 = arith.index_cast %add3A_95 : i32 to index
        %get3A_97 = arith.constant 16 : index
        %get3A_98 = tpu.vector_load %arg9[%get3A_96, %get3A_97] {strides = array<i32>} : memref<50x80xi32, #tpu.memory_space<vmem>>, vector<16xi32>,
        %add3A_99 = arith.addi %mul3A_46, %scan3A_74 : i32
        %get3A_100 = arith.index_cast %add3A_99 : i32 to index
        %get3A_101 = arith.constant 16 : index
        %get3A_102 = tpu.vector_load %arg10[%get3A_100, %get3A_101] {strides = array<i32>} : memref<50x80xi32, #tpu.memory_space<vmem>>, vector<16xi32>,
        %add3A_103 = arith.addi %mul3A_46, %scan3A_74 : i32
        %get3A_104 = arith.index_cast %add3A_103 : i32 to index
        %get3A_105 = arith.constant 16 : index
        %get3A_106 = tpu.vector_load %arg11[%get3A_104, %get3A_105] {strides = array<i32>} : memref<50x80xf32, #tpu.memory_space<vmem>>, vector<16xf32>,
        %gather3A_107 = tpu.vector_load_idx %arg14[%get3A_98] : memref<10240xf32, #tpu.memory_space<vmem>>[vector<16xi32>], vector<16xf32>,
        %gather3A_108 = tpu.vector_load_idx %arg14[%get3A_102] : memref<10240xf32, #tpu.memory_space<vmem>>[vector<16xi32>], vector<16xf32>,
        %gather3A_109 = tpu.vector_load_idx %arg13[%get3A_98] : memref<10240xf32, #tpu.memory_space<vmem>>[vector<16xi32>], vector<16xf32>,
        %mul3A_110 = arith.mulf %gather3A_107, %get3A_106 : vector<16xf32>
        %mul3A_111 = arith.mulf %mul3A_110, %gather3A_108 : vector<16xf32>
        %mul3A_112 = arith.mulf %mul3A_111, %gather3A_109 : vector<16xf32>
        %add3A_113 = arith.addi %mul3A_46, %scan3A_74 : i32
        %swap3A_114 = arith.index_cast %add3A_113 : i32 to index
        %swap3A_115 = arith.constant 16 : index
        %swap3A_116 = tpu.vector_load %arg12[%swap3A_114, %swap3A_115] {strides = array<i32>} : memref<50x80xf32, #tpu.memory_space<vmem>>, vector<16xf32>,
        tpu.vector_store %arg12[%swap3A_114, %swap3A_115], %mul3A_112 {strides = array<i32>} : memref<50x80xf32, #tpu.memory_space<vmem>>, vector<16xf32>,
        %add3A_117 = arith.addi %mul3A_46, %scan3A_74 : i32
        %get3A_118 = arith.index_cast %add3A_117 : i32 to index
        %get3A_119 = arith.constant 32 : index
        %get3A_120 = tpu.vector_load %arg9[%get3A_118, %get3A_119] {strides = array<i32>} : memref<50x80xi32, #tpu.memory_space<vmem>>, vector<16xi32>,
        %add3A_121 = arith.addi %mul3A_46, %scan3A_74 : i32
        %get3A_122 = arith.index_cast %add3A_121 : i32 to index
        %get3A_123 = arith.constant 32 : index
        %get3A_124 = tpu.vector_load %arg10[%get3A_122, %get3A_123] {strides = array<i32>} : memref<50x80xi32, #tpu.memory_space<vmem>>, vector<16xi32>,
        %add3A_125 = arith.addi %mul3A_46, %scan3A_74 : i32
        %get3A_126 = arith.index_cast %add3A_125 : i32 to index
        %get3A_127 = arith.constant 32 : index
        %get3A_128 = tpu.vector_load %arg11[%get3A_126, %get3A_127] {strides = array<i32>} : memref<50x80xf32, #tpu.memory_space<vmem>>, vector<16xf32>,
        %gather3A_129 = tpu.vector_load_idx %arg14[%get3A_120] : memref<10240xf32, #tpu.memory_space<vmem>>[vector<16xi32>], vector<16xf32>,
        %gather3A_130 = tpu.vector_load_idx %arg14[%get3A_124] : memref<10240xf32, #tpu.memory_space<vmem>>[vector<16xi32>], vector<16xf32>,
        %gather3A_131 = tpu.vector_load_idx %arg13[%get3A_120] : memref<10240xf32, #tpu.memory_space<vmem>>[vector<16xi32>], vector<16xf32>,
        %mul3A_132 = arith.mulf %gather3A_129, %get3A_128 : vector<16xf32>
        %mul3A_133 = arith.mulf %mul3A_132, %gather3A_130 : vector<16xf32>
        %mul3A_134 = arith.mulf %mul3A_133, %gather3A_131 : vector<16xf32>
        %add3A_135 = arith.addi %mul3A_46, %scan3A_74 : i32
        %swap3A_136 = arith.index_cast %add3A_135 : i32 to index
        %swap3A_137 = arith.constant 32 : index
        %swap3A_138 = tpu.vector_load %arg12[%swap3A_136, %swap3A_137] {strides = array<i32>} : memref<50x80xf32, #tpu.memory_space<vmem>>, vector<16xf32>,
        tpu.vector_store %arg12[%swap3A_136, %swap3A_137], %mul3A_134 {strides = array<i32>} : memref<50x80xf32, #tpu.memory_space<vmem>>, vector<16xf32>,
        %add3A_139 = arith.addi %mul3A_46, %scan3A_74 : i32
        %get3A_140 = arith.index_cast %add3A_139 : i32 to index
        %get3A_141 = arith.constant 48 : index
        %get3A_142 = tpu.vector_load %arg9[%get3A_140, %get3A_141] {strides = array<i32>} : memref<50x80xi32, #tpu.memory_space<vmem>>, vector<16xi32>,
        %add3A_143 = arith.addi %mul3A_46, %scan3A_74 : i32
        %get3A_144 = arith.index_cast %add3A_143 : i32 to index
        %get3A_145 = arith.constant 48 : index
        %get3A_146 = tpu.vector_load %arg10[%get3A_144, %get3A_145] {strides = array<i32>} : memref<50x80xi32, #tpu.memory_space<vmem>>, vector<16xi32>,
        %add3A_147 = arith.addi %mul3A_46, %scan3A_74 : i32
        %get3A_148 = arith.index_cast %add3A_147 : i32 to index
        %get3A_149 = arith.constant 48 : index
        %get3A_150 = tpu.vector_load %arg11[%get3A_148, %get3A_149] {strides = array<i32>} : memref<50x80xf32, #tpu.memory_space<vmem>>, vector<16xf32>,
        %gather3A_151 = tpu.vector_load_idx %arg14[%get3A_142] : memref<10240xf32, #tpu.memory_space<vmem>>[vector<16xi32>], vector<16xf32>,
        %gather3A_152 = tpu.vector_load_idx %arg14[%get3A_146] : memref<10240xf32, #tpu.memory_space<vmem>>[vector<16xi32>], vector<16xf32>,
        %gather3A_153 = tpu.vector_load_idx %arg13[%get3A_142] : memref<10240xf32, #tpu.memory_space<vmem>>[vector<16xi32>], vector<16xf32>,
        %mul3A_154 = arith.mulf %gather3A_151, %get3A_150 : vector<16xf32>
        %mul3A_155 = arith.mulf %mul3A_154, %gather3A_152 : vector<16xf32>
        %mul3A_156 = arith.mulf %mul3A_155, %gather3A_153 : vector<16xf32>
        %add3A_157 = arith.addi %mul3A_46, %scan3A_74 : i32
        %swap3A_158 = arith.index_cast %add3A_157 : i32 to index
        %swap3A_159 = arith.constant 48 : index
        %swap3A_160 = tpu.vector_load %arg12[%swap3A_158, %swap3A_159] {strides = array<i32>} : memref<50x80xf32, #tpu.memory_space<vmem>>, vector<16xf32>,
        tpu.vector_store %arg12[%swap3A_158, %swap3A_159], %mul3A_156 {strides = array<i32>} : memref<50x80xf32, #tpu.memory_space<vmem>>, vector<16xf32>,
        %add3A_161 = arith.addi %mul3A_46, %scan3A_74 : i32
        %get3A_162 = arith.index_cast %add3A_161 : i32 to index
        %get3A_163 = arith.constant 64 : index
        %get3A_164 = tpu.vector_load %arg9[%get3A_162, %get3A_163] {strides = array<i32>} : memref<50x80xi32, #tpu.memory_space<vmem>>, vector<16xi32>,
        %add3A_165 = arith.addi %mul3A_46, %scan3A_74 : i32
        %get3A_166 = arith.index_cast %add3A_165 : i32 to index
        %get3A_167 = arith.constant 64 : index
        %get3A_168 = tpu.vector_load %arg10[%get3A_166, %get3A_167] {strides = array<i32>} : memref<50x80xi32, #tpu.memory_space<vmem>>, vector<16xi32>,
        %add3A_169 = arith.addi %mul3A_46, %scan3A_74 : i32
        %get3A_170 = arith.index_cast %add3A_169 : i32 to index
        %get3A_171 = arith.constant 64 : index
        %get3A_172 = tpu.vector_load %arg11[%get3A_170, %get3A_171] {strides = array<i32>} : memref<50x80xf32, #tpu.memory_space<vmem>>, vector<16xf32>,
        %gather3A_173 = tpu.vector_load_idx %arg14[%get3A_164] : memref<10240xf32, #tpu.memory_space<vmem>>[vector<16xi32>], vector<16xf32>,
        %gather3A_174 = tpu.vector_load_idx %arg14[%get3A_168] : memref<10240xf32, #tpu.memory_space<vmem>>[vector<16xi32>], vector<16xf32>,
        %gather3A_175 = tpu.vector_load_idx %arg13[%get3A_164] : memref<10240xf32, #tpu.memory_space<vmem>>[vector<16xi32>], vector<16xf32>,
        %mul3A_176 = arith.mulf %gather3A_173, %get3A_172 : vector<16xf32>
        %mul3A_177 = arith.mulf %mul3A_176, %gather3A_174 : vector<16xf32>
        %mul3A_178 = arith.mulf %mul3A_177, %gather3A_175 : vector<16xf32>
        %add3A_179 = arith.addi %mul3A_46, %scan3A_74 : i32
        %swap3A_180 = arith.index_cast %add3A_179 : i32 to index
        %swap3A_181 = arith.constant 64 : index
        %swap3A_182 = tpu.vector_load %arg12[%swap3A_180, %swap3A_181] {strides = array<i32>} : memref<50x80xf32, #tpu.memory_space<vmem>>, vector<16xf32>,
        tpu.vector_store %arg12[%swap3A_180, %swap3A_181], %mul3A_178 {strides = array<i32>} : memref<50x80xf32, #tpu.memory_space<vmem>>, vector<16xf32>,
        %scan3A_183 = arith.constant 0 : i32
        scf.yield %scan3A_183 : i32
      }
      %scan3A_58 = arith.constant 25 : i32
      %scan3A_59 = arith.constant 0 : i32
      %scan3A_60 = arith.constant 0 : i32
      %scan3A_61 = arith.constant 25 : i32
      %scan3A_62 = arith.addi %scan3A_60, %scan3A_61 : i32
      %scan3A_63 = arith.constant 1 : i32
      %scan3A_64 = scf.for %scan3A_74 = %scan3A_60 to %scan3A_62 step %scan3A_63 iter_args(%scan3A_75 = %scan3A_59) -> (i32)  : i32 {
        %add3A_76 = arith.addi %mul3A_46, %scan3A_74 : i32
        %add3A_77 = arith.addi %mul3A_46, %scan3A_74 : i32
        %dma_start3A = arith.constant 0 : i32
        %dma_start3A_78 = arith.constant 0 : i32
        %dma_start3A_79 = tpu.memref_slice %arg12[%add3A_76, %dma_start3A_78] : memref<50x80xf32, #tpu.memory_space<vmem>> -> memref<1x80xf32, #tpu.memory_space<vmem>>
        %dma_start3A_80 = tpu.memref_squeeze %dma_start3A_79 : memref<1x80xf32, #tpu.memory_space<vmem>> -> memref<80xf32, #tpu.memory_space<vmem>>
        %dma_start3A_81 = arith.constant 0 : i32
        %dma_start3A_82 = tpu.memref_slice %arg10[%add3A_77, %dma_start3A_81] : memref<50x80xi32, #tpu.memory_space<vmem>> -> memref<1x80xi32, #tpu.memory_space<vmem>>
        %dma_start3A_83 = tpu.memref_squeeze %dma_start3A_82 : memref<1x80xi32, #tpu.memory_space<vmem>> -> memref<80xi32, #tpu.memory_space<vmem>>
        %dma_start3A_84 = arith.constant 0 : i32
        %dma_start3A_85 = tpu.memref_slice %arg17[%dma_start3A_84] : memref<10240xf32, #tpu.memory_space<vmem_shared>> -> memref<10240xf32, #tpu.memory_space<vmem_shared>>
        %dma_start3A_86 = tpu.memref_slice %arg18[%dma_start3A] : memref<1x!tpu.dma_semaphore, #tpu.memory_space<semaphore_mem>> -> memref<1x!tpu.dma_semaphore, #tpu.memory_space<semaphore_mem>>
        %dma_start3A_87 = tpu.memref_squeeze %dma_start3A_86 : memref<1x!tpu.dma_semaphore, #tpu.memory_space<semaphore_mem>> -> memref<!tpu.dma_semaphore, #tpu.memory_space<semaphore_mem>>
        tpu.enqueue_indirect_dma source(%dma_start3A_80 : memref<80xf32, #tpu.memory_space<vmem>>) target(%dma_start3A_85 : memref<10240xf32, #tpu.memory_space<vmem_shared>>) offsets(%dma_start3A_83 : memref<80xi32, #tpu.memory_space<vmem>>) semaphore(%dma_start3A_87 : memref<!tpu.dma_semaphore, #tpu.memory_space<semaphore_mem>>) {add = true}
        %scan3A_88 = arith.constant 0 : i32
        scf.yield %scan3A_88 : i32
      }
      %scan3A_65 = arith.constant 25 : i32
      %scan3A_66 = arith.constant 0 : i32
      %scan3A_67 = arith.constant 0 : i32
      %scan3A_68 = arith.constant 25 : i32
      %scan3A_69 = arith.addi %scan3A_67, %scan3A_68 : i32
      %scan3A_70 = arith.constant 1 : i32
      %scan3A_71 = scf.for %scan3A_74 = %scan3A_67 to %scan3A_69 step %scan3A_70 iter_args(%scan3A_75 = %scan3A_66) -> (i32)  : i32 {
        %add3A_76 = arith.addi %mul3A_46, %scan3A_74 : i32
        %dma_wait3A = arith.constant 0 : i32
        %dma_wait3A_77 = arith.constant 0 : i32
        %dma_wait3A_78 = tpu.memref_slice %arg12[%add3A_76, %dma_wait3A_77] : memref<50x80xf32, #tpu.memory_space<vmem>> -> memref<1x80xf32, #tpu.memory_space<vmem>>
        %dma_wait3A_79 = tpu.memref_squeeze %dma_wait3A_78 : memref<1x80xf32, #tpu.memory_space<vmem>> -> memref<80xf32, #tpu.memory_space<vmem>>
        %dma_wait3A_80 = arith.constant 0 : i32
        %dma_wait3A_81 = tpu.memref_slice %arg17[%dma_wait3A_80] : memref<10240xf32, #tpu.memory_space<vmem_shared>> -> memref<80xf32, #tpu.memory_space<vmem_shared>>
        %dma_wait3A_82 = tpu.memref_slice %arg18[%dma_wait3A] : memref<1x!tpu.dma_semaphore, #tpu.memory_space<semaphore_mem>> -> memref<1x!tpu.dma_semaphore, #tpu.memory_space<semaphore_mem>>
        %dma_wait3A_83 = tpu.memref_squeeze %dma_wait3A_82 : memref<1x!tpu.dma_semaphore, #tpu.memory_space<semaphore_mem>> -> memref<!tpu.dma_semaphore, #tpu.memory_space<semaphore_mem>>
        %dma_wait3A_84 = arith.constant 0 : i32
        %dma_wait3A_85 = tpu.memref_slice %arg17[%dma_wait3A_84] : memref<10240xf32, #tpu.memory_space<vmem_shared>> -> memref<80xf32, #tpu.memory_space<vmem_shared>>
        %dma_wait3A_86 = arith.constant 0 : i32
        %dma_wait3A_87 = tpu.memref_slice %arg12[%add3A_76, %dma_wait3A_86] : memref<50x80xf32, #tpu.memory_space<vmem>> -> memref<1x80xf32, #tpu.memory_space<vmem>>
        %dma_wait3A_88 = tpu.memref_squeeze %dma_wait3A_87 : memref<1x80xf32, #tpu.memory_space<vmem>> -> memref<80xf32, #tpu.memory_space<vmem>>
        tpu.wait_dma2 semaphore(%dma_wait3A_83 : memref<!tpu.dma_semaphore, #tpu.memory_space<semaphore_mem>>) src(%dma_wait3A_88 : memref<80xf32, #tpu.memory_space<vmem>>) dst(%dma_wait3A_85 : memref<80xf32, #tpu.memory_space<vmem_shared>>)
        %scan3A_89 = arith.constant 0 : i32
        scf.yield %scan3A_89 : i32
      }
      %scan3A_72 = arith.constant 25 : i32
      %scan3A_73 = arith.constant 0 : i32
      scf.yield %scan3A_73 : i32
    }
    %scan3A_21 = arith.constant 5 : i32
    %barrier3A_22 = arith.constant 0 : index
    tpu.barrier barrier_id(%barrier3A_22)
    %mul3A_23 = arith.constant 640 : i32
    %mul3A_24 = arith.muli %arg1, %mul3A_23 : i32
    "tpu.region"() ({
      %run_scoped3A_34 = tpu.sem_alloc : memref<!tpu.dma_semaphore, #tpu.memory_space<semaphore_mem>>
      %dma_start3A = tpu.memref_slice %arg17[%mul3A_24] : memref<10240xf32, #tpu.memory_space<vmem_shared>> -> memref<640xf32, #tpu.memory_space<vmem_shared>>
      %dma_start3A_35 = tpu.memref_slice %arg17[%mul3A_24] : memref<10240xf32, #tpu.memory_space<vmem_shared>> -> memref<640xf32, #tpu.memory_space<vmem_shared>>
      tpu.enqueue_dma source(%dma_start3A_35 : memref<640xf32, #tpu.memory_space<vmem_shared>>) target(%arg15 : memref<640xf32, #tpu.memory_space<vmem>>) target_semaphore(%run_scoped3A_34 : memref<!tpu.dma_semaphore, #tpu.memory_space<semaphore_mem>>)
      %dma_wait3A = tpu.memref_slice %arg17[%mul3A_24] : memref<10240xf32, #tpu.memory_space<vmem_shared>> -> memref<640xf32, #tpu.memory_space<vmem_shared>>
      %dma_wait3A_36 = tpu.memref_slice %arg17[%mul3A_24] : memref<10240xf32, #tpu.memory_space<vmem_shared>> -> memref<640xf32, #tpu.memory_space<vmem_shared>>
      tpu.wait_dma2 semaphore(%run_scoped3A_34 : memref<!tpu.dma_semaphore, #tpu.memory_space<semaphore_mem>>) src(%dma_wait3A_36 : memref<640xf32, #tpu.memory_space<vmem_shared>>) dst(%arg15 : memref<640xf32, #tpu.memory_space<vmem>>)
      tpu.yield
    }) : () -> ()
    %scan3A_25 = arith.constant 0 : i32
    %scan3A_26 = arith.constant 0 : i32
    %scan3A_27 = arith.constant 40 : i32
    %scan3A_28 = arith.addi %scan3A_26, %scan3A_27 : i32
    %scan3A_29 = arith.constant 1 : i32
    %scan3A_30 = scf.for %scan3A_34 = %scan3A_26 to %scan3A_28 step %scan3A_29 iter_args(%scan3A_35 = %scan3A_25) -> (i32)  : i32 {
      %mul3A_36 = arith.constant 16 : i32
      %mul3A_37 = arith.muli %scan3A_34, %mul3A_36 : i32
      %get3A = arith.index_cast %mul3A_37 : i32 to index
      %get3A_38 = tpu.vector_load %arg15[%get3A] {strides = array<i32>} : memref<640xf32, #tpu.memory_space<vmem>>, vector<16xf32>,
      %get3A_39 = arith.constant 0 : index
      %get3A_40 = tpu.vector_load %arg16[%get3A_39] {strides = array<i32>} : memref<16xf32, #tpu.memory_space<vmem>>, vector<16xf32>,
      %add3A = arith.addf %get3A_38, %get3A_40 : vector<16xf32>
      %neg3A = arith.constant 0.000000e+00 : f32
      %neg3A_41 = vector.broadcast %neg3A : f32 to vector<16xf32>
      %neg3A_42 = arith.subf %neg3A_41, %add3A : vector<16xf32>
      %exp3A = math.exp %neg3A_42 : vector<16xf32>
      %add3A_43 = arith.constant 1.000000e+00 : f32
      %add3A_44 = vector.broadcast %add3A_43 : f32 to vector<16xf32>
      %add3A_45 = arith.addf %add3A_44, %exp3A : vector<16xf32>
      %div3A = arith.constant 1.000000e+00 : f32
      %div3A_46 = vector.broadcast %div3A : f32 to vector<16xf32>
      %div3A_47 = arith.divf %div3A_46, %add3A_45 : vector<16xf32>
      %mul3A_48 = arith.constant 16 : i32
      %mul3A_49 = arith.muli %scan3A_34, %mul3A_48 : i32
      %swap3A = arith.index_cast %mul3A_49 : i32 to index
      %swap3A_50 = tpu.vector_load %arg15[%swap3A] {strides = array<i32>} : memref<640xf32, #tpu.memory_space<vmem>>, vector<16xf32>,
      tpu.vector_store %arg15[%swap3A], %div3A_47 {strides = array<i32>} : memref<640xf32, #tpu.memory_space<vmem>>, vector<16xf32>,
      %scan3A_51 = arith.constant 0 : i32
      scf.yield %scan3A_51 : i32
    }
    %scan3A_31 = arith.constant 40 : i32
    %eq3A = arith.constant 0 : i32
    %eq3A_32 = arith.cmpi eq, %arg0, %eq3A : i32
    %convert_element_type3A = arith.extui %eq3A_32 : i1 to i32
    %cond3A = arith.constant 0 : i32
    %cond3A_33 = arith.cmpi ne, %convert_element_type3A, %cond3A : i32
    scf.if %cond3A_33 {
      "tpu.region"() ({
        %run_scoped3A_34 = tpu.sem_alloc : memref<!tpu.dma_semaphore, #tpu.memory_space<semaphore_mem>>
        %dma_start3A = arith.constant 0 : i32
        %dma_start3A_35 = tpu.memref_slice %arg8[%arg1, %dma_start3A] : memref<16x640xf32, #tpu.memory_space<hbm>> -> memref<1x640xf32, #tpu.memory_space<hbm>>
        %dma_start3A_36 = tpu.memref_squeeze %dma_start3A_35 : memref<1x640xf32, #tpu.memory_space<hbm>> -> memref<640xf32, #tpu.memory_space<hbm>>
        %dma_start3A_37 = arith.constant 0 : i32
        %dma_start3A_38 = tpu.memref_slice %arg8[%arg1, %dma_start3A_37] : memref<16x640xf32, #tpu.memory_space<hbm>> -> memref<1x640xf32, #tpu.memory_space<hbm>>
        %dma_start3A_39 = tpu.memref_squeeze %dma_start3A_38 : memref<1x640xf32, #tpu.memory_space<hbm>> -> memref<640xf32, #tpu.memory_space<hbm>>
        tpu.enqueue_dma source(%arg15 : memref<640xf32, #tpu.memory_space<vmem>>) target(%dma_start3A_39 : memref<640xf32, #tpu.memory_space<hbm>>) target_semaphore(%run_scoped3A_34 : memref<!tpu.dma_semaphore, #tpu.memory_space<semaphore_mem>>)
        %dma_wait3A = arith.constant 0 : i32
        %dma_wait3A_40 = tpu.memref_slice %arg8[%arg1, %dma_wait3A] : memref<16x640xf32, #tpu.memory_space<hbm>> -> memref<1x640xf32, #tpu.memory_space<hbm>>
        %dma_wait3A_41 = tpu.memref_squeeze %dma_wait3A_40 : memref<1x640xf32, #tpu.memory_space<hbm>> -> memref<640xf32, #tpu.memory_space<hbm>>
        %dma_wait3A_42 = arith.constant 0 : i32
        %dma_wait3A_43 = tpu.memref_slice %arg8[%arg1, %dma_wait3A_42] : memref<16x640xf32, #tpu.memory_space<hbm>> -> memref<1x640xf32, #tpu.memory_space<hbm>>
        %dma_wait3A_44 = tpu.memref_squeeze %dma_wait3A_43 : memref<1x640xf32, #tpu.memory_space<hbm>> -> memref<640xf32, #tpu.memory_space<hbm>>
        tpu.wait_dma2 semaphore(%run_scoped3A_34 : memref<!tpu.dma_semaphore, #tpu.memory_space<semaphore_mem>>) src(%arg15 : memref<640xf32, #tpu.memory_space<vmem>>) dst(%dma_wait3A_44 : memref<640xf32, #tpu.memory_space<hbm>>)
        tpu.yield
      }) : () -> ()
    } else {
    }
    return
  }
}

module attributes {stable_mosaic.version = 14 : i64} {
  func.func @_mm_body(%arg0: i32, %arg1: memref<1024x256xf32, #tpu.memory_space<vmem>>, %arg2: memref<1024x1xf32, #tpu.memory_space<vmem>>, %arg3: memref<256x256xf32, #tpu.memory_space<vmem>>, %arg4: memref<2x1024x128xf32, #tpu.memory_space<vmem>>) attributes {dimension_semantics = [#tpu.dimension_semantics<arbitrary>], iteration_bounds = array<i64: 10>, scalar_prefetch = 0 : i64, scratch_operands = 0 : i64, tpu.core_type = #tpu.core_type<tc>, window_params = [{transform_indices = @transform_0, window_bounds = array<i64: 1024, 256>}, {transform_indices = @transform_1, window_bounds = array<i64: 1024, 1>}, {pipeline_mode = #tpu.pipeline_mode<synchronous>, transform_indices = @transform_2, window_bounds = array<i64: 256, 256>}, {transform_indices = @transform_3, window_bounds = array<i64: 2, 1024, 128>}]} {
    %get3A = arith.constant 0 : index
    %get3A_0 = arith.constant 0 : index
    %get3A_1 = vector.load %arg1[%get3A, %get3A_0] : memref<1024x256xf32, #tpu.memory_space<vmem>>, vector<1024x256xf32>
    %get3A_2 = arith.constant 0 : index
    %get3A_3 = arith.constant 0 : index
    %get3A_4 = vector.load %arg3[%get3A_2, %get3A_3] : memref<256x256xf32, #tpu.memory_space<vmem>>, vector<256x256xf32>
    %dot_general3A = arith.constant dense<0.000000e+00> : vector<1024x256xf32>
    %dot_general3A_5 = tpu.matmul %get3A_1, %get3A_4, %dot_general3A {dimension_numbers = #tpu.dot_dimension_numbers<[1], [0], [0], [1], [0, 0, 1, 1], [], []>, transpose_lhs_hint = false} : vector<1024x256xf32>, vector<256x256xf32>, vector<1024x256xf32> -> vector<1024x256xf32>
    %get3A_6 = arith.constant 0 : index
    %get3A_7 = arith.constant 0 : index
    %get3A_8 = vector.load %arg2[%get3A_6, %get3A_7] : memref<1024x1xf32, #tpu.memory_space<vmem>>, vector<1024x1xf32>
    %mul3A = vector.broadcast %get3A_8 : vector<1024x1xf32> to vector<1024x256xf32>
    %mul3A_9 = arith.mulf %dot_general3A_5, %mul3A : vector<1024x256xf32>
    %slice3A = vector.extract_strided_slice %mul3A_9 {offsets = [0, 0], sizes = [1024, 128], strides = [1, 1]} : vector<1024x256xf32> to vector<1024x128xf32>
    %swap3A = arith.constant 0 : index
    %swap3A_10 = arith.constant 0 : index
    %swap3A_11 = arith.constant 0 : index
    %swap3A_12 = vector.load %arg4[%swap3A, %swap3A_10, %swap3A_11] : memref<2x1024x128xf32, #tpu.memory_space<vmem>>, vector<1x1024x128xf32>
    %swap3A_13 = vector.shape_cast %swap3A_12 : vector<1x1024x128xf32> to vector<1024x128xf32>
    %swap3A_14 = vector.shape_cast %slice3A : vector<1024x128xf32> to vector<1x1024x128xf32>
    tpu.vector_store %arg4[%swap3A, %swap3A_10, %swap3A_11], %swap3A_14 {strides = array<i32>} : memref<2x1024x128xf32, #tpu.memory_space<vmem>>, vector<1x1024x128xf32>,
    %slice3A_15 = vector.extract_strided_slice %mul3A_9 {offsets = [0, 128], sizes = [1024, 128], strides = [1, 1]} : vector<1024x256xf32> to vector<1024x128xf32>
    %swap3A_16 = arith.constant 1 : index
    %swap3A_17 = arith.constant 0 : index
    %swap3A_18 = arith.constant 0 : index
    %swap3A_19 = vector.load %arg4[%swap3A_16, %swap3A_17, %swap3A_18] : memref<2x1024x128xf32, #tpu.memory_space<vmem>>, vector<1x1024x128xf32>
    %swap3A_20 = vector.shape_cast %swap3A_19 : vector<1x1024x128xf32> to vector<1024x128xf32>
    %swap3A_21 = vector.shape_cast %slice3A_15 : vector<1024x128xf32> to vector<1x1024x128xf32>
    tpu.vector_store %arg4[%swap3A_16, %swap3A_17, %swap3A_18], %swap3A_21 {strides = array<i32>} : memref<2x1024x128xf32, #tpu.memory_space<vmem>>, vector<1x1024x128xf32>,
    return
  }
  func.func @transform_0(%arg0: i32) -> (i32, i32) {
    %c0_i32 = arith.constant 0 : i32
    %c0_i32_0 = arith.constant 0 : i32
    return %arg0, %c0_i32 : i32, i32
  }
  func.func @transform_1(%arg0: i32) -> (i32, i32) {
    %c0_i32 = arith.constant 0 : i32
    %c0_i32_0 = arith.constant 0 : i32
    return %arg0, %c0_i32 : i32, i32
  }
  func.func @transform_2(%arg0: i32) -> (i32, i32) {
    %c0_i32 = arith.constant 0 : i32
    %c0_i32_0 = arith.constant 0 : i32
    %c0_i32_1 = arith.constant 0 : i32
    return %c0_i32, %c0_i32_0 : i32, i32
  }
  func.func @transform_3(%arg0: i32) -> (i32, i32, i32) {
    %c0_i32 = arith.constant 0 : i32
    %c0_i32_0 = arith.constant 0 : i32
    %c0_i32_1 = arith.constant 0 : i32
    return %c0_i32, %arg0, %c0_i32_0 : i32, i32, i32
  }
}

</mosaic_0001>

<sc_bundles>
// kernel: kernel.12.cloned.1.call-start
scs
__scs_entry_jumppad:
0x0: {  	(pc) =	sbr.rel $0x88, $3  }
0x1: {  	(tag) =	ssettag $0x0;
	lr =	simm.s32 $0x1  }
0x2: {  	[smem:$0x3F9A] =	sst lr;
	_ =	strace $0xD0000000  }
0x3: {  	_ = 	snop  }
0x4: {  	_ = 	snop  }
0x5: {  	_ = 	snop  }
0x6: {  	_ = 	snop  }
0x7: {  	_ = 	snop  }
__scs_overlays_trampoline_lowered:
0x8: {  	[smem:$0x3FA9] =	sst s0  }
0x9: {  	[smem:$0x3FAA] =	sst s1  }
0xa: {  	[smem:$0x3FAB] =	sst s2  }
0xb: {  	[smem:$0x3FAC] =	sst s3  }
0xc: {  	[smem:$0x3FAD] =	sst s4  }
0xd: {  	[smem:$0x3FAE] =	sst s5  }
0xe: {  	[smem:$0x3FAF] =	sst s6  }
0xf: {  	[smem:$0x3FB0] =	sst s7  }
0x10: {  	[smem:$0x3FB1] =	sst s8  }
0x11: {  	[smem:$0x3FB2] =	sst s9;
	s0 =	simm.s32 @!p0 $0x0  }
0x12: {  	s1 =	sld [smem:$0x3F98];
	s0 =	simm.s32 @p0 $0x1  }
0x13: {  	[smem:$0x3FB3] =	sst s0;
	s0 =	simm.s32 @!p1 $0x0  }
0x14: {  	s2 =	sld [smem:$0x3F97];
	s0 =	simm.s32 @p1 $0x1  }
0x15: {  	[smem:$0x3FB4] =	sst s0;
	s0 =	simm.s32 @!p2 $0x0  }
0x16: {  	s3 =	sld [smem:$0x3FDB];
	s0 =	simm.s32 @p2 $0x1  }
0x17: {  	s4 =	simm.s32 $0x1BF5;
	[smem:$0x3FB6] =	sst s0  }
0x18: {  	s0 =	sld [smem:$0x3F99];
	_ =	swait.ge [sflag:s4], $0x0  }
0x19: {  	s7 =	sld [smem:$0x3F9A]  }
0x1a: {  	s8 =	sadd.s32 $0xFFFFE003, lr  }
0x1b: {  	s9 =	sadd.s32 $0xFFFFFEF7, lr;
	s5 =	simm.s32 $0xFFFFFFFF;
	p2 =	slt.u32 s8, $0xFFFFF086  }
0x1c: {  	p1 =	slt.u32 s9, $0xF7A;
	s5 =	simm.s32 @!p2 $0x0  }
0x1d: {  	s5 =	simm.s32 @p1 $0x1;
	p0 =	seq.s32 s7, s2  }
0x1e: {  	s7 =	smul.u32 @!p0 $0xF7A, s2;
	p2 =	seq.s32 @!p0 s5, $0x0  }
0x1f: {  	s9 =	smul.u32 $0xF7A, s1;
	s8 =	simm.s32 @!p0 $0x1BF5;
	p2 =	por !p2, p0  }
0x20: {  	[sflag:s8] =	ssyncset.s32 @!p0 $0xFFFFF086;
	s6 =	sadd.s32 @!p0 s3, s7;
	s7 =	simm.s32 @!p0 $0x108  }
0x21: {  	s3 =	sadd.s32 s3, s9;
	s6 =	sadd.s32 @!p0 $0x88, s6;
	s7 =	simm.s32 @p2 $0x1082  }
0x22: {  	[simem:s7], [sflag:s8] =	dma.local @!p0 [hbm:s6], $0xF7A  }
0x23: {  	s9 =	sor.u32 $0xD0000000, s2;
	s6 =	simm.s32 $0x108;
	_ =	swait.ge @!p0 [sflag:s8], $0x0  }
0x24: {  	s3 =	sadd.s32 $0x88, s3;
	s6 =	simm.s32 @!p1 $0x1082;
	[sflag:s4] =	ssyncset.s32 $0xFFFFF086  }
0x25: {  	[simem:s6], [sflag:s4] =	dma.local [hbm:s3], $0xF7A  }
0x26: {  	[smem:$0x3F9A] =	sst s1;
	(tag) =	ssettag s2;
	_ =	strace s9  }
0x27: {  	s1 =	sld [smem:$0x3FAA]  }
0x28: {  	s2 =	sld [smem:$0x3FAB]  }
0x29: {  	s4 =	sld [smem:$0x3FAD]  }
0x2a: {  	p0 =	seq.s32 s5, $0x0;
	s5 =	sld [smem:$0x3FAE]  }
0x2b: {  	s6 =	sld [smem:$0x3FAF]  }
0x2c: {  	s7 =	sld [smem:$0x3FB0]  }
0x2d: {  	s3 =	simm.s32 $0x108;
	s8 =	sld [smem:$0x3FB1]  }
0x2e: {  	s3 =	simm.s32 @!p0 $0x1082;
	s9 =	sld [smem:$0x3FB2]  }
0x2f: {  	lr =	sadd.s32 s0, s3;
	s0 =	sld [smem:$0x3FA9]  }
0x30: {  	s3 =	sld [smem:$0x3FAC]  }
0x31: {  	[smem:$0x3FB5] =	sst s10  }
0x32: {  	s10 =	sld [smem:$0x3FB3];
	_ =	sdelay $0x3  }
0x33: {  	p0 =	seq.s32 s10, $0x1;
	s10 =	sld [smem:$0x3FB5];
	_ =	sdelay $0x3  }
0x34: {  	[smem:$0x3FB5] =	sst s10  }
0x35: {  	s10 =	sld [smem:$0x3FB4];
	_ =	sdelay $0x3  }
0x36: {  	p1 =	seq.s32 s10, $0x1;
	s10 =	sld [smem:$0x3FB5];
	_ =	sdelay $0x3  }
0x37: {  	[smem:$0x3FB5] =	sst s10  }
0x38: {  	s10 =	sld [smem:$0x3FB6]  }
0x39: {  	_ = 	snop;
	(pc) =	sbr.ind lr, $3  }
0x3a: {  	_ = 	snop  }
0x3b: {  	_ = 	snop  }
0x3c: {  	p2 =	seq.s32 s10, $0x1;
	s10 =	sld [smem:$0x3FB5]  }
0x3d: {  	_ =	shalt  }
0x3e: {  	_ =	shalt  }
0x3f: {  	_ =	shalt  }
0x40: {  	_ =	shalt  }
0x41: {  	_ =	shalt  }
0x42: {  	_ =	shalt  }
0x43: {  	_ =	shalt  }
0x44: {  	_ =	shalt  }
0x45: {  	_ =	shalt  }
0x46: {  	_ =	shalt  }
0x47: {  	_ =	shalt  }
0x48: {  	_ =	shalt  }
0x49: {  	_ =	shalt  }
0x4a: {  	_ =	shalt  }
0x4b: {  	_ =	shalt  }
0x4c: {  	_ =	shalt  }
0x4d: {  	_ =	shalt  }
0x4e: {  	_ =	shalt  }
0x4f: {  	_ =	shalt  }
0x50: {  	_ =	shalt  }
0x51: {  	_ =	shalt  }
0x52: {  	_ =	shalt  }
0x53: {  	_ =	shalt  }
0x54: {  	_ =	shalt  }
0x55: {  	_ =	shalt  }
0x56: {  	_ =	shalt  }
0x57: {  	_ =	shalt  }
0x58: {  	_ =	shalt  }
0x59: {  	_ =	shalt  }
0x5a: {  	_ =	shalt  }
0x5b: {  	_ =	shalt  }
0x5c: {  	_ =	shalt  }
0x5d: {  	_ =	shalt  }
0x5e: {  	_ =	shalt  }
0x5f: {  	_ =	shalt  }
0x60: {  	_ =	shalt  }
0x61: {  	_ =	shalt  }
0x62: {  	_ =	shalt  }
0x63: {  	_ =	shalt  }
0x64: {  	_ =	shalt  }
0x65: {  	_ =	shalt  }
0x66: {  	_ =	shalt  }
0x67: {  	_ =	shalt  }
0x68: {  	_ =	shalt  }
0x69: {  	_ =	shalt  }
0x6a: {  	_ =	shalt  }
0x6b: {  	_ =	shalt  }
0x6c: {  	_ =	shalt  }
0x6d: {  	_ =	shalt  }
0x6e: {  	_ =	shalt  }
0x6f: {  	_ =	shalt  }
0x70: {  	_ =	shalt  }
0x71: {  	_ =	shalt  }
0x72: {  	_ =	shalt  }
0x73: {  	_ =	shalt  }
0x74: {  	_ =	shalt  }
0x75: {  	_ =	shalt  }
0x76: {  	_ =	shalt  }
0x77: {  	_ =	shalt  }
0x78: {  	_ =	shalt  }
0x79: {  	_ =	shalt  }
0x7a: {  	_ =	shalt  }
0x7b: {  	_ =	shalt  }
0x7c: {  	_ =	shalt  }
0x7d: {  	_ =	shalt  }
0x7e: {  	_ =	shalt  }
0x7f: {  	_ =	shalt  }
0x80: {  	_ =	shalt  }
0x81: {  	_ =	shalt  }
0x82: {  	_ =	shalt  }
0x83: {  	_ =	shalt  }
0x84: {  	_ =	shalt  }
0x85: {  	_ =	shalt  }
0x86: {  	_ =	shalt  }
0x87: {  	_ =	shalt  }
.Lfunc_end0:
.L_simem_size_0:
called_computation.2_lowered:
.L_overlay_start_0:
0x88: {  	s2 =	sld [smem:$0x3FD9]  }
0x89: {  	s3 =	sld [smem:$0x3FFE];
	_ =	sdelay $0x1  }
0x8a: {  	s1 =	srdreg.scid  }
0x8b: {  	s0 =	sand.u32 $0x1, s1  }
0x8c: {  	s17 =	sshll.u32 s0, $0xA;
	s2 =	sadd.s32 s3, s2  }
0x8d: {  	s2 =	sadd.s32 s2, s17  }
0x8e: {  	[smem:$0x3FC1] =	sst s2  }
0x8f: {  	_ = 	snop  }
0x90: {  	s2 =	sld [smem:$0x3FC7]  }
0x91: {  	s18 =	sld [smem:$0x3FD0];
	(tm) =	ssettm $0x1  }
0x92: {  	s4 =	sld [smem:$0x3FFB];
	_ =	sdelay $0x3  }
0x93: {  	_ =	strace s4  }
0x94: {  	s4 =	sld [smem:$0x3FFC];
	_ =	sdelay $0x3  }
0x95: {  	_ =	strace s4  }
0x96: {  	s4 =	sld [smem:$0x3FFD];
	_ =	sdelay $0x3  }
0x97: {  	_ =	strace s4  }
0x98: {  	_ =	strace $0x8FFFFFFF  }
0x99: {  	s19 =	sld [smem:$0x3FDB];
	_ =	sdelay $0x1  }
0x9a: {  	s5 =	simm.s32 $_scs_section_size  }
0x9b: {  	s6 =	simm.s32 $_size__tile_overlayer_lowered;
	s7 =	simm.s32 $_tile_overlayer_lowered  }
0x9c: {  	s22 =	simm.s32 $0x1BFF;
	s21 =	sshll.u32 s7, $0x1;
	s4 =	sadd.s32 s5, s19  }
0x9d: {  	s8 =	simm.s32 $0x0;
	s20 =	sshll.u32 s6, $0x1;
	s6 =	sadd.s32 s21, s4  }
0x9e: {  	[timem:s8], [sflag:s22] =	dma.local [hbm:s6], s20  }
0x9f: {  	_ =	swait.ge [sflag:s22], s20  }
0xa0: {  	s5 =	ssub.s32 $0x0, s20;
	[sflag:s22] =	ssyncset.done $0x0  }
0xa1: {  	[sflag:s22] =	ssyncadd.s32 s5;
	_ =	sdelay $0x1  }
0xa2: {  	s23 =	simm.s32 $0x1B8B  }
0xa3: {  	_ =	swait.ge [sflag:s23], $0x1  }
0xa4: {  	[sflag:s23] =	ssyncset.done $0x0  }
0xa5: {  	s25 =	simm.s32 $0x1B8E;
	s24 =	sld [smem:$0x3FFE];
	[sflag:s23] =	ssyncadd.s32 $0xFFFFFFFF  }
0xa6: {  	s26 =	simm.s32 $execute0_lowered;
	[smem:$0x3FD2] =	sst s25  }
0xa7: {  	s6 =	sshll.u32 s26, $0x1;
	_ =	strace $0x8000004C;
	[dreg:$0x1] =	wrdreg $0xFFFFFFFF  }
0xa8: {  	s28 =	simm.s32 $_size_execute0_lowered;
	s4 =	sadd.s32 s4, s6;
	[dreg:$0x0] =	wrdreg $0x0  }
0xa9: {  	s6 =	sshll.u32 s28, $0x1;
	[dreg:$0x2] =	wrdreg s4  }
0xaa: {  	[dreg:$0x3] =	wrdreg s6  }
0xab: {  	[dreg:$0x4] =	wrdreg $0xC0  }
0xac: {  	_ =	task [dreg:s8], $0x5FFFF  }
0xad: {  	[dreg:$0x1] =	wrdreg $0xFFFFFFFF  }
0xae: {  	[dreg:$0x0] =	wrdreg $0x60  }
0xaf: {  	[dreg:$0x2] =	wrdreg s24  }
0xb0: {  	[dreg:$0x3] =	wrdreg s2  }
0xb1: {  	[dreg:$0x4] =	wrdreg s18  }
0xb2: {  	[dreg:$0x5] =	wrdreg $0x91100  }
0xb3: {  	[dreg:$0x6] =	wrdreg $0x9  }
0xb4: {  	_ =	task.clear_ibuf [dreg:s8], $0x7FFFF;
	_ =	strace $0x9000004C  }
0xb5: {  	s29 =	simm.s32 $0x9;
	_ =	strace $0x8000004E  }
0xb6: {  	_ =	swait.ge [sflag:s29], $0x1  }
0xb7: {  	[sflag:s29] =	ssyncadd.s32 $0xFFFFFFFF  }
0xb8: {  	_ =	strace $0x9000004E  }
0xb9: {  	_ =	sfence  }
0xba: {  	s30 =	sld [smem:$0x0];
	_ =	sdelay $0x2  }
0xbb: {  	s31 =	sshll.u32 s1, $0xD;
	s1 =	sshrl.u32 s1, $0x2  }
0xbc: {  	s3 =	sand.u32 $0x4000, s31;
	s1 =	sadd.s32 s1, s30  }
0xbd: {  	s0 =	sor.u32 s3, s0;
	s1 =	sshll.u32 s1, $0x11  }
0xbe: {  	s0 =	sor.u32 s1, s0  }
0xbf: {  	s0 =	sadd.s32 $0x8F2B, s0  }
0xc0: {  	[sflag:s0] =	ssyncadd.remote.s32 $0x1  }
0xc1: {  	_ =	sfence.sel $0xFFFF  }
0xc2: {  	[dreg:$0x0] =	wrdreg $0xFFFFFFFF;
	(pc) =	sbr.abs _section_cstart, $3  }
0xc3: {  	[dreg:$0x1] =	wrdreg $0xFFFFFFFF  }
0xc4: {  	_ =	task.clear_ibuf [dreg:s8], $0x2FFFF;
	_ =	strace $0x9FFFFFFF  }
0xc5: {  	(tm) =	ssettm $0x7FFFFFFF  }
tec
execute0_lowered:
.L_overlay_start_1:
0x0: {  	(tag) =	ssettag $0x1  }
0x1: {  	s10 =	rddreg [dreg:$0x0]  }
0x2: {  	s1 =	rddreg [dreg:$0x1]  }
0x3: {  	s13 =	rddreg [dreg:$0x2]  }
0x4: {  	s2 =	rddreg [dreg:$0x3]  }
0x5: {  	s0 =	rddreg [dreg:$0x4];
	s3 =	simm.s32 $0x0  }
0x6: {  	s4 =	srdreg.scid;
	s17 =	simm.s32 $0x6680;
	s18 =	simm.s32 $0x9100  }
0x7: {  	s19 =	simm.s32 $0x8E80;
	s22 =	sand.u32 $0x1, s4;
	s4 =	stileid.u32  }
0x8: {  	s20 =	simm.s32 $0x50;
	s21 =	simm.s32 $0x1;
	s16 =	smul.u32 $0xA00, s4  }
0x9: {  	[smem:$0x7FF] =	sst s3;
	s5 =	sadd.s32 $0x5AE00, s10;
	s6 =	sadd.s32 $0x800, s10  }
0xa: {  	s7 =	sadd.s32 $0x5800, s10;
	s8 =	sadd.s32 $0xA800, s10;
	s16 =	sshrl.u32 s16, $0x2  }
0xb: {  	s9 =	sadd.s32 $0xAE00, s10;
	s10 =	sadd.s32 $0x5B300, s10;
	s23 =	sadd.s32 $0x6680, s16  }
0xc: {  	_ =	strace $0x8000004D;
	s11 =	ssub.s32 $0x2, s22;
	s14 =	smul.u32 $0x280, s4;
	v0 =	vmov s23  }
0xd: {  	p0 =	sne.s32 s22, $0x0;
	s12 =	sshrl.u32 s11, $0x1;
	s24 =	sadd.s32 $0x3E80, s16  }
0xe: {  	s15 =	ssub.s32 s11, s12;
	s11 =	sadd.s32 s14, s2;
	s14 =	sshrl.u32 s14, $0x3;
	v1 =	vmov s24  }
0xf: {  	s22 =	simm.s32 $0x0;
	s12 =	smul.u32 $0x7D, s4;
	s13 =	sadd.s32 s13, s14  }
0x10: {  	s14 =	smax.u32 s15, $0x1;
	s15 =	simm.s32 $0x3E80;
	s16 =	simm.s32 $0x2  }
.LBB2_1:
0x11: {  	[tilespmem:s15], [sflag:$0x2] =	stream.linear.gather [hbm4b:s5+s3], $0x2800, $0x38;
	[tilespmem:$0x9390] =	vst v63  }
0x12: {  	_ =	swait.ge [sflag:s16], $0x2800  }
0x13: {  	[sflag:s16] =	ssyncset.done $0x0  }
0x14: {  	[sflag:s16] =	ssyncadd.s32 $0xFFFFD800  }
0x15: {  	[tilespmem:s17], [sflag:$0x2] =	stream.linear.gather [hbm4b:s10+s3], $0x2800, $0x38;
	[tilespmem:$0x9390] =	vst v63  }
0x16: {  	_ =	swait.ge [sflag:s16], $0x2800  }
0x17: {  	[sflag:s16] =	ssyncset.done $0x0  }
0x18: {  	[sflag:s16] =	ssyncadd.s32 $0xFFFFD800  }
0x19: {  	[tilespmem:s18], [sflag:$0x2] =	stream.linear.gather [hbm4b:s9+s3], $0x10, $0x38;
	[tilespmem:$0x9390] =	vst v63  }
0x1a: {  	_ =	swait.ge [sflag:s16], $0x10  }
0x1b: {  	[sflag:s16] =	ssyncset.done $0x0  }
0x1c: {  	s23 =	simm.s32 $0x0;
	[sflag:s16] =	ssyncadd.s32 $0xFFFFFFF0  }
0x1d: {  	s24 =	simm.s32 $0x40;
	v2 =	vld [tilespmem:s23+$0x6680]  }
.LBB2_2:
0x1e: {  	p1 =	sne.s32 s24, $0x9FC0;
	v3 =	vld [tilespmem:s23+$0x3E80];
	_ =	sdelay $0x2  }
.Ltmp0:
0x1f: {  	(pc) =	sbr.rel @p1 .LBB2_2-.Ltmp0, $4  }
0x20: {  	_ = 	snop  }
0x21: {  	v3 =	vadd.f32 v2, v3  }
0x22: {  	s25 =	sshra.s32 s24, $0x2  }
0x23: {  	s24 =	sadd.s32 $0x40, s24;
	v2 =	vld [tilespmem:s25+$0x6680];
	[tilespmem:s23+$0x3E80] =	vst v3;
	s23 =	smov.u32 s25  }
0x24: {  	v3 =	vld [tilespmem:s23+$0x3E80];
	_ =	sdelay $0x4  }
0x25: {  	v2 =	vadd.f32 v2, v3;
	_ =	sdelay $0x1  }
0x26: {  	s31 =	simm.s32 $0x0;
	[tilespmem:s23+$0x3E80] =	vst v2  }
0x27: {  	[tilespmem:s17], [sflag:$0x2] =	stream.linear.gather [hbm4b:s8+s31], $0x2800, $0x38;
	[tilespmem:$0x9390] =	vst v63  }
0x28: {  	_ =	swait.ge [sflag:s16], $0x2800  }
0x29: {  	[sflag:s16] =	ssyncset.done $0x0  }
0x2a: {  	s24 =	simm.s32 $0x40;
	s23 =	simm.s32 $0x0;
	[sflag:s16] =	ssyncadd.s32 $0xFFFFD800  }
.LBB2_4:
0x2b: {  	p1 =	sne.s32 s24, $0x9C0;
	v2 =	vld.idx.msk [tilespmem:v0+s23+$0x0 ss:$0x1], $0xffff;
	_ =	sdelay $0x1  }
0x2c: {  	v3 =	vld.idx.msk [tilespmem:v1+s23+$0x0 ss:$0x1], $0xffff;
	_ =	sdelay $0x3  }
.Ltmp1:
0x2d: {  	v2 =	vmul.f32 v2, v2;
	(pc) =	sbr.rel @p1 .LBB2_4-.Ltmp1, $3  }
0x2e: {  	_ = 	snop  }
0x2f: {  	v2 =	vmul.f32 v3, v2;
	_ =	sdelay $0x1  }
0x30: {  	[tilespmem:s23+$0x8E80] =	vst v2;
	s23 =	sshra.s32 s24, $0x2;
	s24 =	sadd.s32 $0x40, s24  }
0x31: {  	_ =	sdelay $0x3  }
0x32: {  	v2 =	vld.idx.msk [tilespmem:v0+s23+$0x0 ss:$0x1], $0xffff;
	_ =	sdelay $0x1  }
0x33: {  	v3 =	vld.idx.msk [tilespmem:v1+s23+$0x0 ss:$0x1], $0xffff;
	_ =	sdelay $0x2  }
0x34: {  	v2 =	vmul.f32 v2, v2;
	_ =	sdelay $0x1  }
0x35: {  	v2 =	vmul.f32 v3, v2;
	_ =	sdelay $0x1  }
0x36: {  	[tilespmem:s23+$0x8E80] =	vst v2  }
0x37: {  	[spmem:s11] =	stream.linear.scatter [tilespmem:s19], [sflag:$0x2], $0x280, $0x38;
	[tilespmem:$0x9390] =	vst v63  }
0x38: {  	_ =	swait.ge [sflag:s16], $0x280  }
0x39: {  	[sflag:s16] =	ssyncset.done $0x0  }
0x3a: {  	[sflag:s16] =	ssyncadd.s32 $0xFFFFFD80  }
0x3b: {  	s24 =	simm.s32 $0x0;
	s23 =	simm.s32 $0x0;
	[bflag:$0x0] =	sbarrier.arrive $0xFFFF  }
.LBB2_6:
0x3c: {  	s25 =	smul.u32 $0x19, s24  }
0x3d: {  	s26 =	sand.u32 $0x1, s24  }
0x3e: {  	p1 =	seq.s32 s26, $0x1;
	s26 =	simm.s32 $0x19;
	s25 =	sadd.s32 s12, s25  }
0x3f: {  	s26 =	simm.s32 @!p1 $0x0;
	s25 =	smul.u32 $0xA, s25  }
0x40: {  	s28 =	smul.u32 $0x50, s26  }
0x41: {  	s29 =	sadd.s32 s6, s25  }
0x42: {  	[tilespmem:s28], [sflag:$0x2] =	stream.linear.gather [hbm4b:s29+s23], $0x7D0, $0x38;
	[tilespmem:$0x9390] =	vst v63  }
0x43: {  	_ =	swait.ge [sflag:s16], $0x7D0  }
0x44: {  	[sflag:s16] =	ssyncset.done $0x0  }
0x45: {  	s31 =	sadd.s32 $0xFA0, s28;
	s30 =	sadd.s32 s7, s25;
	[sflag:s16] =	ssyncadd.s32 $0xFFFFF830  }
0x46: {  	[tilespmem:s31], [sflag:$0x2] =	stream.linear.gather [hbm4b:s30+s23], $0x7D0, $0x38;
	[tilespmem:$0x9390] =	vst v63  }
0x47: {  	_ =	swait.ge [sflag:s16], $0x7D0  }
0x48: {  	s26 =	smul.u32 $0x140, s26;
	[sflag:s16] =	ssyncset.done $0x0  }
0x49: {  	s25 =	sadd.s32 s1, s25;
	s28 =	sadd.s32 $0x1F40, s28;
	[sflag:s16] =	ssyncadd.s32 $0xFFFFF830  }
0x4a: {  	[tilespmem:s28], [sflag:$0x2] =	stream.linear.gather [hbm4b:s25+s23], $0x7D0, $0x38;
	[tilespmem:$0x9390] =	vst v63  }
0x4b: {  	s25 =	sshrl.u32 s26, $0x2  }
0x4c: {  	s26 =	sadd.s32 $0x40, s25  }
0x4d: {  	v2 =	vmov s26  }
0x4e: {  	_ =	swait.ge [sflag:s16], $0x7D0;
	s31 =	sadd.s32 $0xFE0, s25  }
0x4f: {  	s28 =	sadd.s32 $0x2F00, s25;
	s29 =	sadd.s32 $0x1F80, s25;
	[sflag:s16] =	ssyncset.done $0x0;
	v3 =	vmov s31  }
0x50: {  	v4 =	vmov s29;
	v5 =	vmov s28;
	s26 =	simm.s32 $0x0;
	[sflag:s16] =	ssyncadd.s32 $0xFFFFF830  }
.LBB2_7:
0x51: {  	s28 =	sshra.s32 s26, $0x2  }
0x52: {  	v6 =	vld.idx.msk [tilespmem:v2+s28+$0xFFFFFFC0 ss:$0x1], $0xffff;
	_ =	sdelay $0x1  }
0x53: {  	v7 =	vld.idx.msk [tilespmem:v3+s28+$0xFFFFFFC0 ss:$0x1], $0xffff;
	_ =	sdelay $0x4  }
0x54: {  	v8 =	vld.idx.msk [tilespmem:v4+s28+$0xFFFFFFC0 ss:$0x1], $0xffff  }
0x55: {  	v9 =	vld.idx.msk [tilespmem:v6+s17+$0x0], $0xffff;
	_ =	sdelay $0x1  }
0x56: {  	v7 =	vld.idx.msk [tilespmem:v7+s17+$0x0], $0xffff;
	_ =	sdelay $0x1  }
0x57: {  	v6 =	vld.idx.msk [tilespmem:v6+s15+$0x0], $0xffff  }
0x58: {  	v8 =	vmul.f32 v9, v8;
	_ =	sdelay $0x1  }
0x59: {  	v7 =	vmul.f32 v7, v8;
	_ =	sdelay $0x1  }
0x5a: {  	v6 =	vmul.f32 v6, v7;
	_ =	sdelay $0x1  }
0x5b: {  	[tilespmem:v5+s28+$0xFFFFFFE0 ss:$0x1] =	vst.idx.msk $0xffff, v6  }
0x5c: {  	v6 =	vld.idx.msk [tilespmem:v2+s28+$0xFFFFFFD0 ss:$0x1], $0xffff;
	_ =	sdelay $0x1  }
0x5d: {  	v7 =	vld.idx.msk [tilespmem:v3+s28+$0xFFFFFFD0 ss:$0x1], $0xffff;
	_ =	sdelay $0x4  }
0x5e: {  	v56 =	vld.idx.msk [tilespmem:v4+s28+$0xFFFFFFD0 ss:$0x1], $0xffff  }
0x5f: {  	v57 =	vld.idx.msk [tilespmem:v6+s17+$0x0], $0xffff;
	_ =	sdelay $0x1  }
0x60: {  	v7 =	vld.idx.msk [tilespmem:v7+s17+$0x0], $0xffff;
	_ =	sdelay $0x1  }
0x61: {  	v6 =	vld.idx.msk [tilespmem:v6+s15+$0x0], $0xffff  }
0x62: {  	v8 =	vmul.f32 v57, v56;
	_ =	sdelay $0x1  }
0x63: {  	v7 =	vmul.f32 v7, v8;
	_ =	sdelay $0x1  }
0x64: {  	v6 =	vmul.f32 v6, v7;
	_ =	sdelay $0x1  }
0x65: {  	[tilespmem:v5+s28+$0xFFFFFFF0 ss:$0x1] =	vst.idx.msk $0xffff, v6  }
0x66: {  	v6 =	vld.idx.msk [tilespmem:v2+s28+$0xFFFFFFE0 ss:$0x1], $0xffff;
	_ =	sdelay $0x1  }
0x67: {  	v7 =	vld.idx.msk [tilespmem:v3+s28+$0xFFFFFFE0 ss:$0x1], $0xffff;
	_ =	sdelay $0x4  }
0x68: {  	v58 =	vld.idx.msk [tilespmem:v4+s28+$0xFFFFFFE0 ss:$0x1], $0xffff  }
0x69: {  	v59 =	vld.idx.msk [tilespmem:v6+s17+$0x0], $0xffff;
	_ =	sdelay $0x1  }
0x6a: {  	v7 =	vld.idx.msk [tilespmem:v7+s17+$0x0], $0xffff;
	_ =	sdelay $0x1  }
0x6b: {  	v6 =	vld.idx.msk [tilespmem:v6+s15+$0x0], $0xffff  }
0x6c: {  	v8 =	vmul.f32 v59, v58;
	_ =	sdelay $0x1  }
0x6d: {  	v7 =	vmul.f32 v7, v8;
	_ =	sdelay $0x1  }
0x6e: {  	v6 =	vmul.f32 v6, v7;
	_ =	sdelay $0x1  }
0x6f: {  	[tilespmem:v5+s28+$0x0 ss:$0x1] =	vst.idx.msk $0xffff, v6  }
0x70: {  	v6 =	vld.idx.msk [tilespmem:v2+s28+$0xFFFFFFF0 ss:$0x1], $0xffff;
	_ =	sdelay $0x1  }
0x71: {  	v7 =	vld.idx.msk [tilespmem:v3+s28+$0xFFFFFFF0 ss:$0x1], $0xffff;
	_ =	sdelay $0x4  }
0x72: {  	v60 =	vld.idx.msk [tilespmem:v4+s28+$0xFFFFFFF0 ss:$0x1], $0xffff  }
0x73: {  	v61 =	vld.idx.msk [tilespmem:v6+s17+$0x0], $0xffff;
	_ =	sdelay $0x1  }
0x74: {  	v7 =	vld.idx.msk [tilespmem:v7+s17+$0x0], $0xffff;
	_ =	sdelay $0x1  }
0x75: {  	v6 =	vld.idx.msk [tilespmem:v6+s15+$0x0], $0xffff  }
0x76: {  	v8 =	vmul.f32 v61, v60;
	_ =	sdelay $0x1  }
0x77: {  	v7 =	vmul.f32 v7, v8;
	_ =	sdelay $0x1  }
0x78: {  	v6 =	vmul.f32 v6, v7;
	_ =	sdelay $0x1  }
0x79: {  	[tilespmem:v5+s28+$0x10 ss:$0x1] =	vst.idx.msk $0xffff, v6  }
0x7a: {  	v6 =	vld.idx.msk [tilespmem:v2+s28+$0x0 ss:$0x1], $0xffff;
	_ =	sdelay $0x1  }
0x7b: {  	v7 =	vld.idx.msk [tilespmem:v3+s28+$0x0 ss:$0x1], $0xffff;
	_ =	sdelay $0x4  }
0x7c: {  	v62 =	vld.idx.msk [tilespmem:v4+s28+$0x0 ss:$0x1], $0xffff  }
0x7d: {  	v63 =	vld.idx.msk [tilespmem:v6+s17+$0x0], $0xffff;
	_ =	sdelay $0x1  }
0x7e: {  	v7 =	vld.idx.msk [tilespmem:v7+s17+$0x0], $0xffff;
	_ =	sdelay $0x1  }
0x7f: {  	v6 =	vld.idx.msk [tilespmem:v6+s15+$0x0], $0xffff  }
0x80: {  	v8 =	vmul.f32 v63, v62  }
0x81: {  	p1 =	sne.s32 s26, $0x1E00  }
.Ltmp2:
0x82: {  	v7 =	vmul.f32 v7, v8;
	(pc) =	sbr.rel @p1 .LBB2_7-.Ltmp2, $3  }
0x83: {  	_ = 	snop  }
0x84: {  	v6 =	vmul.f32 v6, v7;
	_ =	sdelay $0x1  }
0x85: {  	s26 =	sadd.s32 $0x140, s26;
	[tilespmem:v5+s28+$0x20 ss:$0x1] =	vst.idx.msk $0xffff, v6  }
0x86: {  	s26 =	sadd.s32 $0xFA0, s25;
	s25 =	sadd.s32 $0x2EE0, s25  }
0x87: {  	s28 =	simm.s32 $0x140;
	s29 =	sadd.s32 $0x0, s25;
	s30 =	sadd.s32 $0x0, s26  }
.LBB2_9:
0x88: {  	[spmem:s2] =	stream.indirect.scatter.add.f32 [tilespmem:s29], [sflag:$0x1], $0x1, s30, s20, $0xb8;
	[tilespmem:$0x9390] =	vst v63  }
0x89: {  	s29 =	smov.u32 s28;
	p1 =	sne.s32 s28, $0x1E00  }
.Ltmp3:
0x8a: {  	s28 =	sadd.s32 $0x140, s28;
	(pc) =	sbr.rel @p1 .LBB2_9-.Ltmp3, $3  }
0x8b: {  	_ =	sdelay $0x1  }
0x8c: {  	s30 =	sshra.s32 s29, $0x2  }
0x8d: {  	s29 =	sadd.s32 s30, s25;
	s30 =	sadd.s32 s30, s26  }
0x8e: {  	[spmem:s2] =	stream.indirect.scatter.add.f32 [tilespmem:s29], [sflag:$0x1], $0x1, s30, s20, $0xb8;
	[tilespmem:$0x9390] =	vst v63  }
0x8f: {  	_ =	swait.ge [sflag:s21], $0x50  }
0x90: {  	[sflag:s21] =	ssyncset.done $0x0  }
0x91: {  	[sflag:s21] =	ssyncadd.s32 $0xFFFFFFB0  }
0x92: {  	_ =	swait.ge [sflag:s21], $0x50  }
0x93: {  	[sflag:s21] =	ssyncset.done $0x0  }
0x94: {  	[sflag:s21] =	ssyncadd.s32 $0xFFFFFFB0  }
0x95: {  	_ =	swait.ge [sflag:s21], $0x50  }
0x96: {  	[sflag:s21] =	ssyncset.done $0x0  }
0x97: {  	[sflag:s21] =	ssyncadd.s32 $0xFFFFFFB0  }
0x98: {  	_ =	swait.ge [sflag:s21], $0x50  }
0x99: {  	[sflag:s21] =	ssyncset.done $0x0  }
0x9a: {  	[sflag:s21] =	ssyncadd.s32 $0xFFFFFFB0  }
0x9b: {  	_ =	swait.ge [sflag:s21], $0x50  }
0x9c: {  	[sflag:s21] =	ssyncset.done $0x0  }
0x9d: {  	[sflag:s21] =	ssyncadd.s32 $0xFFFFFFB0  }
0x9e: {  	_ =	swait.ge [sflag:s21], $0x50  }
0x9f: {  	[sflag:s21] =	ssyncset.done $0x0  }
0xa0: {  	[sflag:s21] =	ssyncadd.s32 $0xFFFFFFB0  }
0xa1: {  	_ =	swait.ge [sflag:s21], $0x50  }
0xa2: {  	[sflag:s21] =	ssyncset.done $0x0  }
0xa3: {  	[sflag:s21] =	ssyncadd.s32 $0xFFFFFFB0  }
0xa4: {  	_ =	swait.ge [sflag:s21], $0x50  }
0xa5: {  	[sflag:s21] =	ssyncset.done $0x0  }
0xa6: {  	[sflag:s21] =	ssyncadd.s32 $0xFFFFFFB0  }
0xa7: {  	_ =	swait.ge [sflag:s21], $0x50  }
0xa8: {  	[sflag:s21] =	ssyncset.done $0x0  }
0xa9: {  	[sflag:s21] =	ssyncadd.s32 $0xFFFFFFB0  }
0xaa: {  	_ =	swait.ge [sflag:s21], $0x50  }
0xab: {  	[sflag:s21] =	ssyncset.done $0x0  }
0xac: {  	[sflag:s21] =	ssyncadd.s32 $0xFFFFFFB0  }
0xad: {  	_ =	swait.ge [sflag:s21], $0x50  }
0xae: {  	[sflag:s21] =	ssyncset.done $0x0  }
0xaf: {  	[sflag:s21] =	ssyncadd.s32 $0xFFFFFFB0  }
0xb0: {  	_ =	swait.ge [sflag:s21], $0x50  }
0xb1: {  	[sflag:s21] =	ssyncset.done $0x0  }
0xb2: {  	[sflag:s21] =	ssyncadd.s32 $0xFFFFFFB0  }
0xb3: {  	_ =	swait.ge [sflag:s21], $0x50  }
0xb4: {  	[sflag:s21] =	ssyncset.done $0x0  }
0xb5: {  	[sflag:s21] =	ssyncadd.s32 $0xFFFFFFB0  }
0xb6: {  	_ =	swait.ge [sflag:s21], $0x50  }
0xb7: {  	[sflag:s21] =	ssyncset.done $0x0  }
0xb8: {  	[sflag:s21] =	ssyncadd.s32 $0xFFFFFFB0  }
0xb9: {  	_ =	swait.ge [sflag:s21], $0x50  }
0xba: {  	[sflag:s21] =	ssyncset.done $0x0  }
0xbb: {  	[sflag:s21] =	ssyncadd.s32 $0xFFFFFFB0  }
0xbc: {  	_ =	swait.ge [sflag:s21], $0x50  }
0xbd: {  	[sflag:s21] =	ssyncset.done $0x0  }
0xbe: {  	[sflag:s21] =	ssyncadd.s32 $0xFFFFFFB0  }
0xbf: {  	_ =	swait.ge [sflag:s21], $0x50  }
0xc0: {  	[sflag:s21] =	ssyncset.done $0x0  }
0xc1: {  	[sflag:s21] =	ssyncadd.s32 $0xFFFFFFB0  }
0xc2: {  	_ =	swait.ge [sflag:s21], $0x50  }
0xc3: {  	[sflag:s21] =	ssyncset.done $0x0  }
0xc4: {  	[sflag:s21] =	ssyncadd.s32 $0xFFFFFFB0  }
0xc5: {  	_ =	swait.ge [sflag:s21], $0x50  }
0xc6: {  	[sflag:s21] =	ssyncset.done $0x0  }
0xc7: {  	[sflag:s21] =	ssyncadd.s32 $0xFFFFFFB0  }
0xc8: {  	_ =	swait.ge [sflag:s21], $0x50  }
0xc9: {  	[sflag:s21] =	ssyncset.done $0x0  }
0xca: {  	[sflag:s21] =	ssyncadd.s32 $0xFFFFFFB0  }
0xcb: {  	_ =	swait.ge [sflag:s21], $0x50  }
0xcc: {  	[sflag:s21] =	ssyncset.done $0x0  }
0xcd: {  	[sflag:s21] =	ssyncadd.s32 $0xFFFFFFB0  }
0xce: {  	_ =	swait.ge [sflag:s21], $0x50  }
0xcf: {  	[sflag:s21] =	ssyncset.done $0x0  }
0xd0: {  	[sflag:s21] =	ssyncadd.s32 $0xFFFFFFB0  }
0xd1: {  	_ =	swait.ge [sflag:s21], $0x50  }
0xd2: {  	[sflag:s21] =	ssyncset.done $0x0  }
0xd3: {  	s24 =	sadd.s32 $0x1, s24;
	[sflag:s21] =	ssyncadd.s32 $0xFFFFFFB0  }
0xd4: {  	p1 =	sne.s32 s24, $0x5;
	_ =	swait.ge [sflag:s21], $0x50  }
.Ltmp4:
0xd5: {  	[sflag:s21] =	ssyncset.done $0x0;
	(pc) =	sbr.rel @p1 .LBB2_6-.Ltmp4, $4  }
0xd6: {  	[sflag:s21] =	ssyncadd.s32 $0xFFFFFFB0  }
0xd7: {  	_ =	swait.ge [sflag:s21], $0x50  }
0xd8: {  	[sflag:s21] =	ssyncset.done $0x0  }
0xd9: {  	[sflag:s21] =	ssyncadd.s32 $0xFFFFFFB0  }
0xda: {  	[bflag:$0x0] =	sbarrier.arrive $0xFFFF  }
0xdb: {  	[tilespmem:s19], [sflag:$0x2] =	stream.linear.gather [spmem:s11], $0x280, $0x38;
	[tilespmem:$0x9390] =	vst v63  }
0xdc: {  	_ =	swait.ge [sflag:s16], $0x280  }
0xdd: {  	[sflag:s16] =	ssyncset.done $0x0  }
0xde: {  	[sflag:s16] =	ssyncadd.s32 $0xFFFFFD80  }
0xdf: {  	s23 =	simm.s32 $0x0;
	s24 =	simm.s32 $0x40;
	v2 =	vld [tilespmem:$0x9100]  }
.LBB2_12:
0xe0: {  	p1 =	sne.s32 s24, $0x9C0;
	v3 =	vld [tilespmem:s23+$0x8E80];
	_ =	sdelay $0x4  }
0xe1: {  	v2 =	vadd.f32 v2, v3;
	_ =	sdelay $0x1  }
0xe2: {  	v2 =	vsub.f32 $0.0e+00, v2;
	_ =	sdelay $0x1  }
0xe3: {  	v2 =	vmul.f32 $1.442695020e+00, v2;
	_ =	sdelay $0x1  }
0xe4: {  	(erf) = vpow2.f32 v2;
	_ =	sdelay $0x8  }
0xe5: {  	v2 =	vpop (erf)  }
0xe6: {  	v2 =	vadd.f32 $1.000000000e+00, v2;
	_ =	sdelay $0x1  }
0xe7: {  	(erf) = vrcp.f32 v2;
	_ =	sdelay $0x6  }
.Ltmp5:
0xe8: {  	(pc) =	sbr.rel @p1 .LBB2_12-.Ltmp5, $4  }
0xe9: {  	_ = 	snop  }
0xea: {  	v2 =	vpop (erf)  }
0xeb: {  	[tilespmem:s23+$0x8E80] =	vst v2  }
0xec: {  	s23 =	sshra.s32 s24, $0x2;
	s24 =	sadd.s32 $0x40, s24;
	v2 =	vld [tilespmem:$0x9100]  }
0xed: {  	v3 =	vld [tilespmem:s23+$0x8E80];
	_ =	sdelay $0x4  }
0xee: {  	v2 =	vadd.f32 v2, v3;
	_ =	sdelay $0x1  }
0xef: {  	v2 =	vsub.f32 $0.0e+00, v2;
	_ =	sdelay $0x1  }
0xf0: {  	v2 =	vmul.f32 $1.442695020e+00, v2;
	_ =	sdelay $0x1  }
0xf1: {  	(erf) = vpow2.f32 v2;
	_ =	sdelay $0x8  }
0xf2: {  	v2 =	vpop (erf)  }
0xf3: {  	v2 =	vadd.f32 $1.000000000e+00, v2;
	_ =	sdelay $0x1  }
0xf4: {  	(erf) = vrcp.f32 v2;
	_ =	sdelay $0x8  }
0xf5: {  	s22 =	sadd.s32 $0x1, s22;
	v2 =	vpop (erf)  }
0xf6: {  	s24 =	simm.s32 @!p0 $0x8E80;
	p1 =	sne.s32 s22, s14;
	[tilespmem:s23+$0x8E80] =	vst v2;
	s23 =	simm.s32 @!p0 $0x0  }
0xf7: {  	[hbm4b:s13+s23] =	stream.linear.scatter @!p0 [tilespmem:s24], [sflag:$0x2], $0x280, $0x38;
	[tilespmem:$0x9390] =	vst v63  }
.Ltmp6:
0xf8: {  	_ = 	snop;
	(pc) =	sbr.rel @p1 .LBB2_1-.Ltmp6, $4  }
0xf9: {  	s23 =	simm.s32 @!p0 $0x2  }
0xfa: {  	_ =	swait.ge @!p0 [sflag:s23], $0x280  }
0xfb: {  	[sflag:s23] =	ssyncset.done @!p0 $0x0  }
0xfc: {  	[sflag:s23] =	ssyncadd.s32 @!p0 $0xFFFFFD80  }
0xfd: {  	_ =	sfence.sel $0x180000  }
0xfe: {  	[bflag:$0x0] =	sbarrier.arrive $0xFFFF  }
0xff: {  	p0 =	sne.s32 s4, $0x0;
	_ =	strace $0x9000004D  }
0x100: {  	s0 =	sadd.s32 @!p0 $0x100000, s0;
	[bflag:$0x2] =	sbarrier.arrive $0xFFFF  }
0x101: {  	[sflag:s0] =	ssyncadd.tile.s32 @!p0 $0x1;
	_ =	shalt  }
.Lfunc_end2:
_tile_overlayer_lowered:
.L_overlay_start_2:
0x102: {  	(tag) =	ssettag $0x2  }
0x103: {  	s0 =	rddreg [dreg:$0x0];
	s2 =	stileid.u32  }
0x104: {  	s1 =	rddreg [dreg:$0x1];
	p0 =	sne.s32 s2, $0x0  }
0x105: {  	s3 =	rddreg [dreg:$0x2];
	[bflag:$0x3] =	sbarrier.arrive $0xFFFF;
	s2 =	simm.s32 @!p0 $0x1C02  }
0x106: {  	[timem:s3], [sflag:s2] =	dma.local @!p0 [hbm:s0], s1  }
0x107: {  	s0 =	simm.s32 @!p0 $0x2  }
0x108: {  	_ =	swait.ge @!p0 [sflag:s0], s1  }
0x109: {  	s1 =	ssub.s32 @!p0 $0x0, s1;
	[sflag:s0] =	ssyncset.done @!p0 $0x0  }
0x10a: {  	[sflag:s0] =	ssyncadd.s32 @!p0 s1  }
0x10b: {  	[bflag:$0x3] =	sbarrier.arrive $0xFFFF  }
0x10c: {  	_ =	shalt  }

// kernel: kernel.6.cloned.1.call-start
scs
__scs_entry_jumppad:
0x0: {  	(pc) =	sbr.rel $0x88, $3  }
0x1: {  	(tag) =	ssettag $0x0;
	lr =	simm.s32 $0x1  }
0x2: {  	[smem:$0x3F9A] =	sst lr;
	_ =	strace $0xD0000000  }
0x3: {  	_ = 	snop  }
0x4: {  	_ = 	snop  }
0x5: {  	_ = 	snop  }
0x6: {  	_ = 	snop  }
0x7: {  	_ = 	snop  }
__scs_overlays_trampoline_lowered:
0x8: {  	[smem:$0x3FA9] =	sst s0  }
0x9: {  	[smem:$0x3FAA] =	sst s1  }
0xa: {  	[smem:$0x3FAB] =	sst s2  }
0xb: {  	[smem:$0x3FAC] =	sst s3  }
0xc: {  	[smem:$0x3FAD] =	sst s4  }
0xd: {  	[smem:$0x3FAE] =	sst s5  }
0xe: {  	[smem:$0x3FAF] =	sst s6  }
0xf: {  	[smem:$0x3FB0] =	sst s7  }
0x10: {  	[smem:$0x3FB1] =	sst s8  }
0x11: {  	[smem:$0x3FB2] =	sst s9;
	s0 =	simm.s32 @!p0 $0x0  }
0x12: {  	s1 =	sld [smem:$0x3F98];
	s0 =	simm.s32 @p0 $0x1  }
0x13: {  	[smem:$0x3FB3] =	sst s0;
	s0 =	simm.s32 @!p1 $0x0  }
0x14: {  	s2 =	sld [smem:$0x3F97];
	s0 =	simm.s32 @p1 $0x1  }
0x15: {  	[smem:$0x3FB4] =	sst s0;
	s0 =	simm.s32 @!p2 $0x0  }
0x16: {  	s3 =	sld [smem:$0x3FDB];
	s0 =	simm.s32 @p2 $0x1  }
0x17: {  	s4 =	simm.s32 $0x1BF5;
	[smem:$0x3FB6] =	sst s0  }
0x18: {  	s0 =	sld [smem:$0x3F99];
	_ =	swait.ge [sflag:s4], $0x0  }
0x19: {  	s7 =	sld [smem:$0x3F9A]  }
0x1a: {  	s8 =	sadd.s32 $0xFFFFE003, lr  }
0x1b: {  	s9 =	sadd.s32 $0xFFFFFEF7, lr;
	s5 =	simm.s32 $0xFFFFFFFF;
	p2 =	slt.u32 s8, $0xFFFFF086  }
0x1c: {  	p1 =	slt.u32 s9, $0xF7A;
	s5 =	simm.s32 @!p2 $0x0  }
0x1d: {  	s5 =	simm.s32 @p1 $0x1;
	p0 =	seq.s32 s7, s2  }
0x1e: {  	s7 =	smul.u32 @!p0 $0xF7A, s2;
	p2 =	seq.s32 @!p0 s5, $0x0  }
0x1f: {  	s9 =	smul.u32 $0xF7A, s1;
	s8 =	simm.s32 @!p0 $0x1BF5;
	p2 =	por !p2, p0  }
0x20: {  	[sflag:s8] =	ssyncset.s32 @!p0 $0xFFFFF086;
	s6 =	sadd.s32 @!p0 s3, s7;
	s7 =	simm.s32 @!p0 $0x108  }
0x21: {  	s3 =	sadd.s32 s3, s9;
	s6 =	sadd.s32 @!p0 $0x88, s6;
	s7 =	simm.s32 @p2 $0x1082  }
0x22: {  	[simem:s7], [sflag:s8] =	dma.local @!p0 [hbm:s6], $0xF7A  }
0x23: {  	s9 =	sor.u32 $0xD0000000, s2;
	s6 =	simm.s32 $0x108;
	_ =	swait.ge @!p0 [sflag:s8], $0x0  }
0x24: {  	s3 =	sadd.s32 $0x88, s3;
	s6 =	simm.s32 @!p1 $0x1082;
	[sflag:s4] =	ssyncset.s32 $0xFFFFF086  }
0x25: {  	[simem:s6], [sflag:s4] =	dma.local [hbm:s3], $0xF7A  }
0x26: {  	[smem:$0x3F9A] =	sst s1;
	(tag) =	ssettag s2;
	_ =	strace s9  }
0x27: {  	s1 =	sld [smem:$0x3FAA]  }
0x28: {  	s2 =	sld [smem:$0x3FAB]  }
0x29: {  	s4 =	sld [smem:$0x3FAD]  }
0x2a: {  	p0 =	seq.s32 s5, $0x0;
	s5 =	sld [smem:$0x3FAE]  }
0x2b: {  	s6 =	sld [smem:$0x3FAF]  }
0x2c: {  	s7 =	sld [smem:$0x3FB0]  }
0x2d: {  	s3 =	simm.s32 $0x108;
	s8 =	sld [smem:$0x3FB1]  }
0x2e: {  	s3 =	simm.s32 @!p0 $0x1082;
	s9 =	sld [smem:$0x3FB2]  }
0x2f: {  	lr =	sadd.s32 s0, s3;
	s0 =	sld [smem:$0x3FA9]  }
0x30: {  	s3 =	sld [smem:$0x3FAC]  }
0x31: {  	[smem:$0x3FB5] =	sst s10  }
0x32: {  	s10 =	sld [smem:$0x3FB3];
	_ =	sdelay $0x3  }
0x33: {  	p0 =	seq.s32 s10, $0x1;
	s10 =	sld [smem:$0x3FB5];
	_ =	sdelay $0x3  }
0x34: {  	[smem:$0x3FB5] =	sst s10  }
0x35: {  	s10 =	sld [smem:$0x3FB4];
	_ =	sdelay $0x3  }
0x36: {  	p1 =	seq.s32 s10, $0x1;
	s10 =	sld [smem:$0x3FB5];
	_ =	sdelay $0x3  }
0x37: {  	[smem:$0x3FB5] =	sst s10  }
0x38: {  	s10 =	sld [smem:$0x3FB6]  }
0x39: {  	_ = 	snop;
	(pc) =	sbr.ind lr, $3  }
0x3a: {  	_ = 	snop  }
0x3b: {  	_ = 	snop  }
0x3c: {  	p2 =	seq.s32 s10, $0x1;
	s10 =	sld [smem:$0x3FB5]  }
0x3d: {  	_ =	shalt  }
0x3e: {  	_ =	shalt  }
0x3f: {  	_ =	shalt  }
0x40: {  	_ =	shalt  }
0x41: {  	_ =	shalt  }
0x42: {  	_ =	shalt  }
0x43: {  	_ =	shalt  }
0x44: {  	_ =	shalt  }
0x45: {  	_ =	shalt  }
0x46: {  	_ =	shalt  }
0x47: {  	_ =	shalt  }
0x48: {  	_ =	shalt  }
0x49: {  	_ =	shalt  }
0x4a: {  	_ =	shalt  }
0x4b: {  	_ =	shalt  }
0x4c: {  	_ =	shalt  }
0x4d: {  	_ =	shalt  }
0x4e: {  	_ =	shalt  }
0x4f: {  	_ =	shalt  }
0x50: {  	_ =	shalt  }
0x51: {  	_ =	shalt  }
0x52: {  	_ =	shalt  }
0x53: {  	_ =	shalt  }
0x54: {  	_ =	shalt  }
0x55: {  	_ =	shalt  }
0x56: {  	_ =	shalt  }
0x57: {  	_ =	shalt  }
0x58: {  	_ =	shalt  }
0x59: {  	_ =	shalt  }
0x5a: {  	_ =	shalt  }
0x5b: {  	_ =	shalt  }
0x5c: {  	_ =	shalt  }
0x5d: {  	_ =	shalt  }
0x5e: {  	_ =	shalt  }
0x5f: {  	_ =	shalt  }
0x60: {  	_ =	shalt  }
0x61: {  	_ =	shalt  }
0x62: {  	_ =	shalt  }
0x63: {  	_ =	shalt  }
0x64: {  	_ =	shalt  }
0x65: {  	_ =	shalt  }
0x66: {  	_ =	shalt  }
0x67: {  	_ =	shalt  }
0x68: {  	_ =	shalt  }
0x69: {  	_ =	shalt  }
0x6a: {  	_ =	shalt  }
0x6b: {  	_ =	shalt  }
0x6c: {  	_ =	shalt  }
0x6d: {  	_ =	shalt  }
0x6e: {  	_ =	shalt  }
0x6f: {  	_ =	shalt  }
0x70: {  	_ =	shalt  }
0x71: {  	_ =	shalt  }
0x72: {  	_ =	shalt  }
0x73: {  	_ =	shalt  }
0x74: {  	_ =	shalt  }
0x75: {  	_ =	shalt  }
0x76: {  	_ =	shalt  }
0x77: {  	_ =	shalt  }
0x78: {  	_ =	shalt  }
0x79: {  	_ =	shalt  }
0x7a: {  	_ =	shalt  }
0x7b: {  	_ =	shalt  }
0x7c: {  	_ =	shalt  }
0x7d: {  	_ =	shalt  }
0x7e: {  	_ =	shalt  }
0x7f: {  	_ =	shalt  }
0x80: {  	_ =	shalt  }
0x81: {  	_ =	shalt  }
0x82: {  	_ =	shalt  }
0x83: {  	_ =	shalt  }
0x84: {  	_ =	shalt  }
0x85: {  	_ =	shalt  }
0x86: {  	_ =	shalt  }
0x87: {  	_ =	shalt  }
.Lfunc_end0:
.L_simem_size_0:
called_computation_lowered:
.L_overlay_start_0:
0x88: {  	s2 =	sld [smem:$0x3FD9]  }
0x89: {  	s3 =	sld [smem:$0x3FFE];
	_ =	sdelay $0x1  }
0x8a: {  	s1 =	srdreg.scid  }
0x8b: {  	s0 =	sand.u32 $0x1, s1  }
0x8c: {  	s17 =	sshll.u32 s0, $0xA;
	s2 =	sadd.s32 s3, s2  }
0x8d: {  	s2 =	sadd.s32 s2, s17  }
0x8e: {  	[smem:$0x3FC1] =	sst s2  }
0x8f: {  	_ = 	snop  }
0x90: {  	s2 =	sld [smem:$0x3FC7];
	(tm) =	ssettm $0x1  }
0x91: {  	s18 =	sld [smem:$0x3FFB];
	_ =	sdelay $0x3  }
0x92: {  	_ =	strace s18  }
0x93: {  	s3 =	sld [smem:$0x3FFC];
	_ =	sdelay $0x3  }
0x94: {  	_ =	strace s3  }
0x95: {  	s3 =	sld [smem:$0x3FFD];
	_ =	sdelay $0x3  }
0x96: {  	_ =	strace s3  }
0x97: {  	_ =	strace $0x8FFFFFFF  }
0x98: {  	s19 =	sld [smem:$0x3FDB];
	_ =	sdelay $0x1  }
0x99: {  	s4 =	simm.s32 $_scs_section_size  }
0x9a: {  	s5 =	simm.s32 $_size__tile_overlayer_lowered;
	s6 =	simm.s32 $_tile_overlayer_lowered  }
0x9b: {  	s22 =	simm.s32 $0x1BFF;
	s21 =	sshll.u32 s6, $0x1;
	s3 =	sadd.s32 s4, s19  }
0x9c: {  	s7 =	simm.s32 $0x0;
	s20 =	sshll.u32 s5, $0x1;
	s5 =	sadd.s32 s21, s3  }
0x9d: {  	[timem:s7], [sflag:s22] =	dma.local [hbm:s5], s20  }
0x9e: {  	_ =	swait.ge [sflag:s22], s20  }
0x9f: {  	s4 =	ssub.s32 $0x0, s20;
	[sflag:s22] =	ssyncset.done $0x0  }
0xa0: {  	[sflag:s22] =	ssyncadd.s32 s4;
	_ =	sdelay $0x1  }
0xa1: {  	s23 =	simm.s32 $0x1B8B  }
0xa2: {  	_ =	swait.ge [sflag:s23], $0x1  }
0xa3: {  	[sflag:s23] =	ssyncset.done $0x0  }
0xa4: {  	s25 =	simm.s32 $0x1B8E;
	s24 =	sld [smem:$0x3FFE];
	[sflag:s23] =	ssyncadd.s32 $0xFFFFFFFF  }
0xa5: {  	s26 =	simm.s32 $execute0_lowered;
	[smem:$0x3FD2] =	sst s25  }
0xa6: {  	s5 =	sshll.u32 s26, $0x1;
	_ =	strace $0x80000046;
	[dreg:$0x1] =	wrdreg $0xFFFFFFFF  }
0xa7: {  	s28 =	simm.s32 $_size_execute0_lowered;
	s3 =	sadd.s32 s3, s5;
	[dreg:$0x0] =	wrdreg $0x0  }
0xa8: {  	s5 =	sshll.u32 s28, $0x1;
	[dreg:$0x2] =	wrdreg s3  }
0xa9: {  	[dreg:$0x3] =	wrdreg s5  }
0xaa: {  	[dreg:$0x4] =	wrdreg $0xC0  }
0xab: {  	_ =	task [dreg:s7], $0x5FFFF  }
0xac: {  	[dreg:$0x1] =	wrdreg $0xFFFFFFFF  }
0xad: {  	[dreg:$0x0] =	wrdreg $0x60  }
0xae: {  	[dreg:$0x2] =	wrdreg s24  }
0xaf: {  	[dreg:$0x3] =	wrdreg s2  }
0xb0: {  	[dreg:$0x4] =	wrdreg $0x12200  }
0xb1: {  	[dreg:$0x5] =	wrdreg $0x9  }
0xb2: {  	_ =	task.clear_ibuf [dreg:s7], $0x6FFFF;
	_ =	strace $0x90000046  }
0xb3: {  	s29 =	simm.s32 $0x9;
	_ =	strace $0x80000048  }
0xb4: {  	_ =	swait.ge [sflag:s29], $0x1  }
0xb5: {  	[sflag:s29] =	ssyncadd.s32 $0xFFFFFFFF  }
0xb6: {  	_ =	strace $0x90000048  }
0xb7: {  	_ =	sfence  }
0xb8: {  	s30 =	sld [smem:$0x0];
	_ =	sdelay $0x2  }
0xb9: {  	s31 =	sshll.u32 s1, $0xD;
	s1 =	sshrl.u32 s1, $0x2  }
0xba: {  	s3 =	sand.u32 $0x4000, s31;
	s1 =	sadd.s32 s1, s30  }
0xbb: {  	s0 =	sor.u32 s3, s0;
	s1 =	sshll.u32 s1, $0x11  }
0xbc: {  	s0 =	sor.u32 s1, s0  }
0xbd: {  	s0 =	sadd.s32 $0x8F2B, s0  }
0xbe: {  	[sflag:s0] =	ssyncadd.remote.s32 $0x1  }
0xbf: {  	_ =	sfence.sel $0xFFFF  }
0xc0: {  	[dreg:$0x0] =	wrdreg $0xFFFFFFFF;
	(pc) =	sbr.abs _section_cstart, $3  }
0xc1: {  	[dreg:$0x1] =	wrdreg $0xFFFFFFFF  }
0xc2: {  	_ =	task.clear_ibuf [dreg:s7], $0x2FFFF;
	_ =	strace $0x9FFFFFFF  }
0xc3: {  	(tm) =	ssettm $0x7FFFFFFF  }
tec
execute0_lowered:
.L_overlay_start_1:
0x0: {  	(tag) =	ssettag $0x1  }
0x1: {  	s0 =	rddreg [dreg:$0x0]  }
0x2: {  	s1 =	rddreg [dreg:$0x1]  }
0x3: {  	s2 =	rddreg [dreg:$0x2];
	s3 =	simm.s32 $0x0  }
0x4: {  	s18 =	simm.s32 $0x820;
	[smem:$0x7FF] =	sst s3  }
0x5: {  	s19 =	simm.s32 $0xA0;
	_ =	strace $0x80000047;
	[dreg:$0x6] =	wrdreg s18  }
0x6: {  	s20 =	simm.s32 $0x870;
	[dreg:$0x7] =	wrdreg s19  }
0x7: {  	s21 =	simm.s32 $0xF0;
	[dreg:$0x8] =	wrdreg s20  }
0x8: {  	s22 =	simm.s32 $0x8C0;
	[dreg:$0x9] =	wrdreg s21  }
0x9: {  	s23 =	simm.s32 $0x140;
	[dreg:$0xa] =	wrdreg s22  }
0xa: {  	s24 =	simm.s32 $0x910;
	[dreg:$0xb] =	wrdreg s23  }
0xb: {  	s25 =	simm.s32 $0x190;
	[dreg:$0xc] =	wrdreg s24  }
0xc: {  	s26 =	simm.s32 $0x960;
	[dreg:$0xd] =	wrdreg s25  }
0xd: {  	s7 =	simm.s32 $0x230;
	[dreg:$0xe] =	wrdreg s26  }
0xe: {  	s6 =	stileid.u32;
	s9 =	simm.s32 $0xA00;
	[dreg:$0x11] =	wrdreg s7  }
0xf: {  	s10 =	simm.s32 $0x280;
	s12 =	simm.s32 $0xA50;
	[dreg:$0x12] =	wrdreg s9  }
0x10: {  	s13 =	simm.s32 $0x2D0;
	s14 =	srdreg.scid;
	[dreg:$0x13] =	wrdreg s10  }
0x11: {  	s15 =	simm.s32 $0xAA0;
	s16 =	simm.s32 $0x320;
	[dreg:$0x14] =	wrdreg s12  }
0x12: {  	s28 =	simm.s32 $0xEB0;
	s29 =	simm.s32 $0x730;
	[dreg:$0x15] =	wrdreg s13  }
0x13: {  	s30 =	simm.s32 $0xF00;
	s4 =	smul.u32 $0x4E2, s6;
	[dreg:$0x16] =	wrdreg s15  }
0x14: {  	s31 =	simm.s32 $0x780;
	s8 =	smul.u32 $0x280, s6;
	[dreg:$0x17] =	wrdreg s16  }
0x15: {  	s18 =	simm.s32 $0xAF0;
	s19 =	simm.s32 $0x370;
	s20 =	simm.s32 $0xB40  }
0x16: {  	s21 =	simm.s32 $0x3C0;
	s22 =	simm.s32 $0xB90;
	[dreg:$0x18] =	wrdreg s18  }
0x17: {  	s24 =	simm.s32 $0x410;
	s25 =	simm.s32 $0xBE0;
	[dreg:$0x19] =	wrdreg s19  }
0x18: {  	s26 =	simm.s32 $0x460;
	s9 =	simm.s32 $0x7D0;
	[dreg:$0x1a] =	wrdreg s20  }
0x19: {  	s10 =	simm.s32 $0x50;
	s12 =	simm.s32 $0xC30;
	[dreg:$0x1b] =	wrdreg s21  }
0x1a: {  	s13 =	simm.s32 $0x4B0;
	s15 =	simm.s32 $0x500;
	[dreg:$0x1c] =	wrdreg s22  }
0x1b: {  	s16 =	simm.s32 $0xCD0;
	s5 =	sadd.s32 s4, s0;
	[dreg:$0x1d] =	wrdreg s24  }
0x1c: {  	s1 =	sadd.s32 s4, s1;
	s4 =	simm.s32 $0x1E0;
	[dreg:$0x1e] =	wrdreg s25  }
0x1d: {  	s11 =	sshrl.u32 s8, $0x3;
	[dreg:$0x1f] =	wrdreg s26;
	s18 =	simm.s32 $0xD20  }
0x1e: {  	s19 =	simm.s32 $0x5A0;
	s20 =	simm.s32 $0xD70;
	s21 =	simm.s32 $0x5F0  }
0x1f: {  	s22 =	simm.s32 $0x640;
	s24 =	simm.s32 $0x690;
	s25 =	simm.s32 $0xE60  }
0x20: {  	s26 =	simm.s32 $0x6E0;
	s5 =	sadd.s32 $0x5800, s5;
	[dreg:$0x5] =	wrdreg s1  }
0x21: {  	[dreg:$0xf] =	wrdreg s4;
	s0 =	sadd.s32 s11, s0;
	s11 =	simm.s32 $0xFA0  }
0x22: {  	s1 =	simm.s32 $0xF50;
	[dreg:$0x4] =	wrdreg s5;
	s5 =	simm.s32 $0x9B0  }
0x23: {  	s0 =	sadd.s32 $0xA800, s0;
	[dreg:$0x10] =	wrdreg s5;
	s5 =	sand.u32 $0x1, s14  }
0x24: {  	[smem:$0x7FB] =	sst s0;
	s14 =	simm.s32 $0xC80;
	s17 =	ssub.s32 $0x2, s5  }
0x25: {  	s0 =	simm.s32 $0x1;
	p0 =	sne.s32 s5, $0x0;
	s7 =	sshrl.u32 s17, $0x1  }
0x26: {  	s6 =	ssub.s32 s17, s7;
	s7 =	sadd.s32 s8, s2;
	s8 =	simm.s32 $0x2  }
0x27: {  	s17 =	simm.s32 $0x550;
	s23 =	smax.u32 s6, $0x1;
	[smem:$0x7FD] =	sst s7  }
0x28: {  	v0 =	vimm.f32 $1.000000000e+00;
	s6 =	simm.s32 $0x0;
	[smem:$0x7FC] =	sst s23;
	s23 =	simm.s32 $0xE10  }
.LBB2_1:
0x29: {  	[tilespmem:$0xFA0] =	vst v0  }
0x2a: {  	[tilespmem:$0xFB0] =	vst v0  }
0x2b: {  	[tilespmem:$0xFC0] =	vst v0  }
0x2c: {  	[tilespmem:$0xFD0] =	vst v0  }
0x2d: {  	[tilespmem:$0xFE0] =	vst v0  }
0x2e: {  	[tilespmem:$0xFF0] =	vst v0  }
0x2f: {  	[tilespmem:$0x1000] =	vst v0  }
0x30: {  	[tilespmem:$0x1010] =	vst v0  }
0x31: {  	[tilespmem:$0x1020] =	vst v0  }
0x32: {  	[tilespmem:$0x1030] =	vst v0  }
0x33: {  	[tilespmem:$0x1040] =	vst v0  }
0x34: {  	[tilespmem:$0x1050] =	vst v0  }
0x35: {  	[tilespmem:$0x1060] =	vst v0  }
0x36: {  	[tilespmem:$0x1070] =	vst v0  }
0x37: {  	[tilespmem:$0x1080] =	vst v0  }
0x38: {  	[tilespmem:$0x1090] =	vst v0  }
0x39: {  	[tilespmem:$0x10A0] =	vst v0  }
0x3a: {  	[tilespmem:$0x10B0] =	vst v0  }
0x3b: {  	[tilespmem:$0x10C0] =	vst v0  }
0x3c: {  	[tilespmem:$0x10D0] =	vst v0  }
0x3d: {  	[tilespmem:$0x10E0] =	vst v0  }
0x3e: {  	[tilespmem:$0x10F0] =	vst v0  }
0x3f: {  	[tilespmem:$0x1100] =	vst v0  }
0x40: {  	[tilespmem:$0x1110] =	vst v0  }
0x41: {  	[tilespmem:$0x1120] =	vst v0  }
0x42: {  	[tilespmem:$0x1130] =	vst v0  }
0x43: {  	[tilespmem:$0x1140] =	vst v0  }
0x44: {  	[tilespmem:$0x1150] =	vst v0  }
0x45: {  	[tilespmem:$0x1160] =	vst v0  }
0x46: {  	[tilespmem:$0x1170] =	vst v0  }
0x47: {  	[tilespmem:$0x1180] =	vst v0  }
0x48: {  	[tilespmem:$0x1190] =	vst v0  }
0x49: {  	[tilespmem:$0x11A0] =	vst v0  }
0x4a: {  	[tilespmem:$0x11B0] =	vst v0  }
0x4b: {  	[tilespmem:$0x11C0] =	vst v0  }
0x4c: {  	[tilespmem:$0x11D0] =	vst v0  }
0x4d: {  	[tilespmem:$0x11E0] =	vst v0  }
0x4e: {  	[tilespmem:$0x11F0] =	vst v0  }
0x4f: {  	[tilespmem:$0x1200] =	vst v0  }
0x50: {  	[smem:$0x7FA] =	sst s6;
	[tilespmem:$0x1210] =	vst v0  }
0x51: {  	[spmem:s7] =	stream.linear.scatter [tilespmem:s11], [sflag:$0x2], $0x280, $0x38;
	[tilespmem:$0x14A0] =	vst v63  }
0x52: {  	_ =	swait.ge [sflag:s8], $0x280  }
0x53: {  	[sflag:s8] =	ssyncset.done $0x0  }
0x54: {  	[sflag:s8] =	ssyncadd.s32 $0xFFFFFD80  }
0x55: {  	[bflag:$0x0] =	sbarrier.arrive $0xFFFF  }
0x56: {  	s4 =	rddreg [dreg:$0x4]  }
0x57: {  	s4 =	sadd.s32 $0x0, s4  }
0x58: {  	[tilespmem:s3], [sflag:$0x2] =	stream.linear.gather [hbm4b:s4+s3], $0x7D0, $0x38;
	[tilespmem:$0x14A0] =	vst v63  }
0x59: {  	_ =	swait.ge [sflag:s8], $0x7D0  }
0x5a: {  	s5 =	rddreg [dreg:$0x5];
	[sflag:s8] =	ssyncset.done $0x0  }
0x5b: {  	[sflag:s8] =	ssyncadd.s32 $0xFFFFF830;
	s4 =	sadd.s32 $0x0, s5  }
0x5c: {  	[tilespmem:s9], [sflag:$0x2] =	stream.linear.gather [hbm4b:s4+s3], $0x7D0, $0x38;
	[tilespmem:$0x14A0] =	vst v63  }
0x5d: {  	_ =	swait.ge [sflag:s8], $0x7D0  }
0x5e: {  	s6 =	rddreg [dreg:$0x7]  }
0x5f: {  	[sflag:s8] =	ssyncset.done $0x0;
	s5 =	rddreg [dreg:$0x6]  }
0x60: {  	s11 =	rddreg [dreg:$0x8];
	[sflag:s8] =	ssyncadd.s32 $0xFFFFF830  }
0x61: {  	[spmem:s2] =	stream.indirect.scatter.add.f32 [tilespmem:s9], [sflag:$0x1], $0x1, s3, s10, $0xb8;
	[tilespmem:$0x14A0] =	vst v63  }
0x62: {  	s7 =	rddreg [dreg:$0xa]  }
0x63: {  	[spmem:s2] =	stream.indirect.scatter.add.f32 [tilespmem:s5], [sflag:$0x1], $0x1, s10, s10, $0xb8;
	[tilespmem:$0x14A0] =	vst v63  }
0x64: {  	s5 =	rddreg [dreg:$0x9]  }
0x65: {  	[spmem:s2] =	stream.indirect.scatter.add.f32 [tilespmem:s11], [sflag:$0x1], $0x1, s6, s10, $0xb8;
	[tilespmem:$0x14A0] =	vst v63  }
0x66: {  	s6 =	rddreg [dreg:$0xc]  }
0x67: {  	s11 =	rddreg [dreg:$0xb]  }
0x68: {  	[spmem:s2] =	stream.indirect.scatter.add.f32 [tilespmem:s7], [sflag:$0x1], $0x1, s5, s10, $0xb8;
	[tilespmem:$0x14A0] =	vst v63  }
0x69: {  	s5 =	rddreg [dreg:$0xe]  }
0x6a: {  	s7 =	rddreg [dreg:$0xd]  }
0x6b: {  	[spmem:s2] =	stream.indirect.scatter.add.f32 [tilespmem:s6], [sflag:$0x1], $0x1, s11, s10, $0xb8;
	[tilespmem:$0x14A0] =	vst v63  }
0x6c: {  	s6 =	rddreg [dreg:$0x10]  }
0x6d: {  	s11 =	rddreg [dreg:$0xf]  }
0x6e: {  	[spmem:s2] =	stream.indirect.scatter.add.f32 [tilespmem:s5], [sflag:$0x1], $0x1, s7, s10, $0xb8;
	[tilespmem:$0x14A0] =	vst v63  }
0x6f: {  	s5 =	rddreg [dreg:$0x12]  }
0x70: {  	s7 =	rddreg [dreg:$0x11]  }
0x71: {  	[spmem:s2] =	stream.indirect.scatter.add.f32 [tilespmem:s6], [sflag:$0x1], $0x1, s11, s10, $0xb8;
	[tilespmem:$0x14A0] =	vst v63  }
0x72: {  	s6 =	rddreg [dreg:$0x14]  }
0x73: {  	s11 =	rddreg [dreg:$0x13]  }
0x74: {  	[spmem:s2] =	stream.indirect.scatter.add.f32 [tilespmem:s5], [sflag:$0x1], $0x1, s7, s10, $0xb8;
	[tilespmem:$0x14A0] =	vst v63  }
0x75: {  	s5 =	rddreg [dreg:$0x16]  }
0x76: {  	s7 =	rddreg [dreg:$0x15]  }
0x77: {  	[spmem:s2] =	stream.indirect.scatter.add.f32 [tilespmem:s6], [sflag:$0x1], $0x1, s11, s10, $0xb8;
	[tilespmem:$0x14A0] =	vst v63  }
0x78: {  	s6 =	rddreg [dreg:$0x18]  }
0x79: {  	s11 =	rddreg [dreg:$0x17]  }
0x7a: {  	[spmem:s2] =	stream.indirect.scatter.add.f32 [tilespmem:s5], [sflag:$0x1], $0x1, s7, s10, $0xb8;
	[tilespmem:$0x14A0] =	vst v63  }
0x7b: {  	s5 =	rddreg [dreg:$0x1a]  }
0x7c: {  	s7 =	rddreg [dreg:$0x19]  }
0x7d: {  	[spmem:s2] =	stream.indirect.scatter.add.f32 [tilespmem:s6], [sflag:$0x1], $0x1, s11, s10, $0xb8;
	[tilespmem:$0x14A0] =	vst v63  }
0x7e: {  	s6 =	rddreg [dreg:$0x1c]  }
0x7f: {  	s11 =	rddreg [dreg:$0x1b]  }
0x80: {  	[spmem:s2] =	stream.indirect.scatter.add.f32 [tilespmem:s5], [sflag:$0x1], $0x1, s7, s10, $0xb8;
	[tilespmem:$0x14A0] =	vst v63  }
0x81: {  	s5 =	rddreg [dreg:$0x1e]  }
0x82: {  	[spmem:s2] =	stream.indirect.scatter.add.f32 [tilespmem:s6], [sflag:$0x1], $0x1, s11, s10, $0xb8;
	[tilespmem:$0x14A0] =	vst v63  }
0x83: {  	s7 =	rddreg [dreg:$0x1d]  }
0x84: {  	[spmem:s2] =	stream.indirect.scatter.add.f32 [tilespmem:s5], [sflag:$0x1], $0x1, s7, s10, $0xb8;
	[tilespmem:$0x14A0] =	vst v63  }
0x85: {  	s11 =	rddreg [dreg:$0x1f]  }
0x86: {  	[spmem:s2] =	stream.indirect.scatter.add.f32 [tilespmem:s12], [sflag:$0x1], $0x1, s11, s10, $0xb8;
	[tilespmem:$0x14A0] =	vst v63  }
0x87: {  	_ = 	snop  }
0x88: {  	[spmem:s2] =	stream.indirect.scatter.add.f32 [tilespmem:s14], [sflag:$0x1], $0x1, s13, s10, $0xb8;
	[tilespmem:$0x14A0] =	vst v63  }
0x89: {  	_ = 	snop  }
0x8a: {  	[spmem:s2] =	stream.indirect.scatter.add.f32 [tilespmem:s16], [sflag:$0x1], $0x1, s15, s10, $0xb8;
	[tilespmem:$0x14A0] =	vst v63  }
0x8b: {  	_ = 	snop  }
0x8c: {  	[spmem:s2] =	stream.indirect.scatter.add.f32 [tilespmem:s18], [sflag:$0x1], $0x1, s17, s10, $0xb8;
	[tilespmem:$0x14A0] =	vst v63  }
0x8d: {  	_ = 	snop  }
0x8e: {  	[spmem:s2] =	stream.indirect.scatter.add.f32 [tilespmem:s20], [sflag:$0x1], $0x1, s19, s10, $0xb8;
	[tilespmem:$0x14A0] =	vst v63  }
0x8f: {  	s20 =	simm.s32 $0xDC0  }
0x90: {  	[spmem:s2] =	stream.indirect.scatter.add.f32 [tilespmem:s20], [sflag:$0x1], $0x1, s21, s10, $0xb8;
	[tilespmem:$0x14A0] =	vst v63  }
0x91: {  	_ = 	snop  }
0x92: {  	[spmem:s2] =	stream.indirect.scatter.add.f32 [tilespmem:s23], [sflag:$0x1], $0x1, s22, s10, $0xb8;
	[tilespmem:$0x14A0] =	vst v63  }
0x93: {  	_ = 	snop  }
0x94: {  	[spmem:s2] =	stream.indirect.scatter.add.f32 [tilespmem:s25], [sflag:$0x1], $0x1, s24, s10, $0xb8;
	[tilespmem:$0x14A0] =	vst v63  }
0x95: {  	_ = 	snop  }
0x96: {  	[spmem:s2] =	stream.indirect.scatter.add.f32 [tilespmem:s28], [sflag:$0x1], $0x1, s26, s10, $0xb8;
	[tilespmem:$0x14A0] =	vst v63  }
0x97: {  	_ = 	snop  }
0x98: {  	[spmem:s2] =	stream.indirect.scatter.add.f32 [tilespmem:s30], [sflag:$0x1], $0x1, s29, s10, $0xb8;
	[tilespmem:$0x14A0] =	vst v63  }
0x99: {  	_ = 	snop  }
0x9a: {  	[spmem:s2] =	stream.indirect.scatter.add.f32 [tilespmem:s1], [sflag:$0x1], $0x1, s31, s10, $0xb8;
	[tilespmem:$0x14A0] =	vst v63  }
0x9b: {  	_ =	swait.ge [sflag:s0], $0x50  }
0x9c: {  	[sflag:s0] =	ssyncset.done $0x0  }
0x9d: {  	[sflag:s0] =	ssyncadd.s32 $0xFFFFFFB0  }
0x9e: {  	_ =	swait.ge [sflag:s0], $0x50  }
0x9f: {  	[sflag:s0] =	ssyncset.done $0x0  }
0xa0: {  	[sflag:s0] =	ssyncadd.s32 $0xFFFFFFB0  }
0xa1: {  	_ =	swait.ge [sflag:s0], $0x50  }
0xa2: {  	[sflag:s0] =	ssyncset.done $0x0  }
0xa3: {  	[sflag:s0] =	ssyncadd.s32 $0xFFFFFFB0  }
0xa4: {  	_ =	swait.ge [sflag:s0], $0x50  }
0xa5: {  	[sflag:s0] =	ssyncset.done $0x0  }
0xa6: {  	[sflag:s0] =	ssyncadd.s32 $0xFFFFFFB0  }
0xa7: {  	_ =	swait.ge [sflag:s0], $0x50  }
0xa8: {  	[sflag:s0] =	ssyncset.done $0x0  }
0xa9: {  	[sflag:s0] =	ssyncadd.s32 $0xFFFFFFB0  }
0xaa: {  	_ =	swait.ge [sflag:s0], $0x50  }
0xab: {  	[sflag:s0] =	ssyncset.done $0x0  }
0xac: {  	[sflag:s0] =	ssyncadd.s32 $0xFFFFFFB0  }
0xad: {  	_ =	swait.ge [sflag:s0], $0x50  }
0xae: {  	[sflag:s0] =	ssyncset.done $0x0  }
0xaf: {  	[sflag:s0] =	ssyncadd.s32 $0xFFFFFFB0  }
0xb0: {  	_ =	swait.ge [sflag:s0], $0x50  }
0xb1: {  	[sflag:s0] =	ssyncset.done $0x0  }
0xb2: {  	[sflag:s0] =	ssyncadd.s32 $0xFFFFFFB0  }
0xb3: {  	_ =	swait.ge [sflag:s0], $0x50  }
0xb4: {  	[sflag:s0] =	ssyncset.done $0x0  }
0xb5: {  	[sflag:s0] =	ssyncadd.s32 $0xFFFFFFB0  }
0xb6: {  	_ =	swait.ge [sflag:s0], $0x50  }
0xb7: {  	[sflag:s0] =	ssyncset.done $0x0  }
0xb8: {  	[sflag:s0] =	ssyncadd.s32 $0xFFFFFFB0  }
0xb9: {  	_ =	swait.ge [sflag:s0], $0x50  }
0xba: {  	[sflag:s0] =	ssyncset.done $0x0  }
0xbb: {  	[sflag:s0] =	ssyncadd.s32 $0xFFFFFFB0  }
0xbc: {  	_ =	swait.ge [sflag:s0], $0x50  }
0xbd: {  	[sflag:s0] =	ssyncset.done $0x0  }
0xbe: {  	[sflag:s0] =	ssyncadd.s32 $0xFFFFFFB0  }
0xbf: {  	_ =	swait.ge [sflag:s0], $0x50  }
0xc0: {  	[sflag:s0] =	ssyncset.done $0x0  }
0xc1: {  	[sflag:s0] =	ssyncadd.s32 $0xFFFFFFB0  }
0xc2: {  	_ =	swait.ge [sflag:s0], $0x50  }
0xc3: {  	[sflag:s0] =	ssyncset.done $0x0  }
0xc4: {  	[sflag:s0] =	ssyncadd.s32 $0xFFFFFFB0  }
0xc5: {  	_ =	swait.ge [sflag:s0], $0x50  }
0xc6: {  	[sflag:s0] =	ssyncset.done $0x0  }
0xc7: {  	[sflag:s0] =	ssyncadd.s32 $0xFFFFFFB0  }
0xc8: {  	_ =	swait.ge [sflag:s0], $0x50  }
0xc9: {  	[sflag:s0] =	ssyncset.done $0x0  }
0xca: {  	[sflag:s0] =	ssyncadd.s32 $0xFFFFFFB0  }
0xcb: {  	_ =	swait.ge [sflag:s0], $0x50  }
0xcc: {  	[sflag:s0] =	ssyncset.done $0x0  }
0xcd: {  	[sflag:s0] =	ssyncadd.s32 $0xFFFFFFB0  }
0xce: {  	_ =	swait.ge [sflag:s0], $0x50  }
0xcf: {  	[sflag:s0] =	ssyncset.done $0x0  }
0xd0: {  	[sflag:s0] =	ssyncadd.s32 $0xFFFFFFB0  }
0xd1: {  	_ =	swait.ge [sflag:s0], $0x50  }
0xd2: {  	[sflag:s0] =	ssyncset.done $0x0  }
0xd3: {  	[sflag:s0] =	ssyncadd.s32 $0xFFFFFFB0  }
0xd4: {  	_ =	swait.ge [sflag:s0], $0x50  }
0xd5: {  	[sflag:s0] =	ssyncset.done $0x0  }
0xd6: {  	[sflag:s0] =	ssyncadd.s32 $0xFFFFFFB0  }
0xd7: {  	_ =	swait.ge [sflag:s0], $0x50  }
0xd8: {  	s5 =	simm.s32 $0xFA;
	[sflag:s0] =	ssyncset.done $0x0  }
.LBB2_2:
0xd9: {  	[sflag:s0] =	ssyncadd.s32 $0xFFFFFFB0  }
0xda: {  	_ =	swait.ge [sflag:s0], $0x50  }
0xdb: {  	[sflag:s0] =	ssyncset.done $0x0  }
0xdc: {  	[sflag:s0] =	ssyncadd.s32 $0xFFFFFFB0  }
0xdd: {  	_ =	swait.ge [sflag:s0], $0x50  }
0xde: {  	[sflag:s0] =	ssyncset.done $0x0  }
0xdf: {  	[sflag:s0] =	ssyncadd.s32 $0xFFFFFFB0  }
0xe0: {  	_ =	swait.ge [sflag:s0], $0x50  }
0xe1: {  	[sflag:s0] =	ssyncset.done $0x0  }
0xe2: {  	[sflag:s0] =	ssyncadd.s32 $0xFFFFFFB0  }
0xe3: {  	_ =	swait.ge [sflag:s0], $0x50  }
0xe4: {  	s4 =	smov.u32 s5;
	s6 =	rddreg [dreg:$0x4];
	[sflag:s0] =	ssyncset.done $0x0  }
0xe5: {  	[sflag:s0] =	ssyncadd.s32 $0xFFFFFFB0;
	s6 =	sadd.s32 s4, s6  }
0xe6: {  	[tilespmem:s3], [sflag:$0x2] =	stream.linear.gather [hbm4b:s6+s3], $0x7D0, $0x38;
	[tilespmem:$0x14A0] =	vst v63  }
0xe7: {  	_ =	swait.ge [sflag:s8], $0x7D0  }
0xe8: {  	s7 =	rddreg [dreg:$0x5];
	[sflag:s8] =	ssyncset.done $0x0  }
0xe9: {  	[sflag:s8] =	ssyncadd.s32 $0xFFFFF830;
	s4 =	sadd.s32 s4, s7  }
0xea: {  	[tilespmem:s9], [sflag:$0x2] =	stream.linear.gather [hbm4b:s4+s3], $0x7D0, $0x38;
	[tilespmem:$0x14A0] =	vst v63  }
0xeb: {  	_ =	swait.ge [sflag:s8], $0x7D0  }
0xec: {  	s6 =	rddreg [dreg:$0x1e]  }
0xed: {  	s4 =	rddreg [dreg:$0x1c]  }
0xee: {  	s7 =	rddreg [dreg:$0x1a]  }
0xef: {  	s11 =	rddreg [dreg:$0x18]  }
0xf0: {  	s12 =	rddreg [dreg:$0x16]  }
0xf1: {  	s13 =	rddreg [dreg:$0x14]  }
0xf2: {  	s14 =	rddreg [dreg:$0x12]  }
0xf3: {  	s15 =	rddreg [dreg:$0x10]  }
0xf4: {  	s16 =	rddreg [dreg:$0xe]  }
0xf5: {  	s17 =	rddreg [dreg:$0xc]  }
0xf6: {  	s18 =	rddreg [dreg:$0x7];
	[sflag:s8] =	ssyncset.done $0x0  }
0xf7: {  	s19 =	rddreg [dreg:$0x6];
	[sflag:s8] =	ssyncadd.s32 $0xFFFFF830  }
0xf8: {  	[spmem:s2] =	stream.indirect.scatter.add.f32 [tilespmem:s9], [sflag:$0x1], $0x1, s3, s10, $0xb8;
	[tilespmem:$0x14A0] =	vst v63  }
0xf9: {  	s20 =	rddreg [dreg:$0x8]  }
0xfa: {  	[spmem:s2] =	stream.indirect.scatter.add.f32 [tilespmem:s19], [sflag:$0x1], $0x1, s10, s10, $0xb8;
	[tilespmem:$0x14A0] =	vst v63  }
0xfb: {  	s21 =	rddreg [dreg:$0xa]  }
0xfc: {  	[spmem:s2] =	stream.indirect.scatter.add.f32 [tilespmem:s20], [sflag:$0x1], $0x1, s18, s10, $0xb8;
	[tilespmem:$0x14A0] =	vst v63  }
0xfd: {  	s19 =	rddreg [dreg:$0x9]  }
0xfe: {  	[spmem:s2] =	stream.indirect.scatter.add.f32 [tilespmem:s21], [sflag:$0x1], $0x1, s19, s10, $0xb8;
	[tilespmem:$0x14A0] =	vst v63  }
0xff: {  	s18 =	rddreg [dreg:$0xb]  }
0x100: {  	[spmem:s2] =	stream.indirect.scatter.add.f32 [tilespmem:s17], [sflag:$0x1], $0x1, s18, s10, $0xb8;
	[tilespmem:$0x14A0] =	vst v63  }
0x101: {  	s19 =	rddreg [dreg:$0xd]  }
0x102: {  	[spmem:s2] =	stream.indirect.scatter.add.f32 [tilespmem:s16], [sflag:$0x1], $0x1, s19, s10, $0xb8;
	[tilespmem:$0x14A0] =	vst v63  }
0x103: {  	s17 =	rddreg [dreg:$0xf]  }
0x104: {  	[spmem:s2] =	stream.indirect.scatter.add.f32 [tilespmem:s15], [sflag:$0x1], $0x1, s17, s10, $0xb8;
	[tilespmem:$0x14A0] =	vst v63  }
0x105: {  	s16 =	rddreg [dreg:$0x11]  }
0x106: {  	[spmem:s2] =	stream.indirect.scatter.add.f32 [tilespmem:s14], [sflag:$0x1], $0x1, s16, s10, $0xb8;
	[tilespmem:$0x14A0] =	vst v63  }
0x107: {  	s15 =	rddreg [dreg:$0x13]  }
0x108: {  	[spmem:s2] =	stream.indirect.scatter.add.f32 [tilespmem:s13], [sflag:$0x1], $0x1, s15, s10, $0xb8;
	[tilespmem:$0x14A0] =	vst v63  }
0x109: {  	s14 =	rddreg [dreg:$0x15]  }
0x10a: {  	[spmem:s2] =	stream.indirect.scatter.add.f32 [tilespmem:s12], [sflag:$0x1], $0x1, s14, s10, $0xb8;
	[tilespmem:$0x14A0] =	vst v63  }
0x10b: {  	s13 =	rddreg [dreg:$0x17]  }
0x10c: {  	[spmem:s2] =	stream.indirect.scatter.add.f32 [tilespmem:s11], [sflag:$0x1], $0x1, s13, s10, $0xb8;
	[tilespmem:$0x14A0] =	vst v63  }
0x10d: {  	s12 =	rddreg [dreg:$0x19]  }
0x10e: {  	[spmem:s2] =	stream.indirect.scatter.add.f32 [tilespmem:s7], [sflag:$0x1], $0x1, s12, s10, $0xb8;
	[tilespmem:$0x14A0] =	vst v63  }
0x10f: {  	s11 =	rddreg [dreg:$0x1b]  }
0x110: {  	[spmem:s2] =	stream.indirect.scatter.add.f32 [tilespmem:s4], [sflag:$0x1], $0x1, s11, s10, $0xb8;
	[tilespmem:$0x14A0] =	vst v63  }
0x111: {  	s7 =	rddreg [dreg:$0x1d]  }
0x112: {  	[spmem:s2] =	stream.indirect.scatter.add.f32 [tilespmem:s6], [sflag:$0x1], $0x1, s7, s10, $0xb8;
	[tilespmem:$0x14A0] =	vst v63  }
0x113: {  	s12 =	simm.s32 $0xC30;
	s4 =	rddreg [dreg:$0x1f]  }
0x114: {  	[spmem:s2] =	stream.indirect.scatter.add.f32 [tilespmem:s12], [sflag:$0x1], $0x1, s4, s10, $0xb8;
	[tilespmem:$0x14A0] =	vst v63  }
0x115: {  	s14 =	simm.s32 $0xC80;
	s13 =	simm.s32 $0x4B0  }
0x116: {  	[spmem:s2] =	stream.indirect.scatter.add.f32 [tilespmem:s14], [sflag:$0x1], $0x1, s13, s10, $0xb8;
	[tilespmem:$0x14A0] =	vst v63  }
0x117: {  	s16 =	simm.s32 $0xCD0;
	s15 =	simm.s32 $0x500  }
0x118: {  	[spmem:s2] =	stream.indirect.scatter.add.f32 [tilespmem:s16], [sflag:$0x1], $0x1, s15, s10, $0xb8;
	[tilespmem:$0x14A0] =	vst v63  }
0x119: {  	s18 =	simm.s32 $0xD20;
	s17 =	simm.s32 $0x550  }
0x11a: {  	[spmem:s2] =	stream.indirect.scatter.add.f32 [tilespmem:s18], [sflag:$0x1], $0x1, s17, s10, $0xb8;
	[tilespmem:$0x14A0] =	vst v63  }
0x11b: {  	s20 =	simm.s32 $0xD70;
	s19 =	simm.s32 $0x5A0  }
0x11c: {  	[spmem:s2] =	stream.indirect.scatter.add.f32 [tilespmem:s20], [sflag:$0x1], $0x1, s19, s10, $0xb8;
	[tilespmem:$0x14A0] =	vst v63  }
0x11d: {  	s21 =	simm.s32 $0x5F0;
	s11 =	simm.s32 $0xDC0  }
0x11e: {  	[spmem:s2] =	stream.indirect.scatter.add.f32 [tilespmem:s11], [sflag:$0x1], $0x1, s21, s10, $0xb8;
	[tilespmem:$0x14A0] =	vst v63  }
0x11f: {  	_ = 	snop  }
0x120: {  	[spmem:s2] =	stream.indirect.scatter.add.f32 [tilespmem:s23], [sflag:$0x1], $0x1, s22, s10, $0xb8;
	[tilespmem:$0x14A0] =	vst v63  }
0x121: {  	_ = 	snop  }
0x122: {  	[spmem:s2] =	stream.indirect.scatter.add.f32 [tilespmem:s25], [sflag:$0x1], $0x1, s24, s10, $0xb8;
	[tilespmem:$0x14A0] =	vst v63  }
0x123: {  	_ = 	snop  }
0x124: {  	[spmem:s2] =	stream.indirect.scatter.add.f32 [tilespmem:s28], [sflag:$0x1], $0x1, s26, s10, $0xb8;
	[tilespmem:$0x14A0] =	vst v63  }
0x125: {  	_ = 	snop  }
0x126: {  	[spmem:s2] =	stream.indirect.scatter.add.f32 [tilespmem:s30], [sflag:$0x1], $0x1, s29, s10, $0xb8;
	[tilespmem:$0x14A0] =	vst v63  }
0x127: {  	_ = 	snop  }
0x128: {  	[spmem:s2] =	stream.indirect.scatter.add.f32 [tilespmem:s1], [sflag:$0x1], $0x1, s31, s10, $0xb8;
	[tilespmem:$0x14A0] =	vst v63  }
0x129: {  	_ =	swait.ge [sflag:s0], $0x50  }
0x12a: {  	[sflag:s0] =	ssyncset.done $0x0  }
0x12b: {  	[sflag:s0] =	ssyncadd.s32 $0xFFFFFFB0  }
0x12c: {  	_ =	swait.ge [sflag:s0], $0x50  }
0x12d: {  	[sflag:s0] =	ssyncset.done $0x0  }
0x12e: {  	[sflag:s0] =	ssyncadd.s32 $0xFFFFFFB0  }
0x12f: {  	_ =	swait.ge [sflag:s0], $0x50  }
0x130: {  	[sflag:s0] =	ssyncset.done $0x0  }
0x131: {  	[sflag:s0] =	ssyncadd.s32 $0xFFFFFFB0  }
0x132: {  	_ =	swait.ge [sflag:s0], $0x50  }
0x133: {  	[sflag:s0] =	ssyncset.done $0x0  }
0x134: {  	[sflag:s0] =	ssyncadd.s32 $0xFFFFFFB0  }
0x135: {  	_ =	swait.ge [sflag:s0], $0x50  }
0x136: {  	[sflag:s0] =	ssyncset.done $0x0  }
0x137: {  	[sflag:s0] =	ssyncadd.s32 $0xFFFFFFB0  }
0x138: {  	_ =	swait.ge [sflag:s0], $0x50  }
0x139: {  	[sflag:s0] =	ssyncset.done $0x0  }
0x13a: {  	[sflag:s0] =	ssyncadd.s32 $0xFFFFFFB0  }
0x13b: {  	_ =	swait.ge [sflag:s0], $0x50  }
0x13c: {  	[sflag:s0] =	ssyncset.done $0x0  }
0x13d: {  	[sflag:s0] =	ssyncadd.s32 $0xFFFFFFB0  }
0x13e: {  	_ =	swait.ge [sflag:s0], $0x50  }
0x13f: {  	[sflag:s0] =	ssyncset.done $0x0  }
0x140: {  	[sflag:s0] =	ssyncadd.s32 $0xFFFFFFB0  }
0x141: {  	_ =	swait.ge [sflag:s0], $0x50  }
0x142: {  	[sflag:s0] =	ssyncset.done $0x0  }
0x143: {  	[sflag:s0] =	ssyncadd.s32 $0xFFFFFFB0  }
0x144: {  	_ =	swait.ge [sflag:s0], $0x50  }
0x145: {  	[sflag:s0] =	ssyncset.done $0x0  }
0x146: {  	[sflag:s0] =	ssyncadd.s32 $0xFFFFFFB0  }
0x147: {  	_ =	swait.ge [sflag:s0], $0x50  }
0x148: {  	[sflag:s0] =	ssyncset.done $0x0  }
0x149: {  	[sflag:s0] =	ssyncadd.s32 $0xFFFFFFB0  }
0x14a: {  	_ =	swait.ge [sflag:s0], $0x50  }
0x14b: {  	[sflag:s0] =	ssyncset.done $0x0  }
0x14c: {  	[sflag:s0] =	ssyncadd.s32 $0xFFFFFFB0  }
0x14d: {  	_ =	swait.ge [sflag:s0], $0x50  }
0x14e: {  	[sflag:s0] =	ssyncset.done $0x0  }
0x14f: {  	[sflag:s0] =	ssyncadd.s32 $0xFFFFFFB0  }
0x150: {  	_ =	swait.ge [sflag:s0], $0x50  }
0x151: {  	[sflag:s0] =	ssyncset.done $0x0  }
0x152: {  	[sflag:s0] =	ssyncadd.s32 $0xFFFFFFB0  }
0x153: {  	_ =	swait.ge [sflag:s0], $0x50  }
0x154: {  	[sflag:s0] =	ssyncset.done $0x0  }
0x155: {  	[sflag:s0] =	ssyncadd.s32 $0xFFFFFFB0  }
0x156: {  	_ =	swait.ge [sflag:s0], $0x50  }
0x157: {  	[sflag:s0] =	ssyncset.done $0x0  }
0x158: {  	[sflag:s0] =	ssyncadd.s32 $0xFFFFFFB0  }
0x159: {  	_ =	swait.ge [sflag:s0], $0x50  }
0x15a: {  	[sflag:s0] =	ssyncset.done $0x0  }
0x15b: {  	[sflag:s0] =	ssyncadd.s32 $0xFFFFFFB0  }
0x15c: {  	_ =	swait.ge [sflag:s0], $0x50  }
0x15d: {  	[sflag:s0] =	ssyncset.done $0x0  }
0x15e: {  	[sflag:s0] =	ssyncadd.s32 $0xFFFFFFB0  }
0x15f: {  	_ =	swait.ge [sflag:s0], $0x50  }
0x160: {  	[sflag:s0] =	ssyncset.done $0x0  }
0x161: {  	p1 =	sne.s32 s5, $0x3E8;
	[sflag:s0] =	ssyncadd.s32 $0xFFFFFFB0  }
.Ltmp0:
0x162: {  	_ =	swait.ge [sflag:s0], $0x50;
	(pc) =	sbr.rel @p1 .LBB2_2-.Ltmp0, $4  }
0x163: {  	[sflag:s0] =	ssyncset.done $0x0  }
0x164: {  	[sflag:s0] =	ssyncadd.s32 $0xFFFFFFB0  }
0x165: {  	_ =	swait.ge [sflag:s0], $0x50  }
0x166: {  	s5 =	sadd.s32 $0xFA, s5;
	[sflag:s0] =	ssyncset.done $0x0  }
0x167: {  	[sflag:s0] =	ssyncadd.s32 $0xFFFFFFB0  }
0x168: {  	_ =	swait.ge [sflag:s0], $0x50  }
0x169: {  	[sflag:s0] =	ssyncset.done $0x0  }
0x16a: {  	[sflag:s0] =	ssyncadd.s32 $0xFFFFFFB0  }
0x16b: {  	_ =	swait.ge [sflag:s0], $0x50  }
0x16c: {  	[sflag:s0] =	ssyncset.done $0x0  }
0x16d: {  	[sflag:s0] =	ssyncadd.s32 $0xFFFFFFB0  }
0x16e: {  	_ =	swait.ge [sflag:s0], $0x50  }
0x16f: {  	[sflag:s0] =	ssyncset.done $0x0  }
0x170: {  	[sflag:s0] =	ssyncadd.s32 $0xFFFFFFB0  }
0x171: {  	_ =	swait.ge [sflag:s0], $0x50  }
0x172: {  	[sflag:s0] =	ssyncset.done $0x0  }
0x173: {  	[sflag:s0] =	ssyncadd.s32 $0xFFFFFFB0  }
0x174: {  	[bflag:$0x0] =	sbarrier.arrive $0xFFFF  }
0x175: {  	s7 =	sld [smem:$0x7FD];
	_ =	sdelay $0x1  }
0x176: {  	s11 =	simm.s32 $0xFA0  }
0x177: {  	[tilespmem:s11], [sflag:$0x2] =	stream.linear.gather [spmem:s7], $0x280, $0x38;
	[tilespmem:$0x14A0] =	vst v63  }
0x178: {  	_ =	swait.ge [sflag:s8], $0x280  }
0x179: {  	[sflag:s8] =	ssyncset.done $0x0  }
0x17a: {  	s5 =	simm.s32 $0x0;
	s4 =	simm.s32 $0x40;
	[sflag:s8] =	ssyncadd.s32 $0xFFFFFD80  }
.LBB2_4:
0x17b: {  	p1 =	sne.s32 s4, $0x9C0;
	v1 =	vld [tilespmem:s5+$0xFA0];
	_ =	sdelay $0x4  }
0x17c: {  	v2 =	vshrl.u32 v1, $0x1;
	v1 =	vmul.f32 $5.000000000e-01, v1  }
0x17d: {  	v2 =	vsub.s32 $0x5F3759DF, v2  }
0x17e: {  	v3 =	vmul.f32 v2, v1;
	_ =	sdelay $0x1  }
0x17f: {  	v3 =	vmul.f32 v2, v3;
	_ =	sdelay $0x1  }
0x180: {  	v3 =	vsub.f32 $1.500000000e+00, v3;
	_ =	sdelay $0x1  }
0x181: {  	v2 =	vmul.f32 v2, v3;
	_ =	sdelay $0x1  }
0x182: {  	v3 =	vmul.f32 v2, v1;
	_ =	sdelay $0x1  }
0x183: {  	v3 =	vmul.f32 v3, v2;
	_ =	sdelay $0x1  }
0x184: {  	v3 =	vsub.f32 $1.500000000e+00, v3;
	_ =	sdelay $0x1  }
0x185: {  	v2 =	vmul.f32 v3, v2;
	_ =	sdelay $0x1  }
0x186: {  	v3 =	vmul.f32 v2, v1;
	_ =	sdelay $0x1  }
0x187: {  	v3 =	vmul.f32 v3, v2;
	_ =	sdelay $0x1  }
0x188: {  	v3 =	vsub.f32 $1.500000000e+00, v3;
	_ =	sdelay $0x1  }
0x189: {  	v2 =	vmul.f32 v3, v2;
	_ =	sdelay $0x1  }
0x18a: {  	v1 =	vmul.f32 v2, v1;
	_ =	sdelay $0x1  }
0x18b: {  	v1 =	vmul.f32 v1, v2;
	_ =	sdelay $0x1  }
.Ltmp1:
0x18c: {  	v1 =	vsub.f32 $1.500000000e+00, v1;
	(pc) =	sbr.rel @p1 .LBB2_4-.Ltmp1, $3  }
0x18d: {  	_ = 	snop  }
0x18e: {  	v1 =	vmul.f32 v1, v2;
	_ =	sdelay $0x1  }
0x18f: {  	[tilespmem:s5+$0xFA0] =	vst v1;
	s5 =	sshra.s32 s4, $0x2;
	s4 =	sadd.s32 $0x40, s4  }
0x190: {  	v1 =	vld [tilespmem:s5+$0xFA0];
	_ =	sdelay $0x4  }
0x191: {  	v2 =	vshrl.u32 v1, $0x1;
	v1 =	vmul.f32 $5.000000000e-01, v1  }
0x192: {  	v2 =	vsub.s32 $0x5F3759DF, v2  }
0x193: {  	v3 =	vmul.f32 v2, v1;
	_ =	sdelay $0x1  }
0x194: {  	v3 =	vmul.f32 v2, v3;
	_ =	sdelay $0x1  }
0x195: {  	v3 =	vsub.f32 $1.500000000e+00, v3;
	_ =	sdelay $0x1  }
0x196: {  	v2 =	vmul.f32 v2, v3;
	_ =	sdelay $0x1  }
0x197: {  	v3 =	vmul.f32 v2, v1;
	_ =	sdelay $0x1  }
0x198: {  	v3 =	vmul.f32 v3, v2;
	_ =	sdelay $0x1  }
0x199: {  	v3 =	vsub.f32 $1.500000000e+00, v3;
	_ =	sdelay $0x1  }
0x19a: {  	v2 =	vmul.f32 v3, v2;
	_ =	sdelay $0x1  }
0x19b: {  	v3 =	vmul.f32 v2, v1;
	_ =	sdelay $0x1  }
0x19c: {  	v3 =	vmul.f32 v3, v2;
	_ =	sdelay $0x1  }
0x19d: {  	v3 =	vsub.f32 $1.500000000e+00, v3;
	_ =	sdelay $0x1  }
0x19e: {  	v2 =	vmul.f32 v3, v2;
	_ =	sdelay $0x1  }
0x19f: {  	v1 =	vmul.f32 v2, v1;
	_ =	sdelay $0x1  }
0x1a0: {  	v1 =	vmul.f32 v1, v2;
	_ =	sdelay $0x1  }
0x1a1: {  	v1 =	vsub.f32 $1.500000000e+00, v1;
	_ =	sdelay $0x1  }
0x1a2: {  	s6 =	sld [smem:$0x7FB];
	v1 =	vmul.f32 v1, v2;
	_ =	sdelay $0x1  }
0x1a3: {  	s4 =	simm.s32 @!p0 $0x0;
	[tilespmem:s5+$0xFA0] =	vst v1;
	s5 =	simm.s32 @!p0 $0xFA0  }
0x1a4: {  	[hbm4b:s6+s4] =	stream.linear.scatter @!p0 [tilespmem:s5], [sflag:$0x2], $0x280, $0x38;
	[tilespmem:$0x14A0] =	vst v63  }
0x1a5: {  	s4 =	simm.s32 @!p0 $0x2  }
0x1a6: {  	_ =	swait.ge @!p0 [sflag:s4], $0x280  }
0x1a7: {  	s5 =	sld [smem:$0x7FA];
	_ =	sdelay $0x2  }
0x1a8: {  	s6 =	sadd.s32 $0x1, s5;
	s5 =	sld [smem:$0x7FC];
	_ =	sdelay $0x2  }
0x1a9: {  	p1 =	sne.s32 s6, s5  }
.Ltmp2:
0x1aa: {  	_ = 	snop;
	(pc) =	sbr.rel @p1 .LBB2_1-.Ltmp2, $3  }
0x1ab: {  	_ =	sdelay $0x1  }
0x1ac: {  	[sflag:s4] =	ssyncset.done @!p0 $0x0  }
0x1ad: {  	[sflag:s4] =	ssyncadd.s32 @!p0 $0xFFFFFD80  }
0x1ae: {  	_ =	sfence.sel $0x180000  }
0x1af: {  	[bflag:$0x0] =	sbarrier.arrive $0xFFFF  }
0x1b0: {  	_ =	strace $0x90000047  }
0x1b1: {  	s0 =	stileid.u32;
	[bflag:$0x2] =	sbarrier.arrive $0xFFFF  }
0x1b2: {  	p0 =	sne.s32 s0, $0x0;
	s0 =	rddreg [dreg:$0x3]  }
0x1b3: {  	s0 =	sadd.s32 @!p0 $0x100000, s0  }
0x1b4: {  	[sflag:s0] =	ssyncadd.tile.s32 @!p0 $0x1;
	_ =	shalt  }
.Lfunc_end2:
_tile_overlayer_lowered:
.L_overlay_start_2:
0x1b5: {  	(tag) =	ssettag $0x2  }
0x1b6: {  	s0 =	rddreg [dreg:$0x0];
	s2 =	stileid.u32  }
0x1b7: {  	s1 =	rddreg [dreg:$0x1];
	p0 =	sne.s32 s2, $0x0  }
0x1b8: {  	s3 =	rddreg [dreg:$0x2];
	[bflag:$0x3] =	sbarrier.arrive $0xFFFF;
	s2 =	simm.s32 @!p0 $0x1C02  }
0x1b9: {  	[timem:s3], [sflag:s2] =	dma.local @!p0 [hbm:s0], s1  }
0x1ba: {  	s0 =	simm.s32 @!p0 $0x2  }
0x1bb: {  	_ =	swait.ge @!p0 [sflag:s0], s1  }
0x1bc: {  	s1 =	ssub.s32 @!p0 $0x0, s1;
	[sflag:s0] =	ssyncset.done @!p0 $0x0  }
0x1bd: {  	[sflag:s0] =	ssyncadd.s32 @!p0 s1  }
0x1be: {  	[bflag:$0x3] =	sbarrier.arrive $0xFFFF  }
0x1bf: {  	_ =	shalt  }

// kernel: kernel.9.cloned.1.call-start
scs
__scs_entry_jumppad:
0x0: {  	(pc) =	sbr.rel $0x88, $3  }
0x1: {  	(tag) =	ssettag $0x0;
	lr =	simm.s32 $0x1  }
0x2: {  	[smem:$0x3F9A] =	sst lr;
	_ =	strace $0xD0000000  }
0x3: {  	_ = 	snop  }
0x4: {  	_ = 	snop  }
0x5: {  	_ = 	snop  }
0x6: {  	_ = 	snop  }
0x7: {  	_ = 	snop  }
__scs_overlays_trampoline_lowered:
0x8: {  	[smem:$0x3FA9] =	sst s0  }
0x9: {  	[smem:$0x3FAA] =	sst s1  }
0xa: {  	[smem:$0x3FAB] =	sst s2  }
0xb: {  	[smem:$0x3FAC] =	sst s3  }
0xc: {  	[smem:$0x3FAD] =	sst s4  }
0xd: {  	[smem:$0x3FAE] =	sst s5  }
0xe: {  	[smem:$0x3FAF] =	sst s6  }
0xf: {  	[smem:$0x3FB0] =	sst s7  }
0x10: {  	[smem:$0x3FB1] =	sst s8  }
0x11: {  	[smem:$0x3FB2] =	sst s9;
	s0 =	simm.s32 @!p0 $0x0  }
0x12: {  	s1 =	sld [smem:$0x3F98];
	s0 =	simm.s32 @p0 $0x1  }
0x13: {  	[smem:$0x3FB3] =	sst s0;
	s0 =	simm.s32 @!p1 $0x0  }
0x14: {  	s2 =	sld [smem:$0x3F97];
	s0 =	simm.s32 @p1 $0x1  }
0x15: {  	[smem:$0x3FB4] =	sst s0;
	s0 =	simm.s32 @!p2 $0x0  }
0x16: {  	s3 =	sld [smem:$0x3FDB];
	s0 =	simm.s32 @p2 $0x1  }
0x17: {  	s4 =	simm.s32 $0x1BF5;
	[smem:$0x3FB6] =	sst s0  }
0x18: {  	s0 =	sld [smem:$0x3F99];
	_ =	swait.ge [sflag:s4], $0x0  }
0x19: {  	s7 =	sld [smem:$0x3F9A]  }
0x1a: {  	s8 =	sadd.s32 $0xFFFFE003, lr  }
0x1b: {  	s9 =	sadd.s32 $0xFFFFFEF7, lr;
	s5 =	simm.s32 $0xFFFFFFFF;
	p2 =	slt.u32 s8, $0xFFFFF086  }
0x1c: {  	p1 =	slt.u32 s9, $0xF7A;
	s5 =	simm.s32 @!p2 $0x0  }
0x1d: {  	s5 =	simm.s32 @p1 $0x1;
	p0 =	seq.s32 s7, s2  }
0x1e: {  	s7 =	smul.u32 @!p0 $0xF7A, s2;
	p2 =	seq.s32 @!p0 s5, $0x0  }
0x1f: {  	s9 =	smul.u32 $0xF7A, s1;
	s8 =	simm.s32 @!p0 $0x1BF5;
	p2 =	por !p2, p0  }
0x20: {  	[sflag:s8] =	ssyncset.s32 @!p0 $0xFFFFF086;
	s6 =	sadd.s32 @!p0 s3, s7;
	s7 =	simm.s32 @!p0 $0x108  }
0x21: {  	s3 =	sadd.s32 s3, s9;
	s6 =	sadd.s32 @!p0 $0x88, s6;
	s7 =	simm.s32 @p2 $0x1082  }
0x22: {  	[simem:s7], [sflag:s8] =	dma.local @!p0 [hbm:s6], $0xF7A  }
0x23: {  	s9 =	sor.u32 $0xD0000000, s2;
	s6 =	simm.s32 $0x108;
	_ =	swait.ge @!p0 [sflag:s8], $0x0  }
0x24: {  	s3 =	sadd.s32 $0x88, s3;
	s6 =	simm.s32 @!p1 $0x1082;
	[sflag:s4] =	ssyncset.s32 $0xFFFFF086  }
0x25: {  	[simem:s6], [sflag:s4] =	dma.local [hbm:s3], $0xF7A  }
0x26: {  	[smem:$0x3F9A] =	sst s1;
	(tag) =	ssettag s2;
	_ =	strace s9  }
0x27: {  	s1 =	sld [smem:$0x3FAA]  }
0x28: {  	s2 =	sld [smem:$0x3FAB]  }
0x29: {  	s4 =	sld [smem:$0x3FAD]  }
0x2a: {  	p0 =	seq.s32 s5, $0x0;
	s5 =	sld [smem:$0x3FAE]  }
0x2b: {  	s6 =	sld [smem:$0x3FAF]  }
0x2c: {  	s7 =	sld [smem:$0x3FB0]  }
0x2d: {  	s3 =	simm.s32 $0x108;
	s8 =	sld [smem:$0x3FB1]  }
0x2e: {  	s3 =	simm.s32 @!p0 $0x1082;
	s9 =	sld [smem:$0x3FB2]  }
0x2f: {  	lr =	sadd.s32 s0, s3;
	s0 =	sld [smem:$0x3FA9]  }
0x30: {  	s3 =	sld [smem:$0x3FAC]  }
0x31: {  	[smem:$0x3FB5] =	sst s10  }
0x32: {  	s10 =	sld [smem:$0x3FB3];
	_ =	sdelay $0x3  }
0x33: {  	p0 =	seq.s32 s10, $0x1;
	s10 =	sld [smem:$0x3FB5];
	_ =	sdelay $0x3  }
0x34: {  	[smem:$0x3FB5] =	sst s10  }
0x35: {  	s10 =	sld [smem:$0x3FB4];
	_ =	sdelay $0x3  }
0x36: {  	p1 =	seq.s32 s10, $0x1;
	s10 =	sld [smem:$0x3FB5];
	_ =	sdelay $0x3  }
0x37: {  	[smem:$0x3FB5] =	sst s10  }
0x38: {  	s10 =	sld [smem:$0x3FB6]  }
0x39: {  	_ = 	snop;
	(pc) =	sbr.ind lr, $3  }
0x3a: {  	_ = 	snop  }
0x3b: {  	_ = 	snop  }
0x3c: {  	p2 =	seq.s32 s10, $0x1;
	s10 =	sld [smem:$0x3FB5]  }
0x3d: {  	_ =	shalt  }
0x3e: {  	_ =	shalt  }
0x3f: {  	_ =	shalt  }
0x40: {  	_ =	shalt  }
0x41: {  	_ =	shalt  }
0x42: {  	_ =	shalt  }
0x43: {  	_ =	shalt  }
0x44: {  	_ =	shalt  }
0x45: {  	_ =	shalt  }
0x46: {  	_ =	shalt  }
0x47: {  	_ =	shalt  }
0x48: {  	_ =	shalt  }
0x49: {  	_ =	shalt  }
0x4a: {  	_ =	shalt  }
0x4b: {  	_ =	shalt  }
0x4c: {  	_ =	shalt  }
0x4d: {  	_ =	shalt  }
0x4e: {  	_ =	shalt  }
0x4f: {  	_ =	shalt  }
0x50: {  	_ =	shalt  }
0x51: {  	_ =	shalt  }
0x52: {  	_ =	shalt  }
0x53: {  	_ =	shalt  }
0x54: {  	_ =	shalt  }
0x55: {  	_ =	shalt  }
0x56: {  	_ =	shalt  }
0x57: {  	_ =	shalt  }
0x58: {  	_ =	shalt  }
0x59: {  	_ =	shalt  }
0x5a: {  	_ =	shalt  }
0x5b: {  	_ =	shalt  }
0x5c: {  	_ =	shalt  }
0x5d: {  	_ =	shalt  }
0x5e: {  	_ =	shalt  }
0x5f: {  	_ =	shalt  }
0x60: {  	_ =	shalt  }
0x61: {  	_ =	shalt  }
0x62: {  	_ =	shalt  }
0x63: {  	_ =	shalt  }
0x64: {  	_ =	shalt  }
0x65: {  	_ =	shalt  }
0x66: {  	_ =	shalt  }
0x67: {  	_ =	shalt  }
0x68: {  	_ =	shalt  }
0x69: {  	_ =	shalt  }
0x6a: {  	_ =	shalt  }
0x6b: {  	_ =	shalt  }
0x6c: {  	_ =	shalt  }
0x6d: {  	_ =	shalt  }
0x6e: {  	_ =	shalt  }
0x6f: {  	_ =	shalt  }
0x70: {  	_ =	shalt  }
0x71: {  	_ =	shalt  }
0x72: {  	_ =	shalt  }
0x73: {  	_ =	shalt  }
0x74: {  	_ =	shalt  }
0x75: {  	_ =	shalt  }
0x76: {  	_ =	shalt  }
0x77: {  	_ =	shalt  }
0x78: {  	_ =	shalt  }
0x79: {  	_ =	shalt  }
0x7a: {  	_ =	shalt  }
0x7b: {  	_ =	shalt  }
0x7c: {  	_ =	shalt  }
0x7d: {  	_ =	shalt  }
0x7e: {  	_ =	shalt  }
0x7f: {  	_ =	shalt  }
0x80: {  	_ =	shalt  }
0x81: {  	_ =	shalt  }
0x82: {  	_ =	shalt  }
0x83: {  	_ =	shalt  }
0x84: {  	_ =	shalt  }
0x85: {  	_ =	shalt  }
0x86: {  	_ =	shalt  }
0x87: {  	_ =	shalt  }
.Lfunc_end0:
.L_simem_size_0:
called_computation.1_lowered:
.L_overlay_start_0:
0x88: {  	s2 =	sld [smem:$0x3FD9]  }
0x89: {  	s3 =	sld [smem:$0x3FFE];
	_ =	sdelay $0x1  }
0x8a: {  	s1 =	srdreg.scid  }
0x8b: {  	s0 =	sand.u32 $0x1, s1  }
0x8c: {  	s17 =	sshll.u32 s0, $0xA;
	s2 =	sadd.s32 s3, s2  }
0x8d: {  	s2 =	sadd.s32 s2, s17  }
0x8e: {  	[smem:$0x3FC1] =	sst s2  }
0x8f: {  	_ = 	snop  }
0x90: {  	s2 =	sld [smem:$0x3FC7]  }
0x91: {  	s18 =	sld [smem:$0x3FC5]  }
0x92: {  	s4 =	sld [smem:$0x3FC4];
	(tm) =	ssettm $0x1  }
0x93: {  	s5 =	sld [smem:$0x3FFB];
	_ =	sdelay $0x3  }
0x94: {  	_ =	strace s5  }
0x95: {  	s5 =	sld [smem:$0x3FFC];
	_ =	sdelay $0x3  }
0x96: {  	_ =	strace s5  }
0x97: {  	s5 =	sld [smem:$0x3FFD];
	_ =	sdelay $0x3  }
0x98: {  	_ =	strace s5  }
0x99: {  	_ =	strace $0x8FFFFFFF  }
0x9a: {  	s19 =	sld [smem:$0x3FDB];
	_ =	sdelay $0x1  }
0x9b: {  	s6 =	simm.s32 $_scs_section_size  }
0x9c: {  	s7 =	simm.s32 $_size__tile_overlayer_lowered;
	s8 =	simm.s32 $_tile_overlayer_lowered  }
0x9d: {  	s22 =	simm.s32 $0x1BFF;
	s21 =	sshll.u32 s8, $0x1;
	s5 =	sadd.s32 s6, s19  }
0x9e: {  	s9 =	simm.s32 $0x0;
	s20 =	sshll.u32 s7, $0x1;
	s7 =	sadd.s32 s21, s5  }
0x9f: {  	[timem:s9], [sflag:s22] =	dma.local [hbm:s7], s20  }
0xa0: {  	_ =	swait.ge [sflag:s22], s20  }
0xa1: {  	s6 =	ssub.s32 $0x0, s20;
	[sflag:s22] =	ssyncset.done $0x0  }
0xa2: {  	[sflag:s22] =	ssyncadd.s32 s6;
	_ =	sdelay $0x1  }
0xa3: {  	s23 =	simm.s32 $0x1B8B  }
0xa4: {  	_ =	swait.ge [sflag:s23], $0x1  }
0xa5: {  	[sflag:s23] =	ssyncset.done $0x0  }
0xa6: {  	s25 =	simm.s32 $0x1B8E;
	s24 =	sld [smem:$0x3FFE];
	[sflag:s23] =	ssyncadd.s32 $0xFFFFFFFF  }
0xa7: {  	s26 =	simm.s32 $execute0_lowered;
	[smem:$0x3FD2] =	sst s25  }
0xa8: {  	s7 =	sshll.u32 s26, $0x1;
	_ =	strace $0x80000049;
	[dreg:$0x1] =	wrdreg $0xFFFFFFFF  }
0xa9: {  	s28 =	simm.s32 $_size_execute0_lowered;
	s5 =	sadd.s32 s5, s7;
	[dreg:$0x0] =	wrdreg $0x0  }
0xaa: {  	s7 =	sshll.u32 s28, $0x1;
	[dreg:$0x2] =	wrdreg s5  }
0xab: {  	[dreg:$0x3] =	wrdreg s7  }
0xac: {  	[dreg:$0x4] =	wrdreg $0xC0  }
0xad: {  	_ =	task [dreg:s9], $0x5FFFF  }
0xae: {  	[dreg:$0x1] =	wrdreg $0xFFFFFFFF  }
0xaf: {  	[dreg:$0x0] =	wrdreg $0x60  }
0xb0: {  	[dreg:$0x2] =	wrdreg s24  }
0xb1: {  	[dreg:$0x3] =	wrdreg s2  }
0xb2: {  	[dreg:$0x4] =	wrdreg s18  }
0xb3: {  	[dreg:$0x5] =	wrdreg s4  }
0xb4: {  	[dreg:$0x6] =	wrdreg $0x84E00  }
0xb5: {  	[dreg:$0x7] =	wrdreg $0x9  }
0xb6: {  	_ =	task.clear_ibuf [dreg:s9], $0x8FFFF;
	_ =	strace $0x90000049  }
0xb7: {  	s29 =	simm.s32 $0x9;
	_ =	strace $0x8000004B  }
0xb8: {  	_ =	swait.ge [sflag:s29], $0x1  }
0xb9: {  	[sflag:s29] =	ssyncadd.s32 $0xFFFFFFFF  }
0xba: {  	_ =	strace $0x9000004B  }
0xbb: {  	_ =	sfence  }
0xbc: {  	s30 =	sld [smem:$0x0];
	_ =	sdelay $0x2  }
0xbd: {  	s31 =	sshll.u32 s1, $0xD;
	s1 =	sshrl.u32 s1, $0x2  }
0xbe: {  	s3 =	sand.u32 $0x4000, s31;
	s1 =	sadd.s32 s1, s30  }
0xbf: {  	s0 =	sor.u32 s3, s0;
	s1 =	sshll.u32 s1, $0x11  }
0xc0: {  	s0 =	sor.u32 s1, s0  }
0xc1: {  	s0 =	sadd.s32 $0x8F2B, s0  }
0xc2: {  	[sflag:s0] =	ssyncadd.remote.s32 $0x1  }
0xc3: {  	_ =	sfence.sel $0xFFFF  }
0xc4: {  	[dreg:$0x0] =	wrdreg $0xFFFFFFFF;
	(pc) =	sbr.abs _section_cstart, $3  }
0xc5: {  	[dreg:$0x1] =	wrdreg $0xFFFFFFFF  }
0xc6: {  	_ =	task.clear_ibuf [dreg:s9], $0x2FFFF;
	_ =	strace $0x9FFFFFFF  }
0xc7: {  	(tm) =	ssettm $0x7FFFFFFF  }
tec
execute0_lowered:
.L_overlay_start_1:
0x0: {  	(tag) =	ssettag $0x1  }
0x1: {  	s2 =	rddreg [dreg:$0x0]  }
0x2: {  	s1 =	rddreg [dreg:$0x1]  }
0x3: {  	s8 =	rddreg [dreg:$0x2]  }
0x4: {  	s9 =	rddreg [dreg:$0x3]  }
0x5: {  	s3 =	rddreg [dreg:$0x4]  }
0x6: {  	s17 =	stileid.u32;
	s0 =	srdreg.scid;
	s24 =	simm.s32 $0x0  }
0x7: {  	s10 =	smul.u32 $0x280, s17;
	s11 =	sand.u32 $0x1, s0;
	[smem:$0x7FF] =	sst s24  }
0x8: {  	s5 =	sadd.s32 $0xAE00, s2;
	s6 =	sadd.s32 $0x800, s2;
	s16 =	smul.u32 $0x50000, s17  }
0x9: {  	s7 =	sadd.s32 $0x5800, s2;
	s0 =	smul.u32 $0x2800, s11;
	_ =	strace $0x8000004A  }
0xa: {  	s19 =	ssub.s32 $0x2, s11;
	s11 =	sshll.u32 s11, $0x4;
	s13 =	sshrl.u32 s10, $0x3  }
0xb: {  	s15 =	sshrl.u32 s19, $0x1;
	s8 =	sadd.s32 s8, s11;
	s20 =	sadd.s32 s9, s11  }
0xc: {  	s22 =	sshrl.u32 s16, $0x2;
	s23 =	sor.u32 $0x50, s10;
	s18 =	sadd.s32 $0xF0, s10  }
0xd: {  	s12 =	sadd.s32 s10, s0;
	s13 =	sadd.s32 s13, s2;
	[dreg:$0x6] =	wrdreg s8  }
0xe: {  	[dreg:$0x7] =	wrdreg s20;
	s26 =	sadd.s32 s0, s23;
	s31 =	sshll.u32 s23, $0x7  }
0xf: {  	s20 =	sshll.u32 s18, $0x7;
	s14 =	sshrl.u32 s12, $0x3;
	s21 =	sadd.s32 $0xA800, s13  }
0x10: {  	s13 =	sadd.s32 s22, s3;
	s25 =	sshll.u32 s12, $0x4;
	s4 =	sshll.u32 s26, $0x4  }
0x11: {  	s12 =	sadd.s32 $0xA0, s10;
	s22 =	sadd.s32 $0x140, s10;
	s2 =	sadd.s32 s14, s2  }
0x12: {  	s14 =	ssub.s32 s19, s15;
	[dreg:$0x8] =	wrdreg s21;
	s8 =	sadd.s32 s5, s25  }
0x13: {  	s15 =	sadd.s32 s31, s3;
	s11 =	sadd.s32 s5, s4;
	s16 =	sshll.u32 s12, $0x7  }
0x14: {  	s19 =	sadd.s32 s0, s18;
	s18 =	sadd.s32 s20, s3;
	[dreg:$0x9] =	wrdreg s8  }
0x15: {  	s23 =	sshll.u32 s22, $0x7;
	s25 =	sadd.s32 $0x190, s10;
	[dreg:$0xa] =	wrdreg s11  }
0x16: {  	s8 =	sadd.s32 s0, s12;
	s16 =	sadd.s32 s16, s3;
	s2 =	sadd.s32 $0x5AE00, s2  }
0x17: {  	s9 =	sshll.u32 s19, $0x4;
	s26 =	sadd.s32 s23, s3;
	[dreg:$0x16] =	wrdreg s2  }
0x18: {  	s31 =	sadd.s32 s0, s25;
	s19 =	smul.u32 $0x4E2, s17;
	[dreg:$0xf] =	wrdreg s26  }
0x19: {  	s8 =	sshll.u32 s8, $0x4;
	s21 =	sadd.s32 s5, s9;
	[dreg:$0x11] =	wrdreg s16  }
0x1a: {  	s9 =	sshll.u32 s31, $0x4;
	s31 =	smax.u32 s14, $0x1;
	[dreg:$0xc] =	wrdreg s21  }
0x1b: {  	s2 =	smul.u32 $0x7D, s17;
	s8 =	sadd.s32 s5, s8;
	[dreg:$0x17] =	wrdreg s31  }
0x1c: {  	s17 =	simm.s32 $0x33E0;
	s23 =	sadd.s32 s7, s19;
	[dreg:$0xb] =	wrdreg s8  }
0x1d: {  	s8 =	sadd.s32 s0, s22;
	s22 =	sadd.s32 s6, s19;
	[dreg:$0x14] =	wrdreg s23  }
0x1e: {  	s8 =	sshll.u32 s8, $0x4;
	[dreg:$0x13] =	wrdreg s22;
	s22 =	simm.s32 $0x0  }
0x1f: {  	s4 =	sadd.s32 s5, s8;
	s8 =	sadd.s32 s5, s9;
	s9 =	sadd.s32 $0x1E0, s10  }
0x20: {  	s10 =	sadd.s32 $0x230, s10;
	[dreg:$0xd] =	wrdreg s4;
	s4 =	sshll.u32 s25, $0x7  }
0x21: {  	[dreg:$0xe] =	wrdreg s8;
	s11 =	sshll.u32 s9, $0x7;
	s8 =	sadd.s32 s0, s9  }
0x22: {  	s12 =	sadd.s32 s0, s10;
	s10 =	sshll.u32 s10, $0x7;
	s25 =	sadd.s32 s1, s19  }
0x23: {  	s28 =	sadd.s32 s4, s3;
	s29 =	sadd.s32 s11, s3;
	s8 =	sshll.u32 s8, $0x4  }
0x24: {  	s9 =	sshll.u32 s12, $0x4;
	s30 =	sadd.s32 s10, s3;
	[dreg:$0x15] =	wrdreg s25  }
0x25: {  	s10 =	simm.s32 $0x1F40;
	s12 =	simm.s32 $0x50;
	s20 =	sadd.s32 s5, s8  }
0x26: {  	s21 =	sadd.s32 s5, s9;
	s8 =	simm.s32 $0x5;
	[dreg:$0x10] =	wrdreg s20  }
0x27: {  	v0 =	vmov s0;
	s9 =	simm.s32 $0x2EE0;
	[dreg:$0x12] =	wrdreg s21;
	s20 =	simm.s32 $0x3160  }
.LBB2_1:
0x28: {  	s0 =	rddreg [dreg:$0x6];
	s4 =	simm.s32 $0x83E0  }
0x29: {  	[tilespmem:s4], [sflag:$0x5] =	stream.linear.gather [hbm4b:s0+s24], $0x80, $0x38;
	[tilespmem:$0x1C4E0] =	vst v63  }
0x2a: {  	_ =	swait.ge [sflag:s8], $0x80  }
0x2b: {  	[sflag:s8] =	ssyncset.done $0x0  }
0x2c: {  	s19 =	simm.s32 $0x8460;
	s14 =	rddreg [dreg:$0x7];
	[sflag:s8] =	ssyncadd.s32 $0xFFFFFF80  }
0x2d: {  	[tilespmem:s19], [sflag:$0x5] =	stream.linear.gather [hbm4b:s14+s24], $0x80, $0x38;
	[tilespmem:$0x1C4E0] =	vst v63  }
0x2e: {  	_ =	swait.ge [sflag:s8], $0x80  }
0x2f: {  	[sflag:s8] =	ssyncset.done $0x0  }
0x30: {  	s21 =	rddreg [dreg:$0x8];
	[sflag:s8] =	ssyncadd.s32 $0xFFFFFF80  }
0x31: {  	[tilespmem:s9], [sflag:$0x5] =	stream.linear.gather [hbm4b:s21+s24], $0x280, $0x38;
	[tilespmem:$0x1C4E0] =	vst v63  }
0x32: {  	s23 =	stileid.u32;
	_ =	swait.ge [sflag:s8], $0x280  }
0x33: {  	s11 =	sshrl.u32 s13, $0x3;
	s0 =	sshll.u32 s23, $0x6;
	[sflag:s8] =	ssyncset.done $0x0  }
0x34: {  	s0 =	sor.u32 $0x1C05, s0;
	s25 =	rddreg [dreg:$0x9];
	[sflag:s8] =	ssyncadd.s32 $0xFFFFFD80  }
0x35: {  	[spmem:s11], [sflag:s0] =	dma.local [hbm:s25], $0x500  }
0x36: {  	_ =	swait.ge [sflag:s8], $0x500  }
0x37: {  	[sflag:s8] =	ssyncset.done $0x0  }
0x38: {  	s31 =	sshrl.u32 s15, $0x3;
	s4 =	rddreg [dreg:$0xa];
	[sflag:s8] =	ssyncadd.s32 $0xFFFFFB00  }
0x39: {  	[spmem:s31], [sflag:s0] =	dma.local [hbm:s4], $0x500  }
0x3a: {  	_ =	swait.ge [sflag:s8], $0x500  }
0x3b: {  	s14 =	sshrl.u32 s16, $0x3;
	[sflag:s8] =	ssyncset.done $0x0  }
0x3c: {  	s21 =	smov.u32 s15;
	s15 =	rddreg [dreg:$0xb];
	[sflag:s8] =	ssyncadd.s32 $0xFFFFFB00  }
0x3d: {  	[spmem:s14], [sflag:s0] =	dma.local [hbm:s15], $0x500  }
0x3e: {  	_ =	swait.ge [sflag:s8], $0x500  }
0x3f: {  	s16 =	sshrl.u32 s18, $0x3;
	[sflag:s8] =	ssyncset.done $0x0  }
0x40: {  	s25 =	smov.u32 s18;
	s18 =	rddreg [dreg:$0xc];
	[sflag:s8] =	ssyncadd.s32 $0xFFFFFB00  }
0x41: {  	[spmem:s16], [sflag:s0] =	dma.local [hbm:s18], $0x500  }
0x42: {  	_ =	swait.ge [sflag:s8], $0x500  }
0x43: {  	[sflag:s8] =	ssyncset.done $0x0  }
0x44: {  	s23 =	sshrl.u32 s26, $0x3;
	s26 =	rddreg [dreg:$0xd];
	[sflag:s8] =	ssyncadd.s32 $0xFFFFFB00  }
0x45: {  	[spmem:s23], [sflag:s0] =	dma.local [hbm:s26], $0x500  }
0x46: {  	_ =	swait.ge [sflag:s8], $0x500  }
0x47: {  	[sflag:s8] =	ssyncset.done $0x0  }
0x48: {  	s31 =	sshrl.u32 s28, $0x3;
	s4 =	rddreg [dreg:$0xe];
	[sflag:s8] =	ssyncadd.s32 $0xFFFFFB00  }
0x49: {  	[spmem:s31], [sflag:s0] =	dma.local [hbm:s4], $0x500  }
0x4a: {  	_ =	swait.ge [sflag:s8], $0x500  }
0x4b: {  	[sflag:s8] =	ssyncset.done $0x0  }
0x4c: {  	s15 =	sshrl.u32 s29, $0x3;
	s16 =	rddreg [dreg:$0x10];
	[sflag:s8] =	ssyncadd.s32 $0xFFFFFB00  }
0x4d: {  	[spmem:s15], [sflag:s0] =	dma.local [hbm:s16], $0x500  }
0x4e: {  	_ =	swait.ge [sflag:s8], $0x500  }
0x4f: {  	[sflag:s8] =	ssyncset.done $0x0  }
0x50: {  	s18 =	sshrl.u32 s30, $0x3;
	s26 =	rddreg [dreg:$0x12];
	[sflag:s8] =	ssyncadd.s32 $0xFFFFFB00  }
0x51: {  	[spmem:s18], [sflag:s0] =	dma.local [hbm:s26], $0x500  }
0x52: {  	_ =	swait.ge [sflag:s8], $0x500  }
0x53: {  	[sflag:s8] =	ssyncset.done $0x0  }
0x54: {  	[sflag:s8] =	ssyncadd.s32 $0xFFFFFB00  }
0x55: {  	[bflag:$0x0] =	sbarrier.arrive $0xFFFF  }
0x56: {  	s14 =	smov.u32 s28;
	s28 =	rddreg [dreg:$0x13]  }
0x57: {  	[tilespmem:s24], [sflag:$0x5] =	stream.linear.gather [hbm4b:s28+s24], $0x7D0, $0x38;
	[tilespmem:$0x1C4E0] =	vst v63  }
0x58: {  	_ =	swait.ge [sflag:s8], $0x7D0  }
0x59: {  	s23 =	smov.u32 s30;
	s30 =	simm.s32 $0xFA0;
	[sflag:s8] =	ssyncset.done $0x0  }
0x5a: {  	s4 =	smov.u32 s29;
	s29 =	rddreg [dreg:$0x14];
	[sflag:s8] =	ssyncadd.s32 $0xFFFFF830  }
0x5b: {  	[tilespmem:s30], [sflag:$0x5] =	stream.linear.gather [hbm4b:s29+s24], $0x7D0, $0x38;
	[tilespmem:$0x1C4E0] =	vst v63  }
0x5c: {  	_ =	swait.ge [sflag:s8], $0x7D0  }
0x5d: {  	[sflag:s8] =	ssyncset.done $0x0  }
0x5e: {  	s31 =	rddreg [dreg:$0x15];
	[sflag:s8] =	ssyncadd.s32 $0xFFFFF830  }
0x5f: {  	[tilespmem:s10], [sflag:$0x5] =	stream.linear.gather [hbm4b:s31+s24], $0x7D0, $0x38;
	[tilespmem:$0x1C4E0] =	vst v63  }
0x60: {  	_ =	swait.ge [sflag:s8], $0x7D0  }
0x61: {  	[sflag:s8] =	ssyncset.done $0x0  }
0x62: {  	s0 =	simm.s32 $0x0;
	[sflag:s8] =	ssyncadd.s32 $0xFFFFF830  }
0x63: {  	v4 =	vld [tilespmem:s0+$0x0]  }
0x64: {  	v3 =	vld [tilespmem:s0+$0x10]  }
0x65: {  	v2 =	vld [tilespmem:s0+$0x20]  }
0x66: {  	s19 =	smov.u32 s13;
	s11 =	simm.s32 $0x140;
	v1 =	vld [tilespmem:s0+$0x30]  }
.LBB2_2:
0x67: {  	p0 =	sne.s32 s11, $0x1E00;
	v5 =	vld [tilespmem:s0+$0x40]  }
0x68: {  	v4 =	vadd.s32 v0, v4  }
.Ltmp0:
0x69: {  	s13 =	sshra.s32 s11, $0x2;
	[tilespmem:s0+$0x0] =	vst v4;
	v3 =	vadd.s32 v0, v3;
	(pc) =	sbr.rel @p0 .LBB2_2-.Ltmp0, $4  }
0x6a: {  	v4 =	vld [tilespmem:s13+$0x0];
	[tilespmem:s0+$0x10] =	vst v3;
	v2 =	vadd.s32 v0, v2  }
0x6b: {  	v3 =	vld [tilespmem:s13+$0x10];
	[tilespmem:s0+$0x20] =	vst v2;
	v1 =	vadd.s32 v0, v1  }
0x6c: {  	v2 =	vld [tilespmem:s13+$0x20];
	[tilespmem:s0+$0x30] =	vst v1;
	v5 =	vadd.s32 v0, v5  }
0x6d: {  	s11 =	sadd.s32 $0x140, s11;
	v1 =	vld [tilespmem:s13+$0x30];
	[tilespmem:s0+$0x40] =	vst v5;
	s0 =	smov.u32 s13  }
0x6e: {  	v5 =	vld [tilespmem:s0+$0x40]  }
0x6f: {  	v4 =	vadd.s32 v0, v4  }
0x70: {  	[tilespmem:s0+$0x0] =	vst v4;
	v3 =	vadd.s32 v0, v3  }
.Ltmp1:
0x71: {  	[tilespmem:s0+$0x10] =	vst v3;
	v2 =	vadd.s32 v0, v2;
	(pc) =	sbr.rel .LBB2_4-.Ltmp1, $4  }
0x72: {  	[tilespmem:s0+$0x20] =	vst v2;
	v1 =	vadd.s32 v0, v1  }
0x73: {  	[tilespmem:s0+$0x30] =	vst v1;
	v1 =	vadd.s32 v0, v5  }
0x74: {  	s24 =	simm.s32 $0x0;
	p0 =	por $0x0, $0x0;
	s28 =	simm.s32 $0x0;
	[tilespmem:s0+$0x40] =	vst v1  }
0x75: {  	[tilespmem:s17], [sflag:$0x1] =	stream.indirect.gather [hbm4b:s5+s12], $0x80, s24, s12, $0xb8;
	[tilespmem:$0x1C4E0] =	vst v63  }
.LBB2_10:
0x76: {  	p1 =	sne.s32 s28, $0x7D  }
.Ltmp2:
0x77: {  	_ = 	snop;
	(pc) =	sbr.rel @!p1 .LBB2_11-.Ltmp2, $2  }
0x78: {  	_ =	sdelay $0x2  }
0x79: {  	p0 =	por !p0, !p0  }
.LBB2_4:
0x7a: {  	s0 =	smul.u32 $0x29, s28;
	_ =	sdelay $0x1  }
0x7b: {  	s0 =	sshrl.u32 s0, $0xA  }
0x7c: {  	s30 =	sand.u32 $0x3F, s0  }
0x7d: {  	s13 =	simm.s32 $0x1;
	s11 =	smul.u32 $0xFFFFFFE7, s30  }
0x7e: {  	s26 =	smov.u32 s28;
	s13 =	simm.s32 @!p0 $0x0  }
0x7f: {  	p1 =	seq.s32 s28, $0x7C;
	s13 =	smul.u32 $0xA000, s13;
	s31 =	sadd.s32 s28, s11  }
0x80: {  	s15 =	sand.u32 $0x1, s0;
	s0 =	sand.u32 $0x1, s26;
	p3 =	seq.s32 @!p1 s31, $0x18  }
0x81: {  	p4 =	seq.s32 s15, $0x1;
	s28 =	sadd.s32 $0x1, s28;
	p2 =	por p3, p1  }
0x82: {  	s15 =	simm.s32 $0x19;
	s17 =	sadd.s32 $0x1, s0;
	s11 =	smul.u32 @!p2 $0x29, s28  }
0x83: {  	s29 =	sxor.u32 $0x1, s0;
	s13 =	sshrl.u32 s13, $0x2;
	_ =	swait.ge [sflag:s17], $0x2800  }
0x84: {  	s15 =	simm.s32 @!p4 $0x0;
	[sflag:s17] =	ssyncset.done $0x0;
	s11 =	sshrl.u32 @!p2 s11, $0xA  }
0x85: {  	[sflag:s17] =	ssyncadd.s32 $0xFFFFD800;
	p5 =	seq.s32 @!p2 s26, $0x0;
	s16 =	sand.u32 @!p2 $0x1, s11  }
0x86: {  	s11 =	sand.u32 @!p2 $0x3F, s11;
	p4 =	seq.s32 @!p2 s16, $0x1;
	s16 =	sadd.s32 s15, s31  }
0x87: {  	p5 =	por @!p1 p5, p3;
	s11 =	smul.u32 @!p2 $0xFFFFFFE7, s11;
	p4 =	por @!p1 !p4, p3;
	v1 =	vmov s16  }
0x88: {  	s17 =	simm.s32 @!p2 $0x19;
	p3 =	por p5, p1;
	p4 =	por !p4, p1;
	v1 =	vmul.u32 $0x50, v1  }
0x89: {  	s15 =	sadd.s32 @!p3 $0x3, s29;
	s11 =	sadd.s32 @!p2 s28, s11;
	s17 =	simm.s32 @!p4 $0x0  }
0x8a: {  	v2 =	vmov s24;
	s18 =	smul.u32 @!p2 $0xA000, s29;
	_ =	swait.ge @!p3 [sflag:s15], $0x2800;
	s11 =	sadd.s32 @!p2 s17, s11;
	v1 =	vbroadcast v1, $0x0  }
0x8b: {  	v3 =	vand.u32 $0x78, v2;
	s13 =	sadd.s32 $0x3420, s13;
	[sflag:s15] =	ssyncset.done @!p3 $0x0;
	s11 =	smul.u32 @!p2 $0x140, s11  }
0x8c: {  	v2 =	vand.u32 $0x7, v2;
	s17 =	sshrl.u32 @!p2 s18, $0x2;
	s18 =	simm.s32 @!p2 $0x50;
	[sflag:s15] =	ssyncadd.s32 @!p3 $0xFFFFD800;
	v3 =	vadd.s32 v1, v3  }
0x8d: {  	s15 =	sadd.s32 @!p2 $0x33E0, s17;
	s17 =	sadd.s32 @!p2 $0x1, s29;
	s11 =	sshra.s32 @!p2 s11, $0x2;
	v2 =	vor.u32 v2, v3  }
0x8e: {  	[tilespmem:s15], [sflag:s17] =	stream.indirect.gather @!p2 [hbm4b:s5+s18], $0x80, s11, s18, $0xb8;
	[tilespmem:$0x1C4E0] =	vst v63  }
0x8f: {  	v6 =	vld [tilespmem:s13+$0x30]  }
0x90: {  	v9 =	vld [tilespmem:s13+$0x10]  }
0x91: {  	v7 =	vld [tilespmem:s13+$0xFFFFFFC0]  }
0x92: {  	v2 =	vld.idx.msk [tilespmem:v2+s10+$0x0], $0xffff  }
0x93: {  	v11 =	vld [tilespmem:s13+$0xFFFFFFE0]  }
0x94: {  	v3 =	vld [tilespmem:s13+$0xFFFFFFF0]  }
0x95: {  	v4 =	vld [tilespmem:s13+$0x20]  }
0x96: {  	s18 =	smul.u32 $0xA000, s0;
	v5 =	vld [tilespmem:s13+$0xFFFFFFD0]  }
0x97: {  	v10 =	vmul.f32 v6, v2;
	v6 =	vld [tilespmem:s13+$0x0]  }
0x98: {  	s17 =	simm.s32 $0x1;
	s11 =	sshrl.u32 s18, $0x2;
	v8 =	vmul.f32 v7, v2  }
0x99: {  	s15 =	simm.s32 $0x2;
	s18 =	sadd.s32 $0x33E0, s11;
	s11 =	smov.u32 s13;
	v7 =	vmul.f32 v11, v2;
	v9 =	vmul.f32 v9, v2  }
.LBB2_5:
0x9a: {  	p2 =	sne.s32 s15, $0x4F  }
0x9b: {  	v11 =	vmov s17;
	v5 =	vmul.f32 v5, v2;
	v4 =	vmul.f32 v4, v2;
	[tilespmem:s13+$0x30] =	vst v10;
	s11 =	sadd.s32 $0x80, s11;
	s17 =	smov.u32 s15;
	s15 =	sadd.s32 $0x1, s15  }
0x9c: {  	v10 =	vand.u32 $0x78, v11;
	[tilespmem:s13+$0xFFFFFFC0] =	vst v8;
	v8 =	vmul.f32 v3, v2;
	v2 =	vmul.f32 v6, v2  }
0x9d: {  	v3 =	vand.u32 $0x7, v11;
	v6 =	vadd.s32 v1, v10;
	[tilespmem:s13+$0x10] =	vst v9  }
0x9e: {  	v6 =	vor.u32 v3, v6;
	[tilespmem:s13+$0xFFFFFFE0] =	vst v7  }
0x9f: {  	v3 =	vld [tilespmem:s11+$0xFFFFFFF0];
	[tilespmem:s13+$0xFFFFFFF0] =	vst v8  }
0xa0: {  	v7 =	vld [tilespmem:s11+$0x30];
	[tilespmem:s13+$0x0] =	vst v2  }
0xa1: {  	v9 =	vld [tilespmem:s11+$0x10];
	[tilespmem:s13+$0x20] =	vst v4  }
0xa2: {  	v8 =	vld [tilespmem:s11+$0xFFFFFFC0];
	[tilespmem:s13+$0xFFFFFFD0] =	vst v5;
	s13 =	smov.u32 s11  }
0xa3: {  	v2 =	vld.idx.msk [tilespmem:v6+s10+$0x0], $0xffff  }
0xa4: {  	v11 =	vld [tilespmem:s11+$0xFFFFFFE0]  }
0xa5: {  	v4 =	vld [tilespmem:s11+$0x20]  }
.Ltmp3:
0xa6: {  	v5 =	vld [tilespmem:s11+$0xFFFFFFD0];
	(pc) =	sbr.rel @p2 .LBB2_5-.Ltmp3, $3  }
0xa7: {  	v6 =	vld [tilespmem:s11+$0x0];
	_ =	sdelay $0x1  }
0xa8: {  	v8 =	vmul.f32 v8, v2;
	v10 =	vmul.f32 v7, v2  }
0xa9: {  	v9 =	vmul.f32 v9, v2;
	v7 =	vmul.f32 v11, v2  }
0xaa: {  	[tilespmem:s13+$0x30] =	vst v10;
	v55 =	vmov s17  }
0xab: {  	[tilespmem:s13+$0xFFFFFFC0] =	vst v8;
	v56 =	vand.u32 $0x78, v55  }
0xac: {  	v3 =	vmul.f32 v3, v2;
	[tilespmem:s13+$0x10] =	vst v9;
	v57 =	vand.u32 $0x7, v55;
	v1 =	vadd.s32 v1, v56  }
0xad: {  	s11 =	sadd.s32 $0x80, s11;
	[tilespmem:s13+$0xFFFFFFE0] =	vst v7;
	v6 =	vmul.f32 v6, v2;
	v1 =	vor.u32 v57, v1  }
0xae: {  	v4 =	vmul.f32 v4, v2;
	v2 =	vmul.f32 v5, v2;
	v58 =	vld [tilespmem:s11+$0xFFFFFFF0];
	[tilespmem:s13+$0xFFFFFFF0] =	vst v3  }
0xaf: {  	v3 =	vld [tilespmem:s11+$0x30];
	[tilespmem:s13+$0x0] =	vst v6  }
0xb0: {  	v60 =	vld [tilespmem:s11+$0xFFFFFFC0];
	[tilespmem:s13+$0xFFFFFFD0] =	vst v2  }
0xb1: {  	v59 =	vld [tilespmem:s11+$0x10];
	[tilespmem:s13+$0x20] =	vst v4  }
0xb2: {  	v1 =	vld.idx.msk [tilespmem:v1+s10+$0x0], $0xffff;
	_ =	sdelay $0x2  }
0xb3: {  	v2 =	vld [tilespmem:s11+$0xFFFFFFE0]  }
0xb4: {  	v6 =	vld [tilespmem:s11+$0x0]  }
0xb5: {  	v3 =	vmul.f32 v3, v1  }
0xb6: {  	v61 =	vld [tilespmem:s11+$0x20];
	v4 =	vmul.f32 v60, v1  }
0xb7: {  	v62 =	vld [tilespmem:s11+$0xFFFFFFD0];
	v5 =	vmul.f32 v59, v1;
	[tilespmem:s11+$0x30] =	vst v3  }
0xb8: {  	v2 =	vmul.f32 v2, v1;
	[tilespmem:s11+$0xFFFFFFC0] =	vst v4  }
0xb9: {  	p2 =	sne.s32 @!p1 s31, $0x18;
	v63 =	vmul.f32 v6, v1;
	[tilespmem:s11+$0x10] =	vst v5  }
0xba: {  	s16 =	smul.u32 $0x140, s16;
	p1 =	por p1, p2;
	v3 =	vmul.f32 v58, v1;
	[tilespmem:s11+$0xFFFFFFE0] =	vst v2  }
.Ltmp4:
0xbb: {  	v2 =	vmul.f32 v61, v1;
	[tilespmem:s11+$0x0] =	vst v63;
	(pc) =	sbr.rel @p1 .LBB2_10-.Ltmp4, $4  }
0xbc: {  	v1 =	vmul.f32 v62, v1;
	[tilespmem:s11+$0xFFFFFFF0] =	vst v3  }
0xbd: {  	s13 =	sshra.s32 s16, $0x2;
	[tilespmem:s11+$0x20] =	vst v2  }
0xbe: {  	s0 =	sadd.s32 $0x3, s0;
	s17 =	sadd.s32 $0xFA0, s13;
	[tilespmem:s11+$0xFFFFFFD0] =	vst v1  }
0xbf: {  	[spmem:s3] =	stream.indirect.scatter.add.f32 [tilespmem:s18], [sflag:s0], $0x80, s17, s12, $0xb8;
	[tilespmem:$0x1C4E0] =	vst v63  }
0xc0: {  	s0 =	sadd.s32 $0x1, s30  }
0xc1: {  	s11 =	smul.u32 $0x19, s0  }
0xc2: {  	s0 =	sand.u32 $0x1, s0  }
0xc3: {  	p1 =	seq.s32 s0, $0x1;
	s0 =	simm.s32 $0x19;
	s11 =	sadd.s32 s2, s11  }
0xc4: {  	s0 =	simm.s32 @!p1 $0x0;
	s11 =	smul.u32 $0xA, s11  }
0xc5: {  	s13 =	smul.u32 $0x50, s0  }
0xc6: {  	s16 =	simm.s32 $0x0;
	s15 =	sadd.s32 s6, s11  }
0xc7: {  	[tilespmem:s13], [sflag:$0x5] =	stream.linear.gather [hbm4b:s15+s16], $0x7D0, $0x38;
	[tilespmem:$0x1C4E0] =	vst v63  }
0xc8: {  	_ =	swait.ge [sflag:s8], $0x7D0  }
0xc9: {  	s0 =	smul.u32 $0x140, s0;
	[sflag:s8] =	ssyncset.done $0x0  }
0xca: {  	s31 =	sadd.s32 $0xFA0, s13;
	s17 =	sadd.s32 s7, s11;
	[sflag:s8] =	ssyncadd.s32 $0xFFFFF830  }
0xcb: {  	[tilespmem:s31], [sflag:$0x5] =	stream.linear.gather [hbm4b:s17+s16], $0x7D0, $0x38;
	[tilespmem:$0x1C4E0] =	vst v63  }
0xcc: {  	s0 =	sshrl.u32 s0, $0x2;
	_ =	swait.ge [sflag:s8], $0x7D0  }
0xcd: {  	s0 =	sadd.s32 $0x20, s0;
	[sflag:s8] =	ssyncset.done $0x0  }
0xce: {  	s11 =	sadd.s32 s1, s11;
	s13 =	sadd.s32 $0x1F40, s13;
	v1 =	vmov s0;
	[sflag:s8] =	ssyncadd.s32 $0xFFFFF830  }
0xcf: {  	[tilespmem:s13], [sflag:$0x5] =	stream.linear.gather [hbm4b:s11+s16], $0x7D0, $0x38;
	[tilespmem:$0x1C4E0] =	vst v63  }
0xd0: {  	_ =	swait.ge [sflag:s8], $0x7D0  }
0xd1: {  	[sflag:s8] =	ssyncset.done $0x0  }
0xd2: {  	s0 =	simm.s32 $0x0;
	[sflag:s8] =	ssyncadd.s32 $0xFFFFF830  }
0xd3: {  	v2 =	vld.idx.msk [tilespmem:v1+s0+$0xFFFFFFE0 ss:$0x1], $0xffff;
	_ =	sdelay $0x4  }
0xd4: {  	v2 =	vadd.s32 v0, v2  }
0xd5: {  	[tilespmem:v1+s0+$0xFFFFFFE0 ss:$0x1] =	vst.idx.msk $0xffff, v2  }
0xd6: {  	v2 =	vld.idx.msk [tilespmem:v1+s0+$0xFFFFFFF0 ss:$0x1], $0xffff;
	_ =	sdelay $0x4  }
0xd7: {  	v2 =	vadd.s32 v0, v2  }
0xd8: {  	[tilespmem:v1+s0+$0xFFFFFFF0 ss:$0x1] =	vst.idx.msk $0xffff, v2  }
0xd9: {  	v2 =	vld.idx.msk [tilespmem:v1+s0+$0x0 ss:$0x1], $0xffff;
	_ =	sdelay $0x4  }
0xda: {  	v2 =	vadd.s32 v0, v2  }
0xdb: {  	[tilespmem:v1+s0+$0x0 ss:$0x1] =	vst.idx.msk $0xffff, v2  }
0xdc: {  	v2 =	vld.idx.msk [tilespmem:v1+s0+$0x10 ss:$0x1], $0xffff;
	_ =	sdelay $0x4  }
0xdd: {  	v2 =	vadd.s32 v0, v2  }
0xde: {  	[tilespmem:v1+s0+$0x10 ss:$0x1] =	vst.idx.msk $0xffff, v2  }
0xdf: {  	v2 =	vld.idx.msk [tilespmem:v1+s0+$0x20 ss:$0x1], $0xffff;
	_ =	sdelay $0x4  }
0xe0: {  	s11 =	simm.s32 $0x140;
	s16 =	simm.s32 $0x280;
	v2 =	vadd.s32 v0, v2  }
.LBB2_8:
0xe1: {  	p1 =	sne.s32 s16, $0x1E00  }
0xe2: {  	[tilespmem:v1+s0+$0x20 ss:$0x1] =	vst.idx.msk $0xffff, v2;
	s0 =	sshra.s32 s11, $0x2;
	s11 =	smov.u32 s16;
	s16 =	sadd.s32 $0x140, s16  }
0xe3: {  	v2 =	vld.idx.msk [tilespmem:v1+s0+$0xFFFFFFE0 ss:$0x1], $0xffff;
	_ =	sdelay $0x5  }
0xe4: {  	v2 =	vadd.s32 v0, v2  }
0xe5: {  	[tilespmem:v1+s0+$0xFFFFFFE0 ss:$0x1] =	vst.idx.msk $0xffff, v2  }
0xe6: {  	v2 =	vld.idx.msk [tilespmem:v1+s0+$0xFFFFFFF0 ss:$0x1], $0xffff;
	_ =	sdelay $0x5  }
0xe7: {  	v2 =	vadd.s32 v0, v2  }
0xe8: {  	[tilespmem:v1+s0+$0xFFFFFFF0 ss:$0x1] =	vst.idx.msk $0xffff, v2  }
0xe9: {  	v2 =	vld.idx.msk [tilespmem:v1+s0+$0x0 ss:$0x1], $0xffff;
	_ =	sdelay $0x5  }
0xea: {  	v2 =	vadd.s32 v0, v2  }
0xeb: {  	[tilespmem:v1+s0+$0x0 ss:$0x1] =	vst.idx.msk $0xffff, v2  }
0xec: {  	v2 =	vld.idx.msk [tilespmem:v1+s0+$0x10 ss:$0x1], $0xffff;
	_ =	sdelay $0x5  }
0xed: {  	v2 =	vadd.s32 v0, v2  }
0xee: {  	[tilespmem:v1+s0+$0x10 ss:$0x1] =	vst.idx.msk $0xffff, v2  }
0xef: {  	v2 =	vld.idx.msk [tilespmem:v1+s0+$0x20 ss:$0x1], $0xffff;
	_ =	sdelay $0x1  }
.Ltmp5:
0xf0: {  	(pc) =	sbr.rel @p1 .LBB2_8-.Ltmp5, $2  }
0xf1: {  	_ =	sdelay $0x2  }
0xf2: {  	v2 =	vadd.s32 v0, v2  }
0xf3: {  	_ =	sdelay $0x3  }
0xf4: {  	s11 =	sshra.s32 s11, $0x2;
	[tilespmem:v1+s0+$0x20 ss:$0x1] =	vst.idx.msk $0xffff, v2  }
0xf5: {  	v2 =	vld.idx.msk [tilespmem:v1+s11+$0xFFFFFFE0 ss:$0x1], $0xffff;
	_ =	sdelay $0x4  }
0xf6: {  	v2 =	vadd.s32 v0, v2  }
0xf7: {  	[tilespmem:v1+s11+$0xFFFFFFE0 ss:$0x1] =	vst.idx.msk $0xffff, v2  }
0xf8: {  	v2 =	vld.idx.msk [tilespmem:v1+s11+$0xFFFFFFF0 ss:$0x1], $0xffff;
	_ =	sdelay $0x4  }
0xf9: {  	v2 =	vadd.s32 v0, v2  }
0xfa: {  	[tilespmem:v1+s11+$0xFFFFFFF0 ss:$0x1] =	vst.idx.msk $0xffff, v2  }
0xfb: {  	v2 =	vld.idx.msk [tilespmem:v1+s11+$0x0 ss:$0x1], $0xffff;
	_ =	sdelay $0x4  }
0xfc: {  	v2 =	vadd.s32 v0, v2  }
0xfd: {  	[tilespmem:v1+s11+$0x0 ss:$0x1] =	vst.idx.msk $0xffff, v2  }
0xfe: {  	v2 =	vld.idx.msk [tilespmem:v1+s11+$0x10 ss:$0x1], $0xffff;
	_ =	sdelay $0x4  }
0xff: {  	v2 =	vadd.s32 v0, v2  }
0x100: {  	[tilespmem:v1+s11+$0x10 ss:$0x1] =	vst.idx.msk $0xffff, v2  }
0x101: {  	s18 =	smulhi.u32 $0x51EB851F, s28;
	v2 =	vld.idx.msk [tilespmem:v1+s11+$0x20 ss:$0x1], $0xffff;
	_ =	sdelay $0x1  }
0x102: {  	s0 =	sshrl.u32 s18, $0x3  }
0x103: {  	s13 =	sand.u32 $0x1, s0;
	s0 =	smul.u32 $0xFFFFFFE7, s0  }
0x104: {  	p1 =	seq.s32 s26, $0x0;
	p2 =	seq.s32 s13, $0x1;
	s13 =	simm.s32 $0x19  }
0x105: {  	s26 =	smul.u32 $0xA000, s29;
	s13 =	simm.s32 @!p2 $0x0;
	s0 =	sadd.s32 s28, s0;
	v2 =	vadd.s32 v0, v2  }
.Ltmp6:
0x106: {  	s0 =	sadd.s32 s13, s0;
	[tilespmem:v1+s11+$0x20 ss:$0x1] =	vst.idx.msk $0xffff, v2;
	s11 =	sadd.s32 @!p1 $0x3, s29;
	(pc) =	sbr.rel .LBB2_10-.Ltmp6, $4  }
0x107: {  	s0 =	smul.u32 $0x140, s0;
	_ =	swait.ge @!p1 [sflag:s11], $0x2800  }
0x108: {  	s31 =	sadd.s32 $0x1, s29;
	s30 =	sshrl.u32 s26, $0x2;
	[sflag:s11] =	ssyncset.done @!p1 $0x0  }
0x109: {  	s0 =	sshra.s32 s0, $0x2;
	[sflag:s11] =	ssyncadd.s32 @!p1 $0xFFFFD800;
	s11 =	sadd.s32 $0x33E0, s30  }
0x10a: {  	[tilespmem:s11], [sflag:s31] =	stream.indirect.gather [hbm4b:s5+s12], $0x80, s0, s12, $0xb8;
	[tilespmem:$0x1C4E0] =	vst v63  }
.LBB2_11:
0x10b: {  	s0 =	simm.s32 $0x4  }
0x10c: {  	_ =	swait.ge [sflag:s0], $0x2800  }
0x10d: {  	[sflag:s0] =	ssyncset.done $0x0  }
0x10e: {  	s29 =	simm.s32 $0x3;
	[sflag:s0] =	ssyncadd.s32 $0xFFFFD800  }
0x10f: {  	_ =	swait.ge [sflag:s29], $0x2800  }
0x110: {  	[sflag:s29] =	ssyncset.done $0x0  }
0x111: {  	[sflag:s29] =	ssyncadd.s32 $0xFFFFD800  }
0x112: {  	s17 =	simm.s32 $0x33E0;
	[bflag:$0x0] =	sbarrier.arrive $0xFFFF  }
0x113: {  	[tilespmem:s17], [sflag:$0x5] =	stream.linear.gather [spmem:s19], $0x2800, $0x38;
	[tilespmem:$0x1C4E0] =	vst v63  }
0x114: {  	_ =	swait.ge [sflag:s8], $0x2800  }
0x115: {  	[sflag:s8] =	ssyncset.done $0x0  }
0x116: {  	s30 =	simm.s32 $0x0;
	[sflag:s8] =	ssyncadd.s32 $0xFFFFD800  }
0x117: {  	v1 =	vmov s30;
	v2 =	vld [tilespmem:$0x84A0]  }
0x118: {  	v3 =	vld [tilespmem:$0x8490]  }
0x119: {  	v4 =	vld [tilespmem:$0x8480]  }
0x11a: {  	v5 =	vld [tilespmem:$0x8470]  }
0x11b: {  	v6 =	vld [tilespmem:$0x8460]  }
0x11c: {  	s24 =	simm.s32 $0x3420;
	v7 =	vld.idx.msk [tilespmem:v1+s9+$0x0], $0xffff  }
0x11d: {  	v8 =	vld [tilespmem:s24+$0xFFFFFFC0]  }
0x11e: {  	v9 =	vld [tilespmem:$0x83E0]  }
0x11f: {  	v10 =	vld [tilespmem:s24+$0xFFFFFFD0]  }
0x120: {  	v11 =	vld [tilespmem:$0x83F0]  }
0x121: {  	v12 =	vld [tilespmem:s24+$0xFFFFFFE0]  }
0x122: {  	v13 =	vld [tilespmem:$0x8400];
	v8 =	vmul.f32 v8, v7  }
0x123: {  	v14 =	vld [tilespmem:s24+$0xFFFFFFF0]  }
0x124: {  	v44 =	vld [tilespmem:$0x8410];
	v43 =	vmul.f32 v10, v7;
	v8 =	vadd.f32 v9, v8  }
0x125: {  	v15 =	vld [tilespmem:s24+$0x0]  }
0x126: {  	v46 =	vld [tilespmem:$0x8420];
	v45 =	vmul.f32 v12, v7;
	v9 =	vadd.f32 v11, v43;
	v8 =	vmax.f32 v8, $0.0e+00  }
0x127: {  	v47 =	vld [tilespmem:s24+$0x10];
	v6 =	vmul.f32 v8, v6  }
0x128: {  	v49 =	vld [tilespmem:$0x8430];
	v48 =	vmul.f32 v14, v7;
	v11 =	vadd.f32 v13, v45;
	v9 =	vmax.f32 v9, $0.0e+00  }
0x129: {  	v50 =	vld [tilespmem:s24+$0x20];
	v5 =	vmul.f32 v9, v5;
	v6 =	vadd.f32 $0.0e+00, v6  }
0x12a: {  	v52 =	vld [tilespmem:$0x8440];
	v51 =	vmul.f32 v15, v7;
	v10 =	vadd.f32 v44, v48;
	v11 =	vmax.f32 v11, $0.0e+00  }
0x12b: {  	v53 =	vld [tilespmem:s24+$0x30];
	v4 =	vmul.f32 v11, v4;
	v5 =	vadd.f32 v5, v6  }
0x12c: {  	v55 =	vld [tilespmem:$0x84B0];
	v54 =	vadd.f32 v46, v51;
	v10 =	vmax.f32 v10, $0.0e+00;
	v8 =	vmul.f32 v47, v7  }
0x12d: {  	v56 =	vld [tilespmem:$0x8450];
	v3 =	vmul.f32 v10, v3;
	v4 =	vadd.f32 v4, v5  }
0x12e: {  	v58 =	vld [tilespmem:$0x84C0];
	v57 =	vmax.f32 v54, $0.0e+00;
	v9 =	vmul.f32 v50, v7;
	v8 =	vadd.f32 v49, v8  }
0x12f: {  	v2 =	vmul.f32 v57, v2;
	v3 =	vadd.f32 v3, v4  }
0x130: {  	v61 =	vld [tilespmem:$0x84D0];
	v60 =	vadd.f32 v52, v9;
	v59 =	vmax.f32 v8, $0.0e+00;
	v6 =	vmul.f32 v53, v7  }
0x131: {  	v2 =	vadd.f32 v2, v3;
	v3 =	vmul.f32 v59, v55  }
0x132: {  	v62 =	vmax.f32 v60, $0.0e+00;
	v5 =	vadd.f32 v56, v6  }
0x133: {  	v2 =	vadd.f32 v3, v2;
	v3 =	vmul.f32 v62, v58  }
0x134: {  	v63 =	vmax.f32 v5, $0.0e+00  }
0x135: {  	v2 =	vadd.f32 v3, v2;
	v3 =	vmul.f32 v63, v61;
	_ =	sdelay $0x1  }
0x136: {  	v2 =	vadd.f32 v3, v2;
	_ =	sdelay $0x1  }
0x137: {  	(xrf2) =	vadd.scan.msk.f32 $0xffff, v2;
	_ =	sdelay $0x9  }
0x138: {  	v2, _, _ =	vpop (xrf2)  }
0x139: {  	v2 =	vbroadcast v2, $0xF;
	_ =	sdelay $0x1  }
0x13a: {  	s31 =	simm.s32 $0x1;
	[tilespmem:v1+s20+$0x0] =	vst.idx.msk $0x1, v2  }
0x13b: {  	s13 =	smov.u32 s19;
	s0 =	simm.s32 $0x2;
	v1 =	vmov s31;
	v2 =	vld [tilespmem:$0x84A0]  }
.LBB2_12:
0x13c: {  	p0 =	sne.s32 s0, $0x4F;
	v3 =	vld [tilespmem:$0x8490]  }
0x13d: {  	v4 =	vld [tilespmem:$0x8480]  }
0x13e: {  	v5 =	vld [tilespmem:$0x8470]  }
0x13f: {  	v6 =	vld [tilespmem:$0x8460]  }
0x140: {  	s24 =	sadd.s32 $0x80, s24;
	v7 =	vld.idx.msk [tilespmem:v1+s9+$0x0], $0xffff  }
0x141: {  	v8 =	vld [tilespmem:s24+$0xFFFFFFC0]  }
0x142: {  	v9 =	vld [tilespmem:$0x83E0]  }
0x143: {  	v10 =	vld [tilespmem:s24+$0xFFFFFFD0]  }
0x144: {  	v11 =	vld [tilespmem:$0x83F0]  }
0x145: {  	v12 =	vld [tilespmem:s24+$0xFFFFFFE0]  }
0x146: {  	v8 =	vmul.f32 v8, v7;
	v13 =	vld [tilespmem:$0x8400]  }
0x147: {  	v14 =	vld [tilespmem:s24+$0xFFFFFFF0]  }
0x148: {  	v8 =	vadd.f32 v9, v8;
	v9 =	vmul.f32 v10, v7;
	v10 =	vld [tilespmem:$0x8410]  }
0x149: {  	v15 =	vld [tilespmem:s24+$0x0]  }
0x14a: {  	v8 =	vmax.f32 v8, $0.0e+00;
	v9 =	vadd.f32 v11, v9;
	v11 =	vmul.f32 v12, v7;
	v12 =	vld [tilespmem:$0x8420]  }
0x14b: {  	v6 =	vmul.f32 v8, v6;
	v8 =	vld [tilespmem:s24+$0x10]  }
0x14c: {  	v9 =	vmax.f32 v9, $0.0e+00;
	v11 =	vadd.f32 v13, v11;
	v13 =	vmul.f32 v14, v7;
	v14 =	vld [tilespmem:$0x8430]  }
0x14d: {  	v6 =	vadd.f32 $0.0e+00, v6;
	v5 =	vmul.f32 v9, v5;
	v9 =	vld [tilespmem:s24+$0x20]  }
0x14e: {  	v11 =	vmax.f32 v11, $0.0e+00;
	v10 =	vadd.f32 v10, v13;
	v13 =	vmul.f32 v15, v7;
	v15 =	vld [tilespmem:$0x8440]  }
0x14f: {  	v5 =	vadd.f32 v5, v6;
	v4 =	vmul.f32 v11, v4;
	v6 =	vld [tilespmem:s24+$0x30]  }
0x150: {  	v10 =	vmax.f32 v10, $0.0e+00;
	v11 =	vadd.f32 v12, v13;
	v8 =	vmul.f32 v8, v7;
	v12 =	vld [tilespmem:$0x84B0]  }
0x151: {  	v4 =	vadd.f32 v4, v5;
	v3 =	vmul.f32 v10, v3;
	v5 =	vld [tilespmem:$0x8450]  }
0x152: {  	v10 =	vmax.f32 v11, $0.0e+00;
	v8 =	vadd.f32 v14, v8;
	v9 =	vmul.f32 v9, v7;
	v11 =	vld [tilespmem:$0x84C0]  }
0x153: {  	v3 =	vadd.f32 v3, v4;
	v2 =	vmul.f32 v10, v2  }
0x154: {  	v4 =	vmax.f32 v8, $0.0e+00;
	v8 =	vadd.f32 v15, v9;
	v6 =	vmul.f32 v6, v7;
	v7 =	vld [tilespmem:$0x84D0]  }
0x155: {  	v2 =	vadd.f32 v2, v3;
	v3 =	vmul.f32 v4, v12  }
0x156: {  	v4 =	vmax.f32 v8, $0.0e+00;
	v5 =	vadd.f32 v5, v6  }
0x157: {  	v2 =	vadd.f32 v3, v2;
	v3 =	vmul.f32 v4, v11  }
0x158: {  	v4 =	vmax.f32 v5, $0.0e+00  }
0x159: {  	v2 =	vadd.f32 v3, v2;
	v3 =	vmul.f32 v4, v7;
	_ =	sdelay $0x1  }
0x15a: {  	v2 =	vadd.f32 v3, v2;
	_ =	sdelay $0x1  }
0x15b: {  	(xrf2) =	vadd.scan.msk.f32 $0xffff, v2;
	_ =	sdelay $0x9  }
.Ltmp7:
0x15c: {  	v2, _, _ =	vpop (xrf2);
	(pc) =	sbr.rel @p0 .LBB2_12-.Ltmp7, $3  }
0x15d: {  	v2 =	vbroadcast v2, $0xF;
	_ =	sdelay $0x1  }
0x15e: {  	[tilespmem:v1+s20+$0x0] =	vst.idx.msk $0x1, v2  }
0x15f: {  	v1 =	vmov s0;
	s0 =	sadd.s32 $0x1, s0;
	v2 =	vld [tilespmem:$0x84A0]  }
0x160: {  	v3 =	vld [tilespmem:$0x8490]  }
0x161: {  	v4 =	vld [tilespmem:$0x8480]  }
0x162: {  	v5 =	vld [tilespmem:$0x8470]  }
0x163: {  	v6 =	vld [tilespmem:$0x8460]  }
0x164: {  	v7 =	vld.idx.msk [tilespmem:v1+s9+$0x0], $0xffff;
	s0 =	sadd.s32 $0x80, s24  }
0x165: {  	v8 =	vld [tilespmem:s0+$0xFFFFFFC0]  }
0x166: {  	v9 =	vld [tilespmem:$0x83E0]  }
0x167: {  	v10 =	vld [tilespmem:s0+$0xFFFFFFD0]  }
0x168: {  	v11 =	vld [tilespmem:$0x83F0]  }
0x169: {  	v12 =	vld [tilespmem:s0+$0xFFFFFFE0]  }
0x16a: {  	v13 =	vld [tilespmem:$0x8400];
	v8 =	vmul.f32 v8, v7  }
0x16b: {  	v14 =	vld [tilespmem:s0+$0xFFFFFFF0]  }
0x16c: {  	v57 =	vld [tilespmem:$0x8410];
	v56 =	vmul.f32 v10, v7;
	v8 =	vadd.f32 v9, v8  }
0x16d: {  	v15 =	vld [tilespmem:s0+$0x0]  }
0x16e: {  	v59 =	vld [tilespmem:$0x8420];
	v58 =	vmul.f32 v12, v7;
	v9 =	vadd.f32 v11, v56;
	v8 =	vmax.f32 v8, $0.0e+00  }
0x16f: {  	v60 =	vld [tilespmem:s0+$0x10];
	v6 =	vmul.f32 v8, v6  }
0x170: {  	v62 =	vld [tilespmem:$0x8430];
	v61 =	vmul.f32 v14, v7;
	v11 =	vadd.f32 v13, v58;
	v9 =	vmax.f32 v9, $0.0e+00  }
0x171: {  	v63 =	vld [tilespmem:s0+$0x20];
	v5 =	vmul.f32 v9, v5;
	v6 =	vadd.f32 $0.0e+00, v6  }
0x172: {  	v19 =	vld [tilespmem:$0x8440];
	v18 =	vmul.f32 v15, v7;
	v10 =	vadd.f32 v57, v61;
	v11 =	vmax.f32 v11, $0.0e+00  }
0x173: {  	v20 =	vld [tilespmem:s0+$0x30];
	v4 =	vmul.f32 v11, v4;
	v5 =	vadd.f32 v5, v6  }
0x174: {  	v22 =	vld [tilespmem:$0x84B0];
	v21 =	vadd.f32 v59, v18;
	v10 =	vmax.f32 v10, $0.0e+00;
	v8 =	vmul.f32 v60, v7  }
0x175: {  	v23 =	vld [tilespmem:$0x8450];
	v3 =	vmul.f32 v10, v3;
	v4 =	vadd.f32 v4, v5  }
0x176: {  	v25 =	vld [tilespmem:$0x84C0];
	v24 =	vmax.f32 v21, $0.0e+00;
	v9 =	vmul.f32 v63, v7;
	v8 =	vadd.f32 v62, v8  }
0x177: {  	v2 =	vmul.f32 v24, v2;
	v3 =	vadd.f32 v3, v4  }
0x178: {  	v28 =	vld [tilespmem:$0x84D0];
	v27 =	vadd.f32 v19, v9;
	v26 =	vmax.f32 v8, $0.0e+00;
	v6 =	vmul.f32 v20, v7  }
0x179: {  	v2 =	vadd.f32 v2, v3;
	v3 =	vmul.f32 v26, v22  }
0x17a: {  	v29 =	vmax.f32 v27, $0.0e+00;
	v5 =	vadd.f32 v23, v6  }
0x17b: {  	v2 =	vadd.f32 v3, v2;
	v3 =	vmul.f32 v29, v25  }
0x17c: {  	v30 =	vmax.f32 v5, $0.0e+00  }
0x17d: {  	v2 =	vadd.f32 v3, v2;
	v3 =	vmul.f32 v30, v28;
	_ =	sdelay $0x1  }
0x17e: {  	v2 =	vadd.f32 v3, v2;
	_ =	sdelay $0x1  }
0x17f: {  	(xrf2) =	vadd.scan.msk.f32 $0xffff, v2;
	_ =	sdelay $0x9  }
0x180: {  	v2, _, _ =	vpop (xrf2)  }
0x181: {  	v2 =	vbroadcast v2, $0xF;
	_ =	sdelay $0x1  }
0x182: {  	[tilespmem:v1+s20+$0x0] =	vst.idx.msk $0x1, v2  }
0x183: {  	[tilespmem:s17], [sflag:$0x5] =	stream.linear.gather [spmem:s21], $0x2800, $0x38;
	[tilespmem:$0x1C4E0] =	vst v63  }
0x184: {  	_ =	swait.ge [sflag:s8], $0x2800  }
0x185: {  	[sflag:s8] =	ssyncset.done $0x0  }
0x186: {  	s26 =	simm.s32 $0x50;
	[sflag:s8] =	ssyncadd.s32 $0xFFFFD800  }
0x187: {  	v1 =	vmov s26;
	v2 =	vld [tilespmem:$0x84A0]  }
0x188: {  	v3 =	vld [tilespmem:$0x8490]  }
0x189: {  	v31 =	vld [tilespmem:$0x8480]  }
0x18a: {  	v32 =	vld [tilespmem:$0x8470]  }
0x18b: {  	v33 =	vld [tilespmem:$0x8460]  }
0x18c: {  	s24 =	simm.s32 $0x3420;
	v34 =	vld.idx.msk [tilespmem:v1+s9+$0x0], $0xffff  }
0x18d: {  	v35 =	vld [tilespmem:s24+$0xFFFFFFC0]  }
0x18e: {  	v36 =	vld [tilespmem:$0x83E0]  }
0x18f: {  	v37 =	vld [tilespmem:s24+$0xFFFFFFD0]  }
0x190: {  	v38 =	vld [tilespmem:$0x83F0]  }
0x191: {  	v39 =	vld [tilespmem:s24+$0xFFFFFFE0]  }
0x192: {  	v40 =	vld [tilespmem:$0x8400];
	v8 =	vmul.f32 v35, v34  }
0x193: {  	v41 =	vld [tilespmem:s24+$0xFFFFFFF0]  }
0x194: {  	v43 =	vld [tilespmem:$0x8410];
	v42 =	vmul.f32 v37, v34;
	v8 =	vadd.f32 v36, v8  }
0x195: {  	v44 =	vld [tilespmem:s24+$0x0]  }
0x196: {  	v46 =	vld [tilespmem:$0x8420];
	v45 =	vmul.f32 v39, v34;
	v9 =	vadd.f32 v38, v42;
	v8 =	vmax.f32 v8, $0.0e+00  }
0x197: {  	v47 =	vld [tilespmem:s24+$0x10];
	v6 =	vmul.f32 v8, v33  }
0x198: {  	v49 =	vld [tilespmem:$0x8430];
	v48 =	vmul.f32 v41, v34;
	v11 =	vadd.f32 v40, v45;
	v9 =	vmax.f32 v9, $0.0e+00  }
0x199: {  	v50 =	vld [tilespmem:s24+$0x20];
	v5 =	vmul.f32 v9, v32;
	v6 =	vadd.f32 $0.0e+00, v6  }
0x19a: {  	v52 =	vld [tilespmem:$0x8440];
	v51 =	vmul.f32 v44, v34;
	v10 =	vadd.f32 v43, v48;
	v11 =	vmax.f32 v11, $0.0e+00  }
0x19b: {  	v53 =	vld [tilespmem:s24+$0x30];
	v4 =	vmul.f32 v11, v31;
	v5 =	vadd.f32 v5, v6  }
0x19c: {  	v55 =	vld [tilespmem:$0x84B0];
	v54 =	vadd.f32 v46, v51;
	v10 =	vmax.f32 v10, $0.0e+00;
	v8 =	vmul.f32 v47, v34  }
0x19d: {  	v56 =	vld [tilespmem:$0x8450];
	v3 =	vmul.f32 v10, v3;
	v4 =	vadd.f32 v4, v5  }
0x19e: {  	v58 =	vld [tilespmem:$0x84C0];
	v57 =	vmax.f32 v54, $0.0e+00;
	v9 =	vmul.f32 v50, v34;
	v8 =	vadd.f32 v49, v8  }
0x19f: {  	v2 =	vmul.f32 v57, v2;
	v3 =	vadd.f32 v3, v4  }
0x1a0: {  	v61 =	vld [tilespmem:$0x84D0];
	v60 =	vadd.f32 v52, v9;
	v59 =	vmax.f32 v8, $0.0e+00;
	v6 =	vmul.f32 v53, v34  }
0x1a1: {  	v2 =	vadd.f32 v2, v3;
	v3 =	vmul.f32 v59, v55  }
0x1a2: {  	v62 =	vmax.f32 v60, $0.0e+00;
	v5 =	vadd.f32 v56, v6  }
0x1a3: {  	v2 =	vadd.f32 v3, v2;
	v3 =	vmul.f32 v62, v58  }
0x1a4: {  	v63 =	vmax.f32 v5, $0.0e+00  }
0x1a5: {  	v2 =	vadd.f32 v3, v2;
	v3 =	vmul.f32 v63, v61;
	_ =	sdelay $0x1  }
0x1a6: {  	v2 =	vadd.f32 v3, v2;
	_ =	sdelay $0x1  }
0x1a7: {  	(xrf2) =	vadd.scan.msk.f32 $0xffff, v2;
	_ =	sdelay $0x9  }
0x1a8: {  	v2, _, _ =	vpop (xrf2)  }
0x1a9: {  	v2 =	vbroadcast v2, $0xF  }
0x1aa: {  	s15 =	smov.u32 s21;
	s31 =	simm.s32 $0x51  }
0x1ab: {  	s18 =	smov.u32 s25;
	s28 =	smov.u32 s14;
	s29 =	smov.u32 s4;
	[tilespmem:v1+s20+$0x0] =	vst.idx.msk $0x1, v2  }
0x1ac: {  	s30 =	smov.u32 s23;
	s0 =	simm.s32 $0x52;
	s16 =	rddreg [dreg:$0x11];
	v1 =	vmov s31;
	v2 =	vld [tilespmem:$0x84A0]  }
.LBB2_14:
0x1ad: {  	p0 =	sne.s32 s0, $0x9F;
	v3 =	vld [tilespmem:$0x8490]  }
0x1ae: {  	v4 =	vld [tilespmem:$0x8480]  }
0x1af: {  	v5 =	vld [tilespmem:$0x8470]  }
0x1b0: {  	v6 =	vld [tilespmem:$0x8460]  }
0x1b1: {  	s24 =	sadd.s32 $0x80, s24;
	v7 =	vld.idx.msk [tilespmem:v1+s9+$0x0], $0xffff  }
0x1b2: {  	v8 =	vld [tilespmem:s24+$0xFFFFFFC0]  }
0x1b3: {  	v9 =	vld [tilespmem:$0x83E0]  }
0x1b4: {  	v10 =	vld [tilespmem:s24+$0xFFFFFFD0]  }
0x1b5: {  	v11 =	vld [tilespmem:$0x83F0]  }
0x1b6: {  	v12 =	vld [tilespmem:s24+$0xFFFFFFE0]  }
0x1b7: {  	v8 =	vmul.f32 v8, v7;
	v13 =	vld [tilespmem:$0x8400]  }
0x1b8: {  	v14 =	vld [tilespmem:s24+$0xFFFFFFF0]  }
0x1b9: {  	v8 =	vadd.f32 v9, v8;
	v9 =	vmul.f32 v10, v7;
	v10 =	vld [tilespmem:$0x8410]  }
0x1ba: {  	v15 =	vld [tilespmem:s24+$0x0]  }
0x1bb: {  	v8 =	vmax.f32 v8, $0.0e+00;
	v9 =	vadd.f32 v11, v9;
	v11 =	vmul.f32 v12, v7;
	v12 =	vld [tilespmem:$0x8420]  }
0x1bc: {  	v6 =	vmul.f32 v8, v6;
	v8 =	vld [tilespmem:s24+$0x10]  }
0x1bd: {  	v9 =	vmax.f32 v9, $0.0e+00;
	v11 =	vadd.f32 v13, v11;
	v13 =	vmul.f32 v14, v7;
	v14 =	vld [tilespmem:$0x8430]  }
0x1be: {  	v6 =	vadd.f32 $0.0e+00, v6;
	v5 =	vmul.f32 v9, v5;
	v9 =	vld [tilespmem:s24+$0x20]  }
0x1bf: {  	v11 =	vmax.f32 v11, $0.0e+00;
	v10 =	vadd.f32 v10, v13;
	v13 =	vmul.f32 v15, v7;
	v15 =	vld [tilespmem:$0x8440]  }
0x1c0: {  	v5 =	vadd.f32 v5, v6;
	v4 =	vmul.f32 v11, v4;
	v6 =	vld [tilespmem:s24+$0x30]  }
0x1c1: {  	v10 =	vmax.f32 v10, $0.0e+00;
	v11 =	vadd.f32 v12, v13;
	v8 =	vmul.f32 v8, v7;
	v12 =	vld [tilespmem:$0x84B0]  }
0x1c2: {  	v4 =	vadd.f32 v4, v5;
	v3 =	vmul.f32 v10, v3;
	v5 =	vld [tilespmem:$0x8450]  }
0x1c3: {  	v10 =	vmax.f32 v11, $0.0e+00;
	v8 =	vadd.f32 v14, v8;
	v9 =	vmul.f32 v9, v7;
	v11 =	vld [tilespmem:$0x84C0]  }
0x1c4: {  	v3 =	vadd.f32 v3, v4;
	v2 =	vmul.f32 v10, v2  }
0x1c5: {  	v4 =	vmax.f32 v8, $0.0e+00;
	v8 =	vadd.f32 v15, v9;
	v6 =	vmul.f32 v6, v7;
	v7 =	vld [tilespmem:$0x84D0]  }
0x1c6: {  	v2 =	vadd.f32 v2, v3;
	v3 =	vmul.f32 v4, v12  }
0x1c7: {  	v4 =	vmax.f32 v8, $0.0e+00;
	v5 =	vadd.f32 v5, v6  }
0x1c8: {  	v2 =	vadd.f32 v3, v2;
	v3 =	vmul.f32 v4, v11  }
0x1c9: {  	v4 =	vmax.f32 v5, $0.0e+00  }
0x1ca: {  	v2 =	vadd.f32 v3, v2;
	v3 =	vmul.f32 v4, v7;
	_ =	sdelay $0x1  }
0x1cb: {  	v2 =	vadd.f32 v3, v2;
	_ =	sdelay $0x1  }
0x1cc: {  	(xrf2) =	vadd.scan.msk.f32 $0xffff, v2;
	_ =	sdelay $0x9  }
.Ltmp8:
0x1cd: {  	v2, _, _ =	vpop (xrf2);
	(pc) =	sbr.rel @p0 .LBB2_14-.Ltmp8, $3  }
0x1ce: {  	v2 =	vbroadcast v2, $0xF;
	_ =	sdelay $0x1  }
0x1cf: {  	[tilespmem:v1+s20+$0x0] =	vst.idx.msk $0x1, v2  }
0x1d0: {  	v1 =	vmov s0;
	s0 =	sadd.s32 $0x1, s0;
	v2 =	vld [tilespmem:$0x84A0]  }
0x1d1: {  	v3 =	vld [tilespmem:$0x8490]  }
0x1d2: {  	v4 =	vld [tilespmem:$0x8480]  }
0x1d3: {  	v5 =	vld [tilespmem:$0x8470]  }
0x1d4: {  	v6 =	vld [tilespmem:$0x8460]  }
0x1d5: {  	v7 =	vld.idx.msk [tilespmem:v1+s9+$0x0], $0xffff;
	s0 =	sadd.s32 $0x80, s24  }
0x1d6: {  	v8 =	vld [tilespmem:s0+$0xFFFFFFC0]  }
0x1d7: {  	v9 =	vld [tilespmem:$0x83E0]  }
0x1d8: {  	v10 =	vld [tilespmem:s0+$0xFFFFFFD0]  }
0x1d9: {  	v11 =	vld [tilespmem:$0x83F0]  }
0x1da: {  	v12 =	vld [tilespmem:s0+$0xFFFFFFE0]  }
0x1db: {  	v13 =	vld [tilespmem:$0x8400];
	v8 =	vmul.f32 v8, v7  }
0x1dc: {  	v14 =	vld [tilespmem:s0+$0xFFFFFFF0]  }
0x1dd: {  	v57 =	vld [tilespmem:$0x8410];
	v56 =	vmul.f32 v10, v7;
	v8 =	vadd.f32 v9, v8  }
0x1de: {  	v15 =	vld [tilespmem:s0+$0x0]  }
0x1df: {  	v59 =	vld [tilespmem:$0x8420];
	v58 =	vmul.f32 v12, v7;
	v9 =	vadd.f32 v11, v56;
	v8 =	vmax.f32 v8, $0.0e+00  }
0x1e0: {  	v60 =	vld [tilespmem:s0+$0x10];
	v6 =	vmul.f32 v8, v6  }
0x1e1: {  	v62 =	vld [tilespmem:$0x8430];
	v61 =	vmul.f32 v14, v7;
	v11 =	vadd.f32 v13, v58;
	v9 =	vmax.f32 v9, $0.0e+00  }
0x1e2: {  	v63 =	vld [tilespmem:s0+$0x20];
	v5 =	vmul.f32 v9, v5;
	v6 =	vadd.f32 $0.0e+00, v6  }
0x1e3: {  	v19 =	vld [tilespmem:$0x8440];
	v18 =	vmul.f32 v15, v7;
	v10 =	vadd.f32 v57, v61;
	v11 =	vmax.f32 v11, $0.0e+00  }
0x1e4: {  	v20 =	vld [tilespmem:s0+$0x30];
	v4 =	vmul.f32 v11, v4;
	v5 =	vadd.f32 v5, v6  }
0x1e5: {  	v22 =	vld [tilespmem:$0x84B0];
	v21 =	vadd.f32 v59, v18;
	v10 =	vmax.f32 v10, $0.0e+00;
	v8 =	vmul.f32 v60, v7  }
0x1e6: {  	v23 =	vld [tilespmem:$0x8450];
	v3 =	vmul.f32 v10, v3;
	v4 =	vadd.f32 v4, v5  }
0x1e7: {  	v25 =	vld [tilespmem:$0x84C0];
	v24 =	vmax.f32 v21, $0.0e+00;
	v9 =	vmul.f32 v63, v7;
	v8 =	vadd.f32 v62, v8  }
0x1e8: {  	v2 =	vmul.f32 v24, v2;
	v3 =	vadd.f32 v3, v4  }
0x1e9: {  	v28 =	vld [tilespmem:$0x84D0];
	v27 =	vadd.f32 v19, v9;
	v26 =	vmax.f32 v8, $0.0e+00;
	v6 =	vmul.f32 v20, v7  }
0x1ea: {  	v2 =	vadd.f32 v2, v3;
	v3 =	vmul.f32 v26, v22  }
0x1eb: {  	v29 =	vmax.f32 v27, $0.0e+00;
	v5 =	vadd.f32 v23, v6  }
0x1ec: {  	v2 =	vadd.f32 v3, v2;
	v3 =	vmul.f32 v29, v25  }
0x1ed: {  	v30 =	vmax.f32 v5, $0.0e+00  }
0x1ee: {  	v2 =	vadd.f32 v3, v2;
	v3 =	vmul.f32 v30, v28;
	_ =	sdelay $0x1  }
0x1ef: {  	v2 =	vadd.f32 v3, v2;
	_ =	sdelay $0x1  }
0x1f0: {  	(xrf2) =	vadd.scan.msk.f32 $0xffff, v2;
	_ =	sdelay $0x9  }
0x1f1: {  	v2, _, _ =	vpop (xrf2)  }
0x1f2: {  	v2 =	vbroadcast v2, $0xF;
	_ =	sdelay $0x1  }
0x1f3: {  	[tilespmem:v1+s20+$0x0] =	vst.idx.msk $0x1, v2  }
0x1f4: {  	[tilespmem:s17], [sflag:$0x5] =	stream.linear.gather [spmem:s16], $0x2800, $0x38;
	[tilespmem:$0x1C4E0] =	vst v63  }
0x1f5: {  	_ =	swait.ge [sflag:s8], $0x2800  }
0x1f6: {  	[sflag:s8] =	ssyncset.done $0x0  }
0x1f7: {  	s26 =	simm.s32 $0xA0;
	[sflag:s8] =	ssyncadd.s32 $0xFFFFD800  }
0x1f8: {  	v1 =	vmov s26;
	v2 =	vld [tilespmem:$0x84A0]  }
0x1f9: {  	v3 =	vld [tilespmem:$0x8490]  }
0x1fa: {  	v31 =	vld [tilespmem:$0x8480]  }
0x1fb: {  	v32 =	vld [tilespmem:$0x8470]  }
0x1fc: {  	v33 =	vld [tilespmem:$0x8460]  }
0x1fd: {  	s24 =	simm.s32 $0x3420;
	v34 =	vld.idx.msk [tilespmem:v1+s9+$0x0], $0xffff  }
0x1fe: {  	v35 =	vld [tilespmem:s24+$0xFFFFFFC0]  }
0x1ff: {  	v36 =	vld [tilespmem:$0x83E0]  }
0x200: {  	v37 =	vld [tilespmem:s24+$0xFFFFFFD0]  }
0x201: {  	v38 =	vld [tilespmem:$0x83F0]  }
0x202: {  	v39 =	vld [tilespmem:s24+$0xFFFFFFE0]  }
0x203: {  	v40 =	vld [tilespmem:$0x8400];
	v8 =	vmul.f32 v35, v34  }
0x204: {  	v41 =	vld [tilespmem:s24+$0xFFFFFFF0]  }
0x205: {  	v43 =	vld [tilespmem:$0x8410];
	v42 =	vmul.f32 v37, v34;
	v8 =	vadd.f32 v36, v8  }
0x206: {  	v44 =	vld [tilespmem:s24+$0x0]  }
0x207: {  	v46 =	vld [tilespmem:$0x8420];
	v45 =	vmul.f32 v39, v34;
	v9 =	vadd.f32 v38, v42;
	v8 =	vmax.f32 v8, $0.0e+00  }
0x208: {  	v47 =	vld [tilespmem:s24+$0x10];
	v6 =	vmul.f32 v8, v33  }
0x209: {  	v49 =	vld [tilespmem:$0x8430];
	v48 =	vmul.f32 v41, v34;
	v11 =	vadd.f32 v40, v45;
	v9 =	vmax.f32 v9, $0.0e+00  }
0x20a: {  	v50 =	vld [tilespmem:s24+$0x20];
	v5 =	vmul.f32 v9, v32;
	v6 =	vadd.f32 $0.0e+00, v6  }
0x20b: {  	v52 =	vld [tilespmem:$0x8440];
	v51 =	vmul.f32 v44, v34;
	v10 =	vadd.f32 v43, v48;
	v11 =	vmax.f32 v11, $0.0e+00  }
0x20c: {  	v53 =	vld [tilespmem:s24+$0x30];
	v4 =	vmul.f32 v11, v31;
	v5 =	vadd.f32 v5, v6  }
0x20d: {  	v55 =	vld [tilespmem:$0x84B0];
	v54 =	vadd.f32 v46, v51;
	v10 =	vmax.f32 v10, $0.0e+00;
	v8 =	vmul.f32 v47, v34  }
0x20e: {  	v56 =	vld [tilespmem:$0x8450];
	v3 =	vmul.f32 v10, v3;
	v4 =	vadd.f32 v4, v5  }
0x20f: {  	v58 =	vld [tilespmem:$0x84C0];
	v57 =	vmax.f32 v54, $0.0e+00;
	v9 =	vmul.f32 v50, v34;
	v8 =	vadd.f32 v49, v8  }
0x210: {  	v2 =	vmul.f32 v57, v2;
	v3 =	vadd.f32 v3, v4  }
0x211: {  	v61 =	vld [tilespmem:$0x84D0];
	v60 =	vadd.f32 v52, v9;
	v59 =	vmax.f32 v8, $0.0e+00;
	v6 =	vmul.f32 v53, v34  }
0x212: {  	v2 =	vadd.f32 v2, v3;
	v3 =	vmul.f32 v59, v55  }
0x213: {  	v62 =	vmax.f32 v60, $0.0e+00;
	v5 =	vadd.f32 v56, v6  }
0x214: {  	v2 =	vadd.f32 v3, v2;
	v3 =	vmul.f32 v62, v58  }
0x215: {  	v63 =	vmax.f32 v5, $0.0e+00  }
0x216: {  	v2 =	vadd.f32 v3, v2;
	v3 =	vmul.f32 v63, v61;
	_ =	sdelay $0x1  }
0x217: {  	v2 =	vadd.f32 v3, v2;
	_ =	sdelay $0x1  }
0x218: {  	(xrf2) =	vadd.scan.msk.f32 $0xffff, v2;
	_ =	sdelay $0x9  }
0x219: {  	v2, _, _ =	vpop (xrf2)  }
0x21a: {  	v2 =	vbroadcast v2, $0xF;
	_ =	sdelay $0x1  }
0x21b: {  	s31 =	simm.s32 $0xA1;
	[tilespmem:v1+s20+$0x0] =	vst.idx.msk $0x1, v2  }
0x21c: {  	s0 =	simm.s32 $0xA2;
	s26 =	rddreg [dreg:$0xf];
	v1 =	vmov s31;
	v2 =	vld [tilespmem:$0x84A0]  }
.LBB2_16:
0x21d: {  	p0 =	sne.s32 s0, $0xEF;
	v3 =	vld [tilespmem:$0x8490]  }
0x21e: {  	v4 =	vld [tilespmem:$0x8480]  }
0x21f: {  	v5 =	vld [tilespmem:$0x8470]  }
0x220: {  	v6 =	vld [tilespmem:$0x8460]  }
0x221: {  	s24 =	sadd.s32 $0x80, s24;
	v7 =	vld.idx.msk [tilespmem:v1+s9+$0x0], $0xffff  }
0x222: {  	v8 =	vld [tilespmem:s24+$0xFFFFFFC0]  }
0x223: {  	v9 =	vld [tilespmem:$0x83E0]  }
0x224: {  	v10 =	vld [tilespmem:s24+$0xFFFFFFD0]  }
0x225: {  	v11 =	vld [tilespmem:$0x83F0]  }
0x226: {  	v12 =	vld [tilespmem:s24+$0xFFFFFFE0]  }
0x227: {  	v8 =	vmul.f32 v8, v7;
	v13 =	vld [tilespmem:$0x8400]  }
0x228: {  	v14 =	vld [tilespmem:s24+$0xFFFFFFF0]  }
0x229: {  	v8 =	vadd.f32 v9, v8;
	v9 =	vmul.f32 v10, v7;
	v10 =	vld [tilespmem:$0x8410]  }
0x22a: {  	v15 =	vld [tilespmem:s24+$0x0]  }
0x22b: {  	v8 =	vmax.f32 v8, $0.0e+00;
	v9 =	vadd.f32 v11, v9;
	v11 =	vmul.f32 v12, v7;
	v12 =	vld [tilespmem:$0x8420]  }
0x22c: {  	v6 =	vmul.f32 v8, v6;
	v8 =	vld [tilespmem:s24+$0x10]  }
0x22d: {  	v9 =	vmax.f32 v9, $0.0e+00;
	v11 =	vadd.f32 v13, v11;
	v13 =	vmul.f32 v14, v7;
	v14 =	vld [tilespmem:$0x8430]  }
0x22e: {  	v6 =	vadd.f32 $0.0e+00, v6;
	v5 =	vmul.f32 v9, v5;
	v9 =	vld [tilespmem:s24+$0x20]  }
0x22f: {  	v11 =	vmax.f32 v11, $0.0e+00;
	v10 =	vadd.f32 v10, v13;
	v13 =	vmul.f32 v15, v7;
	v15 =	vld [tilespmem:$0x8440]  }
0x230: {  	v5 =	vadd.f32 v5, v6;
	v4 =	vmul.f32 v11, v4;
	v6 =	vld [tilespmem:s24+$0x30]  }
0x231: {  	v10 =	vmax.f32 v10, $0.0e+00;
	v11 =	vadd.f32 v12, v13;
	v8 =	vmul.f32 v8, v7;
	v12 =	vld [tilespmem:$0x84B0]  }
0x232: {  	v4 =	vadd.f32 v4, v5;
	v3 =	vmul.f32 v10, v3;
	v5 =	vld [tilespmem:$0x8450]  }
0x233: {  	v10 =	vmax.f32 v11, $0.0e+00;
	v8 =	vadd.f32 v14, v8;
	v9 =	vmul.f32 v9, v7;
	v11 =	vld [tilespmem:$0x84C0]  }
0x234: {  	v3 =	vadd.f32 v3, v4;
	v2 =	vmul.f32 v10, v2  }
0x235: {  	v4 =	vmax.f32 v8, $0.0e+00;
	v8 =	vadd.f32 v15, v9;
	v6 =	vmul.f32 v6, v7;
	v7 =	vld [tilespmem:$0x84D0]  }
0x236: {  	v2 =	vadd.f32 v2, v3;
	v3 =	vmul.f32 v4, v12  }
0x237: {  	v4 =	vmax.f32 v8, $0.0e+00;
	v5 =	vadd.f32 v5, v6  }
0x238: {  	v2 =	vadd.f32 v3, v2;
	v3 =	vmul.f32 v4, v11  }
0x239: {  	v4 =	vmax.f32 v5, $0.0e+00  }
0x23a: {  	v2 =	vadd.f32 v3, v2;
	v3 =	vmul.f32 v4, v7;
	_ =	sdelay $0x1  }
0x23b: {  	v2 =	vadd.f32 v3, v2;
	_ =	sdelay $0x1  }
0x23c: {  	(xrf2) =	vadd.scan.msk.f32 $0xffff, v2;
	_ =	sdelay $0x9  }
.Ltmp9:
0x23d: {  	v2, _, _ =	vpop (xrf2);
	(pc) =	sbr.rel @p0 .LBB2_16-.Ltmp9, $3  }
0x23e: {  	v2 =	vbroadcast v2, $0xF;
	_ =	sdelay $0x1  }
0x23f: {  	[tilespmem:v1+s20+$0x0] =	vst.idx.msk $0x1, v2  }
0x240: {  	v1 =	vmov s0;
	s0 =	sadd.s32 $0x1, s0;
	v2 =	vld [tilespmem:$0x84A0]  }
0x241: {  	v3 =	vld [tilespmem:$0x8490]  }
0x242: {  	v4 =	vld [tilespmem:$0x8480]  }
0x243: {  	v5 =	vld [tilespmem:$0x8470]  }
0x244: {  	v6 =	vld [tilespmem:$0x8460]  }
0x245: {  	v7 =	vld.idx.msk [tilespmem:v1+s9+$0x0], $0xffff;
	s0 =	sadd.s32 $0x80, s24  }
0x246: {  	v8 =	vld [tilespmem:s0+$0xFFFFFFC0]  }
0x247: {  	v9 =	vld [tilespmem:$0x83E0]  }
0x248: {  	v10 =	vld [tilespmem:s0+$0xFFFFFFD0]  }
0x249: {  	v11 =	vld [tilespmem:$0x83F0]  }
0x24a: {  	v12 =	vld [tilespmem:s0+$0xFFFFFFE0]  }
0x24b: {  	v13 =	vld [tilespmem:$0x8400];
	v8 =	vmul.f32 v8, v7  }
0x24c: {  	v14 =	vld [tilespmem:s0+$0xFFFFFFF0]  }
0x24d: {  	v57 =	vld [tilespmem:$0x8410];
	v56 =	vmul.f32 v10, v7;
	v8 =	vadd.f32 v9, v8  }
0x24e: {  	v15 =	vld [tilespmem:s0+$0x0]  }
0x24f: {  	v59 =	vld [tilespmem:$0x8420];
	v58 =	vmul.f32 v12, v7;
	v9 =	vadd.f32 v11, v56;
	v8 =	vmax.f32 v8, $0.0e+00  }
0x250: {  	v60 =	vld [tilespmem:s0+$0x10];
	v6 =	vmul.f32 v8, v6  }
0x251: {  	v62 =	vld [tilespmem:$0x8430];
	v61 =	vmul.f32 v14, v7;
	v11 =	vadd.f32 v13, v58;
	v9 =	vmax.f32 v9, $0.0e+00  }
0x252: {  	v63 =	vld [tilespmem:s0+$0x20];
	v5 =	vmul.f32 v9, v5;
	v6 =	vadd.f32 $0.0e+00, v6  }
0x253: {  	v19 =	vld [tilespmem:$0x8440];
	v18 =	vmul.f32 v15, v7;
	v10 =	vadd.f32 v57, v61;
	v11 =	vmax.f32 v11, $0.0e+00  }
0x254: {  	v20 =	vld [tilespmem:s0+$0x30];
	v4 =	vmul.f32 v11, v4;
	v5 =	vadd.f32 v5, v6  }
0x255: {  	v22 =	vld [tilespmem:$0x84B0];
	v21 =	vadd.f32 v59, v18;
	v10 =	vmax.f32 v10, $0.0e+00;
	v8 =	vmul.f32 v60, v7  }
0x256: {  	v23 =	vld [tilespmem:$0x8450];
	v3 =	vmul.f32 v10, v3;
	v4 =	vadd.f32 v4, v5  }
0x257: {  	v25 =	vld [tilespmem:$0x84C0];
	v24 =	vmax.f32 v21, $0.0e+00;
	v9 =	vmul.f32 v63, v7;
	v8 =	vadd.f32 v62, v8  }
0x258: {  	v2 =	vmul.f32 v24, v2;
	v3 =	vadd.f32 v3, v4  }
0x259: {  	v28 =	vld [tilespmem:$0x84D0];
	v27 =	vadd.f32 v19, v9;
	v26 =	vmax.f32 v8, $0.0e+00;
	v6 =	vmul.f32 v20, v7  }
0x25a: {  	v2 =	vadd.f32 v2, v3;
	v3 =	vmul.f32 v26, v22  }
0x25b: {  	v29 =	vmax.f32 v27, $0.0e+00;
	v5 =	vadd.f32 v23, v6  }
0x25c: {  	v2 =	vadd.f32 v3, v2;
	v3 =	vmul.f32 v29, v25  }
0x25d: {  	v30 =	vmax.f32 v5, $0.0e+00  }
0x25e: {  	v2 =	vadd.f32 v3, v2;
	v3 =	vmul.f32 v30, v28;
	_ =	sdelay $0x1  }
0x25f: {  	v2 =	vadd.f32 v3, v2;
	_ =	sdelay $0x1  }
0x260: {  	(xrf2) =	vadd.scan.msk.f32 $0xffff, v2;
	_ =	sdelay $0x9  }
0x261: {  	v2, _, _ =	vpop (xrf2)  }
0x262: {  	v2 =	vbroadcast v2, $0xF;
	_ =	sdelay $0x1  }
0x263: {  	[tilespmem:v1+s20+$0x0] =	vst.idx.msk $0x1, v2  }
0x264: {  	[tilespmem:s17], [sflag:$0x5] =	stream.linear.gather [spmem:s18], $0x2800, $0x38;
	[tilespmem:$0x1C4E0] =	vst v63  }
0x265: {  	_ =	swait.ge [sflag:s8], $0x2800  }
0x266: {  	[sflag:s8] =	ssyncset.done $0x0  }
0x267: {  	s25 =	simm.s32 $0xF0;
	[sflag:s8] =	ssyncadd.s32 $0xFFFFD800  }
0x268: {  	v1 =	vmov s25;
	v2 =	vld [tilespmem:$0x84A0]  }
0x269: {  	v3 =	vld [tilespmem:$0x8490]  }
0x26a: {  	v31 =	vld [tilespmem:$0x8480]  }
0x26b: {  	v32 =	vld [tilespmem:$0x8470]  }
0x26c: {  	v33 =	vld [tilespmem:$0x8460]  }
0x26d: {  	s24 =	simm.s32 $0x3420;
	v34 =	vld.idx.msk [tilespmem:v1+s9+$0x0], $0xffff  }
0x26e: {  	v35 =	vld [tilespmem:s24+$0xFFFFFFC0]  }
0x26f: {  	v36 =	vld [tilespmem:$0x83E0]  }
0x270: {  	v37 =	vld [tilespmem:s24+$0xFFFFFFD0]  }
0x271: {  	v38 =	vld [tilespmem:$0x83F0]  }
0x272: {  	v39 =	vld [tilespmem:s24+$0xFFFFFFE0]  }
0x273: {  	v40 =	vld [tilespmem:$0x8400];
	v8 =	vmul.f32 v35, v34  }
0x274: {  	v41 =	vld [tilespmem:s24+$0xFFFFFFF0]  }
0x275: {  	v43 =	vld [tilespmem:$0x8410];
	v42 =	vmul.f32 v37, v34;
	v8 =	vadd.f32 v36, v8  }
0x276: {  	v44 =	vld [tilespmem:s24+$0x0]  }
0x277: {  	v46 =	vld [tilespmem:$0x8420];
	v45 =	vmul.f32 v39, v34;
	v9 =	vadd.f32 v38, v42;
	v8 =	vmax.f32 v8, $0.0e+00  }
0x278: {  	v47 =	vld [tilespmem:s24+$0x10];
	v6 =	vmul.f32 v8, v33  }
0x279: {  	v49 =	vld [tilespmem:$0x8430];
	v48 =	vmul.f32 v41, v34;
	v11 =	vadd.f32 v40, v45;
	v9 =	vmax.f32 v9, $0.0e+00  }
0x27a: {  	v50 =	vld [tilespmem:s24+$0x20];
	v5 =	vmul.f32 v9, v32;
	v6 =	vadd.f32 $0.0e+00, v6  }
0x27b: {  	v52 =	vld [tilespmem:$0x8440];
	v51 =	vmul.f32 v44, v34;
	v10 =	vadd.f32 v43, v48;
	v11 =	vmax.f32 v11, $0.0e+00  }
0x27c: {  	v53 =	vld [tilespmem:s24+$0x30];
	v4 =	vmul.f32 v11, v31;
	v5 =	vadd.f32 v5, v6  }
0x27d: {  	v55 =	vld [tilespmem:$0x84B0];
	v54 =	vadd.f32 v46, v51;
	v10 =	vmax.f32 v10, $0.0e+00;
	v8 =	vmul.f32 v47, v34  }
0x27e: {  	v56 =	vld [tilespmem:$0x8450];
	v3 =	vmul.f32 v10, v3;
	v4 =	vadd.f32 v4, v5  }
0x27f: {  	v58 =	vld [tilespmem:$0x84C0];
	v57 =	vmax.f32 v54, $0.0e+00;
	v9 =	vmul.f32 v50, v34;
	v8 =	vadd.f32 v49, v8  }
0x280: {  	v2 =	vmul.f32 v57, v2;
	v3 =	vadd.f32 v3, v4  }
0x281: {  	v61 =	vld [tilespmem:$0x84D0];
	v60 =	vadd.f32 v52, v9;
	v59 =	vmax.f32 v8, $0.0e+00;
	v6 =	vmul.f32 v53, v34  }
0x282: {  	v2 =	vadd.f32 v2, v3;
	v3 =	vmul.f32 v59, v55  }
0x283: {  	v62 =	vmax.f32 v60, $0.0e+00;
	v5 =	vadd.f32 v56, v6  }
0x284: {  	v2 =	vadd.f32 v3, v2;
	v3 =	vmul.f32 v62, v58  }
0x285: {  	v63 =	vmax.f32 v5, $0.0e+00  }
0x286: {  	v2 =	vadd.f32 v3, v2;
	v3 =	vmul.f32 v63, v61;
	_ =	sdelay $0x1  }
0x287: {  	v2 =	vadd.f32 v3, v2;
	_ =	sdelay $0x1  }
0x288: {  	(xrf2) =	vadd.scan.msk.f32 $0xffff, v2;
	_ =	sdelay $0x9  }
0x289: {  	v2, _, _ =	vpop (xrf2)  }
0x28a: {  	v2 =	vbroadcast v2, $0xF;
	_ =	sdelay $0x1  }
0x28b: {  	s31 =	simm.s32 $0xF1;
	[tilespmem:v1+s20+$0x0] =	vst.idx.msk $0x1, v2  }
0x28c: {  	s0 =	simm.s32 $0xF2;
	v1 =	vmov s31;
	v2 =	vld [tilespmem:$0x84A0]  }
.LBB2_18:
0x28d: {  	p0 =	sne.s32 s0, $0x13F;
	v3 =	vld [tilespmem:$0x8490]  }
0x28e: {  	v4 =	vld [tilespmem:$0x8480]  }
0x28f: {  	v5 =	vld [tilespmem:$0x8470]  }
0x290: {  	v6 =	vld [tilespmem:$0x8460]  }
0x291: {  	s24 =	sadd.s32 $0x80, s24;
	v7 =	vld.idx.msk [tilespmem:v1+s9+$0x0], $0xffff  }
0x292: {  	v8 =	vld [tilespmem:s24+$0xFFFFFFC0]  }
0x293: {  	v9 =	vld [tilespmem:$0x83E0]  }
0x294: {  	v10 =	vld [tilespmem:s24+$0xFFFFFFD0]  }
0x295: {  	v11 =	vld [tilespmem:$0x83F0]  }
0x296: {  	v12 =	vld [tilespmem:s24+$0xFFFFFFE0]  }
0x297: {  	v8 =	vmul.f32 v8, v7;
	v13 =	vld [tilespmem:$0x8400]  }
0x298: {  	v14 =	vld [tilespmem:s24+$0xFFFFFFF0]  }
0x299: {  	v8 =	vadd.f32 v9, v8;
	v9 =	vmul.f32 v10, v7;
	v10 =	vld [tilespmem:$0x8410]  }
0x29a: {  	v15 =	vld [tilespmem:s24+$0x0]  }
0x29b: {  	v8 =	vmax.f32 v8, $0.0e+00;
	v9 =	vadd.f32 v11, v9;
	v11 =	vmul.f32 v12, v7;
	v12 =	vld [tilespmem:$0x8420]  }
0x29c: {  	v6 =	vmul.f32 v8, v6;
	v8 =	vld [tilespmem:s24+$0x10]  }
0x29d: {  	v9 =	vmax.f32 v9, $0.0e+00;
	v11 =	vadd.f32 v13, v11;
	v13 =	vmul.f32 v14, v7;
	v14 =	vld [tilespmem:$0x8430]  }
0x29e: {  	v6 =	vadd.f32 $0.0e+00, v6;
	v5 =	vmul.f32 v9, v5;
	v9 =	vld [tilespmem:s24+$0x20]  }
0x29f: {  	v11 =	vmax.f32 v11, $0.0e+00;
	v10 =	vadd.f32 v10, v13;
	v13 =	vmul.f32 v15, v7;
	v15 =	vld [tilespmem:$0x8440]  }
0x2a0: {  	v5 =	vadd.f32 v5, v6;
	v4 =	vmul.f32 v11, v4;
	v6 =	vld [tilespmem:s24+$0x30]  }
0x2a1: {  	v10 =	vmax.f32 v10, $0.0e+00;
	v11 =	vadd.f32 v12, v13;
	v8 =	vmul.f32 v8, v7;
	v12 =	vld [tilespmem:$0x84B0]  }
0x2a2: {  	v4 =	vadd.f32 v4, v5;
	v3 =	vmul.f32 v10, v3;
	v5 =	vld [tilespmem:$0x8450]  }
0x2a3: {  	v10 =	vmax.f32 v11, $0.0e+00;
	v8 =	vadd.f32 v14, v8;
	v9 =	vmul.f32 v9, v7;
	v11 =	vld [tilespmem:$0x84C0]  }
0x2a4: {  	v3 =	vadd.f32 v3, v4;
	v2 =	vmul.f32 v10, v2  }
0x2a5: {  	v4 =	vmax.f32 v8, $0.0e+00;
	v8 =	vadd.f32 v15, v9;
	v6 =	vmul.f32 v6, v7;
	v7 =	vld [tilespmem:$0x84D0]  }
0x2a6: {  	v2 =	vadd.f32 v2, v3;
	v3 =	vmul.f32 v4, v12  }
0x2a7: {  	v4 =	vmax.f32 v8, $0.0e+00;
	v5 =	vadd.f32 v5, v6  }
0x2a8: {  	v2 =	vadd.f32 v3, v2;
	v3 =	vmul.f32 v4, v11  }
0x2a9: {  	v4 =	vmax.f32 v5, $0.0e+00  }
0x2aa: {  	v2 =	vadd.f32 v3, v2;
	v3 =	vmul.f32 v4, v7;
	_ =	sdelay $0x1  }
0x2ab: {  	v2 =	vadd.f32 v3, v2;
	_ =	sdelay $0x1  }
0x2ac: {  	(xrf2) =	vadd.scan.msk.f32 $0xffff, v2;
	_ =	sdelay $0x9  }
.Ltmp10:
0x2ad: {  	v2, _, _ =	vpop (xrf2);
	(pc) =	sbr.rel @p0 .LBB2_18-.Ltmp10, $3  }
0x2ae: {  	v2 =	vbroadcast v2, $0xF;
	_ =	sdelay $0x1  }
0x2af: {  	[tilespmem:v1+s20+$0x0] =	vst.idx.msk $0x1, v2  }
0x2b0: {  	v1 =	vmov s0;
	s0 =	sadd.s32 $0x1, s0;
	v2 =	vld [tilespmem:$0x84A0]  }
0x2b1: {  	v3 =	vld [tilespmem:$0x8490]  }
0x2b2: {  	v4 =	vld [tilespmem:$0x8480]  }
0x2b3: {  	v5 =	vld [tilespmem:$0x8470]  }
0x2b4: {  	v6 =	vld [tilespmem:$0x8460]  }
0x2b5: {  	v7 =	vld.idx.msk [tilespmem:v1+s9+$0x0], $0xffff;
	s0 =	sadd.s32 $0x80, s24  }
0x2b6: {  	v8 =	vld [tilespmem:s0+$0xFFFFFFC0]  }
0x2b7: {  	v9 =	vld [tilespmem:$0x83E0]  }
0x2b8: {  	v10 =	vld [tilespmem:s0+$0xFFFFFFD0]  }
0x2b9: {  	v11 =	vld [tilespmem:$0x83F0]  }
0x2ba: {  	v12 =	vld [tilespmem:s0+$0xFFFFFFE0]  }
0x2bb: {  	v13 =	vld [tilespmem:$0x8400];
	v8 =	vmul.f32 v8, v7  }
0x2bc: {  	v14 =	vld [tilespmem:s0+$0xFFFFFFF0]  }
0x2bd: {  	v57 =	vld [tilespmem:$0x8410];
	v56 =	vmul.f32 v10, v7;
	v8 =	vadd.f32 v9, v8  }
0x2be: {  	v15 =	vld [tilespmem:s0+$0x0]  }
0x2bf: {  	v59 =	vld [tilespmem:$0x8420];
	v58 =	vmul.f32 v12, v7;
	v9 =	vadd.f32 v11, v56;
	v8 =	vmax.f32 v8, $0.0e+00  }
0x2c0: {  	v60 =	vld [tilespmem:s0+$0x10];
	v6 =	vmul.f32 v8, v6  }
0x2c1: {  	v62 =	vld [tilespmem:$0x8430];
	v61 =	vmul.f32 v14, v7;
	v11 =	vadd.f32 v13, v58;
	v9 =	vmax.f32 v9, $0.0e+00  }
0x2c2: {  	v63 =	vld [tilespmem:s0+$0x20];
	v5 =	vmul.f32 v9, v5;
	v6 =	vadd.f32 $0.0e+00, v6  }
0x2c3: {  	v19 =	vld [tilespmem:$0x8440];
	v18 =	vmul.f32 v15, v7;
	v10 =	vadd.f32 v57, v61;
	v11 =	vmax.f32 v11, $0.0e+00  }
0x2c4: {  	v20 =	vld [tilespmem:s0+$0x30];
	v4 =	vmul.f32 v11, v4;
	v5 =	vadd.f32 v5, v6  }
0x2c5: {  	v22 =	vld [tilespmem:$0x84B0];
	v21 =	vadd.f32 v59, v18;
	v10 =	vmax.f32 v10, $0.0e+00;
	v8 =	vmul.f32 v60, v7  }
0x2c6: {  	v23 =	vld [tilespmem:$0x8450];
	v3 =	vmul.f32 v10, v3;
	v4 =	vadd.f32 v4, v5  }
0x2c7: {  	v25 =	vld [tilespmem:$0x84C0];
	v24 =	vmax.f32 v21, $0.0e+00;
	v9 =	vmul.f32 v63, v7;
	v8 =	vadd.f32 v62, v8  }
0x2c8: {  	v2 =	vmul.f32 v24, v2;
	v3 =	vadd.f32 v3, v4  }
0x2c9: {  	v28 =	vld [tilespmem:$0x84D0];
	v27 =	vadd.f32 v19, v9;
	v26 =	vmax.f32 v8, $0.0e+00;
	v6 =	vmul.f32 v20, v7  }
0x2ca: {  	v2 =	vadd.f32 v2, v3;
	v3 =	vmul.f32 v26, v22  }
0x2cb: {  	v29 =	vmax.f32 v27, $0.0e+00;
	v5 =	vadd.f32 v23, v6  }
0x2cc: {  	v2 =	vadd.f32 v3, v2;
	v3 =	vmul.f32 v29, v25  }
0x2cd: {  	v30 =	vmax.f32 v5, $0.0e+00  }
0x2ce: {  	v2 =	vadd.f32 v3, v2;
	v3 =	vmul.f32 v30, v28;
	_ =	sdelay $0x1  }
0x2cf: {  	v2 =	vadd.f32 v3, v2;
	_ =	sdelay $0x1  }
0x2d0: {  	(xrf2) =	vadd.scan.msk.f32 $0xffff, v2;
	_ =	sdelay $0x9  }
0x2d1: {  	v2, _, _ =	vpop (xrf2)  }
0x2d2: {  	v2 =	vbroadcast v2, $0xF;
	_ =	sdelay $0x1  }
0x2d3: {  	[tilespmem:v1+s20+$0x0] =	vst.idx.msk $0x1, v2  }
0x2d4: {  	[tilespmem:s17], [sflag:$0x5] =	stream.linear.gather [spmem:s26], $0x2800, $0x38;
	[tilespmem:$0x1C4E0] =	vst v63  }
0x2d5: {  	_ =	swait.ge [sflag:s8], $0x2800  }
0x2d6: {  	[sflag:s8] =	ssyncset.done $0x0  }
0x2d7: {  	s25 =	simm.s32 $0x140;
	[sflag:s8] =	ssyncadd.s32 $0xFFFFD800  }
0x2d8: {  	v1 =	vmov s25;
	v2 =	vld [tilespmem:$0x84A0]  }
0x2d9: {  	v3 =	vld [tilespmem:$0x8490]  }
0x2da: {  	v31 =	vld [tilespmem:$0x8480]  }
0x2db: {  	v32 =	vld [tilespmem:$0x8470]  }
0x2dc: {  	v33 =	vld [tilespmem:$0x8460]  }
0x2dd: {  	s24 =	simm.s32 $0x3420;
	v34 =	vld.idx.msk [tilespmem:v1+s9+$0x0], $0xffff  }
0x2de: {  	v35 =	vld [tilespmem:s24+$0xFFFFFFC0]  }
0x2df: {  	v36 =	vld [tilespmem:$0x83E0]  }
0x2e0: {  	v37 =	vld [tilespmem:s24+$0xFFFFFFD0]  }
0x2e1: {  	v38 =	vld [tilespmem:$0x83F0]  }
0x2e2: {  	v39 =	vld [tilespmem:s24+$0xFFFFFFE0]  }
0x2e3: {  	v40 =	vld [tilespmem:$0x8400];
	v8 =	vmul.f32 v35, v34  }
0x2e4: {  	v41 =	vld [tilespmem:s24+$0xFFFFFFF0]  }
0x2e5: {  	v43 =	vld [tilespmem:$0x8410];
	v42 =	vmul.f32 v37, v34;
	v8 =	vadd.f32 v36, v8  }
0x2e6: {  	v44 =	vld [tilespmem:s24+$0x0]  }
0x2e7: {  	v46 =	vld [tilespmem:$0x8420];
	v45 =	vmul.f32 v39, v34;
	v9 =	vadd.f32 v38, v42;
	v8 =	vmax.f32 v8, $0.0e+00  }
0x2e8: {  	v47 =	vld [tilespmem:s24+$0x10];
	v6 =	vmul.f32 v8, v33  }
0x2e9: {  	v49 =	vld [tilespmem:$0x8430];
	v48 =	vmul.f32 v41, v34;
	v11 =	vadd.f32 v40, v45;
	v9 =	vmax.f32 v9, $0.0e+00  }
0x2ea: {  	v50 =	vld [tilespmem:s24+$0x20];
	v5 =	vmul.f32 v9, v32;
	v6 =	vadd.f32 $0.0e+00, v6  }
0x2eb: {  	v52 =	vld [tilespmem:$0x8440];
	v51 =	vmul.f32 v44, v34;
	v10 =	vadd.f32 v43, v48;
	v11 =	vmax.f32 v11, $0.0e+00  }
0x2ec: {  	v53 =	vld [tilespmem:s24+$0x30];
	v4 =	vmul.f32 v11, v31;
	v5 =	vadd.f32 v5, v6  }
0x2ed: {  	v55 =	vld [tilespmem:$0x84B0];
	v54 =	vadd.f32 v46, v51;
	v10 =	vmax.f32 v10, $0.0e+00;
	v8 =	vmul.f32 v47, v34  }
0x2ee: {  	v56 =	vld [tilespmem:$0x8450];
	v3 =	vmul.f32 v10, v3;
	v4 =	vadd.f32 v4, v5  }
0x2ef: {  	v58 =	vld [tilespmem:$0x84C0];
	v57 =	vmax.f32 v54, $0.0e+00;
	v9 =	vmul.f32 v50, v34;
	v8 =	vadd.f32 v49, v8  }
0x2f0: {  	v2 =	vmul.f32 v57, v2;
	v3 =	vadd.f32 v3, v4  }
0x2f1: {  	v61 =	vld [tilespmem:$0x84D0];
	v60 =	vadd.f32 v52, v9;
	v59 =	vmax.f32 v8, $0.0e+00;
	v6 =	vmul.f32 v53, v34  }
0x2f2: {  	v2 =	vadd.f32 v2, v3;
	v3 =	vmul.f32 v59, v55  }
0x2f3: {  	v62 =	vmax.f32 v60, $0.0e+00;
	v5 =	vadd.f32 v56, v6  }
0x2f4: {  	v2 =	vadd.f32 v3, v2;
	v3 =	vmul.f32 v62, v58  }
0x2f5: {  	v63 =	vmax.f32 v5, $0.0e+00  }
0x2f6: {  	v2 =	vadd.f32 v3, v2;
	v3 =	vmul.f32 v63, v61;
	_ =	sdelay $0x1  }
0x2f7: {  	v2 =	vadd.f32 v3, v2;
	_ =	sdelay $0x1  }
0x2f8: {  	(xrf2) =	vadd.scan.msk.f32 $0xffff, v2;
	_ =	sdelay $0x9  }
0x2f9: {  	v2, _, _ =	vpop (xrf2)  }
0x2fa: {  	v2 =	vbroadcast v2, $0xF;
	_ =	sdelay $0x1  }
0x2fb: {  	s31 =	simm.s32 $0x141;
	[tilespmem:v1+s20+$0x0] =	vst.idx.msk $0x1, v2  }
0x2fc: {  	s0 =	simm.s32 $0x142;
	v1 =	vmov s31;
	v2 =	vld [tilespmem:$0x84A0]  }
.LBB2_20:
0x2fd: {  	p0 =	sne.s32 s0, $0x18F;
	v3 =	vld [tilespmem:$0x8490]  }
0x2fe: {  	v4 =	vld [tilespmem:$0x8480]  }
0x2ff: {  	v5 =	vld [tilespmem:$0x8470]  }
0x300: {  	v6 =	vld [tilespmem:$0x8460]  }
0x301: {  	s24 =	sadd.s32 $0x80, s24;
	v7 =	vld.idx.msk [tilespmem:v1+s9+$0x0], $0xffff  }
0x302: {  	v8 =	vld [tilespmem:s24+$0xFFFFFFC0]  }
0x303: {  	v9 =	vld [tilespmem:$0x83E0]  }
0x304: {  	v10 =	vld [tilespmem:s24+$0xFFFFFFD0]  }
0x305: {  	v11 =	vld [tilespmem:$0x83F0]  }
0x306: {  	v12 =	vld [tilespmem:s24+$0xFFFFFFE0]  }
0x307: {  	v8 =	vmul.f32 v8, v7;
	v13 =	vld [tilespmem:$0x8400]  }
0x308: {  	v14 =	vld [tilespmem:s24+$0xFFFFFFF0]  }
0x309: {  	v8 =	vadd.f32 v9, v8;
	v9 =	vmul.f32 v10, v7;
	v10 =	vld [tilespmem:$0x8410]  }
0x30a: {  	v15 =	vld [tilespmem:s24+$0x0]  }
0x30b: {  	v8 =	vmax.f32 v8, $0.0e+00;
	v9 =	vadd.f32 v11, v9;
	v11 =	vmul.f32 v12, v7;
	v12 =	vld [tilespmem:$0x8420]  }
0x30c: {  	v6 =	vmul.f32 v8, v6;
	v8 =	vld [tilespmem:s24+$0x10]  }
0x30d: {  	v9 =	vmax.f32 v9, $0.0e+00;
	v11 =	vadd.f32 v13, v11;
	v13 =	vmul.f32 v14, v7;
	v14 =	vld [tilespmem:$0x8430]  }
0x30e: {  	v6 =	vadd.f32 $0.0e+00, v6;
	v5 =	vmul.f32 v9, v5;
	v9 =	vld [tilespmem:s24+$0x20]  }
0x30f: {  	v11 =	vmax.f32 v11, $0.0e+00;
	v10 =	vadd.f32 v10, v13;
	v13 =	vmul.f32 v15, v7;
	v15 =	vld [tilespmem:$0x8440]  }
0x310: {  	v5 =	vadd.f32 v5, v6;
	v4 =	vmul.f32 v11, v4;
	v6 =	vld [tilespmem:s24+$0x30]  }
0x311: {  	v10 =	vmax.f32 v10, $0.0e+00;
	v11 =	vadd.f32 v12, v13;
	v8 =	vmul.f32 v8, v7;
	v12 =	vld [tilespmem:$0x84B0]  }
0x312: {  	v4 =	vadd.f32 v4, v5;
	v3 =	vmul.f32 v10, v3;
	v5 =	vld [tilespmem:$0x8450]  }
0x313: {  	v10 =	vmax.f32 v11, $0.0e+00;
	v8 =	vadd.f32 v14, v8;
	v9 =	vmul.f32 v9, v7;
	v11 =	vld [tilespmem:$0x84C0]  }
0x314: {  	v3 =	vadd.f32 v3, v4;
	v2 =	vmul.f32 v10, v2  }
0x315: {  	v4 =	vmax.f32 v8, $0.0e+00;
	v8 =	vadd.f32 v15, v9;
	v6 =	vmul.f32 v6, v7;
	v7 =	vld [tilespmem:$0x84D0]  }
0x316: {  	v2 =	vadd.f32 v2, v3;
	v3 =	vmul.f32 v4, v12  }
0x317: {  	v4 =	vmax.f32 v8, $0.0e+00;
	v5 =	vadd.f32 v5, v6  }
0x318: {  	v2 =	vadd.f32 v3, v2;
	v3 =	vmul.f32 v4, v11  }
0x319: {  	v4 =	vmax.f32 v5, $0.0e+00  }
0x31a: {  	v2 =	vadd.f32 v3, v2;
	v3 =	vmul.f32 v4, v7;
	_ =	sdelay $0x1  }
0x31b: {  	v2 =	vadd.f32 v3, v2;
	_ =	sdelay $0x1  }
0x31c: {  	(xrf2) =	vadd.scan.msk.f32 $0xffff, v2;
	_ =	sdelay $0x9  }
.Ltmp11:
0x31d: {  	v2, _, _ =	vpop (xrf2);
	(pc) =	sbr.rel @p0 .LBB2_20-.Ltmp11, $3  }
0x31e: {  	v2 =	vbroadcast v2, $0xF;
	_ =	sdelay $0x1  }
0x31f: {  	[tilespmem:v1+s20+$0x0] =	vst.idx.msk $0x1, v2  }
0x320: {  	v1 =	vmov s0;
	s0 =	sadd.s32 $0x1, s0;
	v2 =	vld [tilespmem:$0x84A0]  }
0x321: {  	v3 =	vld [tilespmem:$0x8490]  }
0x322: {  	v4 =	vld [tilespmem:$0x8480]  }
0x323: {  	v5 =	vld [tilespmem:$0x8470]  }
0x324: {  	v6 =	vld [tilespmem:$0x8460]  }
0x325: {  	v7 =	vld.idx.msk [tilespmem:v1+s9+$0x0], $0xffff;
	s0 =	sadd.s32 $0x80, s24  }
0x326: {  	v8 =	vld [tilespmem:s0+$0xFFFFFFC0]  }
0x327: {  	v9 =	vld [tilespmem:$0x83E0]  }
0x328: {  	v10 =	vld [tilespmem:s0+$0xFFFFFFD0]  }
0x329: {  	v11 =	vld [tilespmem:$0x83F0]  }
0x32a: {  	v12 =	vld [tilespmem:s0+$0xFFFFFFE0]  }
0x32b: {  	v13 =	vld [tilespmem:$0x8400];
	v8 =	vmul.f32 v8, v7  }
0x32c: {  	v14 =	vld [tilespmem:s0+$0xFFFFFFF0]  }
0x32d: {  	v57 =	vld [tilespmem:$0x8410];
	v56 =	vmul.f32 v10, v7;
	v8 =	vadd.f32 v9, v8  }
0x32e: {  	v15 =	vld [tilespmem:s0+$0x0]  }
0x32f: {  	v59 =	vld [tilespmem:$0x8420];
	v58 =	vmul.f32 v12, v7;
	v9 =	vadd.f32 v11, v56;
	v8 =	vmax.f32 v8, $0.0e+00  }
0x330: {  	v60 =	vld [tilespmem:s0+$0x10];
	v6 =	vmul.f32 v8, v6  }
0x331: {  	v62 =	vld [tilespmem:$0x8430];
	v61 =	vmul.f32 v14, v7;
	v11 =	vadd.f32 v13, v58;
	v9 =	vmax.f32 v9, $0.0e+00  }
0x332: {  	v63 =	vld [tilespmem:s0+$0x20];
	v5 =	vmul.f32 v9, v5;
	v6 =	vadd.f32 $0.0e+00, v6  }
0x333: {  	v19 =	vld [tilespmem:$0x8440];
	v18 =	vmul.f32 v15, v7;
	v10 =	vadd.f32 v57, v61;
	v11 =	vmax.f32 v11, $0.0e+00  }
0x334: {  	v20 =	vld [tilespmem:s0+$0x30];
	v4 =	vmul.f32 v11, v4;
	v5 =	vadd.f32 v5, v6  }
0x335: {  	v22 =	vld [tilespmem:$0x84B0];
	v21 =	vadd.f32 v59, v18;
	v10 =	vmax.f32 v10, $0.0e+00;
	v8 =	vmul.f32 v60, v7  }
0x336: {  	v23 =	vld [tilespmem:$0x8450];
	v3 =	vmul.f32 v10, v3;
	v4 =	vadd.f32 v4, v5  }
0x337: {  	v25 =	vld [tilespmem:$0x84C0];
	v24 =	vmax.f32 v21, $0.0e+00;
	v9 =	vmul.f32 v63, v7;
	v8 =	vadd.f32 v62, v8  }
0x338: {  	v2 =	vmul.f32 v24, v2;
	v3 =	vadd.f32 v3, v4  }
0x339: {  	v28 =	vld [tilespmem:$0x84D0];
	v27 =	vadd.f32 v19, v9;
	v26 =	vmax.f32 v8, $0.0e+00;
	v6 =	vmul.f32 v20, v7  }
0x33a: {  	v2 =	vadd.f32 v2, v3;
	v3 =	vmul.f32 v26, v22  }
0x33b: {  	v29 =	vmax.f32 v27, $0.0e+00;
	v5 =	vadd.f32 v23, v6  }
0x33c: {  	v2 =	vadd.f32 v3, v2;
	v3 =	vmul.f32 v29, v25  }
0x33d: {  	v30 =	vmax.f32 v5, $0.0e+00  }
0x33e: {  	v2 =	vadd.f32 v3, v2;
	v3 =	vmul.f32 v30, v28;
	_ =	sdelay $0x1  }
0x33f: {  	v2 =	vadd.f32 v3, v2;
	_ =	sdelay $0x1  }
0x340: {  	(xrf2) =	vadd.scan.msk.f32 $0xffff, v2;
	_ =	sdelay $0x9  }
0x341: {  	v2, _, _ =	vpop (xrf2)  }
0x342: {  	v2 =	vbroadcast v2, $0xF;
	_ =	sdelay $0x1  }
0x343: {  	[tilespmem:v1+s20+$0x0] =	vst.idx.msk $0x1, v2  }
0x344: {  	[tilespmem:s17], [sflag:$0x5] =	stream.linear.gather [spmem:s28], $0x2800, $0x38;
	[tilespmem:$0x1C4E0] =	vst v63  }
0x345: {  	_ =	swait.ge [sflag:s8], $0x2800  }
0x346: {  	[sflag:s8] =	ssyncset.done $0x0  }
0x347: {  	s25 =	simm.s32 $0x190;
	[sflag:s8] =	ssyncadd.s32 $0xFFFFD800  }
0x348: {  	v1 =	vmov s25;
	v2 =	vld [tilespmem:$0x84A0]  }
0x349: {  	v3 =	vld [tilespmem:$0x8490]  }
0x34a: {  	v31 =	vld [tilespmem:$0x8480]  }
0x34b: {  	v32 =	vld [tilespmem:$0x8470]  }
0x34c: {  	v33 =	vld [tilespmem:$0x8460]  }
0x34d: {  	s24 =	simm.s32 $0x3420;
	v34 =	vld.idx.msk [tilespmem:v1+s9+$0x0], $0xffff  }
0x34e: {  	v35 =	vld [tilespmem:s24+$0xFFFFFFC0]  }
0x34f: {  	v36 =	vld [tilespmem:$0x83E0]  }
0x350: {  	v37 =	vld [tilespmem:s24+$0xFFFFFFD0]  }
0x351: {  	v38 =	vld [tilespmem:$0x83F0]  }
0x352: {  	v39 =	vld [tilespmem:s24+$0xFFFFFFE0]  }
0x353: {  	v40 =	vld [tilespmem:$0x8400];
	v8 =	vmul.f32 v35, v34  }
0x354: {  	v41 =	vld [tilespmem:s24+$0xFFFFFFF0]  }
0x355: {  	v43 =	vld [tilespmem:$0x8410];
	v42 =	vmul.f32 v37, v34;
	v8 =	vadd.f32 v36, v8  }
0x356: {  	v44 =	vld [tilespmem:s24+$0x0]  }
0x357: {  	v46 =	vld [tilespmem:$0x8420];
	v45 =	vmul.f32 v39, v34;
	v9 =	vadd.f32 v38, v42;
	v8 =	vmax.f32 v8, $0.0e+00  }
0x358: {  	v47 =	vld [tilespmem:s24+$0x10];
	v6 =	vmul.f32 v8, v33  }
0x359: {  	v49 =	vld [tilespmem:$0x8430];
	v48 =	vmul.f32 v41, v34;
	v11 =	vadd.f32 v40, v45;
	v9 =	vmax.f32 v9, $0.0e+00  }
0x35a: {  	v50 =	vld [tilespmem:s24+$0x20];
	v5 =	vmul.f32 v9, v32;
	v6 =	vadd.f32 $0.0e+00, v6  }
0x35b: {  	v52 =	vld [tilespmem:$0x8440];
	v51 =	vmul.f32 v44, v34;
	v10 =	vadd.f32 v43, v48;
	v11 =	vmax.f32 v11, $0.0e+00  }
0x35c: {  	v53 =	vld [tilespmem:s24+$0x30];
	v4 =	vmul.f32 v11, v31;
	v5 =	vadd.f32 v5, v6  }
0x35d: {  	v55 =	vld [tilespmem:$0x84B0];
	v54 =	vadd.f32 v46, v51;
	v10 =	vmax.f32 v10, $0.0e+00;
	v8 =	vmul.f32 v47, v34  }
0x35e: {  	v56 =	vld [tilespmem:$0x8450];
	v3 =	vmul.f32 v10, v3;
	v4 =	vadd.f32 v4, v5  }
0x35f: {  	v58 =	vld [tilespmem:$0x84C0];
	v57 =	vmax.f32 v54, $0.0e+00;
	v9 =	vmul.f32 v50, v34;
	v8 =	vadd.f32 v49, v8  }
0x360: {  	v2 =	vmul.f32 v57, v2;
	v3 =	vadd.f32 v3, v4  }
0x361: {  	v61 =	vld [tilespmem:$0x84D0];
	v60 =	vadd.f32 v52, v9;
	v59 =	vmax.f32 v8, $0.0e+00;
	v6 =	vmul.f32 v53, v34  }
0x362: {  	v2 =	vadd.f32 v2, v3;
	v3 =	vmul.f32 v59, v55  }
0x363: {  	v62 =	vmax.f32 v60, $0.0e+00;
	v5 =	vadd.f32 v56, v6  }
0x364: {  	v2 =	vadd.f32 v3, v2;
	v3 =	vmul.f32 v62, v58  }
0x365: {  	v63 =	vmax.f32 v5, $0.0e+00  }
0x366: {  	v2 =	vadd.f32 v3, v2;
	v3 =	vmul.f32 v63, v61;
	_ =	sdelay $0x1  }
0x367: {  	v2 =	vadd.f32 v3, v2;
	_ =	sdelay $0x1  }
0x368: {  	(xrf2) =	vadd.scan.msk.f32 $0xffff, v2;
	_ =	sdelay $0x9  }
0x369: {  	v2, _, _ =	vpop (xrf2)  }
0x36a: {  	v2 =	vbroadcast v2, $0xF;
	_ =	sdelay $0x1  }
0x36b: {  	s31 =	simm.s32 $0x191;
	[tilespmem:v1+s20+$0x0] =	vst.idx.msk $0x1, v2  }
0x36c: {  	s0 =	simm.s32 $0x192;
	v1 =	vmov s31;
	v2 =	vld [tilespmem:$0x84A0]  }
.LBB2_22:
0x36d: {  	p0 =	sne.s32 s0, $0x1DF;
	v3 =	vld [tilespmem:$0x8490]  }
0x36e: {  	v4 =	vld [tilespmem:$0x8480]  }
0x36f: {  	v5 =	vld [tilespmem:$0x8470]  }
0x370: {  	v6 =	vld [tilespmem:$0x8460]  }
0x371: {  	s24 =	sadd.s32 $0x80, s24;
	v7 =	vld.idx.msk [tilespmem:v1+s9+$0x0], $0xffff  }
0x372: {  	v8 =	vld [tilespmem:s24+$0xFFFFFFC0]  }
0x373: {  	v9 =	vld [tilespmem:$0x83E0]  }
0x374: {  	v10 =	vld [tilespmem:s24+$0xFFFFFFD0]  }
0x375: {  	v11 =	vld [tilespmem:$0x83F0]  }
0x376: {  	v12 =	vld [tilespmem:s24+$0xFFFFFFE0]  }
0x377: {  	v8 =	vmul.f32 v8, v7;
	v13 =	vld [tilespmem:$0x8400]  }
0x378: {  	v14 =	vld [tilespmem:s24+$0xFFFFFFF0]  }
0x379: {  	v8 =	vadd.f32 v9, v8;
	v9 =	vmul.f32 v10, v7;
	v10 =	vld [tilespmem:$0x8410]  }
0x37a: {  	v15 =	vld [tilespmem:s24+$0x0]  }
0x37b: {  	v8 =	vmax.f32 v8, $0.0e+00;
	v9 =	vadd.f32 v11, v9;
	v11 =	vmul.f32 v12, v7;
	v12 =	vld [tilespmem:$0x8420]  }
0x37c: {  	v6 =	vmul.f32 v8, v6;
	v8 =	vld [tilespmem:s24+$0x10]  }
0x37d: {  	v9 =	vmax.f32 v9, $0.0e+00;
	v11 =	vadd.f32 v13, v11;
	v13 =	vmul.f32 v14, v7;
	v14 =	vld [tilespmem:$0x8430]  }
0x37e: {  	v6 =	vadd.f32 $0.0e+00, v6;
	v5 =	vmul.f32 v9, v5;
	v9 =	vld [tilespmem:s24+$0x20]  }
0x37f: {  	v11 =	vmax.f32 v11, $0.0e+00;
	v10 =	vadd.f32 v10, v13;
	v13 =	vmul.f32 v15, v7;
	v15 =	vld [tilespmem:$0x8440]  }
0x380: {  	v5 =	vadd.f32 v5, v6;
	v4 =	vmul.f32 v11, v4;
	v6 =	vld [tilespmem:s24+$0x30]  }
0x381: {  	v10 =	vmax.f32 v10, $0.0e+00;
	v11 =	vadd.f32 v12, v13;
	v8 =	vmul.f32 v8, v7;
	v12 =	vld [tilespmem:$0x84B0]  }
0x382: {  	v4 =	vadd.f32 v4, v5;
	v3 =	vmul.f32 v10, v3;
	v5 =	vld [tilespmem:$0x8450]  }
0x383: {  	v10 =	vmax.f32 v11, $0.0e+00;
	v8 =	vadd.f32 v14, v8;
	v9 =	vmul.f32 v9, v7;
	v11 =	vld [tilespmem:$0x84C0]  }
0x384: {  	v3 =	vadd.f32 v3, v4;
	v2 =	vmul.f32 v10, v2  }
0x385: {  	v4 =	vmax.f32 v8, $0.0e+00;
	v8 =	vadd.f32 v15, v9;
	v6 =	vmul.f32 v6, v7;
	v7 =	vld [tilespmem:$0x84D0]  }
0x386: {  	v2 =	vadd.f32 v2, v3;
	v3 =	vmul.f32 v4, v12  }
0x387: {  	v4 =	vmax.f32 v8, $0.0e+00;
	v5 =	vadd.f32 v5, v6  }
0x388: {  	v2 =	vadd.f32 v3, v2;
	v3 =	vmul.f32 v4, v11  }
0x389: {  	v4 =	vmax.f32 v5, $0.0e+00  }
0x38a: {  	v2 =	vadd.f32 v3, v2;
	v3 =	vmul.f32 v4, v7;
	_ =	sdelay $0x1  }
0x38b: {  	v2 =	vadd.f32 v3, v2;
	_ =	sdelay $0x1  }
0x38c: {  	(xrf2) =	vadd.scan.msk.f32 $0xffff, v2;
	_ =	sdelay $0x9  }
.Ltmp12:
0x38d: {  	v2, _, _ =	vpop (xrf2);
	(pc) =	sbr.rel @p0 .LBB2_22-.Ltmp12, $3  }
0x38e: {  	v2 =	vbroadcast v2, $0xF;
	_ =	sdelay $0x1  }
0x38f: {  	[tilespmem:v1+s20+$0x0] =	vst.idx.msk $0x1, v2  }
0x390: {  	v1 =	vmov s0;
	s0 =	sadd.s32 $0x1, s0;
	v2 =	vld [tilespmem:$0x84A0]  }
0x391: {  	v3 =	vld [tilespmem:$0x8490]  }
0x392: {  	v4 =	vld [tilespmem:$0x8480]  }
0x393: {  	v5 =	vld [tilespmem:$0x8470]  }
0x394: {  	v6 =	vld [tilespmem:$0x8460]  }
0x395: {  	v7 =	vld.idx.msk [tilespmem:v1+s9+$0x0], $0xffff;
	s0 =	sadd.s32 $0x80, s24  }
0x396: {  	v8 =	vld [tilespmem:s0+$0xFFFFFFC0]  }
0x397: {  	v9 =	vld [tilespmem:$0x83E0]  }
0x398: {  	v10 =	vld [tilespmem:s0+$0xFFFFFFD0]  }
0x399: {  	v11 =	vld [tilespmem:$0x83F0]  }
0x39a: {  	v12 =	vld [tilespmem:s0+$0xFFFFFFE0]  }
0x39b: {  	v13 =	vld [tilespmem:$0x8400];
	v8 =	vmul.f32 v8, v7  }
0x39c: {  	v14 =	vld [tilespmem:s0+$0xFFFFFFF0]  }
0x39d: {  	v57 =	vld [tilespmem:$0x8410];
	v56 =	vmul.f32 v10, v7;
	v8 =	vadd.f32 v9, v8  }
0x39e: {  	v15 =	vld [tilespmem:s0+$0x0]  }
0x39f: {  	v59 =	vld [tilespmem:$0x8420];
	v58 =	vmul.f32 v12, v7;
	v9 =	vadd.f32 v11, v56;
	v8 =	vmax.f32 v8, $0.0e+00  }
0x3a0: {  	v60 =	vld [tilespmem:s0+$0x10];
	v6 =	vmul.f32 v8, v6  }
0x3a1: {  	v62 =	vld [tilespmem:$0x8430];
	v61 =	vmul.f32 v14, v7;
	v11 =	vadd.f32 v13, v58;
	v9 =	vmax.f32 v9, $0.0e+00  }
0x3a2: {  	v63 =	vld [tilespmem:s0+$0x20];
	v5 =	vmul.f32 v9, v5;
	v6 =	vadd.f32 $0.0e+00, v6  }
0x3a3: {  	v19 =	vld [tilespmem:$0x8440];
	v18 =	vmul.f32 v15, v7;
	v10 =	vadd.f32 v57, v61;
	v11 =	vmax.f32 v11, $0.0e+00  }
0x3a4: {  	v20 =	vld [tilespmem:s0+$0x30];
	v4 =	vmul.f32 v11, v4;
	v5 =	vadd.f32 v5, v6  }
0x3a5: {  	v22 =	vld [tilespmem:$0x84B0];
	v21 =	vadd.f32 v59, v18;
	v10 =	vmax.f32 v10, $0.0e+00;
	v8 =	vmul.f32 v60, v7  }
0x3a6: {  	v23 =	vld [tilespmem:$0x8450];
	v3 =	vmul.f32 v10, v3;
	v4 =	vadd.f32 v4, v5  }
0x3a7: {  	v25 =	vld [tilespmem:$0x84C0];
	v24 =	vmax.f32 v21, $0.0e+00;
	v9 =	vmul.f32 v63, v7;
	v8 =	vadd.f32 v62, v8  }
0x3a8: {  	v2 =	vmul.f32 v24, v2;
	v3 =	vadd.f32 v3, v4  }
0x3a9: {  	v28 =	vld [tilespmem:$0x84D0];
	v27 =	vadd.f32 v19, v9;
	v26 =	vmax.f32 v8, $0.0e+00;
	v6 =	vmul.f32 v20, v7  }
0x3aa: {  	v2 =	vadd.f32 v2, v3;
	v3 =	vmul.f32 v26, v22  }
0x3ab: {  	v29 =	vmax.f32 v27, $0.0e+00;
	v5 =	vadd.f32 v23, v6  }
0x3ac: {  	v2 =	vadd.f32 v3, v2;
	v3 =	vmul.f32 v29, v25  }
0x3ad: {  	v30 =	vmax.f32 v5, $0.0e+00  }
0x3ae: {  	v2 =	vadd.f32 v3, v2;
	v3 =	vmul.f32 v30, v28;
	_ =	sdelay $0x1  }
0x3af: {  	v2 =	vadd.f32 v3, v2;
	_ =	sdelay $0x1  }
0x3b0: {  	(xrf2) =	vadd.scan.msk.f32 $0xffff, v2;
	_ =	sdelay $0x9  }
0x3b1: {  	v2, _, _ =	vpop (xrf2)  }
0x3b2: {  	v2 =	vbroadcast v2, $0xF;
	_ =	sdelay $0x1  }
0x3b3: {  	[tilespmem:v1+s20+$0x0] =	vst.idx.msk $0x1, v2  }
0x3b4: {  	[tilespmem:s17], [sflag:$0x5] =	stream.linear.gather [spmem:s29], $0x2800, $0x38;
	[tilespmem:$0x1C4E0] =	vst v63  }
0x3b5: {  	_ =	swait.ge [sflag:s8], $0x2800  }
0x3b6: {  	[sflag:s8] =	ssyncset.done $0x0  }
0x3b7: {  	s25 =	simm.s32 $0x1E0;
	[sflag:s8] =	ssyncadd.s32 $0xFFFFD800  }
0x3b8: {  	v1 =	vmov s25;
	v2 =	vld [tilespmem:$0x84A0]  }
0x3b9: {  	v3 =	vld [tilespmem:$0x8490]  }
0x3ba: {  	v31 =	vld [tilespmem:$0x8480]  }
0x3bb: {  	v32 =	vld [tilespmem:$0x8470]  }
0x3bc: {  	v33 =	vld [tilespmem:$0x8460]  }
0x3bd: {  	s24 =	simm.s32 $0x3420;
	v34 =	vld.idx.msk [tilespmem:v1+s9+$0x0], $0xffff  }
0x3be: {  	v35 =	vld [tilespmem:s24+$0xFFFFFFC0]  }
0x3bf: {  	v36 =	vld [tilespmem:$0x83E0]  }
0x3c0: {  	v37 =	vld [tilespmem:s24+$0xFFFFFFD0]  }
0x3c1: {  	v38 =	vld [tilespmem:$0x83F0]  }
0x3c2: {  	v39 =	vld [tilespmem:s24+$0xFFFFFFE0]  }
0x3c3: {  	v40 =	vld [tilespmem:$0x8400];
	v8 =	vmul.f32 v35, v34  }
0x3c4: {  	v41 =	vld [tilespmem:s24+$0xFFFFFFF0]  }
0x3c5: {  	v43 =	vld [tilespmem:$0x8410];
	v42 =	vmul.f32 v37, v34;
	v8 =	vadd.f32 v36, v8  }
0x3c6: {  	v44 =	vld [tilespmem:s24+$0x0]  }
0x3c7: {  	v46 =	vld [tilespmem:$0x8420];
	v45 =	vmul.f32 v39, v34;
	v9 =	vadd.f32 v38, v42;
	v8 =	vmax.f32 v8, $0.0e+00  }
0x3c8: {  	v47 =	vld [tilespmem:s24+$0x10];
	v6 =	vmul.f32 v8, v33  }
0x3c9: {  	v49 =	vld [tilespmem:$0x8430];
	v48 =	vmul.f32 v41, v34;
	v11 =	vadd.f32 v40, v45;
	v9 =	vmax.f32 v9, $0.0e+00  }
0x3ca: {  	v50 =	vld [tilespmem:s24+$0x20];
	v5 =	vmul.f32 v9, v32;
	v6 =	vadd.f32 $0.0e+00, v6  }
0x3cb: {  	v52 =	vld [tilespmem:$0x8440];
	v51 =	vmul.f32 v44, v34;
	v10 =	vadd.f32 v43, v48;
	v11 =	vmax.f32 v11, $0.0e+00  }
0x3cc: {  	v53 =	vld [tilespmem:s24+$0x30];
	v4 =	vmul.f32 v11, v31;
	v5 =	vadd.f32 v5, v6  }
0x3cd: {  	v55 =	vld [tilespmem:$0x84B0];
	v54 =	vadd.f32 v46, v51;
	v10 =	vmax.f32 v10, $0.0e+00;
	v8 =	vmul.f32 v47, v34  }
0x3ce: {  	v56 =	vld [tilespmem:$0x8450];
	v3 =	vmul.f32 v10, v3;
	v4 =	vadd.f32 v4, v5  }
0x3cf: {  	v58 =	vld [tilespmem:$0x84C0];
	v57 =	vmax.f32 v54, $0.0e+00;
	v9 =	vmul.f32 v50, v34;
	v8 =	vadd.f32 v49, v8  }
0x3d0: {  	v2 =	vmul.f32 v57, v2;
	v3 =	vadd.f32 v3, v4  }
0x3d1: {  	v61 =	vld [tilespmem:$0x84D0];
	v60 =	vadd.f32 v52, v9;
	v59 =	vmax.f32 v8, $0.0e+00;
	v6 =	vmul.f32 v53, v34  }
0x3d2: {  	v2 =	vadd.f32 v2, v3;
	v3 =	vmul.f32 v59, v55  }
0x3d3: {  	v62 =	vmax.f32 v60, $0.0e+00;
	v5 =	vadd.f32 v56, v6  }
0x3d4: {  	v2 =	vadd.f32 v3, v2;
	v3 =	vmul.f32 v62, v58  }
0x3d5: {  	v63 =	vmax.f32 v5, $0.0e+00  }
0x3d6: {  	v2 =	vadd.f32 v3, v2;
	v3 =	vmul.f32 v63, v61;
	_ =	sdelay $0x1  }
0x3d7: {  	v2 =	vadd.f32 v3, v2;
	_ =	sdelay $0x1  }
0x3d8: {  	(xrf2) =	vadd.scan.msk.f32 $0xffff, v2;
	_ =	sdelay $0x9  }
0x3d9: {  	v2, _, _ =	vpop (xrf2)  }
0x3da: {  	v2 =	vbroadcast v2, $0xF;
	_ =	sdelay $0x1  }
0x3db: {  	s31 =	simm.s32 $0x1E1;
	[tilespmem:v1+s20+$0x0] =	vst.idx.msk $0x1, v2  }
0x3dc: {  	s0 =	simm.s32 $0x1E2;
	v1 =	vmov s31;
	v2 =	vld [tilespmem:$0x84A0]  }
.LBB2_24:
0x3dd: {  	p0 =	sne.s32 s0, $0x22F;
	v3 =	vld [tilespmem:$0x8490]  }
0x3de: {  	v4 =	vld [tilespmem:$0x8480]  }
0x3df: {  	v5 =	vld [tilespmem:$0x8470]  }
0x3e0: {  	v6 =	vld [tilespmem:$0x8460]  }
0x3e1: {  	s24 =	sadd.s32 $0x80, s24;
	v7 =	vld.idx.msk [tilespmem:v1+s9+$0x0], $0xffff  }
0x3e2: {  	v8 =	vld [tilespmem:s24+$0xFFFFFFC0]  }
0x3e3: {  	v9 =	vld [tilespmem:$0x83E0]  }
0x3e4: {  	v10 =	vld [tilespmem:s24+$0xFFFFFFD0]  }
0x3e5: {  	v11 =	vld [tilespmem:$0x83F0]  }
0x3e6: {  	v12 =	vld [tilespmem:s24+$0xFFFFFFE0]  }
0x3e7: {  	v8 =	vmul.f32 v8, v7;
	v13 =	vld [tilespmem:$0x8400]  }
0x3e8: {  	v14 =	vld [tilespmem:s24+$0xFFFFFFF0]  }
0x3e9: {  	v8 =	vadd.f32 v9, v8;
	v9 =	vmul.f32 v10, v7;
	v10 =	vld [tilespmem:$0x8410]  }
0x3ea: {  	v15 =	vld [tilespmem:s24+$0x0]  }
0x3eb: {  	v8 =	vmax.f32 v8, $0.0e+00;
	v9 =	vadd.f32 v11, v9;
	v11 =	vmul.f32 v12, v7;
	v12 =	vld [tilespmem:$0x8420]  }
0x3ec: {  	v6 =	vmul.f32 v8, v6;
	v8 =	vld [tilespmem:s24+$0x10]  }
0x3ed: {  	v9 =	vmax.f32 v9, $0.0e+00;
	v11 =	vadd.f32 v13, v11;
	v13 =	vmul.f32 v14, v7;
	v14 =	vld [tilespmem:$0x8430]  }
0x3ee: {  	v6 =	vadd.f32 $0.0e+00, v6;
	v5 =	vmul.f32 v9, v5;
	v9 =	vld [tilespmem:s24+$0x20]  }
0x3ef: {  	v11 =	vmax.f32 v11, $0.0e+00;
	v10 =	vadd.f32 v10, v13;
	v13 =	vmul.f32 v15, v7;
	v15 =	vld [tilespmem:$0x8440]  }
0x3f0: {  	v5 =	vadd.f32 v5, v6;
	v4 =	vmul.f32 v11, v4;
	v6 =	vld [tilespmem:s24+$0x30]  }
0x3f1: {  	v10 =	vmax.f32 v10, $0.0e+00;
	v11 =	vadd.f32 v12, v13;
	v8 =	vmul.f32 v8, v7;
	v12 =	vld [tilespmem:$0x84B0]  }
0x3f2: {  	v4 =	vadd.f32 v4, v5;
	v3 =	vmul.f32 v10, v3;
	v5 =	vld [tilespmem:$0x8450]  }
0x3f3: {  	v10 =	vmax.f32 v11, $0.0e+00;
	v8 =	vadd.f32 v14, v8;
	v9 =	vmul.f32 v9, v7;
	v11 =	vld [tilespmem:$0x84C0]  }
0x3f4: {  	v3 =	vadd.f32 v3, v4;
	v2 =	vmul.f32 v10, v2  }
0x3f5: {  	v4 =	vmax.f32 v8, $0.0e+00;
	v8 =	vadd.f32 v15, v9;
	v6 =	vmul.f32 v6, v7;
	v7 =	vld [tilespmem:$0x84D0]  }
0x3f6: {  	v2 =	vadd.f32 v2, v3;
	v3 =	vmul.f32 v4, v12  }
0x3f7: {  	v4 =	vmax.f32 v8, $0.0e+00;
	v5 =	vadd.f32 v5, v6  }
0x3f8: {  	v2 =	vadd.f32 v3, v2;
	v3 =	vmul.f32 v4, v11  }
0x3f9: {  	v4 =	vmax.f32 v5, $0.0e+00  }
0x3fa: {  	v2 =	vadd.f32 v3, v2;
	v3 =	vmul.f32 v4, v7;
	_ =	sdelay $0x1  }
0x3fb: {  	v2 =	vadd.f32 v3, v2;
	_ =	sdelay $0x1  }
0x3fc: {  	(xrf2) =	vadd.scan.msk.f32 $0xffff, v2;
	_ =	sdelay $0x9  }
.Ltmp13:
0x3fd: {  	v2, _, _ =	vpop (xrf2);
	(pc) =	sbr.rel @p0 .LBB2_24-.Ltmp13, $3  }
0x3fe: {  	v2 =	vbroadcast v2, $0xF;
	_ =	sdelay $0x1  }
0x3ff: {  	[tilespmem:v1+s20+$0x0] =	vst.idx.msk $0x1, v2  }
0x400: {  	v1 =	vmov s0;
	s0 =	sadd.s32 $0x1, s0;
	v2 =	vld [tilespmem:$0x84A0]  }
0x401: {  	v3 =	vld [tilespmem:$0x8490]  }
0x402: {  	v4 =	vld [tilespmem:$0x8480]  }
0x403: {  	v5 =	vld [tilespmem:$0x8470]  }
0x404: {  	v6 =	vld [tilespmem:$0x8460]  }
0x405: {  	v7 =	vld.idx.msk [tilespmem:v1+s9+$0x0], $0xffff;
	s0 =	sadd.s32 $0x80, s24  }
0x406: {  	v8 =	vld [tilespmem:s0+$0xFFFFFFC0]  }
0x407: {  	v9 =	vld [tilespmem:$0x83E0]  }
0x408: {  	v10 =	vld [tilespmem:s0+$0xFFFFFFD0]  }
0x409: {  	v11 =	vld [tilespmem:$0x83F0]  }
0x40a: {  	v12 =	vld [tilespmem:s0+$0xFFFFFFE0]  }
0x40b: {  	v13 =	vld [tilespmem:$0x8400];
	v8 =	vmul.f32 v8, v7  }
0x40c: {  	v14 =	vld [tilespmem:s0+$0xFFFFFFF0]  }
0x40d: {  	v57 =	vld [tilespmem:$0x8410];
	v56 =	vmul.f32 v10, v7;
	v8 =	vadd.f32 v9, v8  }
0x40e: {  	v15 =	vld [tilespmem:s0+$0x0]  }
0x40f: {  	v59 =	vld [tilespmem:$0x8420];
	v58 =	vmul.f32 v12, v7;
	v9 =	vadd.f32 v11, v56;
	v8 =	vmax.f32 v8, $0.0e+00  }
0x410: {  	v60 =	vld [tilespmem:s0+$0x10];
	v6 =	vmul.f32 v8, v6  }
0x411: {  	v62 =	vld [tilespmem:$0x8430];
	v61 =	vmul.f32 v14, v7;
	v11 =	vadd.f32 v13, v58;
	v9 =	vmax.f32 v9, $0.0e+00  }
0x412: {  	v63 =	vld [tilespmem:s0+$0x20];
	v5 =	vmul.f32 v9, v5;
	v6 =	vadd.f32 $0.0e+00, v6  }
0x413: {  	v19 =	vld [tilespmem:$0x8440];
	v18 =	vmul.f32 v15, v7;
	v10 =	vadd.f32 v57, v61;
	v11 =	vmax.f32 v11, $0.0e+00  }
0x414: {  	v20 =	vld [tilespmem:s0+$0x30];
	v4 =	vmul.f32 v11, v4;
	v5 =	vadd.f32 v5, v6  }
0x415: {  	v22 =	vld [tilespmem:$0x84B0];
	v21 =	vadd.f32 v59, v18;
	v10 =	vmax.f32 v10, $0.0e+00;
	v8 =	vmul.f32 v60, v7  }
0x416: {  	v23 =	vld [tilespmem:$0x8450];
	v3 =	vmul.f32 v10, v3;
	v4 =	vadd.f32 v4, v5  }
0x417: {  	v25 =	vld [tilespmem:$0x84C0];
	v24 =	vmax.f32 v21, $0.0e+00;
	v9 =	vmul.f32 v63, v7;
	v8 =	vadd.f32 v62, v8  }
0x418: {  	v2 =	vmul.f32 v24, v2;
	v3 =	vadd.f32 v3, v4  }
0x419: {  	v28 =	vld [tilespmem:$0x84D0];
	v27 =	vadd.f32 v19, v9;
	v26 =	vmax.f32 v8, $0.0e+00;
	v6 =	vmul.f32 v20, v7  }
0x41a: {  	v2 =	vadd.f32 v2, v3;
	v3 =	vmul.f32 v26, v22  }
0x41b: {  	v29 =	vmax.f32 v27, $0.0e+00;
	v5 =	vadd.f32 v23, v6  }
0x41c: {  	v2 =	vadd.f32 v3, v2;
	v3 =	vmul.f32 v29, v25  }
0x41d: {  	v30 =	vmax.f32 v5, $0.0e+00  }
0x41e: {  	v2 =	vadd.f32 v3, v2;
	v3 =	vmul.f32 v30, v28;
	_ =	sdelay $0x1  }
0x41f: {  	v2 =	vadd.f32 v3, v2;
	_ =	sdelay $0x1  }
0x420: {  	(xrf2) =	vadd.scan.msk.f32 $0xffff, v2;
	_ =	sdelay $0x9  }
0x421: {  	v2, _, _ =	vpop (xrf2)  }
0x422: {  	v2 =	vbroadcast v2, $0xF;
	_ =	sdelay $0x1  }
0x423: {  	[tilespmem:v1+s20+$0x0] =	vst.idx.msk $0x1, v2  }
0x424: {  	[tilespmem:s17], [sflag:$0x5] =	stream.linear.gather [spmem:s30], $0x2800, $0x38;
	[tilespmem:$0x1C4E0] =	vst v63  }
0x425: {  	_ =	swait.ge [sflag:s8], $0x2800  }
0x426: {  	[sflag:s8] =	ssyncset.done $0x0  }
0x427: {  	s25 =	simm.s32 $0x230;
	[sflag:s8] =	ssyncadd.s32 $0xFFFFD800  }
0x428: {  	v1 =	vmov s25;
	v2 =	vld [tilespmem:$0x84A0]  }
0x429: {  	v3 =	vld [tilespmem:$0x8490]  }
0x42a: {  	v31 =	vld [tilespmem:$0x8480]  }
0x42b: {  	v32 =	vld [tilespmem:$0x8470]  }
0x42c: {  	v33 =	vld [tilespmem:$0x8460]  }
0x42d: {  	s24 =	simm.s32 $0x3420;
	v34 =	vld.idx.msk [tilespmem:v1+s9+$0x0], $0xffff  }
0x42e: {  	v35 =	vld [tilespmem:s24+$0xFFFFFFC0]  }
0x42f: {  	v36 =	vld [tilespmem:$0x83E0]  }
0x430: {  	v37 =	vld [tilespmem:s24+$0xFFFFFFD0]  }
0x431: {  	v38 =	vld [tilespmem:$0x83F0]  }
0x432: {  	v39 =	vld [tilespmem:s24+$0xFFFFFFE0]  }
0x433: {  	v40 =	vld [tilespmem:$0x8400];
	v8 =	vmul.f32 v35, v34  }
0x434: {  	v41 =	vld [tilespmem:s24+$0xFFFFFFF0]  }
0x435: {  	v43 =	vld [tilespmem:$0x8410];
	v42 =	vmul.f32 v37, v34;
	v8 =	vadd.f32 v36, v8  }
0x436: {  	v44 =	vld [tilespmem:s24+$0x0]  }
0x437: {  	v46 =	vld [tilespmem:$0x8420];
	v45 =	vmul.f32 v39, v34;
	v9 =	vadd.f32 v38, v42;
	v8 =	vmax.f32 v8, $0.0e+00  }
0x438: {  	v47 =	vld [tilespmem:s24+$0x10];
	v6 =	vmul.f32 v8, v33  }
0x439: {  	v49 =	vld [tilespmem:$0x8430];
	v48 =	vmul.f32 v41, v34;
	v11 =	vadd.f32 v40, v45;
	v9 =	vmax.f32 v9, $0.0e+00  }
0x43a: {  	v50 =	vld [tilespmem:s24+$0x20];
	v5 =	vmul.f32 v9, v32;
	v6 =	vadd.f32 $0.0e+00, v6  }
0x43b: {  	v52 =	vld [tilespmem:$0x8440];
	v51 =	vmul.f32 v44, v34;
	v10 =	vadd.f32 v43, v48;
	v11 =	vmax.f32 v11, $0.0e+00  }
0x43c: {  	v53 =	vld [tilespmem:s24+$0x30];
	v4 =	vmul.f32 v11, v31;
	v5 =	vadd.f32 v5, v6  }
0x43d: {  	v55 =	vld [tilespmem:$0x84B0];
	v54 =	vadd.f32 v46, v51;
	v10 =	vmax.f32 v10, $0.0e+00;
	v8 =	vmul.f32 v47, v34  }
0x43e: {  	v56 =	vld [tilespmem:$0x8450];
	v3 =	vmul.f32 v10, v3;
	v4 =	vadd.f32 v4, v5  }
0x43f: {  	v58 =	vld [tilespmem:$0x84C0];
	v57 =	vmax.f32 v54, $0.0e+00;
	v9 =	vmul.f32 v50, v34;
	v8 =	vadd.f32 v49, v8  }
0x440: {  	v2 =	vmul.f32 v57, v2;
	v3 =	vadd.f32 v3, v4  }
0x441: {  	v61 =	vld [tilespmem:$0x84D0];
	v60 =	vadd.f32 v52, v9;
	v59 =	vmax.f32 v8, $0.0e+00;
	v6 =	vmul.f32 v53, v34  }
0x442: {  	v2 =	vadd.f32 v2, v3;
	v3 =	vmul.f32 v59, v55  }
0x443: {  	v62 =	vmax.f32 v60, $0.0e+00;
	v5 =	vadd.f32 v56, v6  }
0x444: {  	v2 =	vadd.f32 v3, v2;
	v3 =	vmul.f32 v62, v58  }
0x445: {  	v63 =	vmax.f32 v5, $0.0e+00  }
0x446: {  	v2 =	vadd.f32 v3, v2;
	v3 =	vmul.f32 v63, v61;
	_ =	sdelay $0x1  }
0x447: {  	v2 =	vadd.f32 v3, v2;
	_ =	sdelay $0x1  }
0x448: {  	(xrf2) =	vadd.scan.msk.f32 $0xffff, v2;
	_ =	sdelay $0x9  }
0x449: {  	v2, _, _ =	vpop (xrf2)  }
0x44a: {  	v2 =	vbroadcast v2, $0xF;
	_ =	sdelay $0x1  }
0x44b: {  	s31 =	simm.s32 $0x231;
	[tilespmem:v1+s20+$0x0] =	vst.idx.msk $0x1, v2  }
0x44c: {  	s0 =	simm.s32 $0x232;
	v1 =	vmov s31;
	v2 =	vld [tilespmem:$0x84A0]  }
.LBB2_26:
0x44d: {  	p0 =	sne.s32 s0, $0x27F;
	v3 =	vld [tilespmem:$0x8490]  }
0x44e: {  	v4 =	vld [tilespmem:$0x8480]  }
0x44f: {  	v5 =	vld [tilespmem:$0x8470]  }
0x450: {  	v6 =	vld [tilespmem:$0x8460]  }
0x451: {  	s24 =	sadd.s32 $0x80, s24;
	v7 =	vld.idx.msk [tilespmem:v1+s9+$0x0], $0xffff  }
0x452: {  	v8 =	vld [tilespmem:s24+$0xFFFFFFC0]  }
0x453: {  	v9 =	vld [tilespmem:$0x83E0]  }
0x454: {  	v10 =	vld [tilespmem:s24+$0xFFFFFFD0]  }
0x455: {  	v11 =	vld [tilespmem:$0x83F0]  }
0x456: {  	v12 =	vld [tilespmem:s24+$0xFFFFFFE0]  }
0x457: {  	v8 =	vmul.f32 v8, v7;
	v13 =	vld [tilespmem:$0x8400]  }
0x458: {  	v14 =	vld [tilespmem:s24+$0xFFFFFFF0]  }
0x459: {  	v8 =	vadd.f32 v9, v8;
	v9 =	vmul.f32 v10, v7;
	v10 =	vld [tilespmem:$0x8410]  }
0x45a: {  	v15 =	vld [tilespmem:s24+$0x0]  }
0x45b: {  	v8 =	vmax.f32 v8, $0.0e+00;
	v9 =	vadd.f32 v11, v9;
	v11 =	vmul.f32 v12, v7;
	v12 =	vld [tilespmem:$0x8420]  }
0x45c: {  	v6 =	vmul.f32 v8, v6;
	v8 =	vld [tilespmem:s24+$0x10]  }
0x45d: {  	v9 =	vmax.f32 v9, $0.0e+00;
	v11 =	vadd.f32 v13, v11;
	v13 =	vmul.f32 v14, v7;
	v14 =	vld [tilespmem:$0x8430]  }
0x45e: {  	v6 =	vadd.f32 $0.0e+00, v6;
	v5 =	vmul.f32 v9, v5;
	v9 =	vld [tilespmem:s24+$0x20]  }
0x45f: {  	v11 =	vmax.f32 v11, $0.0e+00;
	v10 =	vadd.f32 v10, v13;
	v13 =	vmul.f32 v15, v7;
	v15 =	vld [tilespmem:$0x8440]  }
0x460: {  	v5 =	vadd.f32 v5, v6;
	v4 =	vmul.f32 v11, v4;
	v6 =	vld [tilespmem:s24+$0x30]  }
0x461: {  	v10 =	vmax.f32 v10, $0.0e+00;
	v11 =	vadd.f32 v12, v13;
	v8 =	vmul.f32 v8, v7;
	v12 =	vld [tilespmem:$0x84B0]  }
0x462: {  	v4 =	vadd.f32 v4, v5;
	v3 =	vmul.f32 v10, v3;
	v5 =	vld [tilespmem:$0x8450]  }
0x463: {  	v10 =	vmax.f32 v11, $0.0e+00;
	v8 =	vadd.f32 v14, v8;
	v9 =	vmul.f32 v9, v7;
	v11 =	vld [tilespmem:$0x84C0]  }
0x464: {  	v3 =	vadd.f32 v3, v4;
	v2 =	vmul.f32 v10, v2  }
0x465: {  	v4 =	vmax.f32 v8, $0.0e+00;
	v8 =	vadd.f32 v15, v9;
	v6 =	vmul.f32 v6, v7;
	v7 =	vld [tilespmem:$0x84D0]  }
0x466: {  	v2 =	vadd.f32 v2, v3;
	v3 =	vmul.f32 v4, v12  }
0x467: {  	v4 =	vmax.f32 v8, $0.0e+00;
	v5 =	vadd.f32 v5, v6  }
0x468: {  	v2 =	vadd.f32 v3, v2;
	v3 =	vmul.f32 v4, v11  }
0x469: {  	v4 =	vmax.f32 v5, $0.0e+00  }
0x46a: {  	v2 =	vadd.f32 v3, v2;
	v3 =	vmul.f32 v4, v7;
	_ =	sdelay $0x1  }
0x46b: {  	v2 =	vadd.f32 v3, v2;
	_ =	sdelay $0x1  }
0x46c: {  	(xrf2) =	vadd.scan.msk.f32 $0xffff, v2;
	_ =	sdelay $0x9  }
.Ltmp14:
0x46d: {  	v2, _, _ =	vpop (xrf2);
	(pc) =	sbr.rel @p0 .LBB2_26-.Ltmp14, $3  }
0x46e: {  	v2 =	vbroadcast v2, $0xF;
	_ =	sdelay $0x1  }
0x46f: {  	[tilespmem:v1+s20+$0x0] =	vst.idx.msk $0x1, v2  }
0x470: {  	v1 =	vmov s0;
	s0 =	sadd.s32 $0x1, s0;
	v2 =	vld [tilespmem:$0x84A0]  }
0x471: {  	v3 =	vld [tilespmem:$0x8490]  }
0x472: {  	v4 =	vld [tilespmem:$0x8480]  }
0x473: {  	v5 =	vld [tilespmem:$0x8470]  }
0x474: {  	v6 =	vld [tilespmem:$0x8460]  }
0x475: {  	v7 =	vld.idx.msk [tilespmem:v1+s9+$0x0], $0xffff;
	s0 =	sadd.s32 $0x80, s24  }
0x476: {  	v8 =	vld [tilespmem:s0+$0xFFFFFFC0]  }
0x477: {  	v9 =	vld [tilespmem:$0x83E0]  }
0x478: {  	v10 =	vld [tilespmem:s0+$0xFFFFFFD0]  }
0x479: {  	v11 =	vld [tilespmem:$0x83F0]  }
0x47a: {  	v12 =	vld [tilespmem:s0+$0xFFFFFFE0]  }
0x47b: {  	v13 =	vld [tilespmem:$0x8400];
	v8 =	vmul.f32 v8, v7  }
0x47c: {  	v14 =	vld [tilespmem:s0+$0xFFFFFFF0]  }
0x47d: {  	v44 =	vld [tilespmem:$0x8410];
	v43 =	vmul.f32 v10, v7;
	v8 =	vadd.f32 v9, v8  }
0x47e: {  	v15 =	vld [tilespmem:s0+$0x0]  }
0x47f: {  	v46 =	vld [tilespmem:$0x8420];
	v45 =	vmul.f32 v12, v7;
	v9 =	vadd.f32 v11, v43;
	v8 =	vmax.f32 v8, $0.0e+00  }
0x480: {  	v47 =	vld [tilespmem:s0+$0x10];
	v6 =	vmul.f32 v8, v6  }
0x481: {  	v49 =	vld [tilespmem:$0x8430];
	v48 =	vmul.f32 v14, v7;
	v11 =	vadd.f32 v13, v45;
	v9 =	vmax.f32 v9, $0.0e+00  }
0x482: {  	v50 =	vld [tilespmem:s0+$0x20];
	v5 =	vmul.f32 v9, v5;
	v6 =	vadd.f32 $0.0e+00, v6  }
0x483: {  	v52 =	vld [tilespmem:$0x8440];
	v51 =	vmul.f32 v15, v7;
	v10 =	vadd.f32 v44, v48;
	v11 =	vmax.f32 v11, $0.0e+00  }
0x484: {  	v53 =	vld [tilespmem:s0+$0x30];
	v4 =	vmul.f32 v11, v4;
	v5 =	vadd.f32 v5, v6  }
0x485: {  	v55 =	vld [tilespmem:$0x84B0];
	v54 =	vadd.f32 v46, v51;
	v10 =	vmax.f32 v10, $0.0e+00;
	v8 =	vmul.f32 v47, v7  }
0x486: {  	v56 =	vld [tilespmem:$0x8450];
	v3 =	vmul.f32 v10, v3;
	v4 =	vadd.f32 v4, v5  }
0x487: {  	v58 =	vld [tilespmem:$0x84C0];
	v57 =	vmax.f32 v54, $0.0e+00;
	v9 =	vmul.f32 v50, v7;
	v8 =	vadd.f32 v49, v8  }
0x488: {  	v2 =	vmul.f32 v57, v2;
	v3 =	vadd.f32 v3, v4  }
0x489: {  	v61 =	vld [tilespmem:$0x84D0];
	v60 =	vadd.f32 v52, v9;
	v59 =	vmax.f32 v8, $0.0e+00;
	v6 =	vmul.f32 v53, v7  }
0x48a: {  	v2 =	vadd.f32 v2, v3;
	v3 =	vmul.f32 v59, v55  }
0x48b: {  	v62 =	vmax.f32 v60, $0.0e+00;
	v5 =	vadd.f32 v56, v6  }
0x48c: {  	v2 =	vadd.f32 v3, v2;
	v3 =	vmul.f32 v62, v58  }
0x48d: {  	v63 =	vmax.f32 v5, $0.0e+00  }
0x48e: {  	v2 =	vadd.f32 v3, v2;
	v3 =	vmul.f32 v63, v61;
	_ =	sdelay $0x1  }
0x48f: {  	v2 =	vadd.f32 v3, v2;
	_ =	sdelay $0x1  }
0x490: {  	(xrf2) =	vadd.scan.msk.f32 $0xffff, v2;
	_ =	sdelay $0x9  }
0x491: {  	v2, _, _ =	vpop (xrf2)  }
0x492: {  	v2 =	vbroadcast v2, $0xF;
	_ =	sdelay $0x1  }
0x493: {  	s24 =	simm.s32 $0x0;
	s25 =	rddreg [dreg:$0x16];
	[tilespmem:v1+s20+$0x0] =	vst.idx.msk $0x1, v2  }
0x494: {  	[hbm4b:s25+s24] =	stream.linear.scatter [tilespmem:s20], [sflag:$0x5], $0x280, $0x38;
	[tilespmem:$0x1C4E0] =	vst v63  }
0x495: {  	_ =	swait.ge [sflag:s8], $0x280  }
0x496: {  	s22 =	sadd.s32 $0x1, s22;
	s31 =	rddreg [dreg:$0x17]  }
0x497: {  	p0 =	sne.s32 s22, s31  }
.Ltmp15:
0x498: {  	_ = 	snop;
	(pc) =	sbr.rel @p0 .LBB2_1-.Ltmp15, $3  }
0x499: {  	_ =	sdelay $0x1  }
0x49a: {  	[sflag:s8] =	ssyncset.done $0x0  }
0x49b: {  	[sflag:s8] =	ssyncadd.s32 $0xFFFFFD80  }
0x49c: {  	_ =	sfence.sel $0x180000  }
0x49d: {  	[bflag:$0x0] =	sbarrier.arrive $0xFFFF  }
0x49e: {  	_ =	strace $0x9000004A  }
0x49f: {  	s0 =	stileid.u32;
	[bflag:$0x2] =	sbarrier.arrive $0xFFFF  }
0x4a0: {  	p0 =	sne.s32 s0, $0x0;
	s0 =	rddreg [dreg:$0x5]  }
0x4a1: {  	s0 =	sadd.s32 @!p0 $0x100000, s0  }
0x4a2: {  	[sflag:s0] =	ssyncadd.tile.s32 @!p0 $0x1;
	_ =	shalt  }
.Lfunc_end2:
_tile_overlayer_lowered:
.L_overlay_start_2:
0x4a3: {  	(tag) =	ssettag $0x2  }
0x4a4: {  	s0 =	rddreg [dreg:$0x0];
	s2 =	stileid.u32  }
0x4a5: {  	s1 =	rddreg [dreg:$0x1];
	p0 =	sne.s32 s2, $0x0  }
0x4a6: {  	s3 =	rddreg [dreg:$0x2];
	[bflag:$0x3] =	sbarrier.arrive $0xFFFF;
	s2 =	simm.s32 @!p0 $0x1C05  }
0x4a7: {  	[timem:s3], [sflag:s2] =	dma.local @!p0 [hbm:s0], s1  }
0x4a8: {  	s0 =	simm.s32 @!p0 $0x5  }
0x4a9: {  	_ =	swait.ge @!p0 [sflag:s0], s1  }
0x4aa: {  	s1 =	ssub.s32 @!p0 $0x0, s1;
	[sflag:s0] =	ssyncset.done @!p0 $0x0  }
0x4ab: {  	[sflag:s0] =	ssyncadd.s32 @!p0 s1  }
0x4ac: {  	[bflag:$0x3] =	sbarrier.arrive $0xFFFF  }
0x4ad: {  	_ =	shalt  }

</sc_bundles>
